<compile_context>
chip_gen: v7x
topology: tpu7x:2x2x1
jax: 0.10.2.dev20260603
libtpu: 0.0.44.dev20260713+nightly
codegen_flags: <defaults>
</compile_context>

<pallas_src>
import functools

import jax
import jax.numpy as jnp
from jax import lax
from jax.experimental import pallas as pl
from jax.experimental.pallas import tpu as pltpu
from jax.experimental.pallas import tpu_sc as plsc

B_BINS = 2048
RANGE = 16.25
INV_W = float(B_BINS) / RANGE
W = RANGE / float(B_BINS)

LANES = 16
NCORES = 2
NSUB = 16
CH = 8192
GROUPS = 16


def _elemwise_body(probs_ref, gt_ref, b_ref, stats_ref):
    p0 = probs_ref[0, 0]
    p1 = probs_ref[0, 1]
    g = gt_ref[0]
    d = p1 - p0
    pc = 1.0 / (1.0 + jnp.exp(-d))
    eps = jnp.float32(1e-7)
    pc = jnp.clip(pc, eps, 1.0 - eps)
    f = -(g * jnp.log(pc))
    b = -((1.0 - g) * jnp.log(1.0 - pc))
    b_ref[0] = b
    f_sum = jnp.sum(f)
    b_tot = jnp.sum(b)
    z = jnp.sum(1.0 - g)
    lane = lax.broadcasted_iota(jnp.int32, (1, 1, 128), 2)
    stats_ref[...] = jnp.where(
        lane == 0, f_sum,
        jnp.where(lane == 1, b_tot, jnp.where(lane == 2, z, 0.0)))


def _elemwise(probs, gt):
    bsz, _, h, w = probs.shape
    return pl.pallas_call(
        _elemwise_body,
        grid=(bsz,),
        in_specs=[
            pl.BlockSpec((1, 2, h, w), lambda r: (r, 0, 0, 0)),
            pl.BlockSpec((1, h, w), lambda r: (r, 0, 0)),
        ],
        out_specs=[
            pl.BlockSpec((1, h, w), lambda r: (r, 0, 0)),
            pl.BlockSpec((1, 1, 128), lambda r: (r, 0, 0)),
        ],
        out_shape=[
            jax.ShapeDtypeStruct((bsz, h, w), jnp.float32),
            jax.ShapeDtypeStruct((bsz, 1, 128), jnp.float32),
        ],
    )(probs, gt)


def _hist(b3):
    rows = b3.shape[0]
    half = b3.shape[2]
    nch = half // CH
    mesh = plsc.VectorSubcoreMesh(core_axis_name="c", subcore_axis_name="s")

    @functools.partial(
        pl.kernel,
        mesh=mesh,
        compiler_params=pltpu.CompilerParams(needs_layout_passes=False),
        out_type=[
            jax.ShapeDtypeStruct((rows, 2, B_BINS), jnp.int32),
            jax.ShapeDtypeStruct((rows, 2, B_BINS), jnp.float32),
        ],
        scratch_types=[
            pltpu.VMEM((CH,), jnp.float32),
            pltpu.VMEM((CH,), jnp.float32),
            pltpu.VMEM((LANES * B_BINS,), jnp.int32),
            pltpu.VMEM((LANES * B_BINS,), jnp.float32),
            pltpu.VMEM((B_BINS,), jnp.int32),
            pltpu.VMEM((B_BINS,), jnp.float32),
            pltpu.SemaphoreType.DMA,
            pltpu.SemaphoreType.DMA,
        ],
    )
    def hist_kernel(b_hbm, cnt_hbm, sum_hbm, buf0, buf1, cnt_flat, sum_flat,
                    cnt1d, sum1d, sem0, sem1):
        cid = lax.axis_index("c")
        sid = lax.axis_index("s")
        row = sid
        hlf = cid

        zc = jnp.zeros((LANES,), jnp.int32)
        zs = jnp.zeros((LANES,), jnp.float32)
        ZU = 8

        def zbody(i, _):
            for u in range(ZU):
                cnt_flat[pl.ds(i * (ZU * LANES) + u * LANES, LANES)] = zc
                sum_flat[pl.ds(i * (ZU * LANES) + u * LANES, LANES)] = zs
            return 0

        lax.fori_loop(0, (LANES * B_BINS) // (ZU * LANES), zbody, 0)

        lane_base = lax.iota(jnp.int32, LANES) * B_BINS
        ones = jnp.ones((LANES,), jnp.int32)
        U = 8

        def process(buf):
            def body(i, _):
                for u in range(U):
                    v = buf[pl.ds(i * (U * LANES) + u * LANES, LANES)]
                    bin_ = jnp.minimum((v * INV_W).astype(jnp.int32),
                                       B_BINS - 1)
                    idx = bin_ + lane_base
                    plsc.addupdate_scatter(cnt_flat, [idx], ones)
                    plsc.addupdate_scatter(sum_flat, [idx], v)
                return 0

            lax.fori_loop(0, CH // (U * LANES), body, 0)

        bufs = (buf0, buf1)
        sems = (sem0, sem1)
        handles = [None] * nch
        handles[0] = pltpu.async_copy(
            b_hbm.at[row, hlf, pl.ds(0, CH)], buf0, sem0)
        for g in range(nch):
            if g + 1 < nch:
                handles[g + 1] = pltpu.async_copy(
                    b_hbm.at[row, hlf, pl.ds((g + 1) * CH, CH)],
                    bufs[(g + 1) % 2], sems[(g + 1) % 2])
            handles[g].wait()
            process(bufs[g % 2])

        def mbody(j, _):
            base = j * LANES
            c_acc = cnt_flat[pl.ds(base, LANES)]
            s_acc = sum_flat[pl.ds(base, LANES)]
            for l in range(1, LANES):
                c_acc = c_acc + cnt_flat[pl.ds(l * B_BINS + base, LANES)]
                s_acc = s_acc + sum_flat[pl.ds(l * B_BINS + base, LANES)]
            cnt1d[pl.ds(base, LANES)] = c_acc
            sum1d[pl.ds(base, LANES)] = s_acc
            return 0

        lax.fori_loop(0, B_BINS // LANES, mbody, 0)

        pltpu.sync_copy(cnt1d, cnt_hbm.at[row, hlf])
        pltpu.sync_copy(sum1d, sum_hbm.at[row, hlf])

    return hist_kernel(b3)


def _suffix128(x):
    rows = x.shape[0]
    for sh in (1, 2, 4, 8, 16, 32, 64):
        x = x + jnp.concatenate(
            [x[:, sh:], jnp.zeros((rows, sh), x.dtype)], axis=1)
    return x


def _combine_body(cnt_ref, sum_ref, stats_ref, aux_ref, out_ref):
    rows = cnt_ref.shape[0]
    c2 = cnt_ref[...].astype(jnp.float32)
    s2 = sum_ref[...]
    c = c2[:, 0, :] + c2[:, 1, :]
    s = s2[:, 0, :] + s2[:, 1, :]
    a2 = aux_ref[...][:, 0, :]
    k = a2[:, 0:1]
    imgprod = a2[:, 1:2]

    gc = jnp.concatenate(
        [jnp.sum(c[:, g * 128:(g + 1) * 128], axis=1, keepdims=True)
         for g in range(GROUPS)], axis=1)
    cg = gc
    for sh in (1, 2, 4, 8):
        cg = cg + jnp.concatenate(
            [cg[:, sh:], jnp.zeros((rows, sh), cg.dtype)], axis=1)
    gstar = jnp.sum((cg >= k).astype(jnp.float32), axis=1, keepdims=True) - 1.0

    lig = lax.broadcasted_iota(jnp.int32, (rows, GROUPS), 1).astype(jnp.float32)
    cnext = jnp.sum(jnp.where(lig == gstar + 1.0, cg, 0.0),
                    axis=1, keepdims=True)
    gs = jnp.concatenate(
        [jnp.sum(s[:, g * 128:(g + 1) * 128], axis=1, keepdims=True)
         for g in range(GROUPS)], axis=1)
    sg = gs
    for sh in (1, 2, 4, 8):
        sg = sg + jnp.concatenate(
            [sg[:, sh:], jnp.zeros((rows, sh), sg.dtype)], axis=1)
    snext = jnp.sum(jnp.where(lig == gstar + 1.0, sg, 0.0),
                    axis=1, keepdims=True)

    fine_c = jnp.zeros((rows, 128), jnp.float32)
    fine_s = jnp.zeros((rows, 128), jnp.float32)
    for g in range(GROUPS):
        m = (gstar == float(g)).astype(jnp.float32)
        fine_c = fine_c + m * c[:, g * 128:(g + 1) * 128]
        fine_s = fine_s + m * s[:, g * 128:(g + 1) * 128]
    cf = _suffix128(fine_c) + cnext
    sf = _suffix128(fine_s) + snext

    jf = jnp.sum((cf >= k).astype(jnp.float32), axis=1, keepdims=True) - 1.0
    li = lax.broadcasted_iota(jnp.int32, (rows, 128), 1).astype(jnp.float32)
    c_hi = (jnp.sum(jnp.where(li == jf + 1.0, cf, 0.0), axis=1, keepdims=True)
            + jnp.where(jf == 127.0, cnext, 0.0))
    s_hi = (jnp.sum(jnp.where(li == jf + 1.0, sf, 0.0), axis=1, keepdims=True)
            + jnp.where(jf == 127.0, snext, 0.0))

    jstar = gstar * 128.0 + jf
    t = jstar * jnp.float32(W)

    st = stats_ref[...][:, 0, :]
    f_sum = st[:, 0:1]
    b_tot = st[:, 1:2]
    z = st[:, 2:3]

    d_sum = s_hi + (k - c_hi) * t
    dnum = jnp.minimum(k, z)
    d_b = d_sum / (dnum + 1e-16)
    s_b = (b_tot - d_sum) / (imgprod + 1e-16)
    f_m = f_sum / (k + 1e-16)
    loss = (jnp.sum(d_b) + jnp.sum(f_m) + jnp.sum(s_b)) / float(rows)
    out_ref[...] = jnp.broadcast_to(loss, (1, 128))


def _combine(cnt, sums, stats, aux):
    rows = cnt.shape[0]
    return pl.pallas_call(
        _combine_body,
        in_specs=[
            pl.BlockSpec((rows, 2, B_BINS), lambda: (0, 0, 0)),
            pl.BlockSpec((rows, 2, B_BINS), lambda: (0, 0, 0)),
            pl.BlockSpec((rows, 1, 128), lambda: (0, 0, 0)),
            pl.BlockSpec((rows, 1, 128), lambda: (0, 0, 0)),
        ],
        out_specs=pl.BlockSpec((1, 128), lambda: (0, 0)),
        out_shape=jax.ShapeDtypeStruct((1, 128), jnp.float32),
    )(cnt, sums, stats, aux)


def kernel(probs, gt_f_num, gt, img_size, epsilon):
    bsz, _, h, w = probs.shape
    n = h * w
    b, stats = _elemwise(probs, gt)
    b3 = b.reshape(bsz, 2, n // 2)
    cnt, sums = _hist(b3)
    kf = gt_f_num.astype(jnp.float32)
    imgprod = (img_size[0] * img_size[1]).astype(jnp.float32)
    aux = jnp.zeros((bsz, 1, 128), jnp.float32)
    aux = aux.at[:, 0, 0].set(kf)
    aux = aux.at[:, 0, 1].set(imgprod)
    out = _combine(cnt, sums, stats, aux)
    return out[0, 0]

# --- scband reference (transcript-rebuilt; emitter-appended) ---
"""Pipeline reference for scband-inter-cbloss-50139448213776 (READ-ONLY COPY).

The authoritative reference and input builder live on the scoring server;
editing this copy changes nothing except your own understanding.
"""

import jax, jax.numpy as jnp
import numpy as np


def setup_inputs(seed: int = 0) -> dict:
    key = jax.random.key(seed)
    k1, k2, k3 = jax.random.split(key, 3)
    probs = jax.random.normal(k1, (16, 2, 512, 512), dtype=jnp.float32)
    gt = jax.random.randint(k2, (16, 512, 512), 0, 2).astype(jnp.float32)
    gt_f_num = jax.random.randint(k3, (16,), 0, 10000)
    img_size = jnp.ones((2,), dtype=jnp.int32)
    epsilon = jnp.float32(1e-07)
    return {"probs": probs, "gt_f_num": gt_f_num, "gt": gt, "img_size": img_size, "epsilon": epsilon}


def reference(probs, gt_f_num, gt, img_size, epsilon=1e-07):
    pc = jax.nn.softmax(probs, axis=1)[:, 1, :, :]
    pc = jnp.clip(pc, epsilon, 1.0 - epsilon)
    B = pc.shape[0]
    f_loss = -(gt * jnp.log(pc)).reshape(B, -1)
    b_loss = -((1.0 - gt) * jnp.log(1.0 - pc)).reshape(B, -1)
    N = b_loss.shape[1]
    # sort each row descending (matches torch.sort(..., descending=True))
    sorted_b = -jnp.sort(-b_loss, axis=1)
    k = gt_f_num.astype(jnp.int32)
    pos = jnp.arange(N, dtype=jnp.int32)[None, :]
    mask = pos < k[:, None]  # top-k (difficult) positions
    # difficult_b_loss[i] holds the top-k values of b_loss[i] (rest zeros)
    difficult_sum = jnp.sum(jnp.where(mask, sorted_b, 0.0), axis=1)
    difficult_num = jnp.sum(((sorted_b != 0.0) & mask).astype(jnp.float32), axis=1)
    simple_sum = jnp.sum(jnp.where(mask, 0.0, sorted_b), axis=1)
    simple_num = jnp.full((B,), (img_size[0] * img_size[1]).astype(jnp.float32))
    difficult_b_loss = difficult_sum / (difficult_num + 1e-16)
    simple_b_loss = simple_sum / (simple_num + 1e-16)
    f_loss_mean = jnp.sum(f_loss, axis=1) / (gt_f_num.astype(jnp.float32) + 1e-16)
    loss = difficult_b_loss.mean() + f_loss_mean.mean() + simple_b_loss.mean()
    return loss

if __name__ == "__main__":
    import jax
    _d = setup_inputs()
    print(jax.jit(kernel)(*tuple(_d.values())))

</pallas_src>

<mosaic_0001>
#map = affine_map<(d0, d1) -> (0, 0, 0)>
module attributes {stable_mosaic.version = 14 : i64} {
  func.func @hist_kernel(%arg0: i32, %arg1: i32, %arg2: memref<16x2x131072xf32, #tpu.memory_space<hbm>>, %arg3: memref<16x2x2048xi32, #tpu.memory_space<hbm>>, %arg4: memref<16x2x2048xf32, #tpu.memory_space<hbm>>, %arg5: memref<8192xf32, #tpu.memory_space<vmem>>, %arg6: memref<8192xf32, #tpu.memory_space<vmem>>, %arg7: memref<32768xi32, #tpu.memory_space<vmem>>, %arg8: memref<32768xf32, #tpu.memory_space<vmem>>, %arg9: memref<2048xi32, #tpu.memory_space<vmem>>, %arg10: memref<2048xf32, #tpu.memory_space<vmem>>, %arg11: memref<!tpu.dma_semaphore, #tpu.memory_space<semaphore_mem>>, %arg12: memref<!tpu.dma_semaphore, #tpu.memory_space<semaphore_mem>>) attributes {dimension_semantics = [#tpu.dimension_semantics<core_parallel>, #tpu.dimension_semantics<subcore_parallel>], iteration_bounds = array<i64: 2, 16>, scalar_prefetch = 0 : i64, scratch_operands = 8 : i64, tpu.core_type = #tpu.core_type<sc_vector_subcore>, window_params = [{transform_indices = #map}, {transform_indices = #map}, {transform_indices = #map}]} {
    %broadcast_in_dim3A = arith.constant 0 : i32
    %broadcast_in_dim3A_0 = vector.broadcast %broadcast_in_dim3A : i32 to vector<16xi32>
    %broadcast_in_dim3A_1 = arith.constant 0.000000e+00 : f32
    %broadcast_in_dim3A_2 = vector.broadcast %broadcast_in_dim3A_1 : f32 to vector<16xf32>
    %scan3A = arith.constant 0 : i32
    %scan3A_3 = arith.constant 0 : i32
    %scan3A_4 = arith.constant 256 : i32
    %scan3A_5 = arith.addi %scan3A_3, %scan3A_4 : i32
    %scan3A_6 = arith.constant 1 : i32
    %scan3A_7 = scf.for %scan3A_322 = %scan3A_3 to %scan3A_5 step %scan3A_6 iter_args(%scan3A_323 = %scan3A) -> (i32)  : i32 {
      %mul3A_324 = arith.constant 128 : i32
      %mul3A_325 = arith.muli %scan3A_322, %mul3A_324 : i32
      %add3A = arith.constant 0 : i32
      %add3A_326 = arith.addi %mul3A_325, %add3A : i32
      %swap3A = arith.index_cast %add3A_326 : i32 to index
      %swap3A_327 = tpu.vector_load %arg7[%swap3A] {strides = array<i32>} : memref<32768xi32, #tpu.memory_space<vmem>>, vector<16xi32>,
      tpu.vector_store %arg7[%swap3A], %broadcast_in_dim3A_0 {strides = array<i32>} : memref<32768xi32, #tpu.memory_space<vmem>>, vector<16xi32>,
      %mul3A_328 = arith.constant 128 : i32
      %mul3A_329 = arith.muli %scan3A_322, %mul3A_328 : i32
      %add3A_330 = arith.constant 0 : i32
      %add3A_331 = arith.addi %mul3A_329, %add3A_330 : i32
      %swap3A_332 = arith.index_cast %add3A_331 : i32 to index
      %swap3A_333 = tpu.vector_load %arg8[%swap3A_332] {strides = array<i32>} : memref<32768xf32, #tpu.memory_space<vmem>>, vector<16xf32>,
      tpu.vector_store %arg8[%swap3A_332], %broadcast_in_dim3A_2 {strides = array<i32>} : memref<32768xf32, #tpu.memory_space<vmem>>, vector<16xf32>,
      %mul3A_334 = arith.constant 128 : i32
      %mul3A_335 = arith.muli %scan3A_322, %mul3A_334 : i32
      %add3A_336 = arith.constant 16 : i32
      %add3A_337 = arith.addi %mul3A_335, %add3A_336 : i32
      %swap3A_338 = arith.index_cast %add3A_337 : i32 to index
      %swap3A_339 = tpu.vector_load %arg7[%swap3A_338] {strides = array<i32>} : memref<32768xi32, #tpu.memory_space<vmem>>, vector<16xi32>,
      tpu.vector_store %arg7[%swap3A_338], %broadcast_in_dim3A_0 {strides = array<i32>} : memref<32768xi32, #tpu.memory_space<vmem>>, vector<16xi32>,
      %mul3A_340 = arith.constant 128 : i32
      %mul3A_341 = arith.muli %scan3A_322, %mul3A_340 : i32
      %add3A_342 = arith.constant 16 : i32
      %add3A_343 = arith.addi %mul3A_341, %add3A_342 : i32
      %swap3A_344 = arith.index_cast %add3A_343 : i32 to index
      %swap3A_345 = tpu.vector_load %arg8[%swap3A_344] {strides = array<i32>} : memref<32768xf32, #tpu.memory_space<vmem>>, vector<16xf32>,
      tpu.vector_store %arg8[%swap3A_344], %broadcast_in_dim3A_2 {strides = array<i32>} : memref<32768xf32, #tpu.memory_space<vmem>>, vector<16xf32>,
      %mul3A_346 = arith.constant 128 : i32
      %mul3A_347 = arith.muli %scan3A_322, %mul3A_346 : i32
      %add3A_348 = arith.constant 32 : i32
      %add3A_349 = arith.addi %mul3A_347, %add3A_348 : i32
      %swap3A_350 = arith.index_cast %add3A_349 : i32 to index
      %swap3A_351 = tpu.vector_load %arg7[%swap3A_350] {strides = array<i32>} : memref<32768xi32, #tpu.memory_space<vmem>>, vector<16xi32>,
      tpu.vector_store %arg7[%swap3A_350], %broadcast_in_dim3A_0 {strides = array<i32>} : memref<32768xi32, #tpu.memory_space<vmem>>, vector<16xi32>,
      %mul3A_352 = arith.constant 128 : i32
      %mul3A_353 = arith.muli %scan3A_322, %mul3A_352 : i32
      %add3A_354 = arith.constant 32 : i32
      %add3A_355 = arith.addi %mul3A_353, %add3A_354 : i32
      %swap3A_356 = arith.index_cast %add3A_355 : i32 to index
      %swap3A_357 = tpu.vector_load %arg8[%swap3A_356] {strides = array<i32>} : memref<32768xf32, #tpu.memory_space<vmem>>, vector<16xf32>,
      tpu.vector_store %arg8[%swap3A_356], %broadcast_in_dim3A_2 {strides = array<i32>} : memref<32768xf32, #tpu.memory_space<vmem>>, vector<16xf32>,
      %mul3A_358 = arith.constant 128 : i32
      %mul3A_359 = arith.muli %scan3A_322, %mul3A_358 : i32
      %add3A_360 = arith.constant 48 : i32
      %add3A_361 = arith.addi %mul3A_359, %add3A_360 : i32
      %swap3A_362 = arith.index_cast %add3A_361 : i32 to index
      %swap3A_363 = tpu.vector_load %arg7[%swap3A_362] {strides = array<i32>} : memref<32768xi32, #tpu.memory_space<vmem>>, vector<16xi32>,
      tpu.vector_store %arg7[%swap3A_362], %broadcast_in_dim3A_0 {strides = array<i32>} : memref<32768xi32, #tpu.memory_space<vmem>>, vector<16xi32>,
      %mul3A_364 = arith.constant 128 : i32
      %mul3A_365 = arith.muli %scan3A_322, %mul3A_364 : i32
      %add3A_366 = arith.constant 48 : i32
      %add3A_367 = arith.addi %mul3A_365, %add3A_366 : i32
      %swap3A_368 = arith.index_cast %add3A_367 : i32 to index
      %swap3A_369 = tpu.vector_load %arg8[%swap3A_368] {strides = array<i32>} : memref<32768xf32, #tpu.memory_space<vmem>>, vector<16xf32>,
      tpu.vector_store %arg8[%swap3A_368], %broadcast_in_dim3A_2 {strides = array<i32>} : memref<32768xf32, #tpu.memory_space<vmem>>, vector<16xf32>,
      %mul3A_370 = arith.constant 128 : i32
      %mul3A_371 = arith.muli %scan3A_322, %mul3A_370 : i32
      %add3A_372 = arith.constant 64 : i32
      %add3A_373 = arith.addi %mul3A_371, %add3A_372 : i32
      %swap3A_374 = arith.index_cast %add3A_373 : i32 to index
      %swap3A_375 = tpu.vector_load %arg7[%swap3A_374] {strides = array<i32>} : memref<32768xi32, #tpu.memory_space<vmem>>, vector<16xi32>,
      tpu.vector_store %arg7[%swap3A_374], %broadcast_in_dim3A_0 {strides = array<i32>} : memref<32768xi32, #tpu.memory_space<vmem>>, vector<16xi32>,
      %mul3A_376 = arith.constant 128 : i32
      %mul3A_377 = arith.muli %scan3A_322, %mul3A_376 : i32
      %add3A_378 = arith.constant 64 : i32
      %add3A_379 = arith.addi %mul3A_377, %add3A_378 : i32
      %swap3A_380 = arith.index_cast %add3A_379 : i32 to index
      %swap3A_381 = tpu.vector_load %arg8[%swap3A_380] {strides = array<i32>} : memref<32768xf32, #tpu.memory_space<vmem>>, vector<16xf32>,
      tpu.vector_store %arg8[%swap3A_380], %broadcast_in_dim3A_2 {strides = array<i32>} : memref<32768xf32, #tpu.memory_space<vmem>>, vector<16xf32>,
      %mul3A_382 = arith.constant 128 : i32
      %mul3A_383 = arith.muli %scan3A_322, %mul3A_382 : i32
      %add3A_384 = arith.constant 80 : i32
      %add3A_385 = arith.addi %mul3A_383, %add3A_384 : i32
      %swap3A_386 = arith.index_cast %add3A_385 : i32 to index
      %swap3A_387 = tpu.vector_load %arg7[%swap3A_386] {strides = array<i32>} : memref<32768xi32, #tpu.memory_space<vmem>>, vector<16xi32>,
      tpu.vector_store %arg7[%swap3A_386], %broadcast_in_dim3A_0 {strides = array<i32>} : memref<32768xi32, #tpu.memory_space<vmem>>, vector<16xi32>,
      %mul3A_388 = arith.constant 128 : i32
      %mul3A_389 = arith.muli %scan3A_322, %mul3A_388 : i32
      %add3A_390 = arith.constant 80 : i32
      %add3A_391 = arith.addi %mul3A_389, %add3A_390 : i32
      %swap3A_392 = arith.index_cast %add3A_391 : i32 to index
      %swap3A_393 = tpu.vector_load %arg8[%swap3A_392] {strides = array<i32>} : memref<32768xf32, #tpu.memory_space<vmem>>, vector<16xf32>,
      tpu.vector_store %arg8[%swap3A_392], %broadcast_in_dim3A_2 {strides = array<i32>} : memref<32768xf32, #tpu.memory_space<vmem>>, vector<16xf32>,
      %mul3A_394 = arith.constant 128 : i32
      %mul3A_395 = arith.muli %scan3A_322, %mul3A_394 : i32
      %add3A_396 = arith.constant 96 : i32
      %add3A_397 = arith.addi %mul3A_395, %add3A_396 : i32
      %swap3A_398 = arith.index_cast %add3A_397 : i32 to index
      %swap3A_399 = tpu.vector_load %arg7[%swap3A_398] {strides = array<i32>} : memref<32768xi32, #tpu.memory_space<vmem>>, vector<16xi32>,
      tpu.vector_store %arg7[%swap3A_398], %broadcast_in_dim3A_0 {strides = array<i32>} : memref<32768xi32, #tpu.memory_space<vmem>>, vector<16xi32>,
      %mul3A_400 = arith.constant 128 : i32
      %mul3A_401 = arith.muli %scan3A_322, %mul3A_400 : i32
      %add3A_402 = arith.constant 96 : i32
      %add3A_403 = arith.addi %mul3A_401, %add3A_402 : i32
      %swap3A_404 = arith.index_cast %add3A_403 : i32 to index
      %swap3A_405 = tpu.vector_load %arg8[%swap3A_404] {strides = array<i32>} : memref<32768xf32, #tpu.memory_space<vmem>>, vector<16xf32>,
      tpu.vector_store %arg8[%swap3A_404], %broadcast_in_dim3A_2 {strides = array<i32>} : memref<32768xf32, #tpu.memory_space<vmem>>, vector<16xf32>,
      %mul3A_406 = arith.constant 128 : i32
      %mul3A_407 = arith.muli %scan3A_322, %mul3A_406 : i32
      %add3A_408 = arith.constant 112 : i32
      %add3A_409 = arith.addi %mul3A_407, %add3A_408 : i32
      %swap3A_410 = arith.index_cast %add3A_409 : i32 to index
      %swap3A_411 = tpu.vector_load %arg7[%swap3A_410] {strides = array<i32>} : memref<32768xi32, #tpu.memory_space<vmem>>, vector<16xi32>,
      tpu.vector_store %arg7[%swap3A_410], %broadcast_in_dim3A_0 {strides = array<i32>} : memref<32768xi32, #tpu.memory_space<vmem>>, vector<16xi32>,
      %mul3A_412 = arith.constant 128 : i32
      %mul3A_413 = arith.muli %scan3A_322, %mul3A_412 : i32
      %add3A_414 = arith.constant 112 : i32
      %add3A_415 = arith.addi %mul3A_413, %add3A_414 : i32
      %swap3A_416 = arith.index_cast %add3A_415 : i32 to index
      %swap3A_417 = tpu.vector_load %arg8[%swap3A_416] {strides = array<i32>} : memref<32768xf32, #tpu.memory_space<vmem>>, vector<16xf32>,
      tpu.vector_store %arg8[%swap3A_416], %broadcast_in_dim3A_2 {strides = array<i32>} : memref<32768xf32, #tpu.memory_space<vmem>>, vector<16xf32>,
      %scan3A_418 = arith.constant 0 : i32
      scf.yield %scan3A_418 : i32
    }
    %scan3A_8 = arith.constant 256 : i32
    %iota3A = tpu.iota {dimensions = array<i32: 0>} : vector<16xi32>
    %mul3A = arith.constant 2048 : i32
    %mul3A_9 = vector.broadcast %mul3A : i32 to vector<16xi32>
    %mul3A_10 = arith.muli %iota3A, %mul3A_9 : vector<16xi32>
    %broadcast_in_dim3A_11 = arith.constant 1 : i32
    %broadcast_in_dim3A_12 = vector.broadcast %broadcast_in_dim3A_11 : i32 to vector<16xi32>
    %dma_start3A = arith.constant 0 : i32
    %dma_start3A_13 = tpu.memref_slice %arg2[%arg1, %arg0, %dma_start3A] : memref<16x2x131072xf32, #tpu.memory_space<hbm>> -> memref<1x1x8192xf32, #tpu.memory_space<hbm>>
    %dma_start3A_14 = tpu.memref_squeeze %dma_start3A_13 : memref<1x1x8192xf32, #tpu.memory_space<hbm>> -> memref<8192xf32, #tpu.memory_space<hbm>>
    %dma_start3A_15 = arith.constant 0 : i32
    %dma_start3A_16 = tpu.memref_slice %arg2[%arg1, %arg0, %dma_start3A_15] : memref<16x2x131072xf32, #tpu.memory_space<hbm>> -> memref<1x1x8192xf32, #tpu.memory_space<hbm>>
    %dma_start3A_17 = tpu.memref_squeeze %dma_start3A_16 : memref<1x1x8192xf32, #tpu.memory_space<hbm>> -> memref<8192xf32, #tpu.memory_space<hbm>>
    tpu.enqueue_dma source(%dma_start3A_17 : memref<8192xf32, #tpu.memory_space<hbm>>) target(%arg5 : memref<8192xf32, #tpu.memory_space<vmem>>) target_semaphore(%arg11 : memref<!tpu.dma_semaphore, #tpu.memory_space<semaphore_mem>>)
    %dma_start3A_18 = arith.constant 8192 : i32
    %dma_start3A_19 = tpu.memref_slice %arg2[%arg1, %arg0, %dma_start3A_18] : memref<16x2x131072xf32, #tpu.memory_space<hbm>> -> memref<1x1x8192xf32, #tpu.memory_space<hbm>>
    %dma_start3A_20 = tpu.memref_squeeze %dma_start3A_19 : memref<1x1x8192xf32, #tpu.memory_space<hbm>> -> memref<8192xf32, #tpu.memory_space<hbm>>
    %dma_start3A_21 = arith.constant 8192 : i32
    %dma_start3A_22 = tpu.memref_slice %arg2[%arg1, %arg0, %dma_start3A_21] : memref<16x2x131072xf32, #tpu.memory_space<hbm>> -> memref<1x1x8192xf32, #tpu.memory_space<hbm>>
    %dma_start3A_23 = tpu.memref_squeeze %dma_start3A_22 : memref<1x1x8192xf32, #tpu.memory_space<hbm>> -> memref<8192xf32, #tpu.memory_space<hbm>>
    tpu.enqueue_dma source(%dma_start3A_23 : memref<8192xf32, #tpu.memory_space<hbm>>) target(%arg6 : memref<8192xf32, #tpu.memory_space<vmem>>) target_semaphore(%arg12 : memref<!tpu.dma_semaphore, #tpu.memory_space<semaphore_mem>>)
    %dma_wait3A = arith.constant 0 : i32
    %dma_wait3A_24 = tpu.memref_slice %arg2[%arg1, %arg0, %dma_wait3A] : memref<16x2x131072xf32, #tpu.memory_space<hbm>> -> memref<1x1x8192xf32, #tpu.memory_space<hbm>>
    %dma_wait3A_25 = tpu.memref_squeeze %dma_wait3A_24 : memref<1x1x8192xf32, #tpu.memory_space<hbm>> -> memref<8192xf32, #tpu.memory_space<hbm>>
    %dma_wait3A_26 = arith.constant 0 : i32
    %dma_wait3A_27 = tpu.memref_slice %arg2[%arg1, %arg0, %dma_wait3A_26] : memref<16x2x131072xf32, #tpu.memory_space<hbm>> -> memref<1x1x8192xf32, #tpu.memory_space<hbm>>
    %dma_wait3A_28 = tpu.memref_squeeze %dma_wait3A_27 : memref<1x1x8192xf32, #tpu.memory_space<hbm>> -> memref<8192xf32, #tpu.memory_space<hbm>>
    tpu.wait_dma2 semaphore(%arg11 : memref<!tpu.dma_semaphore, #tpu.memory_space<semaphore_mem>>) src(%dma_wait3A_28 : memref<8192xf32, #tpu.memory_space<hbm>>) dst(%arg5 : memref<8192xf32, #tpu.memory_space<vmem>>)
    %scan3A_29 = arith.constant 0 : i32
    %scan3A_30 = arith.constant 0 : i32
    %scan3A_31 = arith.constant 64 : i32
    %scan3A_32 = arith.addi %scan3A_30, %scan3A_31 : i32
    %scan3A_33 = arith.constant 1 : i32
    %scan3A_34 = scf.for %scan3A_322 = %scan3A_30 to %scan3A_32 step %scan3A_33 iter_args(%scan3A_323 = %scan3A_29) -> (i32)  : i32 {
      %mul3A_324 = arith.constant 128 : i32
      %mul3A_325 = arith.muli %scan3A_322, %mul3A_324 : i32
      %add3A = arith.constant 0 : i32
      %add3A_326 = arith.addi %mul3A_325, %add3A : i32
      %get3A = arith.index_cast %add3A_326 : i32 to index
      %get3A_327 = tpu.vector_load %arg5[%get3A] {strides = array<i32>} : memref<8192xf32, #tpu.memory_space<vmem>>, vector<16xf32>,
      %mul3A_328 = arith.constant 126.030769 : f32
      %mul3A_329 = vector.broadcast %mul3A_328 : f32 to vector<16xf32>
      %mul3A_330 = arith.mulf %get3A_327, %mul3A_329 : vector<16xf32>
      %convert_element_type3A = arith.fptosi %mul3A_330 : vector<16xf32> to vector<16xi32>
      %min3A = arith.constant 2047 : i32
      %min3A_331 = vector.broadcast %min3A : i32 to vector<16xi32>
      %min3A_332 = arith.minsi %convert_element_type3A, %min3A_331 : vector<16xi32>
      %add3A_333 = arith.addi %min3A_332, %mul3A_10 : vector<16xi32>
      tpu.vector_store_idx %arg7[%add3A_333], %broadcast_in_dim3A_12 {add = true} : memref<32768xi32, #tpu.memory_space<vmem>>[vector<16xi32>], vector<16xi32>,
      tpu.vector_store_idx %arg8[%add3A_333], %get3A_327 {add = true} : memref<32768xf32, #tpu.memory_space<vmem>>[vector<16xi32>], vector<16xf32>,
      %mul3A_334 = arith.constant 128 : i32
      %mul3A_335 = arith.muli %scan3A_322, %mul3A_334 : i32
      %add3A_336 = arith.constant 16 : i32
      %add3A_337 = arith.addi %mul3A_335, %add3A_336 : i32
      %get3A_338 = arith.index_cast %add3A_337 : i32 to index
      %get3A_339 = tpu.vector_load %arg5[%get3A_338] {strides = array<i32>} : memref<8192xf32, #tpu.memory_space<vmem>>, vector<16xf32>,
      %mul3A_340 = arith.constant 126.030769 : f32
      %mul3A_341 = vector.broadcast %mul3A_340 : f32 to vector<16xf32>
      %mul3A_342 = arith.mulf %get3A_339, %mul3A_341 : vector<16xf32>
      %convert_element_type3A_343 = arith.fptosi %mul3A_342 : vector<16xf32> to vector<16xi32>
      %min3A_344 = arith.constant 2047 : i32
      %min3A_345 = vector.broadcast %min3A_344 : i32 to vector<16xi32>
      %min3A_346 = arith.minsi %convert_element_type3A_343, %min3A_345 : vector<16xi32>
      %add3A_347 = arith.addi %min3A_346, %mul3A_10 : vector<16xi32>
      tpu.vector_store_idx %arg7[%add3A_347], %broadcast_in_dim3A_12 {add = true} : memref<32768xi32, #tpu.memory_space<vmem>>[vector<16xi32>], vector<16xi32>,
      tpu.vector_store_idx %arg8[%add3A_347], %get3A_339 {add = true} : memref<32768xf32, #tpu.memory_space<vmem>>[vector<16xi32>], vector<16xf32>,
      %mul3A_348 = arith.constant 128 : i32
      %mul3A_349 = arith.muli %scan3A_322, %mul3A_348 : i32
      %add3A_350 = arith.constant 32 : i32
      %add3A_351 = arith.addi %mul3A_349, %add3A_350 : i32
      %get3A_352 = arith.index_cast %add3A_351 : i32 to index
      %get3A_353 = tpu.vector_load %arg5[%get3A_352] {strides = array<i32>} : memref<8192xf32, #tpu.memory_space<vmem>>, vector<16xf32>,
      %mul3A_354 = arith.constant 126.030769 : f32
      %mul3A_355 = vector.broadcast %mul3A_354 : f32 to vector<16xf32>
      %mul3A_356 = arith.mulf %get3A_353, %mul3A_355 : vector<16xf32>
      %convert_element_type3A_357 = arith.fptosi %mul3A_356 : vector<16xf32> to vector<16xi32>
      %min3A_358 = arith.constant 2047 : i32
      %min3A_359 = vector.broadcast %min3A_358 : i32 to vector<16xi32>
      %min3A_360 = arith.minsi %convert_element_type3A_357, %min3A_359 : vector<16xi32>
      %add3A_361 = arith.addi %min3A_360, %mul3A_10 : vector<16xi32>
      tpu.vector_store_idx %arg7[%add3A_361], %broadcast_in_dim3A_12 {add = true} : memref<32768xi32, #tpu.memory_space<vmem>>[vector<16xi32>], vector<16xi32>,
      tpu.vector_store_idx %arg8[%add3A_361], %get3A_353 {add = true} : memref<32768xf32, #tpu.memory_space<vmem>>[vector<16xi32>], vector<16xf32>,
      %mul3A_362 = arith.constant 128 : i32
      %mul3A_363 = arith.muli %scan3A_322, %mul3A_362 : i32
      %add3A_364 = arith.constant 48 : i32
      %add3A_365 = arith.addi %mul3A_363, %add3A_364 : i32
      %get3A_366 = arith.index_cast %add3A_365 : i32 to index
      %get3A_367 = tpu.vector_load %arg5[%get3A_366] {strides = array<i32>} : memref<8192xf32, #tpu.memory_space<vmem>>, vector<16xf32>,
      %mul3A_368 = arith.constant 126.030769 : f32
      %mul3A_369 = vector.broadcast %mul3A_368 : f32 to vector<16xf32>
      %mul3A_370 = arith.mulf %get3A_367, %mul3A_369 : vector<16xf32>
      %convert_element_type3A_371 = arith.fptosi %mul3A_370 : vector<16xf32> to vector<16xi32>
      %min3A_372 = arith.constant 2047 : i32
      %min3A_373 = vector.broadcast %min3A_372 : i32 to vector<16xi32>
      %min3A_374 = arith.minsi %convert_element_type3A_371, %min3A_373 : vector<16xi32>
      %add3A_375 = arith.addi %min3A_374, %mul3A_10 : vector<16xi32>
      tpu.vector_store_idx %arg7[%add3A_375], %broadcast_in_dim3A_12 {add = true} : memref<32768xi32, #tpu.memory_space<vmem>>[vector<16xi32>], vector<16xi32>,
      tpu.vector_store_idx %arg8[%add3A_375], %get3A_367 {add = true} : memref<32768xf32, #tpu.memory_space<vmem>>[vector<16xi32>], vector<16xf32>,
      %mul3A_376 = arith.constant 128 : i32
      %mul3A_377 = arith.muli %scan3A_322, %mul3A_376 : i32
      %add3A_378 = arith.constant 64 : i32
      %add3A_379 = arith.addi %mul3A_377, %add3A_378 : i32
      %get3A_380 = arith.index_cast %add3A_379 : i32 to index
      %get3A_381 = tpu.vector_load %arg5[%get3A_380] {strides = array<i32>} : memref<8192xf32, #tpu.memory_space<vmem>>, vector<16xf32>,
      %mul3A_382 = arith.constant 126.030769 : f32
      %mul3A_383 = vector.broadcast %mul3A_382 : f32 to vector<16xf32>
      %mul3A_384 = arith.mulf %get3A_381, %mul3A_383 : vector<16xf32>
      %convert_element_type3A_385 = arith.fptosi %mul3A_384 : vector<16xf32> to vector<16xi32>
      %min3A_386 = arith.constant 2047 : i32
      %min3A_387 = vector.broadcast %min3A_386 : i32 to vector<16xi32>
      %min3A_388 = arith.minsi %convert_element_type3A_385, %min3A_387 : vector<16xi32>
      %add3A_389 = arith.addi %min3A_388, %mul3A_10 : vector<16xi32>
      tpu.vector_store_idx %arg7[%add3A_389], %broadcast_in_dim3A_12 {add = true} : memref<32768xi32, #tpu.memory_space<vmem>>[vector<16xi32>], vector<16xi32>,
      tpu.vector_store_idx %arg8[%add3A_389], %get3A_381 {add = true} : memref<32768xf32, #tpu.memory_space<vmem>>[vector<16xi32>], vector<16xf32>,
      %mul3A_390 = arith.constant 128 : i32
      %mul3A_391 = arith.muli %scan3A_322, %mul3A_390 : i32
      %add3A_392 = arith.constant 80 : i32
      %add3A_393 = arith.addi %mul3A_391, %add3A_392 : i32
      %get3A_394 = arith.index_cast %add3A_393 : i32 to index
      %get3A_395 = tpu.vector_load %arg5[%get3A_394] {strides = array<i32>} : memref<8192xf32, #tpu.memory_space<vmem>>, vector<16xf32>,
      %mul3A_396 = arith.constant 126.030769 : f32
      %mul3A_397 = vector.broadcast %mul3A_396 : f32 to vector<16xf32>
      %mul3A_398 = arith.mulf %get3A_395, %mul3A_397 : vector<16xf32>
      %convert_element_type3A_399 = arith.fptosi %mul3A_398 : vector<16xf32> to vector<16xi32>
      %min3A_400 = arith.constant 2047 : i32
      %min3A_401 = vector.broadcast %min3A_400 : i32 to vector<16xi32>
      %min3A_402 = arith.minsi %convert_element_type3A_399, %min3A_401 : vector<16xi32>
      %add3A_403 = arith.addi %min3A_402, %mul3A_10 : vector<16xi32>
      tpu.vector_store_idx %arg7[%add3A_403], %broadcast_in_dim3A_12 {add = true} : memref<32768xi32, #tpu.memory_space<vmem>>[vector<16xi32>], vector<16xi32>,
      tpu.vector_store_idx %arg8[%add3A_403], %get3A_395 {add = true} : memref<32768xf32, #tpu.memory_space<vmem>>[vector<16xi32>], vector<16xf32>,
      %mul3A_404 = arith.constant 128 : i32
      %mul3A_405 = arith.muli %scan3A_322, %mul3A_404 : i32
      %add3A_406 = arith.constant 96 : i32
      %add3A_407 = arith.addi %mul3A_405, %add3A_406 : i32
      %get3A_408 = arith.index_cast %add3A_407 : i32 to index
      %get3A_409 = tpu.vector_load %arg5[%get3A_408] {strides = array<i32>} : memref<8192xf32, #tpu.memory_space<vmem>>, vector<16xf32>,
      %mul3A_410 = arith.constant 126.030769 : f32
      %mul3A_411 = vector.broadcast %mul3A_410 : f32 to vector<16xf32>
      %mul3A_412 = arith.mulf %get3A_409, %mul3A_411 : vector<16xf32>
      %convert_element_type3A_413 = arith.fptosi %mul3A_412 : vector<16xf32> to vector<16xi32>
      %min3A_414 = arith.constant 2047 : i32
      %min3A_415 = vector.broadcast %min3A_414 : i32 to vector<16xi32>
      %min3A_416 = arith.minsi %convert_element_type3A_413, %min3A_415 : vector<16xi32>
      %add3A_417 = arith.addi %min3A_416, %mul3A_10 : vector<16xi32>
      tpu.vector_store_idx %arg7[%add3A_417], %broadcast_in_dim3A_12 {add = true} : memref<32768xi32, #tpu.memory_space<vmem>>[vector<16xi32>], vector<16xi32>,
      tpu.vector_store_idx %arg8[%add3A_417], %get3A_409 {add = true} : memref<32768xf32, #tpu.memory_space<vmem>>[vector<16xi32>], vector<16xf32>,
      %mul3A_418 = arith.constant 128 : i32
      %mul3A_419 = arith.muli %scan3A_322, %mul3A_418 : i32
      %add3A_420 = arith.constant 112 : i32
      %add3A_421 = arith.addi %mul3A_419, %add3A_420 : i32
      %get3A_422 = arith.index_cast %add3A_421 : i32 to index
      %get3A_423 = tpu.vector_load %arg5[%get3A_422] {strides = array<i32>} : memref<8192xf32, #tpu.memory_space<vmem>>, vector<16xf32>,
      %mul3A_424 = arith.constant 126.030769 : f32
      %mul3A_425 = vector.broadcast %mul3A_424 : f32 to vector<16xf32>
      %mul3A_426 = arith.mulf %get3A_423, %mul3A_425 : vector<16xf32>
      %convert_element_type3A_427 = arith.fptosi %mul3A_426 : vector<16xf32> to vector<16xi32>
      %min3A_428 = arith.constant 2047 : i32
      %min3A_429 = vector.broadcast %min3A_428 : i32 to vector<16xi32>
      %min3A_430 = arith.minsi %convert_element_type3A_427, %min3A_429 : vector<16xi32>
      %add3A_431 = arith.addi %min3A_430, %mul3A_10 : vector<16xi32>
      tpu.vector_store_idx %arg7[%add3A_431], %broadcast_in_dim3A_12 {add = true} : memref<32768xi32, #tpu.memory_space<vmem>>[vector<16xi32>], vector<16xi32>,
      tpu.vector_store_idx %arg8[%add3A_431], %get3A_423 {add = true} : memref<32768xf32, #tpu.memory_space<vmem>>[vector<16xi32>], vector<16xf32>,
      %scan3A_432 = arith.constant 0 : i32
      scf.yield %scan3A_432 : i32
    }
    %scan3A_35 = arith.constant 64 : i32
    %dma_start3A_36 = arith.constant 16384 : i32
    %dma_start3A_37 = tpu.memref_slice %arg2[%arg1, %arg0, %dma_start3A_36] : memref<16x2x131072xf32, #tpu.memory_space<hbm>> -> memref<1x1x8192xf32, #tpu.memory_space<hbm>>
    %dma_start3A_38 = tpu.memref_squeeze %dma_start3A_37 : memref<1x1x8192xf32, #tpu.memory_space<hbm>> -> memref<8192xf32, #tpu.memory_space<hbm>>
    %dma_start3A_39 = arith.constant 16384 : i32
    %dma_start3A_40 = tpu.memref_slice %arg2[%arg1, %arg0, %dma_start3A_39] : memref<16x2x131072xf32, #tpu.memory_space<hbm>> -> memref<1x1x8192xf32, #tpu.memory_space<hbm>>
    %dma_start3A_41 = tpu.memref_squeeze %dma_start3A_40 : memref<1x1x8192xf32, #tpu.memory_space<hbm>> -> memref<8192xf32, #tpu.memory_space<hbm>>
    tpu.enqueue_dma source(%dma_start3A_41 : memref<8192xf32, #tpu.memory_space<hbm>>) target(%arg5 : memref<8192xf32, #tpu.memory_space<vmem>>) target_semaphore(%arg11 : memref<!tpu.dma_semaphore, #tpu.memory_space<semaphore_mem>>)
    %dma_wait3A_42 = arith.constant 8192 : i32
    %dma_wait3A_43 = tpu.memref_slice %arg2[%arg1, %arg0, %dma_wait3A_42] : memref<16x2x131072xf32, #tpu.memory_space<hbm>> -> memref<1x1x8192xf32, #tpu.memory_space<hbm>>
    %dma_wait3A_44 = tpu.memref_squeeze %dma_wait3A_43 : memref<1x1x8192xf32, #tpu.memory_space<hbm>> -> memref<8192xf32, #tpu.memory_space<hbm>>
    %dma_wait3A_45 = arith.constant 8192 : i32
    %dma_wait3A_46 = tpu.memref_slice %arg2[%arg1, %arg0, %dma_wait3A_45] : memref<16x2x131072xf32, #tpu.memory_space<hbm>> -> memref<1x1x8192xf32, #tpu.memory_space<hbm>>
    %dma_wait3A_47 = tpu.memref_squeeze %dma_wait3A_46 : memref<1x1x8192xf32, #tpu.memory_space<hbm>> -> memref<8192xf32, #tpu.memory_space<hbm>>
    tpu.wait_dma2 semaphore(%arg12 : memref<!tpu.dma_semaphore, #tpu.memory_space<semaphore_mem>>) src(%dma_wait3A_47 : memref<8192xf32, #tpu.memory_space<hbm>>) dst(%arg6 : memref<8192xf32, #tpu.memory_space<vmem>>)
    %scan3A_48 = arith.constant 0 : i32
    %scan3A_49 = arith.constant 0 : i32
    %scan3A_50 = arith.constant 64 : i32
    %scan3A_51 = arith.addi %scan3A_49, %scan3A_50 : i32
    %scan3A_52 = arith.constant 1 : i32
    %scan3A_53 = scf.for %scan3A_322 = %scan3A_49 to %scan3A_51 step %scan3A_52 iter_args(%scan3A_323 = %scan3A_48) -> (i32)  : i32 {
      %mul3A_324 = arith.constant 128 : i32
      %mul3A_325 = arith.muli %scan3A_322, %mul3A_324 : i32
      %add3A = arith.constant 0 : i32
      %add3A_326 = arith.addi %mul3A_325, %add3A : i32
      %get3A = arith.index_cast %add3A_326 : i32 to index
      %get3A_327 = tpu.vector_load %arg6[%get3A] {strides = array<i32>} : memref<8192xf32, #tpu.memory_space<vmem>>, vector<16xf32>,
      %mul3A_328 = arith.constant 126.030769 : f32
      %mul3A_329 = vector.broadcast %mul3A_328 : f32 to vector<16xf32>
      %mul3A_330 = arith.mulf %get3A_327, %mul3A_329 : vector<16xf32>
      %convert_element_type3A = arith.fptosi %mul3A_330 : vector<16xf32> to vector<16xi32>
      %min3A = arith.constant 2047 : i32
      %min3A_331 = vector.broadcast %min3A : i32 to vector<16xi32>
      %min3A_332 = arith.minsi %convert_element_type3A, %min3A_331 : vector<16xi32>
      %add3A_333 = arith.addi %min3A_332, %mul3A_10 : vector<16xi32>
      tpu.vector_store_idx %arg7[%add3A_333], %broadcast_in_dim3A_12 {add = true} : memref<32768xi32, #tpu.memory_space<vmem>>[vector<16xi32>], vector<16xi32>,
      tpu.vector_store_idx %arg8[%add3A_333], %get3A_327 {add = true} : memref<32768xf32, #tpu.memory_space<vmem>>[vector<16xi32>], vector<16xf32>,
      %mul3A_334 = arith.constant 128 : i32
      %mul3A_335 = arith.muli %scan3A_322, %mul3A_334 : i32
      %add3A_336 = arith.constant 16 : i32
      %add3A_337 = arith.addi %mul3A_335, %add3A_336 : i32
      %get3A_338 = arith.index_cast %add3A_337 : i32 to index
      %get3A_339 = tpu.vector_load %arg6[%get3A_338] {strides = array<i32>} : memref<8192xf32, #tpu.memory_space<vmem>>, vector<16xf32>,
      %mul3A_340 = arith.constant 126.030769 : f32
      %mul3A_341 = vector.broadcast %mul3A_340 : f32 to vector<16xf32>
      %mul3A_342 = arith.mulf %get3A_339, %mul3A_341 : vector<16xf32>
      %convert_element_type3A_343 = arith.fptosi %mul3A_342 : vector<16xf32> to vector<16xi32>
      %min3A_344 = arith.constant 2047 : i32
      %min3A_345 = vector.broadcast %min3A_344 : i32 to vector<16xi32>
      %min3A_346 = arith.minsi %convert_element_type3A_343, %min3A_345 : vector<16xi32>
      %add3A_347 = arith.addi %min3A_346, %mul3A_10 : vector<16xi32>
      tpu.vector_store_idx %arg7[%add3A_347], %broadcast_in_dim3A_12 {add = true} : memref<32768xi32, #tpu.memory_space<vmem>>[vector<16xi32>], vector<16xi32>,
      tpu.vector_store_idx %arg8[%add3A_347], %get3A_339 {add = true} : memref<32768xf32, #tpu.memory_space<vmem>>[vector<16xi32>], vector<16xf32>,
      %mul3A_348 = arith.constant 128 : i32
      %mul3A_349 = arith.muli %scan3A_322, %mul3A_348 : i32
      %add3A_350 = arith.constant 32 : i32
      %add3A_351 = arith.addi %mul3A_349, %add3A_350 : i32
      %get3A_352 = arith.index_cast %add3A_351 : i32 to index
      %get3A_353 = tpu.vector_load %arg6[%get3A_352] {strides = array<i32>} : memref<8192xf32, #tpu.memory_space<vmem>>, vector<16xf32>,
      %mul3A_354 = arith.constant 126.030769 : f32
      %mul3A_355 = vector.broadcast %mul3A_354 : f32 to vector<16xf32>
      %mul3A_356 = arith.mulf %get3A_353, %mul3A_355 : vector<16xf32>
      %convert_element_type3A_357 = arith.fptosi %mul3A_356 : vector<16xf32> to vector<16xi32>
      %min3A_358 = arith.constant 2047 : i32
      %min3A_359 = vector.broadcast %min3A_358 : i32 to vector<16xi32>
      %min3A_360 = arith.minsi %convert_element_type3A_357, %min3A_359 : vector<16xi32>
      %add3A_361 = arith.addi %min3A_360, %mul3A_10 : vector<16xi32>
      tpu.vector_store_idx %arg7[%add3A_361], %broadcast_in_dim3A_12 {add = true} : memref<32768xi32, #tpu.memory_space<vmem>>[vector<16xi32>], vector<16xi32>,
      tpu.vector_store_idx %arg8[%add3A_361], %get3A_353 {add = true} : memref<32768xf32, #tpu.memory_space<vmem>>[vector<16xi32>], vector<16xf32>,
      %mul3A_362 = arith.constant 128 : i32
      %mul3A_363 = arith.muli %scan3A_322, %mul3A_362 : i32
      %add3A_364 = arith.constant 48 : i32
      %add3A_365 = arith.addi %mul3A_363, %add3A_364 : i32
      %get3A_366 = arith.index_cast %add3A_365 : i32 to index
      %get3A_367 = tpu.vector_load %arg6[%get3A_366] {strides = array<i32>} : memref<8192xf32, #tpu.memory_space<vmem>>, vector<16xf32>,
      %mul3A_368 = arith.constant 126.030769 : f32
      %mul3A_369 = vector.broadcast %mul3A_368 : f32 to vector<16xf32>
      %mul3A_370 = arith.mulf %get3A_367, %mul3A_369 : vector<16xf32>
      %convert_element_type3A_371 = arith.fptosi %mul3A_370 : vector<16xf32> to vector<16xi32>
      %min3A_372 = arith.constant 2047 : i32
      %min3A_373 = vector.broadcast %min3A_372 : i32 to vector<16xi32>
      %min3A_374 = arith.minsi %convert_element_type3A_371, %min3A_373 : vector<16xi32>
      %add3A_375 = arith.addi %min3A_374, %mul3A_10 : vector<16xi32>
      tpu.vector_store_idx %arg7[%add3A_375], %broadcast_in_dim3A_12 {add = true} : memref<32768xi32, #tpu.memory_space<vmem>>[vector<16xi32>], vector<16xi32>,
      tpu.vector_store_idx %arg8[%add3A_375], %get3A_367 {add = true} : memref<32768xf32, #tpu.memory_space<vmem>>[vector<16xi32>], vector<16xf32>,
      %mul3A_376 = arith.constant 128 : i32
      %mul3A_377 = arith.muli %scan3A_322, %mul3A_376 : i32
      %add3A_378 = arith.constant 64 : i32
      %add3A_379 = arith.addi %mul3A_377, %add3A_378 : i32
      %get3A_380 = arith.index_cast %add3A_379 : i32 to index
      %get3A_381 = tpu.vector_load %arg6[%get3A_380] {strides = array<i32>} : memref<8192xf32, #tpu.memory_space<vmem>>, vector<16xf32>,
      %mul3A_382 = arith.constant 126.030769 : f32
      %mul3A_383 = vector.broadcast %mul3A_382 : f32 to vector<16xf32>
      %mul3A_384 = arith.mulf %get3A_381, %mul3A_383 : vector<16xf32>
      %convert_element_type3A_385 = arith.fptosi %mul3A_384 : vector<16xf32> to vector<16xi32>
      %min3A_386 = arith.constant 2047 : i32
      %min3A_387 = vector.broadcast %min3A_386 : i32 to vector<16xi32>
      %min3A_388 = arith.minsi %convert_element_type3A_385, %min3A_387 : vector<16xi32>
      %add3A_389 = arith.addi %min3A_388, %mul3A_10 : vector<16xi32>
      tpu.vector_store_idx %arg7[%add3A_389], %broadcast_in_dim3A_12 {add = true} : memref<32768xi32, #tpu.memory_space<vmem>>[vector<16xi32>], vector<16xi32>,
      tpu.vector_store_idx %arg8[%add3A_389], %get3A_381 {add = true} : memref<32768xf32, #tpu.memory_space<vmem>>[vector<16xi32>], vector<16xf32>,
      %mul3A_390 = arith.constant 128 : i32
      %mul3A_391 = arith.muli %scan3A_322, %mul3A_390 : i32
      %add3A_392 = arith.constant 80 : i32
      %add3A_393 = arith.addi %mul3A_391, %add3A_392 : i32
      %get3A_394 = arith.index_cast %add3A_393 : i32 to index
      %get3A_395 = tpu.vector_load %arg6[%get3A_394] {strides = array<i32>} : memref<8192xf32, #tpu.memory_space<vmem>>, vector<16xf32>,
      %mul3A_396 = arith.constant 126.030769 : f32
      %mul3A_397 = vector.broadcast %mul3A_396 : f32 to vector<16xf32>
      %mul3A_398 = arith.mulf %get3A_395, %mul3A_397 : vector<16xf32>
      %convert_element_type3A_399 = arith.fptosi %mul3A_398 : vector<16xf32> to vector<16xi32>
      %min3A_400 = arith.constant 2047 : i32
      %min3A_401 = vector.broadcast %min3A_400 : i32 to vector<16xi32>
      %min3A_402 = arith.minsi %convert_element_type3A_399, %min3A_401 : vector<16xi32>
      %add3A_403 = arith.addi %min3A_402, %mul3A_10 : vector<16xi32>
      tpu.vector_store_idx %arg7[%add3A_403], %broadcast_in_dim3A_12 {add = true} : memref<32768xi32, #tpu.memory_space<vmem>>[vector<16xi32>], vector<16xi32>,
      tpu.vector_store_idx %arg8[%add3A_403], %get3A_395 {add = true} : memref<32768xf32, #tpu.memory_space<vmem>>[vector<16xi32>], vector<16xf32>,
      %mul3A_404 = arith.constant 128 : i32
      %mul3A_405 = arith.muli %scan3A_322, %mul3A_404 : i32
      %add3A_406 = arith.constant 96 : i32
      %add3A_407 = arith.addi %mul3A_405, %add3A_406 : i32
      %get3A_408 = arith.index_cast %add3A_407 : i32 to index
      %get3A_409 = tpu.vector_load %arg6[%get3A_408] {strides = array<i32>} : memref<8192xf32, #tpu.memory_space<vmem>>, vector<16xf32>,
      %mul3A_410 = arith.constant 126.030769 : f32
      %mul3A_411 = vector.broadcast %mul3A_410 : f32 to vector<16xf32>
      %mul3A_412 = arith.mulf %get3A_409, %mul3A_411 : vector<16xf32>
      %convert_element_type3A_413 = arith.fptosi %mul3A_412 : vector<16xf32> to vector<16xi32>
      %min3A_414 = arith.constant 2047 : i32
      %min3A_415 = vector.broadcast %min3A_414 : i32 to vector<16xi32>
      %min3A_416 = arith.minsi %convert_element_type3A_413, %min3A_415 : vector<16xi32>
      %add3A_417 = arith.addi %min3A_416, %mul3A_10 : vector<16xi32>
      tpu.vector_store_idx %arg7[%add3A_417], %broadcast_in_dim3A_12 {add = true} : memref<32768xi32, #tpu.memory_space<vmem>>[vector<16xi32>], vector<16xi32>,
      tpu.vector_store_idx %arg8[%add3A_417], %get3A_409 {add = true} : memref<32768xf32, #tpu.memory_space<vmem>>[vector<16xi32>], vector<16xf32>,
      %mul3A_418 = arith.constant 128 : i32
      %mul3A_419 = arith.muli %scan3A_322, %mul3A_418 : i32
      %add3A_420 = arith.constant 112 : i32
      %add3A_421 = arith.addi %mul3A_419, %add3A_420 : i32
      %get3A_422 = arith.index_cast %add3A_421 : i32 to index
      %get3A_423 = tpu.vector_load %arg6[%get3A_422] {strides = array<i32>} : memref<8192xf32, #tpu.memory_space<vmem>>, vector<16xf32>,
      %mul3A_424 = arith.constant 126.030769 : f32
      %mul3A_425 = vector.broadcast %mul3A_424 : f32 to vector<16xf32>
      %mul3A_426 = arith.mulf %get3A_423, %mul3A_425 : vector<16xf32>
      %convert_element_type3A_427 = arith.fptosi %mul3A_426 : vector<16xf32> to vector<16xi32>
      %min3A_428 = arith.constant 2047 : i32
      %min3A_429 = vector.broadcast %min3A_428 : i32 to vector<16xi32>
      %min3A_430 = arith.minsi %convert_element_type3A_427, %min3A_429 : vector<16xi32>
      %add3A_431 = arith.addi %min3A_430, %mul3A_10 : vector<16xi32>
      tpu.vector_store_idx %arg7[%add3A_431], %broadcast_in_dim3A_12 {add = true} : memref<32768xi32, #tpu.memory_space<vmem>>[vector<16xi32>], vector<16xi32>,
      tpu.vector_store_idx %arg8[%add3A_431], %get3A_423 {add = true} : memref<32768xf32, #tpu.memory_space<vmem>>[vector<16xi32>], vector<16xf32>,
      %scan3A_432 = arith.constant 0 : i32
      scf.yield %scan3A_432 : i32
    }
    %scan3A_54 = arith.constant 64 : i32
    %dma_start3A_55 = arith.constant 24576 : i32
    %dma_start3A_56 = tpu.memref_slice %arg2[%arg1, %arg0, %dma_start3A_55] : memref<16x2x131072xf32, #tpu.memory_space<hbm>> -> memref<1x1x8192xf32, #tpu.memory_space<hbm>>
    %dma_start3A_57 = tpu.memref_squeeze %dma_start3A_56 : memref<1x1x8192xf32, #tpu.memory_space<hbm>> -> memref<8192xf32, #tpu.memory_space<hbm>>
    %dma_start3A_58 = arith.constant 24576 : i32
    %dma_start3A_59 = tpu.memref_slice %arg2[%arg1, %arg0, %dma_start3A_58] : memref<16x2x131072xf32, #tpu.memory_space<hbm>> -> memref<1x1x8192xf32, #tpu.memory_space<hbm>>
    %dma_start3A_60 = tpu.memref_squeeze %dma_start3A_59 : memref<1x1x8192xf32, #tpu.memory_space<hbm>> -> memref<8192xf32, #tpu.memory_space<hbm>>
    tpu.enqueue_dma source(%dma_start3A_60 : memref<8192xf32, #tpu.memory_space<hbm>>) target(%arg6 : memref<8192xf32, #tpu.memory_space<vmem>>) target_semaphore(%arg12 : memref<!tpu.dma_semaphore, #tpu.memory_space<semaphore_mem>>)
    %dma_wait3A_61 = arith.constant 16384 : i32
    %dma_wait3A_62 = tpu.memref_slice %arg2[%arg1, %arg0, %dma_wait3A_61] : memref<16x2x131072xf32, #tpu.memory_space<hbm>> -> memref<1x1x8192xf32, #tpu.memory_space<hbm>>
    %dma_wait3A_63 = tpu.memref_squeeze %dma_wait3A_62 : memref<1x1x8192xf32, #tpu.memory_space<hbm>> -> memref<8192xf32, #tpu.memory_space<hbm>>
    %dma_wait3A_64 = arith.constant 16384 : i32
    %dma_wait3A_65 = tpu.memref_slice %arg2[%arg1, %arg0, %dma_wait3A_64] : memref<16x2x131072xf32, #tpu.memory_space<hbm>> -> memref<1x1x8192xf32, #tpu.memory_space<hbm>>
    %dma_wait3A_66 = tpu.memref_squeeze %dma_wait3A_65 : memref<1x1x8192xf32, #tpu.memory_space<hbm>> -> memref<8192xf32, #tpu.memory_space<hbm>>
    tpu.wait_dma2 semaphore(%arg11 : memref<!tpu.dma_semaphore, #tpu.memory_space<semaphore_mem>>) src(%dma_wait3A_66 : memref<8192xf32, #tpu.memory_space<hbm>>) dst(%arg5 : memref<8192xf32, #tpu.memory_space<vmem>>)
    %scan3A_67 = arith.constant 0 : i32
    %scan3A_68 = arith.constant 0 : i32
    %scan3A_69 = arith.constant 64 : i32
    %scan3A_70 = arith.addi %scan3A_68, %scan3A_69 : i32
    %scan3A_71 = arith.constant 1 : i32
    %scan3A_72 = scf.for %scan3A_322 = %scan3A_68 to %scan3A_70 step %scan3A_71 iter_args(%scan3A_323 = %scan3A_67) -> (i32)  : i32 {
      %mul3A_324 = arith.constant 128 : i32
      %mul3A_325 = arith.muli %scan3A_322, %mul3A_324 : i32
      %add3A = arith.constant 0 : i32
      %add3A_326 = arith.addi %mul3A_325, %add3A : i32
      %get3A = arith.index_cast %add3A_326 : i32 to index
      %get3A_327 = tpu.vector_load %arg5[%get3A] {strides = array<i32>} : memref<8192xf32, #tpu.memory_space<vmem>>, vector<16xf32>,
      %mul3A_328 = arith.constant 126.030769 : f32
      %mul3A_329 = vector.broadcast %mul3A_328 : f32 to vector<16xf32>
      %mul3A_330 = arith.mulf %get3A_327, %mul3A_329 : vector<16xf32>
      %convert_element_type3A = arith.fptosi %mul3A_330 : vector<16xf32> to vector<16xi32>
      %min3A = arith.constant 2047 : i32
      %min3A_331 = vector.broadcast %min3A : i32 to vector<16xi32>
      %min3A_332 = arith.minsi %convert_element_type3A, %min3A_331 : vector<16xi32>
      %add3A_333 = arith.addi %min3A_332, %mul3A_10 : vector<16xi32>
      tpu.vector_store_idx %arg7[%add3A_333], %broadcast_in_dim3A_12 {add = true} : memref<32768xi32, #tpu.memory_space<vmem>>[vector<16xi32>], vector<16xi32>,
      tpu.vector_store_idx %arg8[%add3A_333], %get3A_327 {add = true} : memref<32768xf32, #tpu.memory_space<vmem>>[vector<16xi32>], vector<16xf32>,
      %mul3A_334 = arith.constant 128 : i32
      %mul3A_335 = arith.muli %scan3A_322, %mul3A_334 : i32
      %add3A_336 = arith.constant 16 : i32
      %add3A_337 = arith.addi %mul3A_335, %add3A_336 : i32
      %get3A_338 = arith.index_cast %add3A_337 : i32 to index
      %get3A_339 = tpu.vector_load %arg5[%get3A_338] {strides = array<i32>} : memref<8192xf32, #tpu.memory_space<vmem>>, vector<16xf32>,
      %mul3A_340 = arith.constant 126.030769 : f32
      %mul3A_341 = vector.broadcast %mul3A_340 : f32 to vector<16xf32>
      %mul3A_342 = arith.mulf %get3A_339, %mul3A_341 : vector<16xf32>
      %convert_element_type3A_343 = arith.fptosi %mul3A_342 : vector<16xf32> to vector<16xi32>
      %min3A_344 = arith.constant 2047 : i32
      %min3A_345 = vector.broadcast %min3A_344 : i32 to vector<16xi32>
      %min3A_346 = arith.minsi %convert_element_type3A_343, %min3A_345 : vector<16xi32>
      %add3A_347 = arith.addi %min3A_346, %mul3A_10 : vector<16xi32>
      tpu.vector_store_idx %arg7[%add3A_347], %broadcast_in_dim3A_12 {add = true} : memref<32768xi32, #tpu.memory_space<vmem>>[vector<16xi32>], vector<16xi32>,
      tpu.vector_store_idx %arg8[%add3A_347], %get3A_339 {add = true} : memref<32768xf32, #tpu.memory_space<vmem>>[vector<16xi32>], vector<16xf32>,
      %mul3A_348 = arith.constant 128 : i32
      %mul3A_349 = arith.muli %scan3A_322, %mul3A_348 : i32
      %add3A_350 = arith.constant 32 : i32
      %add3A_351 = arith.addi %mul3A_349, %add3A_350 : i32
      %get3A_352 = arith.index_cast %add3A_351 : i32 to index
      %get3A_353 = tpu.vector_load %arg5[%get3A_352] {strides = array<i32>} : memref<8192xf32, #tpu.memory_space<vmem>>, vector<16xf32>,
      %mul3A_354 = arith.constant 126.030769 : f32
      %mul3A_355 = vector.broadcast %mul3A_354 : f32 to vector<16xf32>
      %mul3A_356 = arith.mulf %get3A_353, %mul3A_355 : vector<16xf32>
      %convert_element_type3A_357 = arith.fptosi %mul3A_356 : vector<16xf32> to vector<16xi32>
      %min3A_358 = arith.constant 2047 : i32
      %min3A_359 = vector.broadcast %min3A_358 : i32 to vector<16xi32>
      %min3A_360 = arith.minsi %convert_element_type3A_357, %min3A_359 : vector<16xi32>
      %add3A_361 = arith.addi %min3A_360, %mul3A_10 : vector<16xi32>
      tpu.vector_store_idx %arg7[%add3A_361], %broadcast_in_dim3A_12 {add = true} : memref<32768xi32, #tpu.memory_space<vmem>>[vector<16xi32>], vector<16xi32>,
      tpu.vector_store_idx %arg8[%add3A_361], %get3A_353 {add = true} : memref<32768xf32, #tpu.memory_space<vmem>>[vector<16xi32>], vector<16xf32>,
      %mul3A_362 = arith.constant 128 : i32
      %mul3A_363 = arith.muli %scan3A_322, %mul3A_362 : i32
      %add3A_364 = arith.constant 48 : i32
      %add3A_365 = arith.addi %mul3A_363, %add3A_364 : i32
      %get3A_366 = arith.index_cast %add3A_365 : i32 to index
      %get3A_367 = tpu.vector_load %arg5[%get3A_366] {strides = array<i32>} : memref<8192xf32, #tpu.memory_space<vmem>>, vector<16xf32>,
      %mul3A_368 = arith.constant 126.030769 : f32
      %mul3A_369 = vector.broadcast %mul3A_368 : f32 to vector<16xf32>
      %mul3A_370 = arith.mulf %get3A_367, %mul3A_369 : vector<16xf32>
      %convert_element_type3A_371 = arith.fptosi %mul3A_370 : vector<16xf32> to vector<16xi32>
      %min3A_372 = arith.constant 2047 : i32
      %min3A_373 = vector.broadcast %min3A_372 : i32 to vector<16xi32>
      %min3A_374 = arith.minsi %convert_element_type3A_371, %min3A_373 : vector<16xi32>
      %add3A_375 = arith.addi %min3A_374, %mul3A_10 : vector<16xi32>
      tpu.vector_store_idx %arg7[%add3A_375], %broadcast_in_dim3A_12 {add = true} : memref<32768xi32, #tpu.memory_space<vmem>>[vector<16xi32>], vector<16xi32>,
      tpu.vector_store_idx %arg8[%add3A_375], %get3A_367 {add = true} : memref<32768xf32, #tpu.memory_space<vmem>>[vector<16xi32>], vector<16xf32>,
      %mul3A_376 = arith.constant 128 : i32
      %mul3A_377 = arith.muli %scan3A_322, %mul3A_376 : i32
      %add3A_378 = arith.constant 64 : i32
      %add3A_379 = arith.addi %mul3A_377, %add3A_378 : i32
      %get3A_380 = arith.index_cast %add3A_379 : i32 to index
      %get3A_381 = tpu.vector_load %arg5[%get3A_380] {strides = array<i32>} : memref<8192xf32, #tpu.memory_space<vmem>>, vector<16xf32>,
      %mul3A_382 = arith.constant 126.030769 : f32
      %mul3A_383 = vector.broadcast %mul3A_382 : f32 to vector<16xf32>
      %mul3A_384 = arith.mulf %get3A_381, %mul3A_383 : vector<16xf32>
      %convert_element_type3A_385 = arith.fptosi %mul3A_384 : vector<16xf32> to vector<16xi32>
      %min3A_386 = arith.constant 2047 : i32
      %min3A_387 = vector.broadcast %min3A_386 : i32 to vector<16xi32>
      %min3A_388 = arith.minsi %convert_element_type3A_385, %min3A_387 : vector<16xi32>
      %add3A_389 = arith.addi %min3A_388, %mul3A_10 : vector<16xi32>
      tpu.vector_store_idx %arg7[%add3A_389], %broadcast_in_dim3A_12 {add = true} : memref<32768xi32, #tpu.memory_space<vmem>>[vector<16xi32>], vector<16xi32>,
      tpu.vector_store_idx %arg8[%add3A_389], %get3A_381 {add = true} : memref<32768xf32, #tpu.memory_space<vmem>>[vector<16xi32>], vector<16xf32>,
      %mul3A_390 = arith.constant 128 : i32
      %mul3A_391 = arith.muli %scan3A_322, %mul3A_390 : i32
      %add3A_392 = arith.constant 80 : i32
      %add3A_393 = arith.addi %mul3A_391, %add3A_392 : i32
      %get3A_394 = arith.index_cast %add3A_393 : i32 to index
      %get3A_395 = tpu.vector_load %arg5[%get3A_394] {strides = array<i32>} : memref<8192xf32, #tpu.memory_space<vmem>>, vector<16xf32>,
      %mul3A_396 = arith.constant 126.030769 : f32
      %mul3A_397 = vector.broadcast %mul3A_396 : f32 to vector<16xf32>
      %mul3A_398 = arith.mulf %get3A_395, %mul3A_397 : vector<16xf32>
      %convert_element_type3A_399 = arith.fptosi %mul3A_398 : vector<16xf32> to vector<16xi32>
      %min3A_400 = arith.constant 2047 : i32
      %min3A_401 = vector.broadcast %min3A_400 : i32 to vector<16xi32>
      %min3A_402 = arith.minsi %convert_element_type3A_399, %min3A_401 : vector<16xi32>
      %add3A_403 = arith.addi %min3A_402, %mul3A_10 : vector<16xi32>
      tpu.vector_store_idx %arg7[%add3A_403], %broadcast_in_dim3A_12 {add = true} : memref<32768xi32, #tpu.memory_space<vmem>>[vector<16xi32>], vector<16xi32>,
      tpu.vector_store_idx %arg8[%add3A_403], %get3A_395 {add = true} : memref<32768xf32, #tpu.memory_space<vmem>>[vector<16xi32>], vector<16xf32>,
      %mul3A_404 = arith.constant 128 : i32
      %mul3A_405 = arith.muli %scan3A_322, %mul3A_404 : i32
      %add3A_406 = arith.constant 96 : i32
      %add3A_407 = arith.addi %mul3A_405, %add3A_406 : i32
      %get3A_408 = arith.index_cast %add3A_407 : i32 to index
      %get3A_409 = tpu.vector_load %arg5[%get3A_408] {strides = array<i32>} : memref<8192xf32, #tpu.memory_space<vmem>>, vector<16xf32>,
      %mul3A_410 = arith.constant 126.030769 : f32
      %mul3A_411 = vector.broadcast %mul3A_410 : f32 to vector<16xf32>
      %mul3A_412 = arith.mulf %get3A_409, %mul3A_411 : vector<16xf32>
      %convert_element_type3A_413 = arith.fptosi %mul3A_412 : vector<16xf32> to vector<16xi32>
      %min3A_414 = arith.constant 2047 : i32
      %min3A_415 = vector.broadcast %min3A_414 : i32 to vector<16xi32>
      %min3A_416 = arith.minsi %convert_element_type3A_413, %min3A_415 : vector<16xi32>
      %add3A_417 = arith.addi %min3A_416, %mul3A_10 : vector<16xi32>
      tpu.vector_store_idx %arg7[%add3A_417], %broadcast_in_dim3A_12 {add = true} : memref<32768xi32, #tpu.memory_space<vmem>>[vector<16xi32>], vector<16xi32>,
      tpu.vector_store_idx %arg8[%add3A_417], %get3A_409 {add = true} : memref<32768xf32, #tpu.memory_space<vmem>>[vector<16xi32>], vector<16xf32>,
      %mul3A_418 = arith.constant 128 : i32
      %mul3A_419 = arith.muli %scan3A_322, %mul3A_418 : i32
      %add3A_420 = arith.constant 112 : i32
      %add3A_421 = arith.addi %mul3A_419, %add3A_420 : i32
      %get3A_422 = arith.index_cast %add3A_421 : i32 to index
      %get3A_423 = tpu.vector_load %arg5[%get3A_422] {strides = array<i32>} : memref<8192xf32, #tpu.memory_space<vmem>>, vector<16xf32>,
      %mul3A_424 = arith.constant 126.030769 : f32
      %mul3A_425 = vector.broadcast %mul3A_424 : f32 to vector<16xf32>
      %mul3A_426 = arith.mulf %get3A_423, %mul3A_425 : vector<16xf32>
      %convert_element_type3A_427 = arith.fptosi %mul3A_426 : vector<16xf32> to vector<16xi32>
      %min3A_428 = arith.constant 2047 : i32
      %min3A_429 = vector.broadcast %min3A_428 : i32 to vector<16xi32>
      %min3A_430 = arith.minsi %convert_element_type3A_427, %min3A_429 : vector<16xi32>
      %add3A_431 = arith.addi %min3A_430, %mul3A_10 : vector<16xi32>
      tpu.vector_store_idx %arg7[%add3A_431], %broadcast_in_dim3A_12 {add = true} : memref<32768xi32, #tpu.memory_space<vmem>>[vector<16xi32>], vector<16xi32>,
      tpu.vector_store_idx %arg8[%add3A_431], %get3A_423 {add = true} : memref<32768xf32, #tpu.memory_space<vmem>>[vector<16xi32>], vector<16xf32>,
      %scan3A_432 = arith.constant 0 : i32
      scf.yield %scan3A_432 : i32
    }
    %scan3A_73 = arith.constant 64 : i32
    %dma_start3A_74 = arith.constant 32768 : i32
    %dma_start3A_75 = tpu.memref_slice %arg2[%arg1, %arg0, %dma_start3A_74] : memref<16x2x131072xf32, #tpu.memory_space<hbm>> -> memref<1x1x8192xf32, #tpu.memory_space<hbm>>
    %dma_start3A_76 = tpu.memref_squeeze %dma_start3A_75 : memref<1x1x8192xf32, #tpu.memory_space<hbm>> -> memref<8192xf32, #tpu.memory_space<hbm>>
    %dma_start3A_77 = arith.constant 32768 : i32
    %dma_start3A_78 = tpu.memref_slice %arg2[%arg1, %arg0, %dma_start3A_77] : memref<16x2x131072xf32, #tpu.memory_space<hbm>> -> memref<1x1x8192xf32, #tpu.memory_space<hbm>>
    %dma_start3A_79 = tpu.memref_squeeze %dma_start3A_78 : memref<1x1x8192xf32, #tpu.memory_space<hbm>> -> memref<8192xf32, #tpu.memory_space<hbm>>
    tpu.enqueue_dma source(%dma_start3A_79 : memref<8192xf32, #tpu.memory_space<hbm>>) target(%arg5 : memref<8192xf32, #tpu.memory_space<vmem>>) target_semaphore(%arg11 : memref<!tpu.dma_semaphore, #tpu.memory_space<semaphore_mem>>)
    %dma_wait3A_80 = arith.constant 24576 : i32
    %dma_wait3A_81 = tpu.memref_slice %arg2[%arg1, %arg0, %dma_wait3A_80] : memref<16x2x131072xf32, #tpu.memory_space<hbm>> -> memref<1x1x8192xf32, #tpu.memory_space<hbm>>
    %dma_wait3A_82 = tpu.memref_squeeze %dma_wait3A_81 : memref<1x1x8192xf32, #tpu.memory_space<hbm>> -> memref<8192xf32, #tpu.memory_space<hbm>>
    %dma_wait3A_83 = arith.constant 24576 : i32
    %dma_wait3A_84 = tpu.memref_slice %arg2[%arg1, %arg0, %dma_wait3A_83] : memref<16x2x131072xf32, #tpu.memory_space<hbm>> -> memref<1x1x8192xf32, #tpu.memory_space<hbm>>
    %dma_wait3A_85 = tpu.memref_squeeze %dma_wait3A_84 : memref<1x1x8192xf32, #tpu.memory_space<hbm>> -> memref<8192xf32, #tpu.memory_space<hbm>>
    tpu.wait_dma2 semaphore(%arg12 : memref<!tpu.dma_semaphore, #tpu.memory_space<semaphore_mem>>) src(%dma_wait3A_85 : memref<8192xf32, #tpu.memory_space<hbm>>) dst(%arg6 : memref<8192xf32, #tpu.memory_space<vmem>>)
    %scan3A_86 = arith.constant 0 : i32
    %scan3A_87 = arith.constant 0 : i32
    %scan3A_88 = arith.constant 64 : i32
    %scan3A_89 = arith.addi %scan3A_87, %scan3A_88 : i32
    %scan3A_90 = arith.constant 1 : i32
    %scan3A_91 = scf.for %scan3A_322 = %scan3A_87 to %scan3A_89 step %scan3A_90 iter_args(%scan3A_323 = %scan3A_86) -> (i32)  : i32 {
      %mul3A_324 = arith.constant 128 : i32
      %mul3A_325 = arith.muli %scan3A_322, %mul3A_324 : i32
      %add3A = arith.constant 0 : i32
      %add3A_326 = arith.addi %mul3A_325, %add3A : i32
      %get3A = arith.index_cast %add3A_326 : i32 to index
      %get3A_327 = tpu.vector_load %arg6[%get3A] {strides = array<i32>} : memref<8192xf32, #tpu.memory_space<vmem>>, vector<16xf32>,
      %mul3A_328 = arith.constant 126.030769 : f32
      %mul3A_329 = vector.broadcast %mul3A_328 : f32 to vector<16xf32>
      %mul3A_330 = arith.mulf %get3A_327, %mul3A_329 : vector<16xf32>
      %convert_element_type3A = arith.fptosi %mul3A_330 : vector<16xf32> to vector<16xi32>
      %min3A = arith.constant 2047 : i32
      %min3A_331 = vector.broadcast %min3A : i32 to vector<16xi32>
      %min3A_332 = arith.minsi %convert_element_type3A, %min3A_331 : vector<16xi32>
      %add3A_333 = arith.addi %min3A_332, %mul3A_10 : vector<16xi32>
      tpu.vector_store_idx %arg7[%add3A_333], %broadcast_in_dim3A_12 {add = true} : memref<32768xi32, #tpu.memory_space<vmem>>[vector<16xi32>], vector<16xi32>,
      tpu.vector_store_idx %arg8[%add3A_333], %get3A_327 {add = true} : memref<32768xf32, #tpu.memory_space<vmem>>[vector<16xi32>], vector<16xf32>,
      %mul3A_334 = arith.constant 128 : i32
      %mul3A_335 = arith.muli %scan3A_322, %mul3A_334 : i32
      %add3A_336 = arith.constant 16 : i32
      %add3A_337 = arith.addi %mul3A_335, %add3A_336 : i32
      %get3A_338 = arith.index_cast %add3A_337 : i32 to index
      %get3A_339 = tpu.vector_load %arg6[%get3A_338] {strides = array<i32>} : memref<8192xf32, #tpu.memory_space<vmem>>, vector<16xf32>,
      %mul3A_340 = arith.constant 126.030769 : f32
      %mul3A_341 = vector.broadcast %mul3A_340 : f32 to vector<16xf32>
      %mul3A_342 = arith.mulf %get3A_339, %mul3A_341 : vector<16xf32>
      %convert_element_type3A_343 = arith.fptosi %mul3A_342 : vector<16xf32> to vector<16xi32>
      %min3A_344 = arith.constant 2047 : i32
      %min3A_345 = vector.broadcast %min3A_344 : i32 to vector<16xi32>
      %min3A_346 = arith.minsi %convert_element_type3A_343, %min3A_345 : vector<16xi32>
      %add3A_347 = arith.addi %min3A_346, %mul3A_10 : vector<16xi32>
      tpu.vector_store_idx %arg7[%add3A_347], %broadcast_in_dim3A_12 {add = true} : memref<32768xi32, #tpu.memory_space<vmem>>[vector<16xi32>], vector<16xi32>,
      tpu.vector_store_idx %arg8[%add3A_347], %get3A_339 {add = true} : memref<32768xf32, #tpu.memory_space<vmem>>[vector<16xi32>], vector<16xf32>,
      %mul3A_348 = arith.constant 128 : i32
      %mul3A_349 = arith.muli %scan3A_322, %mul3A_348 : i32
      %add3A_350 = arith.constant 32 : i32
      %add3A_351 = arith.addi %mul3A_349, %add3A_350 : i32
      %get3A_352 = arith.index_cast %add3A_351 : i32 to index
      %get3A_353 = tpu.vector_load %arg6[%get3A_352] {strides = array<i32>} : memref<8192xf32, #tpu.memory_space<vmem>>, vector<16xf32>,
      %mul3A_354 = arith.constant 126.030769 : f32
      %mul3A_355 = vector.broadcast %mul3A_354 : f32 to vector<16xf32>
      %mul3A_356 = arith.mulf %get3A_353, %mul3A_355 : vector<16xf32>
      %convert_element_type3A_357 = arith.fptosi %mul3A_356 : vector<16xf32> to vector<16xi32>
      %min3A_358 = arith.constant 2047 : i32
      %min3A_359 = vector.broadcast %min3A_358 : i32 to vector<16xi32>
      %min3A_360 = arith.minsi %convert_element_type3A_357, %min3A_359 : vector<16xi32>
      %add3A_361 = arith.addi %min3A_360, %mul3A_10 : vector<16xi32>
      tpu.vector_store_idx %arg7[%add3A_361], %broadcast_in_dim3A_12 {add = true} : memref<32768xi32, #tpu.memory_space<vmem>>[vector<16xi32>], vector<16xi32>,
      tpu.vector_store_idx %arg8[%add3A_361], %get3A_353 {add = true} : memref<32768xf32, #tpu.memory_space<vmem>>[vector<16xi32>], vector<16xf32>,
      %mul3A_362 = arith.constant 128 : i32
      %mul3A_363 = arith.muli %scan3A_322, %mul3A_362 : i32
      %add3A_364 = arith.constant 48 : i32
      %add3A_365 = arith.addi %mul3A_363, %add3A_364 : i32
      %get3A_366 = arith.index_cast %add3A_365 : i32 to index
      %get3A_367 = tpu.vector_load %arg6[%get3A_366] {strides = array<i32>} : memref<8192xf32, #tpu.memory_space<vmem>>, vector<16xf32>,
      %mul3A_368 = arith.constant 126.030769 : f32
      %mul3A_369 = vector.broadcast %mul3A_368 : f32 to vector<16xf32>
      %mul3A_370 = arith.mulf %get3A_367, %mul3A_369 : vector<16xf32>
      %convert_element_type3A_371 = arith.fptosi %mul3A_370 : vector<16xf32> to vector<16xi32>
      %min3A_372 = arith.constant 2047 : i32
      %min3A_373 = vector.broadcast %min3A_372 : i32 to vector<16xi32>
      %min3A_374 = arith.minsi %convert_element_type3A_371, %min3A_373 : vector<16xi32>
      %add3A_375 = arith.addi %min3A_374, %mul3A_10 : vector<16xi32>
      tpu.vector_store_idx %arg7[%add3A_375], %broadcast_in_dim3A_12 {add = true} : memref<32768xi32, #tpu.memory_space<vmem>>[vector<16xi32>], vector<16xi32>,
      tpu.vector_store_idx %arg8[%add3A_375], %get3A_367 {add = true} : memref<32768xf32, #tpu.memory_space<vmem>>[vector<16xi32>], vector<16xf32>,
      %mul3A_376 = arith.constant 128 : i32
      %mul3A_377 = arith.muli %scan3A_322, %mul3A_376 : i32
      %add3A_378 = arith.constant 64 : i32
      %add3A_379 = arith.addi %mul3A_377, %add3A_378 : i32
      %get3A_380 = arith.index_cast %add3A_379 : i32 to index
      %get3A_381 = tpu.vector_load %arg6[%get3A_380] {strides = array<i32>} : memref<8192xf32, #tpu.memory_space<vmem>>, vector<16xf32>,
      %mul3A_382 = arith.constant 126.030769 : f32
      %mul3A_383 = vector.broadcast %mul3A_382 : f32 to vector<16xf32>
      %mul3A_384 = arith.mulf %get3A_381, %mul3A_383 : vector<16xf32>
      %convert_element_type3A_385 = arith.fptosi %mul3A_384 : vector<16xf32> to vector<16xi32>
      %min3A_386 = arith.constant 2047 : i32
      %min3A_387 = vector.broadcast %min3A_386 : i32 to vector<16xi32>
      %min3A_388 = arith.minsi %convert_element_type3A_385, %min3A_387 : vector<16xi32>
      %add3A_389 = arith.addi %min3A_388, %mul3A_10 : vector<16xi32>
      tpu.vector_store_idx %arg7[%add3A_389], %broadcast_in_dim3A_12 {add = true} : memref<32768xi32, #tpu.memory_space<vmem>>[vector<16xi32>], vector<16xi32>,
      tpu.vector_store_idx %arg8[%add3A_389], %get3A_381 {add = true} : memref<32768xf32, #tpu.memory_space<vmem>>[vector<16xi32>], vector<16xf32>,
      %mul3A_390 = arith.constant 128 : i32
      %mul3A_391 = arith.muli %scan3A_322, %mul3A_390 : i32
      %add3A_392 = arith.constant 80 : i32
      %add3A_393 = arith.addi %mul3A_391, %add3A_392 : i32
      %get3A_394 = arith.index_cast %add3A_393 : i32 to index
      %get3A_395 = tpu.vector_load %arg6[%get3A_394] {strides = array<i32>} : memref<8192xf32, #tpu.memory_space<vmem>>, vector<16xf32>,
      %mul3A_396 = arith.constant 126.030769 : f32
      %mul3A_397 = vector.broadcast %mul3A_396 : f32 to vector<16xf32>
      %mul3A_398 = arith.mulf %get3A_395, %mul3A_397 : vector<16xf32>
      %convert_element_type3A_399 = arith.fptosi %mul3A_398 : vector<16xf32> to vector<16xi32>
      %min3A_400 = arith.constant 2047 : i32
      %min3A_401 = vector.broadcast %min3A_400 : i32 to vector<16xi32>
      %min3A_402 = arith.minsi %convert_element_type3A_399, %min3A_401 : vector<16xi32>
      %add3A_403 = arith.addi %min3A_402, %mul3A_10 : vector<16xi32>
      tpu.vector_store_idx %arg7[%add3A_403], %broadcast_in_dim3A_12 {add = true} : memref<32768xi32, #tpu.memory_space<vmem>>[vector<16xi32>], vector<16xi32>,
      tpu.vector_store_idx %arg8[%add3A_403], %get3A_395 {add = true} : memref<32768xf32, #tpu.memory_space<vmem>>[vector<16xi32>], vector<16xf32>,
      %mul3A_404 = arith.constant 128 : i32
      %mul3A_405 = arith.muli %scan3A_322, %mul3A_404 : i32
      %add3A_406 = arith.constant 96 : i32
      %add3A_407 = arith.addi %mul3A_405, %add3A_406 : i32
      %get3A_408 = arith.index_cast %add3A_407 : i32 to index
      %get3A_409 = tpu.vector_load %arg6[%get3A_408] {strides = array<i32>} : memref<8192xf32, #tpu.memory_space<vmem>>, vector<16xf32>,
      %mul3A_410 = arith.constant 126.030769 : f32
      %mul3A_411 = vector.broadcast %mul3A_410 : f32 to vector<16xf32>
      %mul3A_412 = arith.mulf %get3A_409, %mul3A_411 : vector<16xf32>
      %convert_element_type3A_413 = arith.fptosi %mul3A_412 : vector<16xf32> to vector<16xi32>
      %min3A_414 = arith.constant 2047 : i32
      %min3A_415 = vector.broadcast %min3A_414 : i32 to vector<16xi32>
      %min3A_416 = arith.minsi %convert_element_type3A_413, %min3A_415 : vector<16xi32>
      %add3A_417 = arith.addi %min3A_416, %mul3A_10 : vector<16xi32>
      tpu.vector_store_idx %arg7[%add3A_417], %broadcast_in_dim3A_12 {add = true} : memref<32768xi32, #tpu.memory_space<vmem>>[vector<16xi32>], vector<16xi32>,
      tpu.vector_store_idx %arg8[%add3A_417], %get3A_409 {add = true} : memref<32768xf32, #tpu.memory_space<vmem>>[vector<16xi32>], vector<16xf32>,
      %mul3A_418 = arith.constant 128 : i32
      %mul3A_419 = arith.muli %scan3A_322, %mul3A_418 : i32
      %add3A_420 = arith.constant 112 : i32
      %add3A_421 = arith.addi %mul3A_419, %add3A_420 : i32
      %get3A_422 = arith.index_cast %add3A_421 : i32 to index
      %get3A_423 = tpu.vector_load %arg6[%get3A_422] {strides = array<i32>} : memref<8192xf32, #tpu.memory_space<vmem>>, vector<16xf32>,
      %mul3A_424 = arith.constant 126.030769 : f32
      %mul3A_425 = vector.broadcast %mul3A_424 : f32 to vector<16xf32>
      %mul3A_426 = arith.mulf %get3A_423, %mul3A_425 : vector<16xf32>
      %convert_element_type3A_427 = arith.fptosi %mul3A_426 : vector<16xf32> to vector<16xi32>
      %min3A_428 = arith.constant 2047 : i32
      %min3A_429 = vector.broadcast %min3A_428 : i32 to vector<16xi32>
      %min3A_430 = arith.minsi %convert_element_type3A_427, %min3A_429 : vector<16xi32>
      %add3A_431 = arith.addi %min3A_430, %mul3A_10 : vector<16xi32>
      tpu.vector_store_idx %arg7[%add3A_431], %broadcast_in_dim3A_12 {add = true} : memref<32768xi32, #tpu.memory_space<vmem>>[vector<16xi32>], vector<16xi32>,
      tpu.vector_store_idx %arg8[%add3A_431], %get3A_423 {add = true} : memref<32768xf32, #tpu.memory_space<vmem>>[vector<16xi32>], vector<16xf32>,
      %scan3A_432 = arith.constant 0 : i32
      scf.yield %scan3A_432 : i32
    }
    %scan3A_92 = arith.constant 64 : i32
    %dma_start3A_93 = arith.constant 40960 : i32
    %dma_start3A_94 = tpu.memref_slice %arg2[%arg1, %arg0, %dma_start3A_93] : memref<16x2x131072xf32, #tpu.memory_space<hbm>> -> memref<1x1x8192xf32, #tpu.memory_space<hbm>>
    %dma_start3A_95 = tpu.memref_squeeze %dma_start3A_94 : memref<1x1x8192xf32, #tpu.memory_space<hbm>> -> memref<8192xf32, #tpu.memory_space<hbm>>
    %dma_start3A_96 = arith.constant 40960 : i32
    %dma_start3A_97 = tpu.memref_slice %arg2[%arg1, %arg0, %dma_start3A_96] : memref<16x2x131072xf32, #tpu.memory_space<hbm>> -> memref<1x1x8192xf32, #tpu.memory_space<hbm>>
    %dma_start3A_98 = tpu.memref_squeeze %dma_start3A_97 : memref<1x1x8192xf32, #tpu.memory_space<hbm>> -> memref<8192xf32, #tpu.memory_space<hbm>>
    tpu.enqueue_dma source(%dma_start3A_98 : memref<8192xf32, #tpu.memory_space<hbm>>) target(%arg6 : memref<8192xf32, #tpu.memory_space<vmem>>) target_semaphore(%arg12 : memref<!tpu.dma_semaphore, #tpu.memory_space<semaphore_mem>>)
    %dma_wait3A_99 = arith.constant 32768 : i32
    %dma_wait3A_100 = tpu.memref_slice %arg2[%arg1, %arg0, %dma_wait3A_99] : memref<16x2x131072xf32, #tpu.memory_space<hbm>> -> memref<1x1x8192xf32, #tpu.memory_space<hbm>>
    %dma_wait3A_101 = tpu.memref_squeeze %dma_wait3A_100 : memref<1x1x8192xf32, #tpu.memory_space<hbm>> -> memref<8192xf32, #tpu.memory_space<hbm>>
    %dma_wait3A_102 = arith.constant 32768 : i32
    %dma_wait3A_103 = tpu.memref_slice %arg2[%arg1, %arg0, %dma_wait3A_102] : memref<16x2x131072xf32, #tpu.memory_space<hbm>> -> memref<1x1x8192xf32, #tpu.memory_space<hbm>>
    %dma_wait3A_104 = tpu.memref_squeeze %dma_wait3A_103 : memref<1x1x8192xf32, #tpu.memory_space<hbm>> -> memref<8192xf32, #tpu.memory_space<hbm>>
    tpu.wait_dma2 semaphore(%arg11 : memref<!tpu.dma_semaphore, #tpu.memory_space<semaphore_mem>>) src(%dma_wait3A_104 : memref<8192xf32, #tpu.memory_space<hbm>>) dst(%arg5 : memref<8192xf32, #tpu.memory_space<vmem>>)
    %scan3A_105 = arith.constant 0 : i32
    %scan3A_106 = arith.constant 0 : i32
    %scan3A_107 = arith.constant 64 : i32
    %scan3A_108 = arith.addi %scan3A_106, %scan3A_107 : i32
    %scan3A_109 = arith.constant 1 : i32
    %scan3A_110 = scf.for %scan3A_322 = %scan3A_106 to %scan3A_108 step %scan3A_109 iter_args(%scan3A_323 = %scan3A_105) -> (i32)  : i32 {
      %mul3A_324 = arith.constant 128 : i32
      %mul3A_325 = arith.muli %scan3A_322, %mul3A_324 : i32
      %add3A = arith.constant 0 : i32
      %add3A_326 = arith.addi %mul3A_325, %add3A : i32
      %get3A = arith.index_cast %add3A_326 : i32 to index
      %get3A_327 = tpu.vector_load %arg5[%get3A] {strides = array<i32>} : memref<8192xf32, #tpu.memory_space<vmem>>, vector<16xf32>,
      %mul3A_328 = arith.constant 126.030769 : f32
      %mul3A_329 = vector.broadcast %mul3A_328 : f32 to vector<16xf32>
      %mul3A_330 = arith.mulf %get3A_327, %mul3A_329 : vector<16xf32>
      %convert_element_type3A = arith.fptosi %mul3A_330 : vector<16xf32> to vector<16xi32>
      %min3A = arith.constant 2047 : i32
      %min3A_331 = vector.broadcast %min3A : i32 to vector<16xi32>
      %min3A_332 = arith.minsi %convert_element_type3A, %min3A_331 : vector<16xi32>
      %add3A_333 = arith.addi %min3A_332, %mul3A_10 : vector<16xi32>
      tpu.vector_store_idx %arg7[%add3A_333], %broadcast_in_dim3A_12 {add = true} : memref<32768xi32, #tpu.memory_space<vmem>>[vector<16xi32>], vector<16xi32>,
      tpu.vector_store_idx %arg8[%add3A_333], %get3A_327 {add = true} : memref<32768xf32, #tpu.memory_space<vmem>>[vector<16xi32>], vector<16xf32>,
      %mul3A_334 = arith.constant 128 : i32
      %mul3A_335 = arith.muli %scan3A_322, %mul3A_334 : i32
      %add3A_336 = arith.constant 16 : i32
      %add3A_337 = arith.addi %mul3A_335, %add3A_336 : i32
      %get3A_338 = arith.index_cast %add3A_337 : i32 to index
      %get3A_339 = tpu.vector_load %arg5[%get3A_338] {strides = array<i32>} : memref<8192xf32, #tpu.memory_space<vmem>>, vector<16xf32>,
      %mul3A_340 = arith.constant 126.030769 : f32
      %mul3A_341 = vector.broadcast %mul3A_340 : f32 to vector<16xf32>
      %mul3A_342 = arith.mulf %get3A_339, %mul3A_341 : vector<16xf32>
      %convert_element_type3A_343 = arith.fptosi %mul3A_342 : vector<16xf32> to vector<16xi32>
      %min3A_344 = arith.constant 2047 : i32
      %min3A_345 = vector.broadcast %min3A_344 : i32 to vector<16xi32>
      %min3A_346 = arith.minsi %convert_element_type3A_343, %min3A_345 : vector<16xi32>
      %add3A_347 = arith.addi %min3A_346, %mul3A_10 : vector<16xi32>
      tpu.vector_store_idx %arg7[%add3A_347], %broadcast_in_dim3A_12 {add = true} : memref<32768xi32, #tpu.memory_space<vmem>>[vector<16xi32>], vector<16xi32>,
      tpu.vector_store_idx %arg8[%add3A_347], %get3A_339 {add = true} : memref<32768xf32, #tpu.memory_space<vmem>>[vector<16xi32>], vector<16xf32>,
      %mul3A_348 = arith.constant 128 : i32
      %mul3A_349 = arith.muli %scan3A_322, %mul3A_348 : i32
      %add3A_350 = arith.constant 32 : i32
      %add3A_351 = arith.addi %mul3A_349, %add3A_350 : i32
      %get3A_352 = arith.index_cast %add3A_351 : i32 to index
      %get3A_353 = tpu.vector_load %arg5[%get3A_352] {strides = array<i32>} : memref<8192xf32, #tpu.memory_space<vmem>>, vector<16xf32>,
      %mul3A_354 = arith.constant 126.030769 : f32
      %mul3A_355 = vector.broadcast %mul3A_354 : f32 to vector<16xf32>
      %mul3A_356 = arith.mulf %get3A_353, %mul3A_355 : vector<16xf32>
      %convert_element_type3A_357 = arith.fptosi %mul3A_356 : vector<16xf32> to vector<16xi32>
      %min3A_358 = arith.constant 2047 : i32
      %min3A_359 = vector.broadcast %min3A_358 : i32 to vector<16xi32>
      %min3A_360 = arith.minsi %convert_element_type3A_357, %min3A_359 : vector<16xi32>
      %add3A_361 = arith.addi %min3A_360, %mul3A_10 : vector<16xi32>
      tpu.vector_store_idx %arg7[%add3A_361], %broadcast_in_dim3A_12 {add = true} : memref<32768xi32, #tpu.memory_space<vmem>>[vector<16xi32>], vector<16xi32>,
      tpu.vector_store_idx %arg8[%add3A_361], %get3A_353 {add = true} : memref<32768xf32, #tpu.memory_space<vmem>>[vector<16xi32>], vector<16xf32>,
      %mul3A_362 = arith.constant 128 : i32
      %mul3A_363 = arith.muli %scan3A_322, %mul3A_362 : i32
      %add3A_364 = arith.constant 48 : i32
      %add3A_365 = arith.addi %mul3A_363, %add3A_364 : i32
      %get3A_366 = arith.index_cast %add3A_365 : i32 to index
      %get3A_367 = tpu.vector_load %arg5[%get3A_366] {strides = array<i32>} : memref<8192xf32, #tpu.memory_space<vmem>>, vector<16xf32>,
      %mul3A_368 = arith.constant 126.030769 : f32
      %mul3A_369 = vector.broadcast %mul3A_368 : f32 to vector<16xf32>
      %mul3A_370 = arith.mulf %get3A_367, %mul3A_369 : vector<16xf32>
      %convert_element_type3A_371 = arith.fptosi %mul3A_370 : vector<16xf32> to vector<16xi32>
      %min3A_372 = arith.constant 2047 : i32
      %min3A_373 = vector.broadcast %min3A_372 : i32 to vector<16xi32>
      %min3A_374 = arith.minsi %convert_element_type3A_371, %min3A_373 : vector<16xi32>
      %add3A_375 = arith.addi %min3A_374, %mul3A_10 : vector<16xi32>
      tpu.vector_store_idx %arg7[%add3A_375], %broadcast_in_dim3A_12 {add = true} : memref<32768xi32, #tpu.memory_space<vmem>>[vector<16xi32>], vector<16xi32>,
      tpu.vector_store_idx %arg8[%add3A_375], %get3A_367 {add = true} : memref<32768xf32, #tpu.memory_space<vmem>>[vector<16xi32>], vector<16xf32>,
      %mul3A_376 = arith.constant 128 : i32
      %mul3A_377 = arith.muli %scan3A_322, %mul3A_376 : i32
      %add3A_378 = arith.constant 64 : i32
      %add3A_379 = arith.addi %mul3A_377, %add3A_378 : i32
      %get3A_380 = arith.index_cast %add3A_379 : i32 to index
      %get3A_381 = tpu.vector_load %arg5[%get3A_380] {strides = array<i32>} : memref<8192xf32, #tpu.memory_space<vmem>>, vector<16xf32>,
      %mul3A_382 = arith.constant 126.030769 : f32
      %mul3A_383 = vector.broadcast %mul3A_382 : f32 to vector<16xf32>
      %mul3A_384 = arith.mulf %get3A_381, %mul3A_383 : vector<16xf32>
      %convert_element_type3A_385 = arith.fptosi %mul3A_384 : vector<16xf32> to vector<16xi32>
      %min3A_386 = arith.constant 2047 : i32
      %min3A_387 = vector.broadcast %min3A_386 : i32 to vector<16xi32>
      %min3A_388 = arith.minsi %convert_element_type3A_385, %min3A_387 : vector<16xi32>
      %add3A_389 = arith.addi %min3A_388, %mul3A_10 : vector<16xi32>
      tpu.vector_store_idx %arg7[%add3A_389], %broadcast_in_dim3A_12 {add = true} : memref<32768xi32, #tpu.memory_space<vmem>>[vector<16xi32>], vector<16xi32>,
      tpu.vector_store_idx %arg8[%add3A_389], %get3A_381 {add = true} : memref<32768xf32, #tpu.memory_space<vmem>>[vector<16xi32>], vector<16xf32>,
      %mul3A_390 = arith.constant 128 : i32
      %mul3A_391 = arith.muli %scan3A_322, %mul3A_390 : i32
      %add3A_392 = arith.constant 80 : i32
      %add3A_393 = arith.addi %mul3A_391, %add3A_392 : i32
      %get3A_394 = arith.index_cast %add3A_393 : i32 to index
      %get3A_395 = tpu.vector_load %arg5[%get3A_394] {strides = array<i32>} : memref<8192xf32, #tpu.memory_space<vmem>>, vector<16xf32>,
      %mul3A_396 = arith.constant 126.030769 : f32
      %mul3A_397 = vector.broadcast %mul3A_396 : f32 to vector<16xf32>
      %mul3A_398 = arith.mulf %get3A_395, %mul3A_397 : vector<16xf32>
      %convert_element_type3A_399 = arith.fptosi %mul3A_398 : vector<16xf32> to vector<16xi32>
      %min3A_400 = arith.constant 2047 : i32
      %min3A_401 = vector.broadcast %min3A_400 : i32 to vector<16xi32>
      %min3A_402 = arith.minsi %convert_element_type3A_399, %min3A_401 : vector<16xi32>
      %add3A_403 = arith.addi %min3A_402, %mul3A_10 : vector<16xi32>
      tpu.vector_store_idx %arg7[%add3A_403], %broadcast_in_dim3A_12 {add = true} : memref<32768xi32, #tpu.memory_space<vmem>>[vector<16xi32>], vector<16xi32>,
      tpu.vector_store_idx %arg8[%add3A_403], %get3A_395 {add = true} : memref<32768xf32, #tpu.memory_space<vmem>>[vector<16xi32>], vector<16xf32>,
      %mul3A_404 = arith.constant 128 : i32
      %mul3A_405 = arith.muli %scan3A_322, %mul3A_404 : i32
      %add3A_406 = arith.constant 96 : i32
      %add3A_407 = arith.addi %mul3A_405, %add3A_406 : i32
      %get3A_408 = arith.index_cast %add3A_407 : i32 to index
      %get3A_409 = tpu.vector_load %arg5[%get3A_408] {strides = array<i32>} : memref<8192xf32, #tpu.memory_space<vmem>>, vector<16xf32>,
      %mul3A_410 = arith.constant 126.030769 : f32
      %mul3A_411 = vector.broadcast %mul3A_410 : f32 to vector<16xf32>
      %mul3A_412 = arith.mulf %get3A_409, %mul3A_411 : vector<16xf32>
      %convert_element_type3A_413 = arith.fptosi %mul3A_412 : vector<16xf32> to vector<16xi32>
      %min3A_414 = arith.constant 2047 : i32
      %min3A_415 = vector.broadcast %min3A_414 : i32 to vector<16xi32>
      %min3A_416 = arith.minsi %convert_element_type3A_413, %min3A_415 : vector<16xi32>
      %add3A_417 = arith.addi %min3A_416, %mul3A_10 : vector<16xi32>
      tpu.vector_store_idx %arg7[%add3A_417], %broadcast_in_dim3A_12 {add = true} : memref<32768xi32, #tpu.memory_space<vmem>>[vector<16xi32>], vector<16xi32>,
      tpu.vector_store_idx %arg8[%add3A_417], %get3A_409 {add = true} : memref<32768xf32, #tpu.memory_space<vmem>>[vector<16xi32>], vector<16xf32>,
      %mul3A_418 = arith.constant 128 : i32
      %mul3A_419 = arith.muli %scan3A_322, %mul3A_418 : i32
      %add3A_420 = arith.constant 112 : i32
      %add3A_421 = arith.addi %mul3A_419, %add3A_420 : i32
      %get3A_422 = arith.index_cast %add3A_421 : i32 to index
      %get3A_423 = tpu.vector_load %arg5[%get3A_422] {strides = array<i32>} : memref<8192xf32, #tpu.memory_space<vmem>>, vector<16xf32>,
      %mul3A_424 = arith.constant 126.030769 : f32
      %mul3A_425 = vector.broadcast %mul3A_424 : f32 to vector<16xf32>
      %mul3A_426 = arith.mulf %get3A_423, %mul3A_425 : vector<16xf32>
      %convert_element_type3A_427 = arith.fptosi %mul3A_426 : vector<16xf32> to vector<16xi32>
      %min3A_428 = arith.constant 2047 : i32
      %min3A_429 = vector.broadcast %min3A_428 : i32 to vector<16xi32>
      %min3A_430 = arith.minsi %convert_element_type3A_427, %min3A_429 : vector<16xi32>
      %add3A_431 = arith.addi %min3A_430, %mul3A_10 : vector<16xi32>
      tpu.vector_store_idx %arg7[%add3A_431], %broadcast_in_dim3A_12 {add = true} : memref<32768xi32, #tpu.memory_space<vmem>>[vector<16xi32>], vector<16xi32>,
      tpu.vector_store_idx %arg8[%add3A_431], %get3A_423 {add = true} : memref<32768xf32, #tpu.memory_space<vmem>>[vector<16xi32>], vector<16xf32>,
      %scan3A_432 = arith.constant 0 : i32
      scf.yield %scan3A_432 : i32
    }
    %scan3A_111 = arith.constant 64 : i32
    %dma_start3A_112 = arith.constant 49152 : i32
    %dma_start3A_113 = tpu.memref_slice %arg2[%arg1, %arg0, %dma_start3A_112] : memref<16x2x131072xf32, #tpu.memory_space<hbm>> -> memref<1x1x8192xf32, #tpu.memory_space<hbm>>
    %dma_start3A_114 = tpu.memref_squeeze %dma_start3A_113 : memref<1x1x8192xf32, #tpu.memory_space<hbm>> -> memref<8192xf32, #tpu.memory_space<hbm>>
    %dma_start3A_115 = arith.constant 49152 : i32
    %dma_start3A_116 = tpu.memref_slice %arg2[%arg1, %arg0, %dma_start3A_115] : memref<16x2x131072xf32, #tpu.memory_space<hbm>> -> memref<1x1x8192xf32, #tpu.memory_space<hbm>>
    %dma_start3A_117 = tpu.memref_squeeze %dma_start3A_116 : memref<1x1x8192xf32, #tpu.memory_space<hbm>> -> memref<8192xf32, #tpu.memory_space<hbm>>
    tpu.enqueue_dma source(%dma_start3A_117 : memref<8192xf32, #tpu.memory_space<hbm>>) target(%arg5 : memref<8192xf32, #tpu.memory_space<vmem>>) target_semaphore(%arg11 : memref<!tpu.dma_semaphore, #tpu.memory_space<semaphore_mem>>)
    %dma_wait3A_118 = arith.constant 40960 : i32
    %dma_wait3A_119 = tpu.memref_slice %arg2[%arg1, %arg0, %dma_wait3A_118] : memref<16x2x131072xf32, #tpu.memory_space<hbm>> -> memref<1x1x8192xf32, #tpu.memory_space<hbm>>
    %dma_wait3A_120 = tpu.memref_squeeze %dma_wait3A_119 : memref<1x1x8192xf32, #tpu.memory_space<hbm>> -> memref<8192xf32, #tpu.memory_space<hbm>>
    %dma_wait3A_121 = arith.constant 40960 : i32
    %dma_wait3A_122 = tpu.memref_slice %arg2[%arg1, %arg0, %dma_wait3A_121] : memref<16x2x131072xf32, #tpu.memory_space<hbm>> -> memref<1x1x8192xf32, #tpu.memory_space<hbm>>
    %dma_wait3A_123 = tpu.memref_squeeze %dma_wait3A_122 : memref<1x1x8192xf32, #tpu.memory_space<hbm>> -> memref<8192xf32, #tpu.memory_space<hbm>>
    tpu.wait_dma2 semaphore(%arg12 : memref<!tpu.dma_semaphore, #tpu.memory_space<semaphore_mem>>) src(%dma_wait3A_123 : memref<8192xf32, #tpu.memory_space<hbm>>) dst(%arg6 : memref<8192xf32, #tpu.memory_space<vmem>>)
    %scan3A_124 = arith.constant 0 : i32
    %scan3A_125 = arith.constant 0 : i32
    %scan3A_126 = arith.constant 64 : i32
    %scan3A_127 = arith.addi %scan3A_125, %scan3A_126 : i32
    %scan3A_128 = arith.constant 1 : i32
    %scan3A_129 = scf.for %scan3A_322 = %scan3A_125 to %scan3A_127 step %scan3A_128 iter_args(%scan3A_323 = %scan3A_124) -> (i32)  : i32 {
      %mul3A_324 = arith.constant 128 : i32
      %mul3A_325 = arith.muli %scan3A_322, %mul3A_324 : i32
      %add3A = arith.constant 0 : i32
      %add3A_326 = arith.addi %mul3A_325, %add3A : i32
      %get3A = arith.index_cast %add3A_326 : i32 to index
      %get3A_327 = tpu.vector_load %arg6[%get3A] {strides = array<i32>} : memref<8192xf32, #tpu.memory_space<vmem>>, vector<16xf32>,
      %mul3A_328 = arith.constant 126.030769 : f32
      %mul3A_329 = vector.broadcast %mul3A_328 : f32 to vector<16xf32>
      %mul3A_330 = arith.mulf %get3A_327, %mul3A_329 : vector<16xf32>
      %convert_element_type3A = arith.fptosi %mul3A_330 : vector<16xf32> to vector<16xi32>
      %min3A = arith.constant 2047 : i32
      %min3A_331 = vector.broadcast %min3A : i32 to vector<16xi32>
      %min3A_332 = arith.minsi %convert_element_type3A, %min3A_331 : vector<16xi32>
      %add3A_333 = arith.addi %min3A_332, %mul3A_10 : vector<16xi32>
      tpu.vector_store_idx %arg7[%add3A_333], %broadcast_in_dim3A_12 {add = true} : memref<32768xi32, #tpu.memory_space<vmem>>[vector<16xi32>], vector<16xi32>,
      tpu.vector_store_idx %arg8[%add3A_333], %get3A_327 {add = true} : memref<32768xf32, #tpu.memory_space<vmem>>[vector<16xi32>], vector<16xf32>,
      %mul3A_334 = arith.constant 128 : i32
      %mul3A_335 = arith.muli %scan3A_322, %mul3A_334 : i32
      %add3A_336 = arith.constant 16 : i32
      %add3A_337 = arith.addi %mul3A_335, %add3A_336 : i32
      %get3A_338 = arith.index_cast %add3A_337 : i32 to index
      %get3A_339 = tpu.vector_load %arg6[%get3A_338] {strides = array<i32>} : memref<8192xf32, #tpu.memory_space<vmem>>, vector<16xf32>,
      %mul3A_340 = arith.constant 126.030769 : f32
      %mul3A_341 = vector.broadcast %mul3A_340 : f32 to vector<16xf32>
      %mul3A_342 = arith.mulf %get3A_339, %mul3A_341 : vector<16xf32>
      %convert_element_type3A_343 = arith.fptosi %mul3A_342 : vector<16xf32> to vector<16xi32>
      %min3A_344 = arith.constant 2047 : i32
      %min3A_345 = vector.broadcast %min3A_344 : i32 to vector<16xi32>
      %min3A_346 = arith.minsi %convert_element_type3A_343, %min3A_345 : vector<16xi32>
      %add3A_347 = arith.addi %min3A_346, %mul3A_10 : vector<16xi32>
      tpu.vector_store_idx %arg7[%add3A_347], %broadcast_in_dim3A_12 {add = true} : memref<32768xi32, #tpu.memory_space<vmem>>[vector<16xi32>], vector<16xi32>,
      tpu.vector_store_idx %arg8[%add3A_347], %get3A_339 {add = true} : memref<32768xf32, #tpu.memory_space<vmem>>[vector<16xi32>], vector<16xf32>,
      %mul3A_348 = arith.constant 128 : i32
      %mul3A_349 = arith.muli %scan3A_322, %mul3A_348 : i32
      %add3A_350 = arith.constant 32 : i32
      %add3A_351 = arith.addi %mul3A_349, %add3A_350 : i32
      %get3A_352 = arith.index_cast %add3A_351 : i32 to index
      %get3A_353 = tpu.vector_load %arg6[%get3A_352] {strides = array<i32>} : memref<8192xf32, #tpu.memory_space<vmem>>, vector<16xf32>,
      %mul3A_354 = arith.constant 126.030769 : f32
      %mul3A_355 = vector.broadcast %mul3A_354 : f32 to vector<16xf32>
      %mul3A_356 = arith.mulf %get3A_353, %mul3A_355 : vector<16xf32>
      %convert_element_type3A_357 = arith.fptosi %mul3A_356 : vector<16xf32> to vector<16xi32>
      %min3A_358 = arith.constant 2047 : i32
      %min3A_359 = vector.broadcast %min3A_358 : i32 to vector<16xi32>
      %min3A_360 = arith.minsi %convert_element_type3A_357, %min3A_359 : vector<16xi32>
      %add3A_361 = arith.addi %min3A_360, %mul3A_10 : vector<16xi32>
      tpu.vector_store_idx %arg7[%add3A_361], %broadcast_in_dim3A_12 {add = true} : memref<32768xi32, #tpu.memory_space<vmem>>[vector<16xi32>], vector<16xi32>,
      tpu.vector_store_idx %arg8[%add3A_361], %get3A_353 {add = true} : memref<32768xf32, #tpu.memory_space<vmem>>[vector<16xi32>], vector<16xf32>,
      %mul3A_362 = arith.constant 128 : i32
      %mul3A_363 = arith.muli %scan3A_322, %mul3A_362 : i32
      %add3A_364 = arith.constant 48 : i32
      %add3A_365 = arith.addi %mul3A_363, %add3A_364 : i32
      %get3A_366 = arith.index_cast %add3A_365 : i32 to index
      %get3A_367 = tpu.vector_load %arg6[%get3A_366] {strides = array<i32>} : memref<8192xf32, #tpu.memory_space<vmem>>, vector<16xf32>,
      %mul3A_368 = arith.constant 126.030769 : f32
      %mul3A_369 = vector.broadcast %mul3A_368 : f32 to vector<16xf32>
      %mul3A_370 = arith.mulf %get3A_367, %mul3A_369 : vector<16xf32>
      %convert_element_type3A_371 = arith.fptosi %mul3A_370 : vector<16xf32> to vector<16xi32>
      %min3A_372 = arith.constant 2047 : i32
      %min3A_373 = vector.broadcast %min3A_372 : i32 to vector<16xi32>
      %min3A_374 = arith.minsi %convert_element_type3A_371, %min3A_373 : vector<16xi32>
      %add3A_375 = arith.addi %min3A_374, %mul3A_10 : vector<16xi32>
      tpu.vector_store_idx %arg7[%add3A_375], %broadcast_in_dim3A_12 {add = true} : memref<32768xi32, #tpu.memory_space<vmem>>[vector<16xi32>], vector<16xi32>,
      tpu.vector_store_idx %arg8[%add3A_375], %get3A_367 {add = true} : memref<32768xf32, #tpu.memory_space<vmem>>[vector<16xi32>], vector<16xf32>,
      %mul3A_376 = arith.constant 128 : i32
      %mul3A_377 = arith.muli %scan3A_322, %mul3A_376 : i32
      %add3A_378 = arith.constant 64 : i32
      %add3A_379 = arith.addi %mul3A_377, %add3A_378 : i32
      %get3A_380 = arith.index_cast %add3A_379 : i32 to index
      %get3A_381 = tpu.vector_load %arg6[%get3A_380] {strides = array<i32>} : memref<8192xf32, #tpu.memory_space<vmem>>, vector<16xf32>,
      %mul3A_382 = arith.constant 126.030769 : f32
      %mul3A_383 = vector.broadcast %mul3A_382 : f32 to vector<16xf32>
      %mul3A_384 = arith.mulf %get3A_381, %mul3A_383 : vector<16xf32>
      %convert_element_type3A_385 = arith.fptosi %mul3A_384 : vector<16xf32> to vector<16xi32>
      %min3A_386 = arith.constant 2047 : i32
      %min3A_387 = vector.broadcast %min3A_386 : i32 to vector<16xi32>
      %min3A_388 = arith.minsi %convert_element_type3A_385, %min3A_387 : vector<16xi32>
      %add3A_389 = arith.addi %min3A_388, %mul3A_10 : vector<16xi32>
      tpu.vector_store_idx %arg7[%add3A_389], %broadcast_in_dim3A_12 {add = true} : memref<32768xi32, #tpu.memory_space<vmem>>[vector<16xi32>], vector<16xi32>,
      tpu.vector_store_idx %arg8[%add3A_389], %get3A_381 {add = true} : memref<32768xf32, #tpu.memory_space<vmem>>[vector<16xi32>], vector<16xf32>,
      %mul3A_390 = arith.constant 128 : i32
      %mul3A_391 = arith.muli %scan3A_322, %mul3A_390 : i32
      %add3A_392 = arith.constant 80 : i32
      %add3A_393 = arith.addi %mul3A_391, %add3A_392 : i32
      %get3A_394 = arith.index_cast %add3A_393 : i32 to index
      %get3A_395 = tpu.vector_load %arg6[%get3A_394] {strides = array<i32>} : memref<8192xf32, #tpu.memory_space<vmem>>, vector<16xf32>,
      %mul3A_396 = arith.constant 126.030769 : f32
      %mul3A_397 = vector.broadcast %mul3A_396 : f32 to vector<16xf32>
      %mul3A_398 = arith.mulf %get3A_395, %mul3A_397 : vector<16xf32>
      %convert_element_type3A_399 = arith.fptosi %mul3A_398 : vector<16xf32> to vector<16xi32>
      %min3A_400 = arith.constant 2047 : i32
      %min3A_401 = vector.broadcast %min3A_400 : i32 to vector<16xi32>
      %min3A_402 = arith.minsi %convert_element_type3A_399, %min3A_401 : vector<16xi32>
      %add3A_403 = arith.addi %min3A_402, %mul3A_10 : vector<16xi32>
      tpu.vector_store_idx %arg7[%add3A_403], %broadcast_in_dim3A_12 {add = true} : memref<32768xi32, #tpu.memory_space<vmem>>[vector<16xi32>], vector<16xi32>,
      tpu.vector_store_idx %arg8[%add3A_403], %get3A_395 {add = true} : memref<32768xf32, #tpu.memory_space<vmem>>[vector<16xi32>], vector<16xf32>,
      %mul3A_404 = arith.constant 128 : i32
      %mul3A_405 = arith.muli %scan3A_322, %mul3A_404 : i32
      %add3A_406 = arith.constant 96 : i32
      %add3A_407 = arith.addi %mul3A_405, %add3A_406 : i32
      %get3A_408 = arith.index_cast %add3A_407 : i32 to index
      %get3A_409 = tpu.vector_load %arg6[%get3A_408] {strides = array<i32>} : memref<8192xf32, #tpu.memory_space<vmem>>, vector<16xf32>,
      %mul3A_410 = arith.constant 126.030769 : f32
      %mul3A_411 = vector.broadcast %mul3A_410 : f32 to vector<16xf32>
      %mul3A_412 = arith.mulf %get3A_409, %mul3A_411 : vector<16xf32>
      %convert_element_type3A_413 = arith.fptosi %mul3A_412 : vector<16xf32> to vector<16xi32>
      %min3A_414 = arith.constant 2047 : i32
      %min3A_415 = vector.broadcast %min3A_414 : i32 to vector<16xi32>
      %min3A_416 = arith.minsi %convert_element_type3A_413, %min3A_415 : vector<16xi32>
      %add3A_417 = arith.addi %min3A_416, %mul3A_10 : vector<16xi32>
      tpu.vector_store_idx %arg7[%add3A_417], %broadcast_in_dim3A_12 {add = true} : memref<32768xi32, #tpu.memory_space<vmem>>[vector<16xi32>], vector<16xi32>,
      tpu.vector_store_idx %arg8[%add3A_417], %get3A_409 {add = true} : memref<32768xf32, #tpu.memory_space<vmem>>[vector<16xi32>], vector<16xf32>,
      %mul3A_418 = arith.constant 128 : i32
      %mul3A_419 = arith.muli %scan3A_322, %mul3A_418 : i32
      %add3A_420 = arith.constant 112 : i32
      %add3A_421 = arith.addi %mul3A_419, %add3A_420 : i32
      %get3A_422 = arith.index_cast %add3A_421 : i32 to index
      %get3A_423 = tpu.vector_load %arg6[%get3A_422] {strides = array<i32>} : memref<8192xf32, #tpu.memory_space<vmem>>, vector<16xf32>,
      %mul3A_424 = arith.constant 126.030769 : f32
      %mul3A_425 = vector.broadcast %mul3A_424 : f32 to vector<16xf32>
      %mul3A_426 = arith.mulf %get3A_423, %mul3A_425 : vector<16xf32>
      %convert_element_type3A_427 = arith.fptosi %mul3A_426 : vector<16xf32> to vector<16xi32>
      %min3A_428 = arith.constant 2047 : i32
      %min3A_429 = vector.broadcast %min3A_428 : i32 to vector<16xi32>
      %min3A_430 = arith.minsi %convert_element_type3A_427, %min3A_429 : vector<16xi32>
      %add3A_431 = arith.addi %min3A_430, %mul3A_10 : vector<16xi32>
      tpu.vector_store_idx %arg7[%add3A_431], %broadcast_in_dim3A_12 {add = true} : memref<32768xi32, #tpu.memory_space<vmem>>[vector<16xi32>], vector<16xi32>,
      tpu.vector_store_idx %arg8[%add3A_431], %get3A_423 {add = true} : memref<32768xf32, #tpu.memory_space<vmem>>[vector<16xi32>], vector<16xf32>,
      %scan3A_432 = arith.constant 0 : i32
      scf.yield %scan3A_432 : i32
    }
    %scan3A_130 = arith.constant 64 : i32
    %dma_start3A_131 = arith.constant 57344 : i32
    %dma_start3A_132 = tpu.memref_slice %arg2[%arg1, %arg0, %dma_start3A_131] : memref<16x2x131072xf32, #tpu.memory_space<hbm>> -> memref<1x1x8192xf32, #tpu.memory_space<hbm>>
    %dma_start3A_133 = tpu.memref_squeeze %dma_start3A_132 : memref<1x1x8192xf32, #tpu.memory_space<hbm>> -> memref<8192xf32, #tpu.memory_space<hbm>>
    %dma_start3A_134 = arith.constant 57344 : i32
    %dma_start3A_135 = tpu.memref_slice %arg2[%arg1, %arg0, %dma_start3A_134] : memref<16x2x131072xf32, #tpu.memory_space<hbm>> -> memref<1x1x8192xf32, #tpu.memory_space<hbm>>
    %dma_start3A_136 = tpu.memref_squeeze %dma_start3A_135 : memref<1x1x8192xf32, #tpu.memory_space<hbm>> -> memref<8192xf32, #tpu.memory_space<hbm>>
    tpu.enqueue_dma source(%dma_start3A_136 : memref<8192xf32, #tpu.memory_space<hbm>>) target(%arg6 : memref<8192xf32, #tpu.memory_space<vmem>>) target_semaphore(%arg12 : memref<!tpu.dma_semaphore, #tpu.memory_space<semaphore_mem>>)
    %dma_wait3A_137 = arith.constant 49152 : i32
    %dma_wait3A_138 = tpu.memref_slice %arg2[%arg1, %arg0, %dma_wait3A_137] : memref<16x2x131072xf32, #tpu.memory_space<hbm>> -> memref<1x1x8192xf32, #tpu.memory_space<hbm>>
    %dma_wait3A_139 = tpu.memref_squeeze %dma_wait3A_138 : memref<1x1x8192xf32, #tpu.memory_space<hbm>> -> memref<8192xf32, #tpu.memory_space<hbm>>
    %dma_wait3A_140 = arith.constant 49152 : i32
    %dma_wait3A_141 = tpu.memref_slice %arg2[%arg1, %arg0, %dma_wait3A_140] : memref<16x2x131072xf32, #tpu.memory_space<hbm>> -> memref<1x1x8192xf32, #tpu.memory_space<hbm>>
    %dma_wait3A_142 = tpu.memref_squeeze %dma_wait3A_141 : memref<1x1x8192xf32, #tpu.memory_space<hbm>> -> memref<8192xf32, #tpu.memory_space<hbm>>
    tpu.wait_dma2 semaphore(%arg11 : memref<!tpu.dma_semaphore, #tpu.memory_space<semaphore_mem>>) src(%dma_wait3A_142 : memref<8192xf32, #tpu.memory_space<hbm>>) dst(%arg5 : memref<8192xf32, #tpu.memory_space<vmem>>)
    %scan3A_143 = arith.constant 0 : i32
    %scan3A_144 = arith.constant 0 : i32
    %scan3A_145 = arith.constant 64 : i32
    %scan3A_146 = arith.addi %scan3A_144, %scan3A_145 : i32
    %scan3A_147 = arith.constant 1 : i32
    %scan3A_148 = scf.for %scan3A_322 = %scan3A_144 to %scan3A_146 step %scan3A_147 iter_args(%scan3A_323 = %scan3A_143) -> (i32)  : i32 {
      %mul3A_324 = arith.constant 128 : i32
      %mul3A_325 = arith.muli %scan3A_322, %mul3A_324 : i32
      %add3A = arith.constant 0 : i32
      %add3A_326 = arith.addi %mul3A_325, %add3A : i32
      %get3A = arith.index_cast %add3A_326 : i32 to index
      %get3A_327 = tpu.vector_load %arg5[%get3A] {strides = array<i32>} : memref<8192xf32, #tpu.memory_space<vmem>>, vector<16xf32>,
      %mul3A_328 = arith.constant 126.030769 : f32
      %mul3A_329 = vector.broadcast %mul3A_328 : f32 to vector<16xf32>
      %mul3A_330 = arith.mulf %get3A_327, %mul3A_329 : vector<16xf32>
      %convert_element_type3A = arith.fptosi %mul3A_330 : vector<16xf32> to vector<16xi32>
      %min3A = arith.constant 2047 : i32
      %min3A_331 = vector.broadcast %min3A : i32 to vector<16xi32>
      %min3A_332 = arith.minsi %convert_element_type3A, %min3A_331 : vector<16xi32>
      %add3A_333 = arith.addi %min3A_332, %mul3A_10 : vector<16xi32>
      tpu.vector_store_idx %arg7[%add3A_333], %broadcast_in_dim3A_12 {add = true} : memref<32768xi32, #tpu.memory_space<vmem>>[vector<16xi32>], vector<16xi32>,
      tpu.vector_store_idx %arg8[%add3A_333], %get3A_327 {add = true} : memref<32768xf32, #tpu.memory_space<vmem>>[vector<16xi32>], vector<16xf32>,
      %mul3A_334 = arith.constant 128 : i32
      %mul3A_335 = arith.muli %scan3A_322, %mul3A_334 : i32
      %add3A_336 = arith.constant 16 : i32
      %add3A_337 = arith.addi %mul3A_335, %add3A_336 : i32
      %get3A_338 = arith.index_cast %add3A_337 : i32 to index
      %get3A_339 = tpu.vector_load %arg5[%get3A_338] {strides = array<i32>} : memref<8192xf32, #tpu.memory_space<vmem>>, vector<16xf32>,
      %mul3A_340 = arith.constant 126.030769 : f32
      %mul3A_341 = vector.broadcast %mul3A_340 : f32 to vector<16xf32>
      %mul3A_342 = arith.mulf %get3A_339, %mul3A_341 : vector<16xf32>
      %convert_element_type3A_343 = arith.fptosi %mul3A_342 : vector<16xf32> to vector<16xi32>
      %min3A_344 = arith.constant 2047 : i32
      %min3A_345 = vector.broadcast %min3A_344 : i32 to vector<16xi32>
      %min3A_346 = arith.minsi %convert_element_type3A_343, %min3A_345 : vector<16xi32>
      %add3A_347 = arith.addi %min3A_346, %mul3A_10 : vector<16xi32>
      tpu.vector_store_idx %arg7[%add3A_347], %broadcast_in_dim3A_12 {add = true} : memref<32768xi32, #tpu.memory_space<vmem>>[vector<16xi32>], vector<16xi32>,
      tpu.vector_store_idx %arg8[%add3A_347], %get3A_339 {add = true} : memref<32768xf32, #tpu.memory_space<vmem>>[vector<16xi32>], vector<16xf32>,
      %mul3A_348 = arith.constant 128 : i32
      %mul3A_349 = arith.muli %scan3A_322, %mul3A_348 : i32
      %add3A_350 = arith.constant 32 : i32
      %add3A_351 = arith.addi %mul3A_349, %add3A_350 : i32
      %get3A_352 = arith.index_cast %add3A_351 : i32 to index
      %get3A_353 = tpu.vector_load %arg5[%get3A_352] {strides = array<i32>} : memref<8192xf32, #tpu.memory_space<vmem>>, vector<16xf32>,
      %mul3A_354 = arith.constant 126.030769 : f32
      %mul3A_355 = vector.broadcast %mul3A_354 : f32 to vector<16xf32>
      %mul3A_356 = arith.mulf %get3A_353, %mul3A_355 : vector<16xf32>
      %convert_element_type3A_357 = arith.fptosi %mul3A_356 : vector<16xf32> to vector<16xi32>
      %min3A_358 = arith.constant 2047 : i32
      %min3A_359 = vector.broadcast %min3A_358 : i32 to vector<16xi32>
      %min3A_360 = arith.minsi %convert_element_type3A_357, %min3A_359 : vector<16xi32>
      %add3A_361 = arith.addi %min3A_360, %mul3A_10 : vector<16xi32>
      tpu.vector_store_idx %arg7[%add3A_361], %broadcast_in_dim3A_12 {add = true} : memref<32768xi32, #tpu.memory_space<vmem>>[vector<16xi32>], vector<16xi32>,
      tpu.vector_store_idx %arg8[%add3A_361], %get3A_353 {add = true} : memref<32768xf32, #tpu.memory_space<vmem>>[vector<16xi32>], vector<16xf32>,
      %mul3A_362 = arith.constant 128 : i32
      %mul3A_363 = arith.muli %scan3A_322, %mul3A_362 : i32
      %add3A_364 = arith.constant 48 : i32
      %add3A_365 = arith.addi %mul3A_363, %add3A_364 : i32
      %get3A_366 = arith.index_cast %add3A_365 : i32 to index
      %get3A_367 = tpu.vector_load %arg5[%get3A_366] {strides = array<i32>} : memref<8192xf32, #tpu.memory_space<vmem>>, vector<16xf32>,
      %mul3A_368 = arith.constant 126.030769 : f32
      %mul3A_369 = vector.broadcast %mul3A_368 : f32 to vector<16xf32>
      %mul3A_370 = arith.mulf %get3A_367, %mul3A_369 : vector<16xf32>
      %convert_element_type3A_371 = arith.fptosi %mul3A_370 : vector<16xf32> to vector<16xi32>
      %min3A_372 = arith.constant 2047 : i32
      %min3A_373 = vector.broadcast %min3A_372 : i32 to vector<16xi32>
      %min3A_374 = arith.minsi %convert_element_type3A_371, %min3A_373 : vector<16xi32>
      %add3A_375 = arith.addi %min3A_374, %mul3A_10 : vector<16xi32>
      tpu.vector_store_idx %arg7[%add3A_375], %broadcast_in_dim3A_12 {add = true} : memref<32768xi32, #tpu.memory_space<vmem>>[vector<16xi32>], vector<16xi32>,
      tpu.vector_store_idx %arg8[%add3A_375], %get3A_367 {add = true} : memref<32768xf32, #tpu.memory_space<vmem>>[vector<16xi32>], vector<16xf32>,
      %mul3A_376 = arith.constant 128 : i32
      %mul3A_377 = arith.muli %scan3A_322, %mul3A_376 : i32
      %add3A_378 = arith.constant 64 : i32
      %add3A_379 = arith.addi %mul3A_377, %add3A_378 : i32
      %get3A_380 = arith.index_cast %add3A_379 : i32 to index
      %get3A_381 = tpu.vector_load %arg5[%get3A_380] {strides = array<i32>} : memref<8192xf32, #tpu.memory_space<vmem>>, vector<16xf32>,
      %mul3A_382 = arith.constant 126.030769 : f32
      %mul3A_383 = vector.broadcast %mul3A_382 : f32 to vector<16xf32>
      %mul3A_384 = arith.mulf %get3A_381, %mul3A_383 : vector<16xf32>
      %convert_element_type3A_385 = arith.fptosi %mul3A_384 : vector<16xf32> to vector<16xi32>
      %min3A_386 = arith.constant 2047 : i32
      %min3A_387 = vector.broadcast %min3A_386 : i32 to vector<16xi32>
      %min3A_388 = arith.minsi %convert_element_type3A_385, %min3A_387 : vector<16xi32>
      %add3A_389 = arith.addi %min3A_388, %mul3A_10 : vector<16xi32>
      tpu.vector_store_idx %arg7[%add3A_389], %broadcast_in_dim3A_12 {add = true} : memref<32768xi32, #tpu.memory_space<vmem>>[vector<16xi32>], vector<16xi32>,
      tpu.vector_store_idx %arg8[%add3A_389], %get3A_381 {add = true} : memref<32768xf32, #tpu.memory_space<vmem>>[vector<16xi32>], vector<16xf32>,
      %mul3A_390 = arith.constant 128 : i32
      %mul3A_391 = arith.muli %scan3A_322, %mul3A_390 : i32
      %add3A_392 = arith.constant 80 : i32
      %add3A_393 = arith.addi %mul3A_391, %add3A_392 : i32
      %get3A_394 = arith.index_cast %add3A_393 : i32 to index
      %get3A_395 = tpu.vector_load %arg5[%get3A_394] {strides = array<i32>} : memref<8192xf32, #tpu.memory_space<vmem>>, vector<16xf32>,
      %mul3A_396 = arith.constant 126.030769 : f32
      %mul3A_397 = vector.broadcast %mul3A_396 : f32 to vector<16xf32>
      %mul3A_398 = arith.mulf %get3A_395, %mul3A_397 : vector<16xf32>
      %convert_element_type3A_399 = arith.fptosi %mul3A_398 : vector<16xf32> to vector<16xi32>
      %min3A_400 = arith.constant 2047 : i32
      %min3A_401 = vector.broadcast %min3A_400 : i32 to vector<16xi32>
      %min3A_402 = arith.minsi %convert_element_type3A_399, %min3A_401 : vector<16xi32>
      %add3A_403 = arith.addi %min3A_402, %mul3A_10 : vector<16xi32>
      tpu.vector_store_idx %arg7[%add3A_403], %broadcast_in_dim3A_12 {add = true} : memref<32768xi32, #tpu.memory_space<vmem>>[vector<16xi32>], vector<16xi32>,
      tpu.vector_store_idx %arg8[%add3A_403], %get3A_395 {add = true} : memref<32768xf32, #tpu.memory_space<vmem>>[vector<16xi32>], vector<16xf32>,
      %mul3A_404 = arith.constant 128 : i32
      %mul3A_405 = arith.muli %scan3A_322, %mul3A_404 : i32
      %add3A_406 = arith.constant 96 : i32
      %add3A_407 = arith.addi %mul3A_405, %add3A_406 : i32
      %get3A_408 = arith.index_cast %add3A_407 : i32 to index
      %get3A_409 = tpu.vector_load %arg5[%get3A_408] {strides = array<i32>} : memref<8192xf32, #tpu.memory_space<vmem>>, vector<16xf32>,
      %mul3A_410 = arith.constant 126.030769 : f32
      %mul3A_411 = vector.broadcast %mul3A_410 : f32 to vector<16xf32>
      %mul3A_412 = arith.mulf %get3A_409, %mul3A_411 : vector<16xf32>
      %convert_element_type3A_413 = arith.fptosi %mul3A_412 : vector<16xf32> to vector<16xi32>
      %min3A_414 = arith.constant 2047 : i32
      %min3A_415 = vector.broadcast %min3A_414 : i32 to vector<16xi32>
      %min3A_416 = arith.minsi %convert_element_type3A_413, %min3A_415 : vector<16xi32>
      %add3A_417 = arith.addi %min3A_416, %mul3A_10 : vector<16xi32>
      tpu.vector_store_idx %arg7[%add3A_417], %broadcast_in_dim3A_12 {add = true} : memref<32768xi32, #tpu.memory_space<vmem>>[vector<16xi32>], vector<16xi32>,
      tpu.vector_store_idx %arg8[%add3A_417], %get3A_409 {add = true} : memref<32768xf32, #tpu.memory_space<vmem>>[vector<16xi32>], vector<16xf32>,
      %mul3A_418 = arith.constant 128 : i32
      %mul3A_419 = arith.muli %scan3A_322, %mul3A_418 : i32
      %add3A_420 = arith.constant 112 : i32
      %add3A_421 = arith.addi %mul3A_419, %add3A_420 : i32
      %get3A_422 = arith.index_cast %add3A_421 : i32 to index
      %get3A_423 = tpu.vector_load %arg5[%get3A_422] {strides = array<i32>} : memref<8192xf32, #tpu.memory_space<vmem>>, vector<16xf32>,
      %mul3A_424 = arith.constant 126.030769 : f32
      %mul3A_425 = vector.broadcast %mul3A_424 : f32 to vector<16xf32>
      %mul3A_426 = arith.mulf %get3A_423, %mul3A_425 : vector<16xf32>
      %convert_element_type3A_427 = arith.fptosi %mul3A_426 : vector<16xf32> to vector<16xi32>
      %min3A_428 = arith.constant 2047 : i32
      %min3A_429 = vector.broadcast %min3A_428 : i32 to vector<16xi32>
      %min3A_430 = arith.minsi %convert_element_type3A_427, %min3A_429 : vector<16xi32>
      %add3A_431 = arith.addi %min3A_430, %mul3A_10 : vector<16xi32>
      tpu.vector_store_idx %arg7[%add3A_431], %broadcast_in_dim3A_12 {add = true} : memref<32768xi32, #tpu.memory_space<vmem>>[vector<16xi32>], vector<16xi32>,
      tpu.vector_store_idx %arg8[%add3A_431], %get3A_423 {add = true} : memref<32768xf32, #tpu.memory_space<vmem>>[vector<16xi32>], vector<16xf32>,
      %scan3A_432 = arith.constant 0 : i32
      scf.yield %scan3A_432 : i32
    }
    %scan3A_149 = arith.constant 64 : i32
    %dma_start3A_150 = arith.constant 65536 : i32
    %dma_start3A_151 = tpu.memref_slice %arg2[%arg1, %arg0, %dma_start3A_150] : memref<16x2x131072xf32, #tpu.memory_space<hbm>> -> memref<1x1x8192xf32, #tpu.memory_space<hbm>>
    %dma_start3A_152 = tpu.memref_squeeze %dma_start3A_151 : memref<1x1x8192xf32, #tpu.memory_space<hbm>> -> memref<8192xf32, #tpu.memory_space<hbm>>
    %dma_start3A_153 = arith.constant 65536 : i32
    %dma_start3A_154 = tpu.memref_slice %arg2[%arg1, %arg0, %dma_start3A_153] : memref<16x2x131072xf32, #tpu.memory_space<hbm>> -> memref<1x1x8192xf32, #tpu.memory_space<hbm>>
    %dma_start3A_155 = tpu.memref_squeeze %dma_start3A_154 : memref<1x1x8192xf32, #tpu.memory_space<hbm>> -> memref<8192xf32, #tpu.memory_space<hbm>>
    tpu.enqueue_dma source(%dma_start3A_155 : memref<8192xf32, #tpu.memory_space<hbm>>) target(%arg5 : memref<8192xf32, #tpu.memory_space<vmem>>) target_semaphore(%arg11 : memref<!tpu.dma_semaphore, #tpu.memory_space<semaphore_mem>>)
    %dma_wait3A_156 = arith.constant 57344 : i32
    %dma_wait3A_157 = tpu.memref_slice %arg2[%arg1, %arg0, %dma_wait3A_156] : memref<16x2x131072xf32, #tpu.memory_space<hbm>> -> memref<1x1x8192xf32, #tpu.memory_space<hbm>>
    %dma_wait3A_158 = tpu.memref_squeeze %dma_wait3A_157 : memref<1x1x8192xf32, #tpu.memory_space<hbm>> -> memref<8192xf32, #tpu.memory_space<hbm>>
    %dma_wait3A_159 = arith.constant 57344 : i32
    %dma_wait3A_160 = tpu.memref_slice %arg2[%arg1, %arg0, %dma_wait3A_159] : memref<16x2x131072xf32, #tpu.memory_space<hbm>> -> memref<1x1x8192xf32, #tpu.memory_space<hbm>>
    %dma_wait3A_161 = tpu.memref_squeeze %dma_wait3A_160 : memref<1x1x8192xf32, #tpu.memory_space<hbm>> -> memref<8192xf32, #tpu.memory_space<hbm>>
    tpu.wait_dma2 semaphore(%arg12 : memref<!tpu.dma_semaphore, #tpu.memory_space<semaphore_mem>>) src(%dma_wait3A_161 : memref<8192xf32, #tpu.memory_space<hbm>>) dst(%arg6 : memref<8192xf32, #tpu.memory_space<vmem>>)
    %scan3A_162 = arith.constant 0 : i32
    %scan3A_163 = arith.constant 0 : i32
    %scan3A_164 = arith.constant 64 : i32
    %scan3A_165 = arith.addi %scan3A_163, %scan3A_164 : i32
    %scan3A_166 = arith.constant 1 : i32
    %scan3A_167 = scf.for %scan3A_322 = %scan3A_163 to %scan3A_165 step %scan3A_166 iter_args(%scan3A_323 = %scan3A_162) -> (i32)  : i32 {
      %mul3A_324 = arith.constant 128 : i32
      %mul3A_325 = arith.muli %scan3A_322, %mul3A_324 : i32
      %add3A = arith.constant 0 : i32
      %add3A_326 = arith.addi %mul3A_325, %add3A : i32
      %get3A = arith.index_cast %add3A_326 : i32 to index
      %get3A_327 = tpu.vector_load %arg6[%get3A] {strides = array<i32>} : memref<8192xf32, #tpu.memory_space<vmem>>, vector<16xf32>,
      %mul3A_328 = arith.constant 126.030769 : f32
      %mul3A_329 = vector.broadcast %mul3A_328 : f32 to vector<16xf32>
      %mul3A_330 = arith.mulf %get3A_327, %mul3A_329 : vector<16xf32>
      %convert_element_type3A = arith.fptosi %mul3A_330 : vector<16xf32> to vector<16xi32>
      %min3A = arith.constant 2047 : i32
      %min3A_331 = vector.broadcast %min3A : i32 to vector<16xi32>
      %min3A_332 = arith.minsi %convert_element_type3A, %min3A_331 : vector<16xi32>
      %add3A_333 = arith.addi %min3A_332, %mul3A_10 : vector<16xi32>
      tpu.vector_store_idx %arg7[%add3A_333], %broadcast_in_dim3A_12 {add = true} : memref<32768xi32, #tpu.memory_space<vmem>>[vector<16xi32>], vector<16xi32>,
      tpu.vector_store_idx %arg8[%add3A_333], %get3A_327 {add = true} : memref<32768xf32, #tpu.memory_space<vmem>>[vector<16xi32>], vector<16xf32>,
      %mul3A_334 = arith.constant 128 : i32
      %mul3A_335 = arith.muli %scan3A_322, %mul3A_334 : i32
      %add3A_336 = arith.constant 16 : i32
      %add3A_337 = arith.addi %mul3A_335, %add3A_336 : i32
      %get3A_338 = arith.index_cast %add3A_337 : i32 to index
      %get3A_339 = tpu.vector_load %arg6[%get3A_338] {strides = array<i32>} : memref<8192xf32, #tpu.memory_space<vmem>>, vector<16xf32>,
      %mul3A_340 = arith.constant 126.030769 : f32
      %mul3A_341 = vector.broadcast %mul3A_340 : f32 to vector<16xf32>
      %mul3A_342 = arith.mulf %get3A_339, %mul3A_341 : vector<16xf32>
      %convert_element_type3A_343 = arith.fptosi %mul3A_342 : vector<16xf32> to vector<16xi32>
      %min3A_344 = arith.constant 2047 : i32
      %min3A_345 = vector.broadcast %min3A_344 : i32 to vector<16xi32>
      %min3A_346 = arith.minsi %convert_element_type3A_343, %min3A_345 : vector<16xi32>
      %add3A_347 = arith.addi %min3A_346, %mul3A_10 : vector<16xi32>
      tpu.vector_store_idx %arg7[%add3A_347], %broadcast_in_dim3A_12 {add = true} : memref<32768xi32, #tpu.memory_space<vmem>>[vector<16xi32>], vector<16xi32>,
      tpu.vector_store_idx %arg8[%add3A_347], %get3A_339 {add = true} : memref<32768xf32, #tpu.memory_space<vmem>>[vector<16xi32>], vector<16xf32>,
      %mul3A_348 = arith.constant 128 : i32
      %mul3A_349 = arith.muli %scan3A_322, %mul3A_348 : i32
      %add3A_350 = arith.constant 32 : i32
      %add3A_351 = arith.addi %mul3A_349, %add3A_350 : i32
      %get3A_352 = arith.index_cast %add3A_351 : i32 to index
      %get3A_353 = tpu.vector_load %arg6[%get3A_352] {strides = array<i32>} : memref<8192xf32, #tpu.memory_space<vmem>>, vector<16xf32>,
      %mul3A_354 = arith.constant 126.030769 : f32
      %mul3A_355 = vector.broadcast %mul3A_354 : f32 to vector<16xf32>
      %mul3A_356 = arith.mulf %get3A_353, %mul3A_355 : vector<16xf32>
      %convert_element_type3A_357 = arith.fptosi %mul3A_356 : vector<16xf32> to vector<16xi32>
      %min3A_358 = arith.constant 2047 : i32
      %min3A_359 = vector.broadcast %min3A_358 : i32 to vector<16xi32>
      %min3A_360 = arith.minsi %convert_element_type3A_357, %min3A_359 : vector<16xi32>
      %add3A_361 = arith.addi %min3A_360, %mul3A_10 : vector<16xi32>
      tpu.vector_store_idx %arg7[%add3A_361], %broadcast_in_dim3A_12 {add = true} : memref<32768xi32, #tpu.memory_space<vmem>>[vector<16xi32>], vector<16xi32>,
      tpu.vector_store_idx %arg8[%add3A_361], %get3A_353 {add = true} : memref<32768xf32, #tpu.memory_space<vmem>>[vector<16xi32>], vector<16xf32>,
      %mul3A_362 = arith.constant 128 : i32
      %mul3A_363 = arith.muli %scan3A_322, %mul3A_362 : i32
      %add3A_364 = arith.constant 48 : i32
      %add3A_365 = arith.addi %mul3A_363, %add3A_364 : i32
      %get3A_366 = arith.index_cast %add3A_365 : i32 to index
      %get3A_367 = tpu.vector_load %arg6[%get3A_366] {strides = array<i32>} : memref<8192xf32, #tpu.memory_space<vmem>>, vector<16xf32>,
      %mul3A_368 = arith.constant 126.030769 : f32
      %mul3A_369 = vector.broadcast %mul3A_368 : f32 to vector<16xf32>
      %mul3A_370 = arith.mulf %get3A_367, %mul3A_369 : vector<16xf32>
      %convert_element_type3A_371 = arith.fptosi %mul3A_370 : vector<16xf32> to vector<16xi32>
      %min3A_372 = arith.constant 2047 : i32
      %min3A_373 = vector.broadcast %min3A_372 : i32 to vector<16xi32>
      %min3A_374 = arith.minsi %convert_element_type3A_371, %min3A_373 : vector<16xi32>
      %add3A_375 = arith.addi %min3A_374, %mul3A_10 : vector<16xi32>
      tpu.vector_store_idx %arg7[%add3A_375], %broadcast_in_dim3A_12 {add = true} : memref<32768xi32, #tpu.memory_space<vmem>>[vector<16xi32>], vector<16xi32>,
      tpu.vector_store_idx %arg8[%add3A_375], %get3A_367 {add = true} : memref<32768xf32, #tpu.memory_space<vmem>>[vector<16xi32>], vector<16xf32>,
      %mul3A_376 = arith.constant 128 : i32
      %mul3A_377 = arith.muli %scan3A_322, %mul3A_376 : i32
      %add3A_378 = arith.constant 64 : i32
      %add3A_379 = arith.addi %mul3A_377, %add3A_378 : i32
      %get3A_380 = arith.index_cast %add3A_379 : i32 to index
      %get3A_381 = tpu.vector_load %arg6[%get3A_380] {strides = array<i32>} : memref<8192xf32, #tpu.memory_space<vmem>>, vector<16xf32>,
      %mul3A_382 = arith.constant 126.030769 : f32
      %mul3A_383 = vector.broadcast %mul3A_382 : f32 to vector<16xf32>
      %mul3A_384 = arith.mulf %get3A_381, %mul3A_383 : vector<16xf32>
      %convert_element_type3A_385 = arith.fptosi %mul3A_384 : vector<16xf32> to vector<16xi32>
      %min3A_386 = arith.constant 2047 : i32
      %min3A_387 = vector.broadcast %min3A_386 : i32 to vector<16xi32>
      %min3A_388 = arith.minsi %convert_element_type3A_385, %min3A_387 : vector<16xi32>
      %add3A_389 = arith.addi %min3A_388, %mul3A_10 : vector<16xi32>
      tpu.vector_store_idx %arg7[%add3A_389], %broadcast_in_dim3A_12 {add = true} : memref<32768xi32, #tpu.memory_space<vmem>>[vector<16xi32>], vector<16xi32>,
      tpu.vector_store_idx %arg8[%add3A_389], %get3A_381 {add = true} : memref<32768xf32, #tpu.memory_space<vmem>>[vector<16xi32>], vector<16xf32>,
      %mul3A_390 = arith.constant 128 : i32
      %mul3A_391 = arith.muli %scan3A_322, %mul3A_390 : i32
      %add3A_392 = arith.constant 80 : i32
      %add3A_393 = arith.addi %mul3A_391, %add3A_392 : i32
      %get3A_394 = arith.index_cast %add3A_393 : i32 to index
      %get3A_395 = tpu.vector_load %arg6[%get3A_394] {strides = array<i32>} : memref<8192xf32, #tpu.memory_space<vmem>>, vector<16xf32>,
      %mul3A_396 = arith.constant 126.030769 : f32
      %mul3A_397 = vector.broadcast %mul3A_396 : f32 to vector<16xf32>
      %mul3A_398 = arith.mulf %get3A_395, %mul3A_397 : vector<16xf32>
      %convert_element_type3A_399 = arith.fptosi %mul3A_398 : vector<16xf32> to vector<16xi32>
      %min3A_400 = arith.constant 2047 : i32
      %min3A_401 = vector.broadcast %min3A_400 : i32 to vector<16xi32>
      %min3A_402 = arith.minsi %convert_element_type3A_399, %min3A_401 : vector<16xi32>
      %add3A_403 = arith.addi %min3A_402, %mul3A_10 : vector<16xi32>
      tpu.vector_store_idx %arg7[%add3A_403], %broadcast_in_dim3A_12 {add = true} : memref<32768xi32, #tpu.memory_space<vmem>>[vector<16xi32>], vector<16xi32>,
      tpu.vector_store_idx %arg8[%add3A_403], %get3A_395 {add = true} : memref<32768xf32, #tpu.memory_space<vmem>>[vector<16xi32>], vector<16xf32>,
      %mul3A_404 = arith.constant 128 : i32
      %mul3A_405 = arith.muli %scan3A_322, %mul3A_404 : i32
      %add3A_406 = arith.constant 96 : i32
      %add3A_407 = arith.addi %mul3A_405, %add3A_406 : i32
      %get3A_408 = arith.index_cast %add3A_407 : i32 to index
      %get3A_409 = tpu.vector_load %arg6[%get3A_408] {strides = array<i32>} : memref<8192xf32, #tpu.memory_space<vmem>>, vector<16xf32>,
      %mul3A_410 = arith.constant 126.030769 : f32
      %mul3A_411 = vector.broadcast %mul3A_410 : f32 to vector<16xf32>
      %mul3A_412 = arith.mulf %get3A_409, %mul3A_411 : vector<16xf32>
      %convert_element_type3A_413 = arith.fptosi %mul3A_412 : vector<16xf32> to vector<16xi32>
      %min3A_414 = arith.constant 2047 : i32
      %min3A_415 = vector.broadcast %min3A_414 : i32 to vector<16xi32>
      %min3A_416 = arith.minsi %convert_element_type3A_413, %min3A_415 : vector<16xi32>
      %add3A_417 = arith.addi %min3A_416, %mul3A_10 : vector<16xi32>
      tpu.vector_store_idx %arg7[%add3A_417], %broadcast_in_dim3A_12 {add = true} : memref<32768xi32, #tpu.memory_space<vmem>>[vector<16xi32>], vector<16xi32>,
      tpu.vector_store_idx %arg8[%add3A_417], %get3A_409 {add = true} : memref<32768xf32, #tpu.memory_space<vmem>>[vector<16xi32>], vector<16xf32>,
      %mul3A_418 = arith.constant 128 : i32
      %mul3A_419 = arith.muli %scan3A_322, %mul3A_418 : i32
      %add3A_420 = arith.constant 112 : i32
      %add3A_421 = arith.addi %mul3A_419, %add3A_420 : i32
      %get3A_422 = arith.index_cast %add3A_421 : i32 to index
      %get3A_423 = tpu.vector_load %arg6[%get3A_422] {strides = array<i32>} : memref<8192xf32, #tpu.memory_space<vmem>>, vector<16xf32>,
      %mul3A_424 = arith.constant 126.030769 : f32
      %mul3A_425 = vector.broadcast %mul3A_424 : f32 to vector<16xf32>
      %mul3A_426 = arith.mulf %get3A_423, %mul3A_425 : vector<16xf32>
      %convert_element_type3A_427 = arith.fptosi %mul3A_426 : vector<16xf32> to vector<16xi32>
      %min3A_428 = arith.constant 2047 : i32
      %min3A_429 = vector.broadcast %min3A_428 : i32 to vector<16xi32>
      %min3A_430 = arith.minsi %convert_element_type3A_427, %min3A_429 : vector<16xi32>
      %add3A_431 = arith.addi %min3A_430, %mul3A_10 : vector<16xi32>
      tpu.vector_store_idx %arg7[%add3A_431], %broadcast_in_dim3A_12 {add = true} : memref<32768xi32, #tpu.memory_space<vmem>>[vector<16xi32>], vector<16xi32>,
      tpu.vector_store_idx %arg8[%add3A_431], %get3A_423 {add = true} : memref<32768xf32, #tpu.memory_space<vmem>>[vector<16xi32>], vector<16xf32>,
      %scan3A_432 = arith.constant 0 : i32
      scf.yield %scan3A_432 : i32
    }
    %scan3A_168 = arith.constant 64 : i32
    %dma_start3A_169 = arith.constant 73728 : i32
    %dma_start3A_170 = tpu.memref_slice %arg2[%arg1, %arg0, %dma_start3A_169] : memref<16x2x131072xf32, #tpu.memory_space<hbm>> -> memref<1x1x8192xf32, #tpu.memory_space<hbm>>
    %dma_start3A_171 = tpu.memref_squeeze %dma_start3A_170 : memref<1x1x8192xf32, #tpu.memory_space<hbm>> -> memref<8192xf32, #tpu.memory_space<hbm>>
    %dma_start3A_172 = arith.constant 73728 : i32
    %dma_start3A_173 = tpu.memref_slice %arg2[%arg1, %arg0, %dma_start3A_172] : memref<16x2x131072xf32, #tpu.memory_space<hbm>> -> memref<1x1x8192xf32, #tpu.memory_space<hbm>>
    %dma_start3A_174 = tpu.memref_squeeze %dma_start3A_173 : memref<1x1x8192xf32, #tpu.memory_space<hbm>> -> memref<8192xf32, #tpu.memory_space<hbm>>
    tpu.enqueue_dma source(%dma_start3A_174 : memref<8192xf32, #tpu.memory_space<hbm>>) target(%arg6 : memref<8192xf32, #tpu.memory_space<vmem>>) target_semaphore(%arg12 : memref<!tpu.dma_semaphore, #tpu.memory_space<semaphore_mem>>)
    %dma_wait3A_175 = arith.constant 65536 : i32
    %dma_wait3A_176 = tpu.memref_slice %arg2[%arg1, %arg0, %dma_wait3A_175] : memref<16x2x131072xf32, #tpu.memory_space<hbm>> -> memref<1x1x8192xf32, #tpu.memory_space<hbm>>
    %dma_wait3A_177 = tpu.memref_squeeze %dma_wait3A_176 : memref<1x1x8192xf32, #tpu.memory_space<hbm>> -> memref<8192xf32, #tpu.memory_space<hbm>>
    %dma_wait3A_178 = arith.constant 65536 : i32
    %dma_wait3A_179 = tpu.memref_slice %arg2[%arg1, %arg0, %dma_wait3A_178] : memref<16x2x131072xf32, #tpu.memory_space<hbm>> -> memref<1x1x8192xf32, #tpu.memory_space<hbm>>
    %dma_wait3A_180 = tpu.memref_squeeze %dma_wait3A_179 : memref<1x1x8192xf32, #tpu.memory_space<hbm>> -> memref<8192xf32, #tpu.memory_space<hbm>>
    tpu.wait_dma2 semaphore(%arg11 : memref<!tpu.dma_semaphore, #tpu.memory_space<semaphore_mem>>) src(%dma_wait3A_180 : memref<8192xf32, #tpu.memory_space<hbm>>) dst(%arg5 : memref<8192xf32, #tpu.memory_space<vmem>>)
    %scan3A_181 = arith.constant 0 : i32
    %scan3A_182 = arith.constant 0 : i32
    %scan3A_183 = arith.constant 64 : i32
    %scan3A_184 = arith.addi %scan3A_182, %scan3A_183 : i32
    %scan3A_185 = arith.constant 1 : i32
    %scan3A_186 = scf.for %scan3A_322 = %scan3A_182 to %scan3A_184 step %scan3A_185 iter_args(%scan3A_323 = %scan3A_181) -> (i32)  : i32 {
      %mul3A_324 = arith.constant 128 : i32
      %mul3A_325 = arith.muli %scan3A_322, %mul3A_324 : i32
      %add3A = arith.constant 0 : i32
      %add3A_326 = arith.addi %mul3A_325, %add3A : i32
      %get3A = arith.index_cast %add3A_326 : i32 to index
      %get3A_327 = tpu.vector_load %arg5[%get3A] {strides = array<i32>} : memref<8192xf32, #tpu.memory_space<vmem>>, vector<16xf32>,
      %mul3A_328 = arith.constant 126.030769 : f32
      %mul3A_329 = vector.broadcast %mul3A_328 : f32 to vector<16xf32>
      %mul3A_330 = arith.mulf %get3A_327, %mul3A_329 : vector<16xf32>
      %convert_element_type3A = arith.fptosi %mul3A_330 : vector<16xf32> to vector<16xi32>
      %min3A = arith.constant 2047 : i32
      %min3A_331 = vector.broadcast %min3A : i32 to vector<16xi32>
      %min3A_332 = arith.minsi %convert_element_type3A, %min3A_331 : vector<16xi32>
      %add3A_333 = arith.addi %min3A_332, %mul3A_10 : vector<16xi32>
      tpu.vector_store_idx %arg7[%add3A_333], %broadcast_in_dim3A_12 {add = true} : memref<32768xi32, #tpu.memory_space<vmem>>[vector<16xi32>], vector<16xi32>,
      tpu.vector_store_idx %arg8[%add3A_333], %get3A_327 {add = true} : memref<32768xf32, #tpu.memory_space<vmem>>[vector<16xi32>], vector<16xf32>,
      %mul3A_334 = arith.constant 128 : i32
      %mul3A_335 = arith.muli %scan3A_322, %mul3A_334 : i32
      %add3A_336 = arith.constant 16 : i32
      %add3A_337 = arith.addi %mul3A_335, %add3A_336 : i32
      %get3A_338 = arith.index_cast %add3A_337 : i32 to index
      %get3A_339 = tpu.vector_load %arg5[%get3A_338] {strides = array<i32>} : memref<8192xf32, #tpu.memory_space<vmem>>, vector<16xf32>,
      %mul3A_340 = arith.constant 126.030769 : f32
      %mul3A_341 = vector.broadcast %mul3A_340 : f32 to vector<16xf32>
      %mul3A_342 = arith.mulf %get3A_339, %mul3A_341 : vector<16xf32>
      %convert_element_type3A_343 = arith.fptosi %mul3A_342 : vector<16xf32> to vector<16xi32>
      %min3A_344 = arith.constant 2047 : i32
      %min3A_345 = vector.broadcast %min3A_344 : i32 to vector<16xi32>
      %min3A_346 = arith.minsi %convert_element_type3A_343, %min3A_345 : vector<16xi32>
      %add3A_347 = arith.addi %min3A_346, %mul3A_10 : vector<16xi32>
      tpu.vector_store_idx %arg7[%add3A_347], %broadcast_in_dim3A_12 {add = true} : memref<32768xi32, #tpu.memory_space<vmem>>[vector<16xi32>], vector<16xi32>,
      tpu.vector_store_idx %arg8[%add3A_347], %get3A_339 {add = true} : memref<32768xf32, #tpu.memory_space<vmem>>[vector<16xi32>], vector<16xf32>,
      %mul3A_348 = arith.constant 128 : i32
      %mul3A_349 = arith.muli %scan3A_322, %mul3A_348 : i32
      %add3A_350 = arith.constant 32 : i32
      %add3A_351 = arith.addi %mul3A_349, %add3A_350 : i32
      %get3A_352 = arith.index_cast %add3A_351 : i32 to index
      %get3A_353 = tpu.vector_load %arg5[%get3A_352] {strides = array<i32>} : memref<8192xf32, #tpu.memory_space<vmem>>, vector<16xf32>,
      %mul3A_354 = arith.constant 126.030769 : f32
      %mul3A_355 = vector.broadcast %mul3A_354 : f32 to vector<16xf32>
      %mul3A_356 = arith.mulf %get3A_353, %mul3A_355 : vector<16xf32>
      %convert_element_type3A_357 = arith.fptosi %mul3A_356 : vector<16xf32> to vector<16xi32>
      %min3A_358 = arith.constant 2047 : i32
      %min3A_359 = vector.broadcast %min3A_358 : i32 to vector<16xi32>
      %min3A_360 = arith.minsi %convert_element_type3A_357, %min3A_359 : vector<16xi32>
      %add3A_361 = arith.addi %min3A_360, %mul3A_10 : vector<16xi32>
      tpu.vector_store_idx %arg7[%add3A_361], %broadcast_in_dim3A_12 {add = true} : memref<32768xi32, #tpu.memory_space<vmem>>[vector<16xi32>], vector<16xi32>,
      tpu.vector_store_idx %arg8[%add3A_361], %get3A_353 {add = true} : memref<32768xf32, #tpu.memory_space<vmem>>[vector<16xi32>], vector<16xf32>,
      %mul3A_362 = arith.constant 128 : i32
      %mul3A_363 = arith.muli %scan3A_322, %mul3A_362 : i32
      %add3A_364 = arith.constant 48 : i32
      %add3A_365 = arith.addi %mul3A_363, %add3A_364 : i32
      %get3A_366 = arith.index_cast %add3A_365 : i32 to index
      %get3A_367 = tpu.vector_load %arg5[%get3A_366] {strides = array<i32>} : memref<8192xf32, #tpu.memory_space<vmem>>, vector<16xf32>,
      %mul3A_368 = arith.constant 126.030769 : f32
      %mul3A_369 = vector.broadcast %mul3A_368 : f32 to vector<16xf32>
      %mul3A_370 = arith.mulf %get3A_367, %mul3A_369 : vector<16xf32>
      %convert_element_type3A_371 = arith.fptosi %mul3A_370 : vector<16xf32> to vector<16xi32>
      %min3A_372 = arith.constant 2047 : i32
      %min3A_373 = vector.broadcast %min3A_372 : i32 to vector<16xi32>
      %min3A_374 = arith.minsi %convert_element_type3A_371, %min3A_373 : vector<16xi32>
      %add3A_375 = arith.addi %min3A_374, %mul3A_10 : vector<16xi32>
      tpu.vector_store_idx %arg7[%add3A_375], %broadcast_in_dim3A_12 {add = true} : memref<32768xi32, #tpu.memory_space<vmem>>[vector<16xi32>], vector<16xi32>,
      tpu.vector_store_idx %arg8[%add3A_375], %get3A_367 {add = true} : memref<32768xf32, #tpu.memory_space<vmem>>[vector<16xi32>], vector<16xf32>,
      %mul3A_376 = arith.constant 128 : i32
      %mul3A_377 = arith.muli %scan3A_322, %mul3A_376 : i32
      %add3A_378 = arith.constant 64 : i32
      %add3A_379 = arith.addi %mul3A_377, %add3A_378 : i32
      %get3A_380 = arith.index_cast %add3A_379 : i32 to index
      %get3A_381 = tpu.vector_load %arg5[%get3A_380] {strides = array<i32>} : memref<8192xf32, #tpu.memory_space<vmem>>, vector<16xf32>,
      %mul3A_382 = arith.constant 126.030769 : f32
      %mul3A_383 = vector.broadcast %mul3A_382 : f32 to vector<16xf32>
      %mul3A_384 = arith.mulf %get3A_381, %mul3A_383 : vector<16xf32>
      %convert_element_type3A_385 = arith.fptosi %mul3A_384 : vector<16xf32> to vector<16xi32>
      %min3A_386 = arith.constant 2047 : i32
      %min3A_387 = vector.broadcast %min3A_386 : i32 to vector<16xi32>
      %min3A_388 = arith.minsi %convert_element_type3A_385, %min3A_387 : vector<16xi32>
      %add3A_389 = arith.addi %min3A_388, %mul3A_10 : vector<16xi32>
      tpu.vector_store_idx %arg7[%add3A_389], %broadcast_in_dim3A_12 {add = true} : memref<32768xi32, #tpu.memory_space<vmem>>[vector<16xi32>], vector<16xi32>,
      tpu.vector_store_idx %arg8[%add3A_389], %get3A_381 {add = true} : memref<32768xf32, #tpu.memory_space<vmem>>[vector<16xi32>], vector<16xf32>,
      %mul3A_390 = arith.constant 128 : i32
      %mul3A_391 = arith.muli %scan3A_322, %mul3A_390 : i32
      %add3A_392 = arith.constant 80 : i32
      %add3A_393 = arith.addi %mul3A_391, %add3A_392 : i32
      %get3A_394 = arith.index_cast %add3A_393 : i32 to index
      %get3A_395 = tpu.vector_load %arg5[%get3A_394] {strides = array<i32>} : memref<8192xf32, #tpu.memory_space<vmem>>, vector<16xf32>,
      %mul3A_396 = arith.constant 126.030769 : f32
      %mul3A_397 = vector.broadcast %mul3A_396 : f32 to vector<16xf32>
      %mul3A_398 = arith.mulf %get3A_395, %mul3A_397 : vector<16xf32>
      %convert_element_type3A_399 = arith.fptosi %mul3A_398 : vector<16xf32> to vector<16xi32>
      %min3A_400 = arith.constant 2047 : i32
      %min3A_401 = vector.broadcast %min3A_400 : i32 to vector<16xi32>
      %min3A_402 = arith.minsi %convert_element_type3A_399, %min3A_401 : vector<16xi32>
      %add3A_403 = arith.addi %min3A_402, %mul3A_10 : vector<16xi32>
      tpu.vector_store_idx %arg7[%add3A_403], %broadcast_in_dim3A_12 {add = true} : memref<32768xi32, #tpu.memory_space<vmem>>[vector<16xi32>], vector<16xi32>,
      tpu.vector_store_idx %arg8[%add3A_403], %get3A_395 {add = true} : memref<32768xf32, #tpu.memory_space<vmem>>[vector<16xi32>], vector<16xf32>,
      %mul3A_404 = arith.constant 128 : i32
      %mul3A_405 = arith.muli %scan3A_322, %mul3A_404 : i32
      %add3A_406 = arith.constant 96 : i32
      %add3A_407 = arith.addi %mul3A_405, %add3A_406 : i32
      %get3A_408 = arith.index_cast %add3A_407 : i32 to index
      %get3A_409 = tpu.vector_load %arg5[%get3A_408] {strides = array<i32>} : memref<8192xf32, #tpu.memory_space<vmem>>, vector<16xf32>,
      %mul3A_410 = arith.constant 126.030769 : f32
      %mul3A_411 = vector.broadcast %mul3A_410 : f32 to vector<16xf32>
      %mul3A_412 = arith.mulf %get3A_409, %mul3A_411 : vector<16xf32>
      %convert_element_type3A_413 = arith.fptosi %mul3A_412 : vector<16xf32> to vector<16xi32>
      %min3A_414 = arith.constant 2047 : i32
      %min3A_415 = vector.broadcast %min3A_414 : i32 to vector<16xi32>
      %min3A_416 = arith.minsi %convert_element_type3A_413, %min3A_415 : vector<16xi32>
      %add3A_417 = arith.addi %min3A_416, %mul3A_10 : vector<16xi32>
      tpu.vector_store_idx %arg7[%add3A_417], %broadcast_in_dim3A_12 {add = true} : memref<32768xi32, #tpu.memory_space<vmem>>[vector<16xi32>], vector<16xi32>,
      tpu.vector_store_idx %arg8[%add3A_417], %get3A_409 {add = true} : memref<32768xf32, #tpu.memory_space<vmem>>[vector<16xi32>], vector<16xf32>,
      %mul3A_418 = arith.constant 128 : i32
      %mul3A_419 = arith.muli %scan3A_322, %mul3A_418 : i32
      %add3A_420 = arith.constant 112 : i32
      %add3A_421 = arith.addi %mul3A_419, %add3A_420 : i32
      %get3A_422 = arith.index_cast %add3A_421 : i32 to index
      %get3A_423 = tpu.vector_load %arg5[%get3A_422] {strides = array<i32>} : memref<8192xf32, #tpu.memory_space<vmem>>, vector<16xf32>,
      %mul3A_424 = arith.constant 126.030769 : f32
      %mul3A_425 = vector.broadcast %mul3A_424 : f32 to vector<16xf32>
      %mul3A_426 = arith.mulf %get3A_423, %mul3A_425 : vector<16xf32>
      %convert_element_type3A_427 = arith.fptosi %mul3A_426 : vector<16xf32> to vector<16xi32>
      %min3A_428 = arith.constant 2047 : i32
      %min3A_429 = vector.broadcast %min3A_428 : i32 to vector<16xi32>
      %min3A_430 = arith.minsi %convert_element_type3A_427, %min3A_429 : vector<16xi32>
      %add3A_431 = arith.addi %min3A_430, %mul3A_10 : vector<16xi32>
      tpu.vector_store_idx %arg7[%add3A_431], %broadcast_in_dim3A_12 {add = true} : memref<32768xi32, #tpu.memory_space<vmem>>[vector<16xi32>], vector<16xi32>,
      tpu.vector_store_idx %arg8[%add3A_431], %get3A_423 {add = true} : memref<32768xf32, #tpu.memory_space<vmem>>[vector<16xi32>], vector<16xf32>,
      %scan3A_432 = arith.constant 0 : i32
      scf.yield %scan3A_432 : i32
    }
    %scan3A_187 = arith.constant 64 : i32
    %dma_start3A_188 = arith.constant 81920 : i32
    %dma_start3A_189 = tpu.memref_slice %arg2[%arg1, %arg0, %dma_start3A_188] : memref<16x2x131072xf32, #tpu.memory_space<hbm>> -> memref<1x1x8192xf32, #tpu.memory_space<hbm>>
    %dma_start3A_190 = tpu.memref_squeeze %dma_start3A_189 : memref<1x1x8192xf32, #tpu.memory_space<hbm>> -> memref<8192xf32, #tpu.memory_space<hbm>>
    %dma_start3A_191 = arith.constant 81920 : i32
    %dma_start3A_192 = tpu.memref_slice %arg2[%arg1, %arg0, %dma_start3A_191] : memref<16x2x131072xf32, #tpu.memory_space<hbm>> -> memref<1x1x8192xf32, #tpu.memory_space<hbm>>
    %dma_start3A_193 = tpu.memref_squeeze %dma_start3A_192 : memref<1x1x8192xf32, #tpu.memory_space<hbm>> -> memref<8192xf32, #tpu.memory_space<hbm>>
    tpu.enqueue_dma source(%dma_start3A_193 : memref<8192xf32, #tpu.memory_space<hbm>>) target(%arg5 : memref<8192xf32, #tpu.memory_space<vmem>>) target_semaphore(%arg11 : memref<!tpu.dma_semaphore, #tpu.memory_space<semaphore_mem>>)
    %dma_wait3A_194 = arith.constant 73728 : i32
    %dma_wait3A_195 = tpu.memref_slice %arg2[%arg1, %arg0, %dma_wait3A_194] : memref<16x2x131072xf32, #tpu.memory_space<hbm>> -> memref<1x1x8192xf32, #tpu.memory_space<hbm>>
    %dma_wait3A_196 = tpu.memref_squeeze %dma_wait3A_195 : memref<1x1x8192xf32, #tpu.memory_space<hbm>> -> memref<8192xf32, #tpu.memory_space<hbm>>
    %dma_wait3A_197 = arith.constant 73728 : i32
    %dma_wait3A_198 = tpu.memref_slice %arg2[%arg1, %arg0, %dma_wait3A_197] : memref<16x2x131072xf32, #tpu.memory_space<hbm>> -> memref<1x1x8192xf32, #tpu.memory_space<hbm>>
    %dma_wait3A_199 = tpu.memref_squeeze %dma_wait3A_198 : memref<1x1x8192xf32, #tpu.memory_space<hbm>> -> memref<8192xf32, #tpu.memory_space<hbm>>
    tpu.wait_dma2 semaphore(%arg12 : memref<!tpu.dma_semaphore, #tpu.memory_space<semaphore_mem>>) src(%dma_wait3A_199 : memref<8192xf32, #tpu.memory_space<hbm>>) dst(%arg6 : memref<8192xf32, #tpu.memory_space<vmem>>)
    %scan3A_200 = arith.constant 0 : i32
    %scan3A_201 = arith.constant 0 : i32
    %scan3A_202 = arith.constant 64 : i32
    %scan3A_203 = arith.addi %scan3A_201, %scan3A_202 : i32
    %scan3A_204 = arith.constant 1 : i32
    %scan3A_205 = scf.for %scan3A_322 = %scan3A_201 to %scan3A_203 step %scan3A_204 iter_args(%scan3A_323 = %scan3A_200) -> (i32)  : i32 {
      %mul3A_324 = arith.constant 128 : i32
      %mul3A_325 = arith.muli %scan3A_322, %mul3A_324 : i32
      %add3A = arith.constant 0 : i32
      %add3A_326 = arith.addi %mul3A_325, %add3A : i32
      %get3A = arith.index_cast %add3A_326 : i32 to index
      %get3A_327 = tpu.vector_load %arg6[%get3A] {strides = array<i32>} : memref<8192xf32, #tpu.memory_space<vmem>>, vector<16xf32>,
      %mul3A_328 = arith.constant 126.030769 : f32
      %mul3A_329 = vector.broadcast %mul3A_328 : f32 to vector<16xf32>
      %mul3A_330 = arith.mulf %get3A_327, %mul3A_329 : vector<16xf32>
      %convert_element_type3A = arith.fptosi %mul3A_330 : vector<16xf32> to vector<16xi32>
      %min3A = arith.constant 2047 : i32
      %min3A_331 = vector.broadcast %min3A : i32 to vector<16xi32>
      %min3A_332 = arith.minsi %convert_element_type3A, %min3A_331 : vector<16xi32>
      %add3A_333 = arith.addi %min3A_332, %mul3A_10 : vector<16xi32>
      tpu.vector_store_idx %arg7[%add3A_333], %broadcast_in_dim3A_12 {add = true} : memref<32768xi32, #tpu.memory_space<vmem>>[vector<16xi32>], vector<16xi32>,
      tpu.vector_store_idx %arg8[%add3A_333], %get3A_327 {add = true} : memref<32768xf32, #tpu.memory_space<vmem>>[vector<16xi32>], vector<16xf32>,
      %mul3A_334 = arith.constant 128 : i32
      %mul3A_335 = arith.muli %scan3A_322, %mul3A_334 : i32
      %add3A_336 = arith.constant 16 : i32
      %add3A_337 = arith.addi %mul3A_335, %add3A_336 : i32
      %get3A_338 = arith.index_cast %add3A_337 : i32 to index
      %get3A_339 = tpu.vector_load %arg6[%get3A_338] {strides = array<i32>} : memref<8192xf32, #tpu.memory_space<vmem>>, vector<16xf32>,
      %mul3A_340 = arith.constant 126.030769 : f32
      %mul3A_341 = vector.broadcast %mul3A_340 : f32 to vector<16xf32>
      %mul3A_342 = arith.mulf %get3A_339, %mul3A_341 : vector<16xf32>
      %convert_element_type3A_343 = arith.fptosi %mul3A_342 : vector<16xf32> to vector<16xi32>
      %min3A_344 = arith.constant 2047 : i32
      %min3A_345 = vector.broadcast %min3A_344 : i32 to vector<16xi32>
      %min3A_346 = arith.minsi %convert_element_type3A_343, %min3A_345 : vector<16xi32>
      %add3A_347 = arith.addi %min3A_346, %mul3A_10 : vector<16xi32>
      tpu.vector_store_idx %arg7[%add3A_347], %broadcast_in_dim3A_12 {add = true} : memref<32768xi32, #tpu.memory_space<vmem>>[vector<16xi32>], vector<16xi32>,
      tpu.vector_store_idx %arg8[%add3A_347], %get3A_339 {add = true} : memref<32768xf32, #tpu.memory_space<vmem>>[vector<16xi32>], vector<16xf32>,
      %mul3A_348 = arith.constant 128 : i32
      %mul3A_349 = arith.muli %scan3A_322, %mul3A_348 : i32
      %add3A_350 = arith.constant 32 : i32
      %add3A_351 = arith.addi %mul3A_349, %add3A_350 : i32
      %get3A_352 = arith.index_cast %add3A_351 : i32 to index
      %get3A_353 = tpu.vector_load %arg6[%get3A_352] {strides = array<i32>} : memref<8192xf32, #tpu.memory_space<vmem>>, vector<16xf32>,
      %mul3A_354 = arith.constant 126.030769 : f32
      %mul3A_355 = vector.broadcast %mul3A_354 : f32 to vector<16xf32>
      %mul3A_356 = arith.mulf %get3A_353, %mul3A_355 : vector<16xf32>
      %convert_element_type3A_357 = arith.fptosi %mul3A_356 : vector<16xf32> to vector<16xi32>
      %min3A_358 = arith.constant 2047 : i32
      %min3A_359 = vector.broadcast %min3A_358 : i32 to vector<16xi32>
      %min3A_360 = arith.minsi %convert_element_type3A_357, %min3A_359 : vector<16xi32>
      %add3A_361 = arith.addi %min3A_360, %mul3A_10 : vector<16xi32>
      tpu.vector_store_idx %arg7[%add3A_361], %broadcast_in_dim3A_12 {add = true} : memref<32768xi32, #tpu.memory_space<vmem>>[vector<16xi32>], vector<16xi32>,
      tpu.vector_store_idx %arg8[%add3A_361], %get3A_353 {add = true} : memref<32768xf32, #tpu.memory_space<vmem>>[vector<16xi32>], vector<16xf32>,
      %mul3A_362 = arith.constant 128 : i32
      %mul3A_363 = arith.muli %scan3A_322, %mul3A_362 : i32
      %add3A_364 = arith.constant 48 : i32
      %add3A_365 = arith.addi %mul3A_363, %add3A_364 : i32
      %get3A_366 = arith.index_cast %add3A_365 : i32 to index
      %get3A_367 = tpu.vector_load %arg6[%get3A_366] {strides = array<i32>} : memref<8192xf32, #tpu.memory_space<vmem>>, vector<16xf32>,
      %mul3A_368 = arith.constant 126.030769 : f32
      %mul3A_369 = vector.broadcast %mul3A_368 : f32 to vector<16xf32>
      %mul3A_370 = arith.mulf %get3A_367, %mul3A_369 : vector<16xf32>
      %convert_element_type3A_371 = arith.fptosi %mul3A_370 : vector<16xf32> to vector<16xi32>
      %min3A_372 = arith.constant 2047 : i32
      %min3A_373 = vector.broadcast %min3A_372 : i32 to vector<16xi32>
      %min3A_374 = arith.minsi %convert_element_type3A_371, %min3A_373 : vector<16xi32>
      %add3A_375 = arith.addi %min3A_374, %mul3A_10 : vector<16xi32>
      tpu.vector_store_idx %arg7[%add3A_375], %broadcast_in_dim3A_12 {add = true} : memref<32768xi32, #tpu.memory_space<vmem>>[vector<16xi32>], vector<16xi32>,
      tpu.vector_store_idx %arg8[%add3A_375], %get3A_367 {add = true} : memref<32768xf32, #tpu.memory_space<vmem>>[vector<16xi32>], vector<16xf32>,
      %mul3A_376 = arith.constant 128 : i32
      %mul3A_377 = arith.muli %scan3A_322, %mul3A_376 : i32
      %add3A_378 = arith.constant 64 : i32
      %add3A_379 = arith.addi %mul3A_377, %add3A_378 : i32
      %get3A_380 = arith.index_cast %add3A_379 : i32 to index
      %get3A_381 = tpu.vector_load %arg6[%get3A_380] {strides = array<i32>} : memref<8192xf32, #tpu.memory_space<vmem>>, vector<16xf32>,
      %mul3A_382 = arith.constant 126.030769 : f32
      %mul3A_383 = vector.broadcast %mul3A_382 : f32 to vector<16xf32>
      %mul3A_384 = arith.mulf %get3A_381, %mul3A_383 : vector<16xf32>
      %convert_element_type3A_385 = arith.fptosi %mul3A_384 : vector<16xf32> to vector<16xi32>
      %min3A_386 = arith.constant 2047 : i32
      %min3A_387 = vector.broadcast %min3A_386 : i32 to vector<16xi32>
      %min3A_388 = arith.minsi %convert_element_type3A_385, %min3A_387 : vector<16xi32>
      %add3A_389 = arith.addi %min3A_388, %mul3A_10 : vector<16xi32>
      tpu.vector_store_idx %arg7[%add3A_389], %broadcast_in_dim3A_12 {add = true} : memref<32768xi32, #tpu.memory_space<vmem>>[vector<16xi32>], vector<16xi32>,
      tpu.vector_store_idx %arg8[%add3A_389], %get3A_381 {add = true} : memref<32768xf32, #tpu.memory_space<vmem>>[vector<16xi32>], vector<16xf32>,
      %mul3A_390 = arith.constant 128 : i32
      %mul3A_391 = arith.muli %scan3A_322, %mul3A_390 : i32
      %add3A_392 = arith.constant 80 : i32
      %add3A_393 = arith.addi %mul3A_391, %add3A_392 : i32
      %get3A_394 = arith.index_cast %add3A_393 : i32 to index
      %get3A_395 = tpu.vector_load %arg6[%get3A_394] {strides = array<i32>} : memref<8192xf32, #tpu.memory_space<vmem>>, vector<16xf32>,
      %mul3A_396 = arith.constant 126.030769 : f32
      %mul3A_397 = vector.broadcast %mul3A_396 : f32 to vector<16xf32>
      %mul3A_398 = arith.mulf %get3A_395, %mul3A_397 : vector<16xf32>
      %convert_element_type3A_399 = arith.fptosi %mul3A_398 : vector<16xf32> to vector<16xi32>
      %min3A_400 = arith.constant 2047 : i32
      %min3A_401 = vector.broadcast %min3A_400 : i32 to vector<16xi32>
      %min3A_402 = arith.minsi %convert_element_type3A_399, %min3A_401 : vector<16xi32>
      %add3A_403 = arith.addi %min3A_402, %mul3A_10 : vector<16xi32>
      tpu.vector_store_idx %arg7[%add3A_403], %broadcast_in_dim3A_12 {add = true} : memref<32768xi32, #tpu.memory_space<vmem>>[vector<16xi32>], vector<16xi32>,
      tpu.vector_store_idx %arg8[%add3A_403], %get3A_395 {add = true} : memref<32768xf32, #tpu.memory_space<vmem>>[vector<16xi32>], vector<16xf32>,
      %mul3A_404 = arith.constant 128 : i32
      %mul3A_405 = arith.muli %scan3A_322, %mul3A_404 : i32
      %add3A_406 = arith.constant 96 : i32
      %add3A_407 = arith.addi %mul3A_405, %add3A_406 : i32
      %get3A_408 = arith.index_cast %add3A_407 : i32 to index
      %get3A_409 = tpu.vector_load %arg6[%get3A_408] {strides = array<i32>} : memref<8192xf32, #tpu.memory_space<vmem>>, vector<16xf32>,
      %mul3A_410 = arith.constant 126.030769 : f32
      %mul3A_411 = vector.broadcast %mul3A_410 : f32 to vector<16xf32>
      %mul3A_412 = arith.mulf %get3A_409, %mul3A_411 : vector<16xf32>
      %convert_element_type3A_413 = arith.fptosi %mul3A_412 : vector<16xf32> to vector<16xi32>
      %min3A_414 = arith.constant 2047 : i32
      %min3A_415 = vector.broadcast %min3A_414 : i32 to vector<16xi32>
      %min3A_416 = arith.minsi %convert_element_type3A_413, %min3A_415 : vector<16xi32>
      %add3A_417 = arith.addi %min3A_416, %mul3A_10 : vector<16xi32>
      tpu.vector_store_idx %arg7[%add3A_417], %broadcast_in_dim3A_12 {add = true} : memref<32768xi32, #tpu.memory_space<vmem>>[vector<16xi32>], vector<16xi32>,
      tpu.vector_store_idx %arg8[%add3A_417], %get3A_409 {add = true} : memref<32768xf32, #tpu.memory_space<vmem>>[vector<16xi32>], vector<16xf32>,
      %mul3A_418 = arith.constant 128 : i32
      %mul3A_419 = arith.muli %scan3A_322, %mul3A_418 : i32
      %add3A_420 = arith.constant 112 : i32
      %add3A_421 = arith.addi %mul3A_419, %add3A_420 : i32
      %get3A_422 = arith.index_cast %add3A_421 : i32 to index
      %get3A_423 = tpu.vector_load %arg6[%get3A_422] {strides = array<i32>} : memref<8192xf32, #tpu.memory_space<vmem>>, vector<16xf32>,
      %mul3A_424 = arith.constant 126.030769 : f32
      %mul3A_425 = vector.broadcast %mul3A_424 : f32 to vector<16xf32>
      %mul3A_426 = arith.mulf %get3A_423, %mul3A_425 : vector<16xf32>
      %convert_element_type3A_427 = arith.fptosi %mul3A_426 : vector<16xf32> to vector<16xi32>
      %min3A_428 = arith.constant 2047 : i32
      %min3A_429 = vector.broadcast %min3A_428 : i32 to vector<16xi32>
      %min3A_430 = arith.minsi %convert_element_type3A_427, %min3A_429 : vector<16xi32>
      %add3A_431 = arith.addi %min3A_430, %mul3A_10 : vector<16xi32>
      tpu.vector_store_idx %arg7[%add3A_431], %broadcast_in_dim3A_12 {add = true} : memref<32768xi32, #tpu.memory_space<vmem>>[vector<16xi32>], vector<16xi32>,
      tpu.vector_store_idx %arg8[%add3A_431], %get3A_423 {add = true} : memref<32768xf32, #tpu.memory_space<vmem>>[vector<16xi32>], vector<16xf32>,
      %scan3A_432 = arith.constant 0 : i32
      scf.yield %scan3A_432 : i32
    }
    %scan3A_206 = arith.constant 64 : i32
    %dma_start3A_207 = arith.constant 90112 : i32
    %dma_start3A_208 = tpu.memref_slice %arg2[%arg1, %arg0, %dma_start3A_207] : memref<16x2x131072xf32, #tpu.memory_space<hbm>> -> memref<1x1x8192xf32, #tpu.memory_space<hbm>>
    %dma_start3A_209 = tpu.memref_squeeze %dma_start3A_208 : memref<1x1x8192xf32, #tpu.memory_space<hbm>> -> memref<8192xf32, #tpu.memory_space<hbm>>
    %dma_start3A_210 = arith.constant 90112 : i32
    %dma_start3A_211 = tpu.memref_slice %arg2[%arg1, %arg0, %dma_start3A_210] : memref<16x2x131072xf32, #tpu.memory_space<hbm>> -> memref<1x1x8192xf32, #tpu.memory_space<hbm>>
    %dma_start3A_212 = tpu.memref_squeeze %dma_start3A_211 : memref<1x1x8192xf32, #tpu.memory_space<hbm>> -> memref<8192xf32, #tpu.memory_space<hbm>>
    tpu.enqueue_dma source(%dma_start3A_212 : memref<8192xf32, #tpu.memory_space<hbm>>) target(%arg6 : memref<8192xf32, #tpu.memory_space<vmem>>) target_semaphore(%arg12 : memref<!tpu.dma_semaphore, #tpu.memory_space<semaphore_mem>>)
    %dma_wait3A_213 = arith.constant 81920 : i32
    %dma_wait3A_214 = tpu.memref_slice %arg2[%arg1, %arg0, %dma_wait3A_213] : memref<16x2x131072xf32, #tpu.memory_space<hbm>> -> memref<1x1x8192xf32, #tpu.memory_space<hbm>>
    %dma_wait3A_215 = tpu.memref_squeeze %dma_wait3A_214 : memref<1x1x8192xf32, #tpu.memory_space<hbm>> -> memref<8192xf32, #tpu.memory_space<hbm>>
    %dma_wait3A_216 = arith.constant 81920 : i32
    %dma_wait3A_217 = tpu.memref_slice %arg2[%arg1, %arg0, %dma_wait3A_216] : memref<16x2x131072xf32, #tpu.memory_space<hbm>> -> memref<1x1x8192xf32, #tpu.memory_space<hbm>>
    %dma_wait3A_218 = tpu.memref_squeeze %dma_wait3A_217 : memref<1x1x8192xf32, #tpu.memory_space<hbm>> -> memref<8192xf32, #tpu.memory_space<hbm>>
    tpu.wait_dma2 semaphore(%arg11 : memref<!tpu.dma_semaphore, #tpu.memory_space<semaphore_mem>>) src(%dma_wait3A_218 : memref<8192xf32, #tpu.memory_space<hbm>>) dst(%arg5 : memref<8192xf32, #tpu.memory_space<vmem>>)
    %scan3A_219 = arith.constant 0 : i32
    %scan3A_220 = arith.constant 0 : i32
    %scan3A_221 = arith.constant 64 : i32
    %scan3A_222 = arith.addi %scan3A_220, %scan3A_221 : i32
    %scan3A_223 = arith.constant 1 : i32
    %scan3A_224 = scf.for %scan3A_322 = %scan3A_220 to %scan3A_222 step %scan3A_223 iter_args(%scan3A_323 = %scan3A_219) -> (i32)  : i32 {
      %mul3A_324 = arith.constant 128 : i32
      %mul3A_325 = arith.muli %scan3A_322, %mul3A_324 : i32
      %add3A = arith.constant 0 : i32
      %add3A_326 = arith.addi %mul3A_325, %add3A : i32
      %get3A = arith.index_cast %add3A_326 : i32 to index
      %get3A_327 = tpu.vector_load %arg5[%get3A] {strides = array<i32>} : memref<8192xf32, #tpu.memory_space<vmem>>, vector<16xf32>,
      %mul3A_328 = arith.constant 126.030769 : f32
      %mul3A_329 = vector.broadcast %mul3A_328 : f32 to vector<16xf32>
      %mul3A_330 = arith.mulf %get3A_327, %mul3A_329 : vector<16xf32>
      %convert_element_type3A = arith.fptosi %mul3A_330 : vector<16xf32> to vector<16xi32>
      %min3A = arith.constant 2047 : i32
      %min3A_331 = vector.broadcast %min3A : i32 to vector<16xi32>
      %min3A_332 = arith.minsi %convert_element_type3A, %min3A_331 : vector<16xi32>
      %add3A_333 = arith.addi %min3A_332, %mul3A_10 : vector<16xi32>
      tpu.vector_store_idx %arg7[%add3A_333], %broadcast_in_dim3A_12 {add = true} : memref<32768xi32, #tpu.memory_space<vmem>>[vector<16xi32>], vector<16xi32>,
      tpu.vector_store_idx %arg8[%add3A_333], %get3A_327 {add = true} : memref<32768xf32, #tpu.memory_space<vmem>>[vector<16xi32>], vector<16xf32>,
      %mul3A_334 = arith.constant 128 : i32
      %mul3A_335 = arith.muli %scan3A_322, %mul3A_334 : i32
      %add3A_336 = arith.constant 16 : i32
      %add3A_337 = arith.addi %mul3A_335, %add3A_336 : i32
      %get3A_338 = arith.index_cast %add3A_337 : i32 to index
      %get3A_339 = tpu.vector_load %arg5[%get3A_338] {strides = array<i32>} : memref<8192xf32, #tpu.memory_space<vmem>>, vector<16xf32>,
      %mul3A_340 = arith.constant 126.030769 : f32
      %mul3A_341 = vector.broadcast %mul3A_340 : f32 to vector<16xf32>
      %mul3A_342 = arith.mulf %get3A_339, %mul3A_341 : vector<16xf32>
      %convert_element_type3A_343 = arith.fptosi %mul3A_342 : vector<16xf32> to vector<16xi32>
      %min3A_344 = arith.constant 2047 : i32
      %min3A_345 = vector.broadcast %min3A_344 : i32 to vector<16xi32>
      %min3A_346 = arith.minsi %convert_element_type3A_343, %min3A_345 : vector<16xi32>
      %add3A_347 = arith.addi %min3A_346, %mul3A_10 : vector<16xi32>
      tpu.vector_store_idx %arg7[%add3A_347], %broadcast_in_dim3A_12 {add = true} : memref<32768xi32, #tpu.memory_space<vmem>>[vector<16xi32>], vector<16xi32>,
      tpu.vector_store_idx %arg8[%add3A_347], %get3A_339 {add = true} : memref<32768xf32, #tpu.memory_space<vmem>>[vector<16xi32>], vector<16xf32>,
      %mul3A_348 = arith.constant 128 : i32
      %mul3A_349 = arith.muli %scan3A_322, %mul3A_348 : i32
      %add3A_350 = arith.constant 32 : i32
      %add3A_351 = arith.addi %mul3A_349, %add3A_350 : i32
      %get3A_352 = arith.index_cast %add3A_351 : i32 to index
      %get3A_353 = tpu.vector_load %arg5[%get3A_352] {strides = array<i32>} : memref<8192xf32, #tpu.memory_space<vmem>>, vector<16xf32>,
      %mul3A_354 = arith.constant 126.030769 : f32
      %mul3A_355 = vector.broadcast %mul3A_354 : f32 to vector<16xf32>
      %mul3A_356 = arith.mulf %get3A_353, %mul3A_355 : vector<16xf32>
      %convert_element_type3A_357 = arith.fptosi %mul3A_356 : vector<16xf32> to vector<16xi32>
      %min3A_358 = arith.constant 2047 : i32
      %min3A_359 = vector.broadcast %min3A_358 : i32 to vector<16xi32>
      %min3A_360 = arith.minsi %convert_element_type3A_357, %min3A_359 : vector<16xi32>
      %add3A_361 = arith.addi %min3A_360, %mul3A_10 : vector<16xi32>
      tpu.vector_store_idx %arg7[%add3A_361], %broadcast_in_dim3A_12 {add = true} : memref<32768xi32, #tpu.memory_space<vmem>>[vector<16xi32>], vector<16xi32>,
      tpu.vector_store_idx %arg8[%add3A_361], %get3A_353 {add = true} : memref<32768xf32, #tpu.memory_space<vmem>>[vector<16xi32>], vector<16xf32>,
      %mul3A_362 = arith.constant 128 : i32
      %mul3A_363 = arith.muli %scan3A_322, %mul3A_362 : i32
      %add3A_364 = arith.constant 48 : i32
      %add3A_365 = arith.addi %mul3A_363, %add3A_364 : i32
      %get3A_366 = arith.index_cast %add3A_365 : i32 to index
      %get3A_367 = tpu.vector_load %arg5[%get3A_366] {strides = array<i32>} : memref<8192xf32, #tpu.memory_space<vmem>>, vector<16xf32>,
      %mul3A_368 = arith.constant 126.030769 : f32
      %mul3A_369 = vector.broadcast %mul3A_368 : f32 to vector<16xf32>
      %mul3A_370 = arith.mulf %get3A_367, %mul3A_369 : vector<16xf32>
      %convert_element_type3A_371 = arith.fptosi %mul3A_370 : vector<16xf32> to vector<16xi32>
      %min3A_372 = arith.constant 2047 : i32
      %min3A_373 = vector.broadcast %min3A_372 : i32 to vector<16xi32>
      %min3A_374 = arith.minsi %convert_element_type3A_371, %min3A_373 : vector<16xi32>
      %add3A_375 = arith.addi %min3A_374, %mul3A_10 : vector<16xi32>
      tpu.vector_store_idx %arg7[%add3A_375], %broadcast_in_dim3A_12 {add = true} : memref<32768xi32, #tpu.memory_space<vmem>>[vector<16xi32>], vector<16xi32>,
      tpu.vector_store_idx %arg8[%add3A_375], %get3A_367 {add = true} : memref<32768xf32, #tpu.memory_space<vmem>>[vector<16xi32>], vector<16xf32>,
      %mul3A_376 = arith.constant 128 : i32
      %mul3A_377 = arith.muli %scan3A_322, %mul3A_376 : i32
      %add3A_378 = arith.constant 64 : i32
      %add3A_379 = arith.addi %mul3A_377, %add3A_378 : i32
      %get3A_380 = arith.index_cast %add3A_379 : i32 to index
      %get3A_381 = tpu.vector_load %arg5[%get3A_380] {strides = array<i32>} : memref<8192xf32, #tpu.memory_space<vmem>>, vector<16xf32>,
      %mul3A_382 = arith.constant 126.030769 : f32
      %mul3A_383 = vector.broadcast %mul3A_382 : f32 to vector<16xf32>
      %mul3A_384 = arith.mulf %get3A_381, %mul3A_383 : vector<16xf32>
      %convert_element_type3A_385 = arith.fptosi %mul3A_384 : vector<16xf32> to vector<16xi32>
      %min3A_386 = arith.constant 2047 : i32
      %min3A_387 = vector.broadcast %min3A_386 : i32 to vector<16xi32>
      %min3A_388 = arith.minsi %convert_element_type3A_385, %min3A_387 : vector<16xi32>
      %add3A_389 = arith.addi %min3A_388, %mul3A_10 : vector<16xi32>
      tpu.vector_store_idx %arg7[%add3A_389], %broadcast_in_dim3A_12 {add = true} : memref<32768xi32, #tpu.memory_space<vmem>>[vector<16xi32>], vector<16xi32>,
      tpu.vector_store_idx %arg8[%add3A_389], %get3A_381 {add = true} : memref<32768xf32, #tpu.memory_space<vmem>>[vector<16xi32>], vector<16xf32>,
      %mul3A_390 = arith.constant 128 : i32
      %mul3A_391 = arith.muli %scan3A_322, %mul3A_390 : i32
      %add3A_392 = arith.constant 80 : i32
      %add3A_393 = arith.addi %mul3A_391, %add3A_392 : i32
      %get3A_394 = arith.index_cast %add3A_393 : i32 to index
      %get3A_395 = tpu.vector_load %arg5[%get3A_394] {strides = array<i32>} : memref<8192xf32, #tpu.memory_space<vmem>>, vector<16xf32>,
      %mul3A_396 = arith.constant 126.030769 : f32
      %mul3A_397 = vector.broadcast %mul3A_396 : f32 to vector<16xf32>
      %mul3A_398 = arith.mulf %get3A_395, %mul3A_397 : vector<16xf32>
      %convert_element_type3A_399 = arith.fptosi %mul3A_398 : vector<16xf32> to vector<16xi32>
      %min3A_400 = arith.constant 2047 : i32
      %min3A_401 = vector.broadcast %min3A_400 : i32 to vector<16xi32>
      %min3A_402 = arith.minsi %convert_element_type3A_399, %min3A_401 : vector<16xi32>
      %add3A_403 = arith.addi %min3A_402, %mul3A_10 : vector<16xi32>
      tpu.vector_store_idx %arg7[%add3A_403], %broadcast_in_dim3A_12 {add = true} : memref<32768xi32, #tpu.memory_space<vmem>>[vector<16xi32>], vector<16xi32>,
      tpu.vector_store_idx %arg8[%add3A_403], %get3A_395 {add = true} : memref<32768xf32, #tpu.memory_space<vmem>>[vector<16xi32>], vector<16xf32>,
      %mul3A_404 = arith.constant 128 : i32
      %mul3A_405 = arith.muli %scan3A_322, %mul3A_404 : i32
      %add3A_406 = arith.constant 96 : i32
      %add3A_407 = arith.addi %mul3A_405, %add3A_406 : i32
      %get3A_408 = arith.index_cast %add3A_407 : i32 to index
      %get3A_409 = tpu.vector_load %arg5[%get3A_408] {strides = array<i32>} : memref<8192xf32, #tpu.memory_space<vmem>>, vector<16xf32>,
      %mul3A_410 = arith.constant 126.030769 : f32
      %mul3A_411 = vector.broadcast %mul3A_410 : f32 to vector<16xf32>
      %mul3A_412 = arith.mulf %get3A_409, %mul3A_411 : vector<16xf32>
      %convert_element_type3A_413 = arith.fptosi %mul3A_412 : vector<16xf32> to vector<16xi32>
      %min3A_414 = arith.constant 2047 : i32
      %min3A_415 = vector.broadcast %min3A_414 : i32 to vector<16xi32>
      %min3A_416 = arith.minsi %convert_element_type3A_413, %min3A_415 : vector<16xi32>
      %add3A_417 = arith.addi %min3A_416, %mul3A_10 : vector<16xi32>
      tpu.vector_store_idx %arg7[%add3A_417], %broadcast_in_dim3A_12 {add = true} : memref<32768xi32, #tpu.memory_space<vmem>>[vector<16xi32>], vector<16xi32>,
      tpu.vector_store_idx %arg8[%add3A_417], %get3A_409 {add = true} : memref<32768xf32, #tpu.memory_space<vmem>>[vector<16xi32>], vector<16xf32>,
      %mul3A_418 = arith.constant 128 : i32
      %mul3A_419 = arith.muli %scan3A_322, %mul3A_418 : i32
      %add3A_420 = arith.constant 112 : i32
      %add3A_421 = arith.addi %mul3A_419, %add3A_420 : i32
      %get3A_422 = arith.index_cast %add3A_421 : i32 to index
      %get3A_423 = tpu.vector_load %arg5[%get3A_422] {strides = array<i32>} : memref<8192xf32, #tpu.memory_space<vmem>>, vector<16xf32>,
      %mul3A_424 = arith.constant 126.030769 : f32
      %mul3A_425 = vector.broadcast %mul3A_424 : f32 to vector<16xf32>
      %mul3A_426 = arith.mulf %get3A_423, %mul3A_425 : vector<16xf32>
      %convert_element_type3A_427 = arith.fptosi %mul3A_426 : vector<16xf32> to vector<16xi32>
      %min3A_428 = arith.constant 2047 : i32
      %min3A_429 = vector.broadcast %min3A_428 : i32 to vector<16xi32>
      %min3A_430 = arith.minsi %convert_element_type3A_427, %min3A_429 : vector<16xi32>
      %add3A_431 = arith.addi %min3A_430, %mul3A_10 : vector<16xi32>
      tpu.vector_store_idx %arg7[%add3A_431], %broadcast_in_dim3A_12 {add = true} : memref<32768xi32, #tpu.memory_space<vmem>>[vector<16xi32>], vector<16xi32>,
      tpu.vector_store_idx %arg8[%add3A_431], %get3A_423 {add = true} : memref<32768xf32, #tpu.memory_space<vmem>>[vector<16xi32>], vector<16xf32>,
      %scan3A_432 = arith.constant 0 : i32
      scf.yield %scan3A_432 : i32
    }
    %scan3A_225 = arith.constant 64 : i32
    %dma_start3A_226 = arith.constant 98304 : i32
    %dma_start3A_227 = tpu.memref_slice %arg2[%arg1, %arg0, %dma_start3A_226] : memref<16x2x131072xf32, #tpu.memory_space<hbm>> -> memref<1x1x8192xf32, #tpu.memory_space<hbm>>
    %dma_start3A_228 = tpu.memref_squeeze %dma_start3A_227 : memref<1x1x8192xf32, #tpu.memory_space<hbm>> -> memref<8192xf32, #tpu.memory_space<hbm>>
    %dma_start3A_229 = arith.constant 98304 : i32
    %dma_start3A_230 = tpu.memref_slice %arg2[%arg1, %arg0, %dma_start3A_229] : memref<16x2x131072xf32, #tpu.memory_space<hbm>> -> memref<1x1x8192xf32, #tpu.memory_space<hbm>>
    %dma_start3A_231 = tpu.memref_squeeze %dma_start3A_230 : memref<1x1x8192xf32, #tpu.memory_space<hbm>> -> memref<8192xf32, #tpu.memory_space<hbm>>
    tpu.enqueue_dma source(%dma_start3A_231 : memref<8192xf32, #tpu.memory_space<hbm>>) target(%arg5 : memref<8192xf32, #tpu.memory_space<vmem>>) target_semaphore(%arg11 : memref<!tpu.dma_semaphore, #tpu.memory_space<semaphore_mem>>)
    %dma_wait3A_232 = arith.constant 90112 : i32
    %dma_wait3A_233 = tpu.memref_slice %arg2[%arg1, %arg0, %dma_wait3A_232] : memref<16x2x131072xf32, #tpu.memory_space<hbm>> -> memref<1x1x8192xf32, #tpu.memory_space<hbm>>
    %dma_wait3A_234 = tpu.memref_squeeze %dma_wait3A_233 : memref<1x1x8192xf32, #tpu.memory_space<hbm>> -> memref<8192xf32, #tpu.memory_space<hbm>>
    %dma_wait3A_235 = arith.constant 90112 : i32
    %dma_wait3A_236 = tpu.memref_slice %arg2[%arg1, %arg0, %dma_wait3A_235] : memref<16x2x131072xf32, #tpu.memory_space<hbm>> -> memref<1x1x8192xf32, #tpu.memory_space<hbm>>
    %dma_wait3A_237 = tpu.memref_squeeze %dma_wait3A_236 : memref<1x1x8192xf32, #tpu.memory_space<hbm>> -> memref<8192xf32, #tpu.memory_space<hbm>>
    tpu.wait_dma2 semaphore(%arg12 : memref<!tpu.dma_semaphore, #tpu.memory_space<semaphore_mem>>) src(%dma_wait3A_237 : memref<8192xf32, #tpu.memory_space<hbm>>) dst(%arg6 : memref<8192xf32, #tpu.memory_space<vmem>>)
    %scan3A_238 = arith.constant 0 : i32
    %scan3A_239 = arith.constant 0 : i32
    %scan3A_240 = arith.constant 64 : i32
    %scan3A_241 = arith.addi %scan3A_239, %scan3A_240 : i32
    %scan3A_242 = arith.constant 1 : i32
    %scan3A_243 = scf.for %scan3A_322 = %scan3A_239 to %scan3A_241 step %scan3A_242 iter_args(%scan3A_323 = %scan3A_238) -> (i32)  : i32 {
      %mul3A_324 = arith.constant 128 : i32
      %mul3A_325 = arith.muli %scan3A_322, %mul3A_324 : i32
      %add3A = arith.constant 0 : i32
      %add3A_326 = arith.addi %mul3A_325, %add3A : i32
      %get3A = arith.index_cast %add3A_326 : i32 to index
      %get3A_327 = tpu.vector_load %arg6[%get3A] {strides = array<i32>} : memref<8192xf32, #tpu.memory_space<vmem>>, vector<16xf32>,
      %mul3A_328 = arith.constant 126.030769 : f32
      %mul3A_329 = vector.broadcast %mul3A_328 : f32 to vector<16xf32>
      %mul3A_330 = arith.mulf %get3A_327, %mul3A_329 : vector<16xf32>
      %convert_element_type3A = arith.fptosi %mul3A_330 : vector<16xf32> to vector<16xi32>
      %min3A = arith.constant 2047 : i32
      %min3A_331 = vector.broadcast %min3A : i32 to vector<16xi32>
      %min3A_332 = arith.minsi %convert_element_type3A, %min3A_331 : vector<16xi32>
      %add3A_333 = arith.addi %min3A_332, %mul3A_10 : vector<16xi32>
      tpu.vector_store_idx %arg7[%add3A_333], %broadcast_in_dim3A_12 {add = true} : memref<32768xi32, #tpu.memory_space<vmem>>[vector<16xi32>], vector<16xi32>,
      tpu.vector_store_idx %arg8[%add3A_333], %get3A_327 {add = true} : memref<32768xf32, #tpu.memory_space<vmem>>[vector<16xi32>], vector<16xf32>,
      %mul3A_334 = arith.constant 128 : i32
      %mul3A_335 = arith.muli %scan3A_322, %mul3A_334 : i32
      %add3A_336 = arith.constant 16 : i32
      %add3A_337 = arith.addi %mul3A_335, %add3A_336 : i32
      %get3A_338 = arith.index_cast %add3A_337 : i32 to index
      %get3A_339 = tpu.vector_load %arg6[%get3A_338] {strides = array<i32>} : memref<8192xf32, #tpu.memory_space<vmem>>, vector<16xf32>,
      %mul3A_340 = arith.constant 126.030769 : f32
      %mul3A_341 = vector.broadcast %mul3A_340 : f32 to vector<16xf32>
      %mul3A_342 = arith.mulf %get3A_339, %mul3A_341 : vector<16xf32>
      %convert_element_type3A_343 = arith.fptosi %mul3A_342 : vector<16xf32> to vector<16xi32>
      %min3A_344 = arith.constant 2047 : i32
      %min3A_345 = vector.broadcast %min3A_344 : i32 to vector<16xi32>
      %min3A_346 = arith.minsi %convert_element_type3A_343, %min3A_345 : vector<16xi32>
      %add3A_347 = arith.addi %min3A_346, %mul3A_10 : vector<16xi32>
      tpu.vector_store_idx %arg7[%add3A_347], %broadcast_in_dim3A_12 {add = true} : memref<32768xi32, #tpu.memory_space<vmem>>[vector<16xi32>], vector<16xi32>,
      tpu.vector_store_idx %arg8[%add3A_347], %get3A_339 {add = true} : memref<32768xf32, #tpu.memory_space<vmem>>[vector<16xi32>], vector<16xf32>,
      %mul3A_348 = arith.constant 128 : i32
      %mul3A_349 = arith.muli %scan3A_322, %mul3A_348 : i32
      %add3A_350 = arith.constant 32 : i32
      %add3A_351 = arith.addi %mul3A_349, %add3A_350 : i32
      %get3A_352 = arith.index_cast %add3A_351 : i32 to index
      %get3A_353 = tpu.vector_load %arg6[%get3A_352] {strides = array<i32>} : memref<8192xf32, #tpu.memory_space<vmem>>, vector<16xf32>,
      %mul3A_354 = arith.constant 126.030769 : f32
      %mul3A_355 = vector.broadcast %mul3A_354 : f32 to vector<16xf32>
      %mul3A_356 = arith.mulf %get3A_353, %mul3A_355 : vector<16xf32>
      %convert_element_type3A_357 = arith.fptosi %mul3A_356 : vector<16xf32> to vector<16xi32>
      %min3A_358 = arith.constant 2047 : i32
      %min3A_359 = vector.broadcast %min3A_358 : i32 to vector<16xi32>
      %min3A_360 = arith.minsi %convert_element_type3A_357, %min3A_359 : vector<16xi32>
      %add3A_361 = arith.addi %min3A_360, %mul3A_10 : vector<16xi32>
      tpu.vector_store_idx %arg7[%add3A_361], %broadcast_in_dim3A_12 {add = true} : memref<32768xi32, #tpu.memory_space<vmem>>[vector<16xi32>], vector<16xi32>,
      tpu.vector_store_idx %arg8[%add3A_361], %get3A_353 {add = true} : memref<32768xf32, #tpu.memory_space<vmem>>[vector<16xi32>], vector<16xf32>,
      %mul3A_362 = arith.constant 128 : i32
      %mul3A_363 = arith.muli %scan3A_322, %mul3A_362 : i32
      %add3A_364 = arith.constant 48 : i32
      %add3A_365 = arith.addi %mul3A_363, %add3A_364 : i32
      %get3A_366 = arith.index_cast %add3A_365 : i32 to index
      %get3A_367 = tpu.vector_load %arg6[%get3A_366] {strides = array<i32>} : memref<8192xf32, #tpu.memory_space<vmem>>, vector<16xf32>,
      %mul3A_368 = arith.constant 126.030769 : f32
      %mul3A_369 = vector.broadcast %mul3A_368 : f32 to vector<16xf32>
      %mul3A_370 = arith.mulf %get3A_367, %mul3A_369 : vector<16xf32>
      %convert_element_type3A_371 = arith.fptosi %mul3A_370 : vector<16xf32> to vector<16xi32>
      %min3A_372 = arith.constant 2047 : i32
      %min3A_373 = vector.broadcast %min3A_372 : i32 to vector<16xi32>
      %min3A_374 = arith.minsi %convert_element_type3A_371, %min3A_373 : vector<16xi32>
      %add3A_375 = arith.addi %min3A_374, %mul3A_10 : vector<16xi32>
      tpu.vector_store_idx %arg7[%add3A_375], %broadcast_in_dim3A_12 {add = true} : memref<32768xi32, #tpu.memory_space<vmem>>[vector<16xi32>], vector<16xi32>,
      tpu.vector_store_idx %arg8[%add3A_375], %get3A_367 {add = true} : memref<32768xf32, #tpu.memory_space<vmem>>[vector<16xi32>], vector<16xf32>,
      %mul3A_376 = arith.constant 128 : i32
      %mul3A_377 = arith.muli %scan3A_322, %mul3A_376 : i32
      %add3A_378 = arith.constant 64 : i32
      %add3A_379 = arith.addi %mul3A_377, %add3A_378 : i32
      %get3A_380 = arith.index_cast %add3A_379 : i32 to index
      %get3A_381 = tpu.vector_load %arg6[%get3A_380] {strides = array<i32>} : memref<8192xf32, #tpu.memory_space<vmem>>, vector<16xf32>,
      %mul3A_382 = arith.constant 126.030769 : f32
      %mul3A_383 = vector.broadcast %mul3A_382 : f32 to vector<16xf32>
      %mul3A_384 = arith.mulf %get3A_381, %mul3A_383 : vector<16xf32>
      %convert_element_type3A_385 = arith.fptosi %mul3A_384 : vector<16xf32> to vector<16xi32>
      %min3A_386 = arith.constant 2047 : i32
      %min3A_387 = vector.broadcast %min3A_386 : i32 to vector<16xi32>
      %min3A_388 = arith.minsi %convert_element_type3A_385, %min3A_387 : vector<16xi32>
      %add3A_389 = arith.addi %min3A_388, %mul3A_10 : vector<16xi32>
      tpu.vector_store_idx %arg7[%add3A_389], %broadcast_in_dim3A_12 {add = true} : memref<32768xi32, #tpu.memory_space<vmem>>[vector<16xi32>], vector<16xi32>,
      tpu.vector_store_idx %arg8[%add3A_389], %get3A_381 {add = true} : memref<32768xf32, #tpu.memory_space<vmem>>[vector<16xi32>], vector<16xf32>,
      %mul3A_390 = arith.constant 128 : i32
      %mul3A_391 = arith.muli %scan3A_322, %mul3A_390 : i32
      %add3A_392 = arith.constant 80 : i32
      %add3A_393 = arith.addi %mul3A_391, %add3A_392 : i32
      %get3A_394 = arith.index_cast %add3A_393 : i32 to index
      %get3A_395 = tpu.vector_load %arg6[%get3A_394] {strides = array<i32>} : memref<8192xf32, #tpu.memory_space<vmem>>, vector<16xf32>,
      %mul3A_396 = arith.constant 126.030769 : f32
      %mul3A_397 = vector.broadcast %mul3A_396 : f32 to vector<16xf32>
      %mul3A_398 = arith.mulf %get3A_395, %mul3A_397 : vector<16xf32>
      %convert_element_type3A_399 = arith.fptosi %mul3A_398 : vector<16xf32> to vector<16xi32>
      %min3A_400 = arith.constant 2047 : i32
      %min3A_401 = vector.broadcast %min3A_400 : i32 to vector<16xi32>
      %min3A_402 = arith.minsi %convert_element_type3A_399, %min3A_401 : vector<16xi32>
      %add3A_403 = arith.addi %min3A_402, %mul3A_10 : vector<16xi32>
      tpu.vector_store_idx %arg7[%add3A_403], %broadcast_in_dim3A_12 {add = true} : memref<32768xi32, #tpu.memory_space<vmem>>[vector<16xi32>], vector<16xi32>,
      tpu.vector_store_idx %arg8[%add3A_403], %get3A_395 {add = true} : memref<32768xf32, #tpu.memory_space<vmem>>[vector<16xi32>], vector<16xf32>,
      %mul3A_404 = arith.constant 128 : i32
      %mul3A_405 = arith.muli %scan3A_322, %mul3A_404 : i32
      %add3A_406 = arith.constant 96 : i32
      %add3A_407 = arith.addi %mul3A_405, %add3A_406 : i32
      %get3A_408 = arith.index_cast %add3A_407 : i32 to index
      %get3A_409 = tpu.vector_load %arg6[%get3A_408] {strides = array<i32>} : memref<8192xf32, #tpu.memory_space<vmem>>, vector<16xf32>,
      %mul3A_410 = arith.constant 126.030769 : f32
      %mul3A_411 = vector.broadcast %mul3A_410 : f32 to vector<16xf32>
      %mul3A_412 = arith.mulf %get3A_409, %mul3A_411 : vector<16xf32>
      %convert_element_type3A_413 = arith.fptosi %mul3A_412 : vector<16xf32> to vector<16xi32>
      %min3A_414 = arith.constant 2047 : i32
      %min3A_415 = vector.broadcast %min3A_414 : i32 to vector<16xi32>
      %min3A_416 = arith.minsi %convert_element_type3A_413, %min3A_415 : vector<16xi32>
      %add3A_417 = arith.addi %min3A_416, %mul3A_10 : vector<16xi32>
      tpu.vector_store_idx %arg7[%add3A_417], %broadcast_in_dim3A_12 {add = true} : memref<32768xi32, #tpu.memory_space<vmem>>[vector<16xi32>], vector<16xi32>,
      tpu.vector_store_idx %arg8[%add3A_417], %get3A_409 {add = true} : memref<32768xf32, #tpu.memory_space<vmem>>[vector<16xi32>], vector<16xf32>,
      %mul3A_418 = arith.constant 128 : i32
      %mul3A_419 = arith.muli %scan3A_322, %mul3A_418 : i32
      %add3A_420 = arith.constant 112 : i32
      %add3A_421 = arith.addi %mul3A_419, %add3A_420 : i32
      %get3A_422 = arith.index_cast %add3A_421 : i32 to index
      %get3A_423 = tpu.vector_load %arg6[%get3A_422] {strides = array<i32>} : memref<8192xf32, #tpu.memory_space<vmem>>, vector<16xf32>,
      %mul3A_424 = arith.constant 126.030769 : f32
      %mul3A_425 = vector.broadcast %mul3A_424 : f32 to vector<16xf32>
      %mul3A_426 = arith.mulf %get3A_423, %mul3A_425 : vector<16xf32>
      %convert_element_type3A_427 = arith.fptosi %mul3A_426 : vector<16xf32> to vector<16xi32>
      %min3A_428 = arith.constant 2047 : i32
      %min3A_429 = vector.broadcast %min3A_428 : i32 to vector<16xi32>
      %min3A_430 = arith.minsi %convert_element_type3A_427, %min3A_429 : vector<16xi32>
      %add3A_431 = arith.addi %min3A_430, %mul3A_10 : vector<16xi32>
      tpu.vector_store_idx %arg7[%add3A_431], %broadcast_in_dim3A_12 {add = true} : memref<32768xi32, #tpu.memory_space<vmem>>[vector<16xi32>], vector<16xi32>,
      tpu.vector_store_idx %arg8[%add3A_431], %get3A_423 {add = true} : memref<32768xf32, #tpu.memory_space<vmem>>[vector<16xi32>], vector<16xf32>,
      %scan3A_432 = arith.constant 0 : i32
      scf.yield %scan3A_432 : i32
    }
    %scan3A_244 = arith.constant 64 : i32
    %dma_start3A_245 = arith.constant 106496 : i32
    %dma_start3A_246 = tpu.memref_slice %arg2[%arg1, %arg0, %dma_start3A_245] : memref<16x2x131072xf32, #tpu.memory_space<hbm>> -> memref<1x1x8192xf32, #tpu.memory_space<hbm>>
    %dma_start3A_247 = tpu.memref_squeeze %dma_start3A_246 : memref<1x1x8192xf32, #tpu.memory_space<hbm>> -> memref<8192xf32, #tpu.memory_space<hbm>>
    %dma_start3A_248 = arith.constant 106496 : i32
    %dma_start3A_249 = tpu.memref_slice %arg2[%arg1, %arg0, %dma_start3A_248] : memref<16x2x131072xf32, #tpu.memory_space<hbm>> -> memref<1x1x8192xf32, #tpu.memory_space<hbm>>
    %dma_start3A_250 = tpu.memref_squeeze %dma_start3A_249 : memref<1x1x8192xf32, #tpu.memory_space<hbm>> -> memref<8192xf32, #tpu.memory_space<hbm>>
    tpu.enqueue_dma source(%dma_start3A_250 : memref<8192xf32, #tpu.memory_space<hbm>>) target(%arg6 : memref<8192xf32, #tpu.memory_space<vmem>>) target_semaphore(%arg12 : memref<!tpu.dma_semaphore, #tpu.memory_space<semaphore_mem>>)
    %dma_wait3A_251 = arith.constant 98304 : i32
    %dma_wait3A_252 = tpu.memref_slice %arg2[%arg1, %arg0, %dma_wait3A_251] : memref<16x2x131072xf32, #tpu.memory_space<hbm>> -> memref<1x1x8192xf32, #tpu.memory_space<hbm>>
    %dma_wait3A_253 = tpu.memref_squeeze %dma_wait3A_252 : memref<1x1x8192xf32, #tpu.memory_space<hbm>> -> memref<8192xf32, #tpu.memory_space<hbm>>
    %dma_wait3A_254 = arith.constant 98304 : i32
    %dma_wait3A_255 = tpu.memref_slice %arg2[%arg1, %arg0, %dma_wait3A_254] : memref<16x2x131072xf32, #tpu.memory_space<hbm>> -> memref<1x1x8192xf32, #tpu.memory_space<hbm>>
    %dma_wait3A_256 = tpu.memref_squeeze %dma_wait3A_255 : memref<1x1x8192xf32, #tpu.memory_space<hbm>> -> memref<8192xf32, #tpu.memory_space<hbm>>
    tpu.wait_dma2 semaphore(%arg11 : memref<!tpu.dma_semaphore, #tpu.memory_space<semaphore_mem>>) src(%dma_wait3A_256 : memref<8192xf32, #tpu.memory_space<hbm>>) dst(%arg5 : memref<8192xf32, #tpu.memory_space<vmem>>)
    %scan3A_257 = arith.constant 0 : i32
    %scan3A_258 = arith.constant 0 : i32
    %scan3A_259 = arith.constant 64 : i32
    %scan3A_260 = arith.addi %scan3A_258, %scan3A_259 : i32
    %scan3A_261 = arith.constant 1 : i32
    %scan3A_262 = scf.for %scan3A_322 = %scan3A_258 to %scan3A_260 step %scan3A_261 iter_args(%scan3A_323 = %scan3A_257) -> (i32)  : i32 {
      %mul3A_324 = arith.constant 128 : i32
      %mul3A_325 = arith.muli %scan3A_322, %mul3A_324 : i32
      %add3A = arith.constant 0 : i32
      %add3A_326 = arith.addi %mul3A_325, %add3A : i32
      %get3A = arith.index_cast %add3A_326 : i32 to index
      %get3A_327 = tpu.vector_load %arg5[%get3A] {strides = array<i32>} : memref<8192xf32, #tpu.memory_space<vmem>>, vector<16xf32>,
      %mul3A_328 = arith.constant 126.030769 : f32
      %mul3A_329 = vector.broadcast %mul3A_328 : f32 to vector<16xf32>
      %mul3A_330 = arith.mulf %get3A_327, %mul3A_329 : vector<16xf32>
      %convert_element_type3A = arith.fptosi %mul3A_330 : vector<16xf32> to vector<16xi32>
      %min3A = arith.constant 2047 : i32
      %min3A_331 = vector.broadcast %min3A : i32 to vector<16xi32>
      %min3A_332 = arith.minsi %convert_element_type3A, %min3A_331 : vector<16xi32>
      %add3A_333 = arith.addi %min3A_332, %mul3A_10 : vector<16xi32>
      tpu.vector_store_idx %arg7[%add3A_333], %broadcast_in_dim3A_12 {add = true} : memref<32768xi32, #tpu.memory_space<vmem>>[vector<16xi32>], vector<16xi32>,
      tpu.vector_store_idx %arg8[%add3A_333], %get3A_327 {add = true} : memref<32768xf32, #tpu.memory_space<vmem>>[vector<16xi32>], vector<16xf32>,
      %mul3A_334 = arith.constant 128 : i32
      %mul3A_335 = arith.muli %scan3A_322, %mul3A_334 : i32
      %add3A_336 = arith.constant 16 : i32
      %add3A_337 = arith.addi %mul3A_335, %add3A_336 : i32
      %get3A_338 = arith.index_cast %add3A_337 : i32 to index
      %get3A_339 = tpu.vector_load %arg5[%get3A_338] {strides = array<i32>} : memref<8192xf32, #tpu.memory_space<vmem>>, vector<16xf32>,
      %mul3A_340 = arith.constant 126.030769 : f32
      %mul3A_341 = vector.broadcast %mul3A_340 : f32 to vector<16xf32>
      %mul3A_342 = arith.mulf %get3A_339, %mul3A_341 : vector<16xf32>
      %convert_element_type3A_343 = arith.fptosi %mul3A_342 : vector<16xf32> to vector<16xi32>
      %min3A_344 = arith.constant 2047 : i32
      %min3A_345 = vector.broadcast %min3A_344 : i32 to vector<16xi32>
      %min3A_346 = arith.minsi %convert_element_type3A_343, %min3A_345 : vector<16xi32>
      %add3A_347 = arith.addi %min3A_346, %mul3A_10 : vector<16xi32>
      tpu.vector_store_idx %arg7[%add3A_347], %broadcast_in_dim3A_12 {add = true} : memref<32768xi32, #tpu.memory_space<vmem>>[vector<16xi32>], vector<16xi32>,
      tpu.vector_store_idx %arg8[%add3A_347], %get3A_339 {add = true} : memref<32768xf32, #tpu.memory_space<vmem>>[vector<16xi32>], vector<16xf32>,
      %mul3A_348 = arith.constant 128 : i32
      %mul3A_349 = arith.muli %scan3A_322, %mul3A_348 : i32
      %add3A_350 = arith.constant 32 : i32
      %add3A_351 = arith.addi %mul3A_349, %add3A_350 : i32
      %get3A_352 = arith.index_cast %add3A_351 : i32 to index
      %get3A_353 = tpu.vector_load %arg5[%get3A_352] {strides = array<i32>} : memref<8192xf32, #tpu.memory_space<vmem>>, vector<16xf32>,
      %mul3A_354 = arith.constant 126.030769 : f32
      %mul3A_355 = vector.broadcast %mul3A_354 : f32 to vector<16xf32>
      %mul3A_356 = arith.mulf %get3A_353, %mul3A_355 : vector<16xf32>
      %convert_element_type3A_357 = arith.fptosi %mul3A_356 : vector<16xf32> to vector<16xi32>
      %min3A_358 = arith.constant 2047 : i32
      %min3A_359 = vector.broadcast %min3A_358 : i32 to vector<16xi32>
      %min3A_360 = arith.minsi %convert_element_type3A_357, %min3A_359 : vector<16xi32>
      %add3A_361 = arith.addi %min3A_360, %mul3A_10 : vector<16xi32>
      tpu.vector_store_idx %arg7[%add3A_361], %broadcast_in_dim3A_12 {add = true} : memref<32768xi32, #tpu.memory_space<vmem>>[vector<16xi32>], vector<16xi32>,
      tpu.vector_store_idx %arg8[%add3A_361], %get3A_353 {add = true} : memref<32768xf32, #tpu.memory_space<vmem>>[vector<16xi32>], vector<16xf32>,
      %mul3A_362 = arith.constant 128 : i32
      %mul3A_363 = arith.muli %scan3A_322, %mul3A_362 : i32
      %add3A_364 = arith.constant 48 : i32
      %add3A_365 = arith.addi %mul3A_363, %add3A_364 : i32
      %get3A_366 = arith.index_cast %add3A_365 : i32 to index
      %get3A_367 = tpu.vector_load %arg5[%get3A_366] {strides = array<i32>} : memref<8192xf32, #tpu.memory_space<vmem>>, vector<16xf32>,
      %mul3A_368 = arith.constant 126.030769 : f32
      %mul3A_369 = vector.broadcast %mul3A_368 : f32 to vector<16xf32>
      %mul3A_370 = arith.mulf %get3A_367, %mul3A_369 : vector<16xf32>
      %convert_element_type3A_371 = arith.fptosi %mul3A_370 : vector<16xf32> to vector<16xi32>
      %min3A_372 = arith.constant 2047 : i32
      %min3A_373 = vector.broadcast %min3A_372 : i32 to vector<16xi32>
      %min3A_374 = arith.minsi %convert_element_type3A_371, %min3A_373 : vector<16xi32>
      %add3A_375 = arith.addi %min3A_374, %mul3A_10 : vector<16xi32>
      tpu.vector_store_idx %arg7[%add3A_375], %broadcast_in_dim3A_12 {add = true} : memref<32768xi32, #tpu.memory_space<vmem>>[vector<16xi32>], vector<16xi32>,
      tpu.vector_store_idx %arg8[%add3A_375], %get3A_367 {add = true} : memref<32768xf32, #tpu.memory_space<vmem>>[vector<16xi32>], vector<16xf32>,
      %mul3A_376 = arith.constant 128 : i32
      %mul3A_377 = arith.muli %scan3A_322, %mul3A_376 : i32
      %add3A_378 = arith.constant 64 : i32
      %add3A_379 = arith.addi %mul3A_377, %add3A_378 : i32
      %get3A_380 = arith.index_cast %add3A_379 : i32 to index
      %get3A_381 = tpu.vector_load %arg5[%get3A_380] {strides = array<i32>} : memref<8192xf32, #tpu.memory_space<vmem>>, vector<16xf32>,
      %mul3A_382 = arith.constant 126.030769 : f32
      %mul3A_383 = vector.broadcast %mul3A_382 : f32 to vector<16xf32>
      %mul3A_384 = arith.mulf %get3A_381, %mul3A_383 : vector<16xf32>
      %convert_element_type3A_385 = arith.fptosi %mul3A_384 : vector<16xf32> to vector<16xi32>
      %min3A_386 = arith.constant 2047 : i32
      %min3A_387 = vector.broadcast %min3A_386 : i32 to vector<16xi32>
      %min3A_388 = arith.minsi %convert_element_type3A_385, %min3A_387 : vector<16xi32>
      %add3A_389 = arith.addi %min3A_388, %mul3A_10 : vector<16xi32>
      tpu.vector_store_idx %arg7[%add3A_389], %broadcast_in_dim3A_12 {add = true} : memref<32768xi32, #tpu.memory_space<vmem>>[vector<16xi32>], vector<16xi32>,
      tpu.vector_store_idx %arg8[%add3A_389], %get3A_381 {add = true} : memref<32768xf32, #tpu.memory_space<vmem>>[vector<16xi32>], vector<16xf32>,
      %mul3A_390 = arith.constant 128 : i32
      %mul3A_391 = arith.muli %scan3A_322, %mul3A_390 : i32
      %add3A_392 = arith.constant 80 : i32
      %add3A_393 = arith.addi %mul3A_391, %add3A_392 : i32
      %get3A_394 = arith.index_cast %add3A_393 : i32 to index
      %get3A_395 = tpu.vector_load %arg5[%get3A_394] {strides = array<i32>} : memref<8192xf32, #tpu.memory_space<vmem>>, vector<16xf32>,
      %mul3A_396 = arith.constant 126.030769 : f32
      %mul3A_397 = vector.broadcast %mul3A_396 : f32 to vector<16xf32>
      %mul3A_398 = arith.mulf %get3A_395, %mul3A_397 : vector<16xf32>
      %convert_element_type3A_399 = arith.fptosi %mul3A_398 : vector<16xf32> to vector<16xi32>
      %min3A_400 = arith.constant 2047 : i32
      %min3A_401 = vector.broadcast %min3A_400 : i32 to vector<16xi32>
      %min3A_402 = arith.minsi %convert_element_type3A_399, %min3A_401 : vector<16xi32>
      %add3A_403 = arith.addi %min3A_402, %mul3A_10 : vector<16xi32>
      tpu.vector_store_idx %arg7[%add3A_403], %broadcast_in_dim3A_12 {add = true} : memref<32768xi32, #tpu.memory_space<vmem>>[vector<16xi32>], vector<16xi32>,
      tpu.vector_store_idx %arg8[%add3A_403], %get3A_395 {add = true} : memref<32768xf32, #tpu.memory_space<vmem>>[vector<16xi32>], vector<16xf32>,
      %mul3A_404 = arith.constant 128 : i32
      %mul3A_405 = arith.muli %scan3A_322, %mul3A_404 : i32
      %add3A_406 = arith.constant 96 : i32
      %add3A_407 = arith.addi %mul3A_405, %add3A_406 : i32
      %get3A_408 = arith.index_cast %add3A_407 : i32 to index
      %get3A_409 = tpu.vector_load %arg5[%get3A_408] {strides = array<i32>} : memref<8192xf32, #tpu.memory_space<vmem>>, vector<16xf32>,
      %mul3A_410 = arith.constant 126.030769 : f32
      %mul3A_411 = vector.broadcast %mul3A_410 : f32 to vector<16xf32>
      %mul3A_412 = arith.mulf %get3A_409, %mul3A_411 : vector<16xf32>
      %convert_element_type3A_413 = arith.fptosi %mul3A_412 : vector<16xf32> to vector<16xi32>
      %min3A_414 = arith.constant 2047 : i32
      %min3A_415 = vector.broadcast %min3A_414 : i32 to vector<16xi32>
      %min3A_416 = arith.minsi %convert_element_type3A_413, %min3A_415 : vector<16xi32>
      %add3A_417 = arith.addi %min3A_416, %mul3A_10 : vector<16xi32>
      tpu.vector_store_idx %arg7[%add3A_417], %broadcast_in_dim3A_12 {add = true} : memref<32768xi32, #tpu.memory_space<vmem>>[vector<16xi32>], vector<16xi32>,
      tpu.vector_store_idx %arg8[%add3A_417], %get3A_409 {add = true} : memref<32768xf32, #tpu.memory_space<vmem>>[vector<16xi32>], vector<16xf32>,
      %mul3A_418 = arith.constant 128 : i32
      %mul3A_419 = arith.muli %scan3A_322, %mul3A_418 : i32
      %add3A_420 = arith.constant 112 : i32
      %add3A_421 = arith.addi %mul3A_419, %add3A_420 : i32
      %get3A_422 = arith.index_cast %add3A_421 : i32 to index
      %get3A_423 = tpu.vector_load %arg5[%get3A_422] {strides = array<i32>} : memref<8192xf32, #tpu.memory_space<vmem>>, vector<16xf32>,
      %mul3A_424 = arith.constant 126.030769 : f32
      %mul3A_425 = vector.broadcast %mul3A_424 : f32 to vector<16xf32>
      %mul3A_426 = arith.mulf %get3A_423, %mul3A_425 : vector<16xf32>
      %convert_element_type3A_427 = arith.fptosi %mul3A_426 : vector<16xf32> to vector<16xi32>
      %min3A_428 = arith.constant 2047 : i32
      %min3A_429 = vector.broadcast %min3A_428 : i32 to vector<16xi32>
      %min3A_430 = arith.minsi %convert_element_type3A_427, %min3A_429 : vector<16xi32>
      %add3A_431 = arith.addi %min3A_430, %mul3A_10 : vector<16xi32>
      tpu.vector_store_idx %arg7[%add3A_431], %broadcast_in_dim3A_12 {add = true} : memref<32768xi32, #tpu.memory_space<vmem>>[vector<16xi32>], vector<16xi32>,
      tpu.vector_store_idx %arg8[%add3A_431], %get3A_423 {add = true} : memref<32768xf32, #tpu.memory_space<vmem>>[vector<16xi32>], vector<16xf32>,
      %scan3A_432 = arith.constant 0 : i32
      scf.yield %scan3A_432 : i32
    }
    %scan3A_263 = arith.constant 64 : i32
    %dma_start3A_264 = arith.constant 114688 : i32
    %dma_start3A_265 = tpu.memref_slice %arg2[%arg1, %arg0, %dma_start3A_264] : memref<16x2x131072xf32, #tpu.memory_space<hbm>> -> memref<1x1x8192xf32, #tpu.memory_space<hbm>>
    %dma_start3A_266 = tpu.memref_squeeze %dma_start3A_265 : memref<1x1x8192xf32, #tpu.memory_space<hbm>> -> memref<8192xf32, #tpu.memory_space<hbm>>
    %dma_start3A_267 = arith.constant 114688 : i32
    %dma_start3A_268 = tpu.memref_slice %arg2[%arg1, %arg0, %dma_start3A_267] : memref<16x2x131072xf32, #tpu.memory_space<hbm>> -> memref<1x1x8192xf32, #tpu.memory_space<hbm>>
    %dma_start3A_269 = tpu.memref_squeeze %dma_start3A_268 : memref<1x1x8192xf32, #tpu.memory_space<hbm>> -> memref<8192xf32, #tpu.memory_space<hbm>>
    tpu.enqueue_dma source(%dma_start3A_269 : memref<8192xf32, #tpu.memory_space<hbm>>) target(%arg5 : memref<8192xf32, #tpu.memory_space<vmem>>) target_semaphore(%arg11 : memref<!tpu.dma_semaphore, #tpu.memory_space<semaphore_mem>>)
    %dma_wait3A_270 = arith.constant 106496 : i32
    %dma_wait3A_271 = tpu.memref_slice %arg2[%arg1, %arg0, %dma_wait3A_270] : memref<16x2x131072xf32, #tpu.memory_space<hbm>> -> memref<1x1x8192xf32, #tpu.memory_space<hbm>>
    %dma_wait3A_272 = tpu.memref_squeeze %dma_wait3A_271 : memref<1x1x8192xf32, #tpu.memory_space<hbm>> -> memref<8192xf32, #tpu.memory_space<hbm>>
    %dma_wait3A_273 = arith.constant 106496 : i32
    %dma_wait3A_274 = tpu.memref_slice %arg2[%arg1, %arg0, %dma_wait3A_273] : memref<16x2x131072xf32, #tpu.memory_space<hbm>> -> memref<1x1x8192xf32, #tpu.memory_space<hbm>>
    %dma_wait3A_275 = tpu.memref_squeeze %dma_wait3A_274 : memref<1x1x8192xf32, #tpu.memory_space<hbm>> -> memref<8192xf32, #tpu.memory_space<hbm>>
    tpu.wait_dma2 semaphore(%arg12 : memref<!tpu.dma_semaphore, #tpu.memory_space<semaphore_mem>>) src(%dma_wait3A_275 : memref<8192xf32, #tpu.memory_space<hbm>>) dst(%arg6 : memref<8192xf32, #tpu.memory_space<vmem>>)
    %scan3A_276 = arith.constant 0 : i32
    %scan3A_277 = arith.constant 0 : i32
    %scan3A_278 = arith.constant 64 : i32
    %scan3A_279 = arith.addi %scan3A_277, %scan3A_278 : i32
    %scan3A_280 = arith.constant 1 : i32
    %scan3A_281 = scf.for %scan3A_322 = %scan3A_277 to %scan3A_279 step %scan3A_280 iter_args(%scan3A_323 = %scan3A_276) -> (i32)  : i32 {
      %mul3A_324 = arith.constant 128 : i32
      %mul3A_325 = arith.muli %scan3A_322, %mul3A_324 : i32
      %add3A = arith.constant 0 : i32
      %add3A_326 = arith.addi %mul3A_325, %add3A : i32
      %get3A = arith.index_cast %add3A_326 : i32 to index
      %get3A_327 = tpu.vector_load %arg6[%get3A] {strides = array<i32>} : memref<8192xf32, #tpu.memory_space<vmem>>, vector<16xf32>,
      %mul3A_328 = arith.constant 126.030769 : f32
      %mul3A_329 = vector.broadcast %mul3A_328 : f32 to vector<16xf32>
      %mul3A_330 = arith.mulf %get3A_327, %mul3A_329 : vector<16xf32>
      %convert_element_type3A = arith.fptosi %mul3A_330 : vector<16xf32> to vector<16xi32>
      %min3A = arith.constant 2047 : i32
      %min3A_331 = vector.broadcast %min3A : i32 to vector<16xi32>
      %min3A_332 = arith.minsi %convert_element_type3A, %min3A_331 : vector<16xi32>
      %add3A_333 = arith.addi %min3A_332, %mul3A_10 : vector<16xi32>
      tpu.vector_store_idx %arg7[%add3A_333], %broadcast_in_dim3A_12 {add = true} : memref<32768xi32, #tpu.memory_space<vmem>>[vector<16xi32>], vector<16xi32>,
      tpu.vector_store_idx %arg8[%add3A_333], %get3A_327 {add = true} : memref<32768xf32, #tpu.memory_space<vmem>>[vector<16xi32>], vector<16xf32>,
      %mul3A_334 = arith.constant 128 : i32
      %mul3A_335 = arith.muli %scan3A_322, %mul3A_334 : i32
      %add3A_336 = arith.constant 16 : i32
      %add3A_337 = arith.addi %mul3A_335, %add3A_336 : i32
      %get3A_338 = arith.index_cast %add3A_337 : i32 to index
      %get3A_339 = tpu.vector_load %arg6[%get3A_338] {strides = array<i32>} : memref<8192xf32, #tpu.memory_space<vmem>>, vector<16xf32>,
      %mul3A_340 = arith.constant 126.030769 : f32
      %mul3A_341 = vector.broadcast %mul3A_340 : f32 to vector<16xf32>
      %mul3A_342 = arith.mulf %get3A_339, %mul3A_341 : vector<16xf32>
      %convert_element_type3A_343 = arith.fptosi %mul3A_342 : vector<16xf32> to vector<16xi32>
      %min3A_344 = arith.constant 2047 : i32
      %min3A_345 = vector.broadcast %min3A_344 : i32 to vector<16xi32>
      %min3A_346 = arith.minsi %convert_element_type3A_343, %min3A_345 : vector<16xi32>
      %add3A_347 = arith.addi %min3A_346, %mul3A_10 : vector<16xi32>
      tpu.vector_store_idx %arg7[%add3A_347], %broadcast_in_dim3A_12 {add = true} : memref<32768xi32, #tpu.memory_space<vmem>>[vector<16xi32>], vector<16xi32>,
      tpu.vector_store_idx %arg8[%add3A_347], %get3A_339 {add = true} : memref<32768xf32, #tpu.memory_space<vmem>>[vector<16xi32>], vector<16xf32>,
      %mul3A_348 = arith.constant 128 : i32
      %mul3A_349 = arith.muli %scan3A_322, %mul3A_348 : i32
      %add3A_350 = arith.constant 32 : i32
      %add3A_351 = arith.addi %mul3A_349, %add3A_350 : i32
      %get3A_352 = arith.index_cast %add3A_351 : i32 to index
      %get3A_353 = tpu.vector_load %arg6[%get3A_352] {strides = array<i32>} : memref<8192xf32, #tpu.memory_space<vmem>>, vector<16xf32>,
      %mul3A_354 = arith.constant 126.030769 : f32
      %mul3A_355 = vector.broadcast %mul3A_354 : f32 to vector<16xf32>
      %mul3A_356 = arith.mulf %get3A_353, %mul3A_355 : vector<16xf32>
      %convert_element_type3A_357 = arith.fptosi %mul3A_356 : vector<16xf32> to vector<16xi32>
      %min3A_358 = arith.constant 2047 : i32
      %min3A_359 = vector.broadcast %min3A_358 : i32 to vector<16xi32>
      %min3A_360 = arith.minsi %convert_element_type3A_357, %min3A_359 : vector<16xi32>
      %add3A_361 = arith.addi %min3A_360, %mul3A_10 : vector<16xi32>
      tpu.vector_store_idx %arg7[%add3A_361], %broadcast_in_dim3A_12 {add = true} : memref<32768xi32, #tpu.memory_space<vmem>>[vector<16xi32>], vector<16xi32>,
      tpu.vector_store_idx %arg8[%add3A_361], %get3A_353 {add = true} : memref<32768xf32, #tpu.memory_space<vmem>>[vector<16xi32>], vector<16xf32>,
      %mul3A_362 = arith.constant 128 : i32
      %mul3A_363 = arith.muli %scan3A_322, %mul3A_362 : i32
      %add3A_364 = arith.constant 48 : i32
      %add3A_365 = arith.addi %mul3A_363, %add3A_364 : i32
      %get3A_366 = arith.index_cast %add3A_365 : i32 to index
      %get3A_367 = tpu.vector_load %arg6[%get3A_366] {strides = array<i32>} : memref<8192xf32, #tpu.memory_space<vmem>>, vector<16xf32>,
      %mul3A_368 = arith.constant 126.030769 : f32
      %mul3A_369 = vector.broadcast %mul3A_368 : f32 to vector<16xf32>
      %mul3A_370 = arith.mulf %get3A_367, %mul3A_369 : vector<16xf32>
      %convert_element_type3A_371 = arith.fptosi %mul3A_370 : vector<16xf32> to vector<16xi32>
      %min3A_372 = arith.constant 2047 : i32
      %min3A_373 = vector.broadcast %min3A_372 : i32 to vector<16xi32>
      %min3A_374 = arith.minsi %convert_element_type3A_371, %min3A_373 : vector<16xi32>
      %add3A_375 = arith.addi %min3A_374, %mul3A_10 : vector<16xi32>
      tpu.vector_store_idx %arg7[%add3A_375], %broadcast_in_dim3A_12 {add = true} : memref<32768xi32, #tpu.memory_space<vmem>>[vector<16xi32>], vector<16xi32>,
      tpu.vector_store_idx %arg8[%add3A_375], %get3A_367 {add = true} : memref<32768xf32, #tpu.memory_space<vmem>>[vector<16xi32>], vector<16xf32>,
      %mul3A_376 = arith.constant 128 : i32
      %mul3A_377 = arith.muli %scan3A_322, %mul3A_376 : i32
      %add3A_378 = arith.constant 64 : i32
      %add3A_379 = arith.addi %mul3A_377, %add3A_378 : i32
      %get3A_380 = arith.index_cast %add3A_379 : i32 to index
      %get3A_381 = tpu.vector_load %arg6[%get3A_380] {strides = array<i32>} : memref<8192xf32, #tpu.memory_space<vmem>>, vector<16xf32>,
      %mul3A_382 = arith.constant 126.030769 : f32
      %mul3A_383 = vector.broadcast %mul3A_382 : f32 to vector<16xf32>
      %mul3A_384 = arith.mulf %get3A_381, %mul3A_383 : vector<16xf32>
      %convert_element_type3A_385 = arith.fptosi %mul3A_384 : vector<16xf32> to vector<16xi32>
      %min3A_386 = arith.constant 2047 : i32
      %min3A_387 = vector.broadcast %min3A_386 : i32 to vector<16xi32>
      %min3A_388 = arith.minsi %convert_element_type3A_385, %min3A_387 : vector<16xi32>
      %add3A_389 = arith.addi %min3A_388, %mul3A_10 : vector<16xi32>
      tpu.vector_store_idx %arg7[%add3A_389], %broadcast_in_dim3A_12 {add = true} : memref<32768xi32, #tpu.memory_space<vmem>>[vector<16xi32>], vector<16xi32>,
      tpu.vector_store_idx %arg8[%add3A_389], %get3A_381 {add = true} : memref<32768xf32, #tpu.memory_space<vmem>>[vector<16xi32>], vector<16xf32>,
      %mul3A_390 = arith.constant 128 : i32
      %mul3A_391 = arith.muli %scan3A_322, %mul3A_390 : i32
      %add3A_392 = arith.constant 80 : i32
      %add3A_393 = arith.addi %mul3A_391, %add3A_392 : i32
      %get3A_394 = arith.index_cast %add3A_393 : i32 to index
      %get3A_395 = tpu.vector_load %arg6[%get3A_394] {strides = array<i32>} : memref<8192xf32, #tpu.memory_space<vmem>>, vector<16xf32>,
      %mul3A_396 = arith.constant 126.030769 : f32
      %mul3A_397 = vector.broadcast %mul3A_396 : f32 to vector<16xf32>
      %mul3A_398 = arith.mulf %get3A_395, %mul3A_397 : vector<16xf32>
      %convert_element_type3A_399 = arith.fptosi %mul3A_398 : vector<16xf32> to vector<16xi32>
      %min3A_400 = arith.constant 2047 : i32
      %min3A_401 = vector.broadcast %min3A_400 : i32 to vector<16xi32>
      %min3A_402 = arith.minsi %convert_element_type3A_399, %min3A_401 : vector<16xi32>
      %add3A_403 = arith.addi %min3A_402, %mul3A_10 : vector<16xi32>
      tpu.vector_store_idx %arg7[%add3A_403], %broadcast_in_dim3A_12 {add = true} : memref<32768xi32, #tpu.memory_space<vmem>>[vector<16xi32>], vector<16xi32>,
      tpu.vector_store_idx %arg8[%add3A_403], %get3A_395 {add = true} : memref<32768xf32, #tpu.memory_space<vmem>>[vector<16xi32>], vector<16xf32>,
      %mul3A_404 = arith.constant 128 : i32
      %mul3A_405 = arith.muli %scan3A_322, %mul3A_404 : i32
      %add3A_406 = arith.constant 96 : i32
      %add3A_407 = arith.addi %mul3A_405, %add3A_406 : i32
      %get3A_408 = arith.index_cast %add3A_407 : i32 to index
      %get3A_409 = tpu.vector_load %arg6[%get3A_408] {strides = array<i32>} : memref<8192xf32, #tpu.memory_space<vmem>>, vector<16xf32>,
      %mul3A_410 = arith.constant 126.030769 : f32
      %mul3A_411 = vector.broadcast %mul3A_410 : f32 to vector<16xf32>
      %mul3A_412 = arith.mulf %get3A_409, %mul3A_411 : vector<16xf32>
      %convert_element_type3A_413 = arith.fptosi %mul3A_412 : vector<16xf32> to vector<16xi32>
      %min3A_414 = arith.constant 2047 : i32
      %min3A_415 = vector.broadcast %min3A_414 : i32 to vector<16xi32>
      %min3A_416 = arith.minsi %convert_element_type3A_413, %min3A_415 : vector<16xi32>
      %add3A_417 = arith.addi %min3A_416, %mul3A_10 : vector<16xi32>
      tpu.vector_store_idx %arg7[%add3A_417], %broadcast_in_dim3A_12 {add = true} : memref<32768xi32, #tpu.memory_space<vmem>>[vector<16xi32>], vector<16xi32>,
      tpu.vector_store_idx %arg8[%add3A_417], %get3A_409 {add = true} : memref<32768xf32, #tpu.memory_space<vmem>>[vector<16xi32>], vector<16xf32>,
      %mul3A_418 = arith.constant 128 : i32
      %mul3A_419 = arith.muli %scan3A_322, %mul3A_418 : i32
      %add3A_420 = arith.constant 112 : i32
      %add3A_421 = arith.addi %mul3A_419, %add3A_420 : i32
      %get3A_422 = arith.index_cast %add3A_421 : i32 to index
      %get3A_423 = tpu.vector_load %arg6[%get3A_422] {strides = array<i32>} : memref<8192xf32, #tpu.memory_space<vmem>>, vector<16xf32>,
      %mul3A_424 = arith.constant 126.030769 : f32
      %mul3A_425 = vector.broadcast %mul3A_424 : f32 to vector<16xf32>
      %mul3A_426 = arith.mulf %get3A_423, %mul3A_425 : vector<16xf32>
      %convert_element_type3A_427 = arith.fptosi %mul3A_426 : vector<16xf32> to vector<16xi32>
      %min3A_428 = arith.constant 2047 : i32
      %min3A_429 = vector.broadcast %min3A_428 : i32 to vector<16xi32>
      %min3A_430 = arith.minsi %convert_element_type3A_427, %min3A_429 : vector<16xi32>
      %add3A_431 = arith.addi %min3A_430, %mul3A_10 : vector<16xi32>
      tpu.vector_store_idx %arg7[%add3A_431], %broadcast_in_dim3A_12 {add = true} : memref<32768xi32, #tpu.memory_space<vmem>>[vector<16xi32>], vector<16xi32>,
      tpu.vector_store_idx %arg8[%add3A_431], %get3A_423 {add = true} : memref<32768xf32, #tpu.memory_space<vmem>>[vector<16xi32>], vector<16xf32>,
      %scan3A_432 = arith.constant 0 : i32
      scf.yield %scan3A_432 : i32
    }
    %scan3A_282 = arith.constant 64 : i32
    %dma_start3A_283 = arith.constant 122880 : i32
    %dma_start3A_284 = tpu.memref_slice %arg2[%arg1, %arg0, %dma_start3A_283] : memref<16x2x131072xf32, #tpu.memory_space<hbm>> -> memref<1x1x8192xf32, #tpu.memory_space<hbm>>
    %dma_start3A_285 = tpu.memref_squeeze %dma_start3A_284 : memref<1x1x8192xf32, #tpu.memory_space<hbm>> -> memref<8192xf32, #tpu.memory_space<hbm>>
    %dma_start3A_286 = arith.constant 122880 : i32
    %dma_start3A_287 = tpu.memref_slice %arg2[%arg1, %arg0, %dma_start3A_286] : memref<16x2x131072xf32, #tpu.memory_space<hbm>> -> memref<1x1x8192xf32, #tpu.memory_space<hbm>>
    %dma_start3A_288 = tpu.memref_squeeze %dma_start3A_287 : memref<1x1x8192xf32, #tpu.memory_space<hbm>> -> memref<8192xf32, #tpu.memory_space<hbm>>
    tpu.enqueue_dma source(%dma_start3A_288 : memref<8192xf32, #tpu.memory_space<hbm>>) target(%arg6 : memref<8192xf32, #tpu.memory_space<vmem>>) target_semaphore(%arg12 : memref<!tpu.dma_semaphore, #tpu.memory_space<semaphore_mem>>)
    %dma_wait3A_289 = arith.constant 114688 : i32
    %dma_wait3A_290 = tpu.memref_slice %arg2[%arg1, %arg0, %dma_wait3A_289] : memref<16x2x131072xf32, #tpu.memory_space<hbm>> -> memref<1x1x8192xf32, #tpu.memory_space<hbm>>
    %dma_wait3A_291 = tpu.memref_squeeze %dma_wait3A_290 : memref<1x1x8192xf32, #tpu.memory_space<hbm>> -> memref<8192xf32, #tpu.memory_space<hbm>>
    %dma_wait3A_292 = arith.constant 114688 : i32
    %dma_wait3A_293 = tpu.memref_slice %arg2[%arg1, %arg0, %dma_wait3A_292] : memref<16x2x131072xf32, #tpu.memory_space<hbm>> -> memref<1x1x8192xf32, #tpu.memory_space<hbm>>
    %dma_wait3A_294 = tpu.memref_squeeze %dma_wait3A_293 : memref<1x1x8192xf32, #tpu.memory_space<hbm>> -> memref<8192xf32, #tpu.memory_space<hbm>>
    tpu.wait_dma2 semaphore(%arg11 : memref<!tpu.dma_semaphore, #tpu.memory_space<semaphore_mem>>) src(%dma_wait3A_294 : memref<8192xf32, #tpu.memory_space<hbm>>) dst(%arg5 : memref<8192xf32, #tpu.memory_space<vmem>>)
    %scan3A_295 = arith.constant 0 : i32
    %scan3A_296 = arith.constant 0 : i32
    %scan3A_297 = arith.constant 64 : i32
    %scan3A_298 = arith.addi %scan3A_296, %scan3A_297 : i32
    %scan3A_299 = arith.constant 1 : i32
    %scan3A_300 = scf.for %scan3A_322 = %scan3A_296 to %scan3A_298 step %scan3A_299 iter_args(%scan3A_323 = %scan3A_295) -> (i32)  : i32 {
      %mul3A_324 = arith.constant 128 : i32
      %mul3A_325 = arith.muli %scan3A_322, %mul3A_324 : i32
      %add3A = arith.constant 0 : i32
      %add3A_326 = arith.addi %mul3A_325, %add3A : i32
      %get3A = arith.index_cast %add3A_326 : i32 to index
      %get3A_327 = tpu.vector_load %arg5[%get3A] {strides = array<i32>} : memref<8192xf32, #tpu.memory_space<vmem>>, vector<16xf32>,
      %mul3A_328 = arith.constant 126.030769 : f32
      %mul3A_329 = vector.broadcast %mul3A_328 : f32 to vector<16xf32>
      %mul3A_330 = arith.mulf %get3A_327, %mul3A_329 : vector<16xf32>
      %convert_element_type3A = arith.fptosi %mul3A_330 : vector<16xf32> to vector<16xi32>
      %min3A = arith.constant 2047 : i32
      %min3A_331 = vector.broadcast %min3A : i32 to vector<16xi32>
      %min3A_332 = arith.minsi %convert_element_type3A, %min3A_331 : vector<16xi32>
      %add3A_333 = arith.addi %min3A_332, %mul3A_10 : vector<16xi32>
      tpu.vector_store_idx %arg7[%add3A_333], %broadcast_in_dim3A_12 {add = true} : memref<32768xi32, #tpu.memory_space<vmem>>[vector<16xi32>], vector<16xi32>,
      tpu.vector_store_idx %arg8[%add3A_333], %get3A_327 {add = true} : memref<32768xf32, #tpu.memory_space<vmem>>[vector<16xi32>], vector<16xf32>,
      %mul3A_334 = arith.constant 128 : i32
      %mul3A_335 = arith.muli %scan3A_322, %mul3A_334 : i32
      %add3A_336 = arith.constant 16 : i32
      %add3A_337 = arith.addi %mul3A_335, %add3A_336 : i32
      %get3A_338 = arith.index_cast %add3A_337 : i32 to index
      %get3A_339 = tpu.vector_load %arg5[%get3A_338] {strides = array<i32>} : memref<8192xf32, #tpu.memory_space<vmem>>, vector<16xf32>,
      %mul3A_340 = arith.constant 126.030769 : f32
      %mul3A_341 = vector.broadcast %mul3A_340 : f32 to vector<16xf32>
      %mul3A_342 = arith.mulf %get3A_339, %mul3A_341 : vector<16xf32>
      %convert_element_type3A_343 = arith.fptosi %mul3A_342 : vector<16xf32> to vector<16xi32>
      %min3A_344 = arith.constant 2047 : i32
      %min3A_345 = vector.broadcast %min3A_344 : i32 to vector<16xi32>
      %min3A_346 = arith.minsi %convert_element_type3A_343, %min3A_345 : vector<16xi32>
      %add3A_347 = arith.addi %min3A_346, %mul3A_10 : vector<16xi32>
      tpu.vector_store_idx %arg7[%add3A_347], %broadcast_in_dim3A_12 {add = true} : memref<32768xi32, #tpu.memory_space<vmem>>[vector<16xi32>], vector<16xi32>,
      tpu.vector_store_idx %arg8[%add3A_347], %get3A_339 {add = true} : memref<32768xf32, #tpu.memory_space<vmem>>[vector<16xi32>], vector<16xf32>,
      %mul3A_348 = arith.constant 128 : i32
      %mul3A_349 = arith.muli %scan3A_322, %mul3A_348 : i32
      %add3A_350 = arith.constant 32 : i32
      %add3A_351 = arith.addi %mul3A_349, %add3A_350 : i32
      %get3A_352 = arith.index_cast %add3A_351 : i32 to index
      %get3A_353 = tpu.vector_load %arg5[%get3A_352] {strides = array<i32>} : memref<8192xf32, #tpu.memory_space<vmem>>, vector<16xf32>,
      %mul3A_354 = arith.constant 126.030769 : f32
      %mul3A_355 = vector.broadcast %mul3A_354 : f32 to vector<16xf32>
      %mul3A_356 = arith.mulf %get3A_353, %mul3A_355 : vector<16xf32>
      %convert_element_type3A_357 = arith.fptosi %mul3A_356 : vector<16xf32> to vector<16xi32>
      %min3A_358 = arith.constant 2047 : i32
      %min3A_359 = vector.broadcast %min3A_358 : i32 to vector<16xi32>
      %min3A_360 = arith.minsi %convert_element_type3A_357, %min3A_359 : vector<16xi32>
      %add3A_361 = arith.addi %min3A_360, %mul3A_10 : vector<16xi32>
      tpu.vector_store_idx %arg7[%add3A_361], %broadcast_in_dim3A_12 {add = true} : memref<32768xi32, #tpu.memory_space<vmem>>[vector<16xi32>], vector<16xi32>,
      tpu.vector_store_idx %arg8[%add3A_361], %get3A_353 {add = true} : memref<32768xf32, #tpu.memory_space<vmem>>[vector<16xi32>], vector<16xf32>,
      %mul3A_362 = arith.constant 128 : i32
      %mul3A_363 = arith.muli %scan3A_322, %mul3A_362 : i32
      %add3A_364 = arith.constant 48 : i32
      %add3A_365 = arith.addi %mul3A_363, %add3A_364 : i32
      %get3A_366 = arith.index_cast %add3A_365 : i32 to index
      %get3A_367 = tpu.vector_load %arg5[%get3A_366] {strides = array<i32>} : memref<8192xf32, #tpu.memory_space<vmem>>, vector<16xf32>,
      %mul3A_368 = arith.constant 126.030769 : f32
      %mul3A_369 = vector.broadcast %mul3A_368 : f32 to vector<16xf32>
      %mul3A_370 = arith.mulf %get3A_367, %mul3A_369 : vector<16xf32>
      %convert_element_type3A_371 = arith.fptosi %mul3A_370 : vector<16xf32> to vector<16xi32>
      %min3A_372 = arith.constant 2047 : i32
      %min3A_373 = vector.broadcast %min3A_372 : i32 to vector<16xi32>
      %min3A_374 = arith.minsi %convert_element_type3A_371, %min3A_373 : vector<16xi32>
      %add3A_375 = arith.addi %min3A_374, %mul3A_10 : vector<16xi32>
      tpu.vector_store_idx %arg7[%add3A_375], %broadcast_in_dim3A_12 {add = true} : memref<32768xi32, #tpu.memory_space<vmem>>[vector<16xi32>], vector<16xi32>,
      tpu.vector_store_idx %arg8[%add3A_375], %get3A_367 {add = true} : memref<32768xf32, #tpu.memory_space<vmem>>[vector<16xi32>], vector<16xf32>,
      %mul3A_376 = arith.constant 128 : i32
      %mul3A_377 = arith.muli %scan3A_322, %mul3A_376 : i32
      %add3A_378 = arith.constant 64 : i32
      %add3A_379 = arith.addi %mul3A_377, %add3A_378 : i32
      %get3A_380 = arith.index_cast %add3A_379 : i32 to index
      %get3A_381 = tpu.vector_load %arg5[%get3A_380] {strides = array<i32>} : memref<8192xf32, #tpu.memory_space<vmem>>, vector<16xf32>,
      %mul3A_382 = arith.constant 126.030769 : f32
      %mul3A_383 = vector.broadcast %mul3A_382 : f32 to vector<16xf32>
      %mul3A_384 = arith.mulf %get3A_381, %mul3A_383 : vector<16xf32>
      %convert_element_type3A_385 = arith.fptosi %mul3A_384 : vector<16xf32> to vector<16xi32>
      %min3A_386 = arith.constant 2047 : i32
      %min3A_387 = vector.broadcast %min3A_386 : i32 to vector<16xi32>
      %min3A_388 = arith.minsi %convert_element_type3A_385, %min3A_387 : vector<16xi32>
      %add3A_389 = arith.addi %min3A_388, %mul3A_10 : vector<16xi32>
      tpu.vector_store_idx %arg7[%add3A_389], %broadcast_in_dim3A_12 {add = true} : memref<32768xi32, #tpu.memory_space<vmem>>[vector<16xi32>], vector<16xi32>,
      tpu.vector_store_idx %arg8[%add3A_389], %get3A_381 {add = true} : memref<32768xf32, #tpu.memory_space<vmem>>[vector<16xi32>], vector<16xf32>,
      %mul3A_390 = arith.constant 128 : i32
      %mul3A_391 = arith.muli %scan3A_322, %mul3A_390 : i32
      %add3A_392 = arith.constant 80 : i32
      %add3A_393 = arith.addi %mul3A_391, %add3A_392 : i32
      %get3A_394 = arith.index_cast %add3A_393 : i32 to index
      %get3A_395 = tpu.vector_load %arg5[%get3A_394] {strides = array<i32>} : memref<8192xf32, #tpu.memory_space<vmem>>, vector<16xf32>,
      %mul3A_396 = arith.constant 126.030769 : f32
      %mul3A_397 = vector.broadcast %mul3A_396 : f32 to vector<16xf32>
      %mul3A_398 = arith.mulf %get3A_395, %mul3A_397 : vector<16xf32>
      %convert_element_type3A_399 = arith.fptosi %mul3A_398 : vector<16xf32> to vector<16xi32>
      %min3A_400 = arith.constant 2047 : i32
      %min3A_401 = vector.broadcast %min3A_400 : i32 to vector<16xi32>
      %min3A_402 = arith.minsi %convert_element_type3A_399, %min3A_401 : vector<16xi32>
      %add3A_403 = arith.addi %min3A_402, %mul3A_10 : vector<16xi32>
      tpu.vector_store_idx %arg7[%add3A_403], %broadcast_in_dim3A_12 {add = true} : memref<32768xi32, #tpu.memory_space<vmem>>[vector<16xi32>], vector<16xi32>,
      tpu.vector_store_idx %arg8[%add3A_403], %get3A_395 {add = true} : memref<32768xf32, #tpu.memory_space<vmem>>[vector<16xi32>], vector<16xf32>,
      %mul3A_404 = arith.constant 128 : i32
      %mul3A_405 = arith.muli %scan3A_322, %mul3A_404 : i32
      %add3A_406 = arith.constant 96 : i32
      %add3A_407 = arith.addi %mul3A_405, %add3A_406 : i32
      %get3A_408 = arith.index_cast %add3A_407 : i32 to index
      %get3A_409 = tpu.vector_load %arg5[%get3A_408] {strides = array<i32>} : memref<8192xf32, #tpu.memory_space<vmem>>, vector<16xf32>,
      %mul3A_410 = arith.constant 126.030769 : f32
      %mul3A_411 = vector.broadcast %mul3A_410 : f32 to vector<16xf32>
      %mul3A_412 = arith.mulf %get3A_409, %mul3A_411 : vector<16xf32>
      %convert_element_type3A_413 = arith.fptosi %mul3A_412 : vector<16xf32> to vector<16xi32>
      %min3A_414 = arith.constant 2047 : i32
      %min3A_415 = vector.broadcast %min3A_414 : i32 to vector<16xi32>
      %min3A_416 = arith.minsi %convert_element_type3A_413, %min3A_415 : vector<16xi32>
      %add3A_417 = arith.addi %min3A_416, %mul3A_10 : vector<16xi32>
      tpu.vector_store_idx %arg7[%add3A_417], %broadcast_in_dim3A_12 {add = true} : memref<32768xi32, #tpu.memory_space<vmem>>[vector<16xi32>], vector<16xi32>,
      tpu.vector_store_idx %arg8[%add3A_417], %get3A_409 {add = true} : memref<32768xf32, #tpu.memory_space<vmem>>[vector<16xi32>], vector<16xf32>,
      %mul3A_418 = arith.constant 128 : i32
      %mul3A_419 = arith.muli %scan3A_322, %mul3A_418 : i32
      %add3A_420 = arith.constant 112 : i32
      %add3A_421 = arith.addi %mul3A_419, %add3A_420 : i32
      %get3A_422 = arith.index_cast %add3A_421 : i32 to index
      %get3A_423 = tpu.vector_load %arg5[%get3A_422] {strides = array<i32>} : memref<8192xf32, #tpu.memory_space<vmem>>, vector<16xf32>,
      %mul3A_424 = arith.constant 126.030769 : f32
      %mul3A_425 = vector.broadcast %mul3A_424 : f32 to vector<16xf32>
      %mul3A_426 = arith.mulf %get3A_423, %mul3A_425 : vector<16xf32>
      %convert_element_type3A_427 = arith.fptosi %mul3A_426 : vector<16xf32> to vector<16xi32>
      %min3A_428 = arith.constant 2047 : i32
      %min3A_429 = vector.broadcast %min3A_428 : i32 to vector<16xi32>
      %min3A_430 = arith.minsi %convert_element_type3A_427, %min3A_429 : vector<16xi32>
      %add3A_431 = arith.addi %min3A_430, %mul3A_10 : vector<16xi32>
      tpu.vector_store_idx %arg7[%add3A_431], %broadcast_in_dim3A_12 {add = true} : memref<32768xi32, #tpu.memory_space<vmem>>[vector<16xi32>], vector<16xi32>,
      tpu.vector_store_idx %arg8[%add3A_431], %get3A_423 {add = true} : memref<32768xf32, #tpu.memory_space<vmem>>[vector<16xi32>], vector<16xf32>,
      %scan3A_432 = arith.constant 0 : i32
      scf.yield %scan3A_432 : i32
    }
    %scan3A_301 = arith.constant 64 : i32
    %dma_wait3A_302 = arith.constant 122880 : i32
    %dma_wait3A_303 = tpu.memref_slice %arg2[%arg1, %arg0, %dma_wait3A_302] : memref<16x2x131072xf32, #tpu.memory_space<hbm>> -> memref<1x1x8192xf32, #tpu.memory_space<hbm>>
    %dma_wait3A_304 = tpu.memref_squeeze %dma_wait3A_303 : memref<1x1x8192xf32, #tpu.memory_space<hbm>> -> memref<8192xf32, #tpu.memory_space<hbm>>
    %dma_wait3A_305 = arith.constant 122880 : i32
    %dma_wait3A_306 = tpu.memref_slice %arg2[%arg1, %arg0, %dma_wait3A_305] : memref<16x2x131072xf32, #tpu.memory_space<hbm>> -> memref<1x1x8192xf32, #tpu.memory_space<hbm>>
    %dma_wait3A_307 = tpu.memref_squeeze %dma_wait3A_306 : memref<1x1x8192xf32, #tpu.memory_space<hbm>> -> memref<8192xf32, #tpu.memory_space<hbm>>
    tpu.wait_dma2 semaphore(%arg12 : memref<!tpu.dma_semaphore, #tpu.memory_space<semaphore_mem>>) src(%dma_wait3A_307 : memref<8192xf32, #tpu.memory_space<hbm>>) dst(%arg6 : memref<8192xf32, #tpu.memory_space<vmem>>)
    %scan3A_308 = arith.constant 0 : i32
    %scan3A_309 = arith.constant 0 : i32
    %scan3A_310 = arith.constant 64 : i32
    %scan3A_311 = arith.addi %scan3A_309, %scan3A_310 : i32
    %scan3A_312 = arith.constant 1 : i32
    %scan3A_313 = scf.for %scan3A_322 = %scan3A_309 to %scan3A_311 step %scan3A_312 iter_args(%scan3A_323 = %scan3A_308) -> (i32)  : i32 {
      %mul3A_324 = arith.constant 128 : i32
      %mul3A_325 = arith.muli %scan3A_322, %mul3A_324 : i32
      %add3A = arith.constant 0 : i32
      %add3A_326 = arith.addi %mul3A_325, %add3A : i32
      %get3A = arith.index_cast %add3A_326 : i32 to index
      %get3A_327 = tpu.vector_load %arg6[%get3A] {strides = array<i32>} : memref<8192xf32, #tpu.memory_space<vmem>>, vector<16xf32>,
      %mul3A_328 = arith.constant 126.030769 : f32
      %mul3A_329 = vector.broadcast %mul3A_328 : f32 to vector<16xf32>
      %mul3A_330 = arith.mulf %get3A_327, %mul3A_329 : vector<16xf32>
      %convert_element_type3A = arith.fptosi %mul3A_330 : vector<16xf32> to vector<16xi32>
      %min3A = arith.constant 2047 : i32
      %min3A_331 = vector.broadcast %min3A : i32 to vector<16xi32>
      %min3A_332 = arith.minsi %convert_element_type3A, %min3A_331 : vector<16xi32>
      %add3A_333 = arith.addi %min3A_332, %mul3A_10 : vector<16xi32>
      tpu.vector_store_idx %arg7[%add3A_333], %broadcast_in_dim3A_12 {add = true} : memref<32768xi32, #tpu.memory_space<vmem>>[vector<16xi32>], vector<16xi32>,
      tpu.vector_store_idx %arg8[%add3A_333], %get3A_327 {add = true} : memref<32768xf32, #tpu.memory_space<vmem>>[vector<16xi32>], vector<16xf32>,
      %mul3A_334 = arith.constant 128 : i32
      %mul3A_335 = arith.muli %scan3A_322, %mul3A_334 : i32
      %add3A_336 = arith.constant 16 : i32
      %add3A_337 = arith.addi %mul3A_335, %add3A_336 : i32
      %get3A_338 = arith.index_cast %add3A_337 : i32 to index
      %get3A_339 = tpu.vector_load %arg6[%get3A_338] {strides = array<i32>} : memref<8192xf32, #tpu.memory_space<vmem>>, vector<16xf32>,
      %mul3A_340 = arith.constant 126.030769 : f32
      %mul3A_341 = vector.broadcast %mul3A_340 : f32 to vector<16xf32>
      %mul3A_342 = arith.mulf %get3A_339, %mul3A_341 : vector<16xf32>
      %convert_element_type3A_343 = arith.fptosi %mul3A_342 : vector<16xf32> to vector<16xi32>
      %min3A_344 = arith.constant 2047 : i32
      %min3A_345 = vector.broadcast %min3A_344 : i32 to vector<16xi32>
      %min3A_346 = arith.minsi %convert_element_type3A_343, %min3A_345 : vector<16xi32>
      %add3A_347 = arith.addi %min3A_346, %mul3A_10 : vector<16xi32>
      tpu.vector_store_idx %arg7[%add3A_347], %broadcast_in_dim3A_12 {add = true} : memref<32768xi32, #tpu.memory_space<vmem>>[vector<16xi32>], vector<16xi32>,
      tpu.vector_store_idx %arg8[%add3A_347], %get3A_339 {add = true} : memref<32768xf32, #tpu.memory_space<vmem>>[vector<16xi32>], vector<16xf32>,
      %mul3A_348 = arith.constant 128 : i32
      %mul3A_349 = arith.muli %scan3A_322, %mul3A_348 : i32
      %add3A_350 = arith.constant 32 : i32
      %add3A_351 = arith.addi %mul3A_349, %add3A_350 : i32
      %get3A_352 = arith.index_cast %add3A_351 : i32 to index
      %get3A_353 = tpu.vector_load %arg6[%get3A_352] {strides = array<i32>} : memref<8192xf32, #tpu.memory_space<vmem>>, vector<16xf32>,
      %mul3A_354 = arith.constant 126.030769 : f32
      %mul3A_355 = vector.broadcast %mul3A_354 : f32 to vector<16xf32>
      %mul3A_356 = arith.mulf %get3A_353, %mul3A_355 : vector<16xf32>
      %convert_element_type3A_357 = arith.fptosi %mul3A_356 : vector<16xf32> to vector<16xi32>
      %min3A_358 = arith.constant 2047 : i32
      %min3A_359 = vector.broadcast %min3A_358 : i32 to vector<16xi32>
      %min3A_360 = arith.minsi %convert_element_type3A_357, %min3A_359 : vector<16xi32>
      %add3A_361 = arith.addi %min3A_360, %mul3A_10 : vector<16xi32>
      tpu.vector_store_idx %arg7[%add3A_361], %broadcast_in_dim3A_12 {add = true} : memref<32768xi32, #tpu.memory_space<vmem>>[vector<16xi32>], vector<16xi32>,
      tpu.vector_store_idx %arg8[%add3A_361], %get3A_353 {add = true} : memref<32768xf32, #tpu.memory_space<vmem>>[vector<16xi32>], vector<16xf32>,
      %mul3A_362 = arith.constant 128 : i32
      %mul3A_363 = arith.muli %scan3A_322, %mul3A_362 : i32
      %add3A_364 = arith.constant 48 : i32
      %add3A_365 = arith.addi %mul3A_363, %add3A_364 : i32
      %get3A_366 = arith.index_cast %add3A_365 : i32 to index
      %get3A_367 = tpu.vector_load %arg6[%get3A_366] {strides = array<i32>} : memref<8192xf32, #tpu.memory_space<vmem>>, vector<16xf32>,
      %mul3A_368 = arith.constant 126.030769 : f32
      %mul3A_369 = vector.broadcast %mul3A_368 : f32 to vector<16xf32>
      %mul3A_370 = arith.mulf %get3A_367, %mul3A_369 : vector<16xf32>
      %convert_element_type3A_371 = arith.fptosi %mul3A_370 : vector<16xf32> to vector<16xi32>
      %min3A_372 = arith.constant 2047 : i32
      %min3A_373 = vector.broadcast %min3A_372 : i32 to vector<16xi32>
      %min3A_374 = arith.minsi %convert_element_type3A_371, %min3A_373 : vector<16xi32>
      %add3A_375 = arith.addi %min3A_374, %mul3A_10 : vector<16xi32>
      tpu.vector_store_idx %arg7[%add3A_375], %broadcast_in_dim3A_12 {add = true} : memref<32768xi32, #tpu.memory_space<vmem>>[vector<16xi32>], vector<16xi32>,
      tpu.vector_store_idx %arg8[%add3A_375], %get3A_367 {add = true} : memref<32768xf32, #tpu.memory_space<vmem>>[vector<16xi32>], vector<16xf32>,
      %mul3A_376 = arith.constant 128 : i32
      %mul3A_377 = arith.muli %scan3A_322, %mul3A_376 : i32
      %add3A_378 = arith.constant 64 : i32
      %add3A_379 = arith.addi %mul3A_377, %add3A_378 : i32
      %get3A_380 = arith.index_cast %add3A_379 : i32 to index
      %get3A_381 = tpu.vector_load %arg6[%get3A_380] {strides = array<i32>} : memref<8192xf32, #tpu.memory_space<vmem>>, vector<16xf32>,
      %mul3A_382 = arith.constant 126.030769 : f32
      %mul3A_383 = vector.broadcast %mul3A_382 : f32 to vector<16xf32>
      %mul3A_384 = arith.mulf %get3A_381, %mul3A_383 : vector<16xf32>
      %convert_element_type3A_385 = arith.fptosi %mul3A_384 : vector<16xf32> to vector<16xi32>
      %min3A_386 = arith.constant 2047 : i32
      %min3A_387 = vector.broadcast %min3A_386 : i32 to vector<16xi32>
      %min3A_388 = arith.minsi %convert_element_type3A_385, %min3A_387 : vector<16xi32>
      %add3A_389 = arith.addi %min3A_388, %mul3A_10 : vector<16xi32>
      tpu.vector_store_idx %arg7[%add3A_389], %broadcast_in_dim3A_12 {add = true} : memref<32768xi32, #tpu.memory_space<vmem>>[vector<16xi32>], vector<16xi32>,
      tpu.vector_store_idx %arg8[%add3A_389], %get3A_381 {add = true} : memref<32768xf32, #tpu.memory_space<vmem>>[vector<16xi32>], vector<16xf32>,
      %mul3A_390 = arith.constant 128 : i32
      %mul3A_391 = arith.muli %scan3A_322, %mul3A_390 : i32
      %add3A_392 = arith.constant 80 : i32
      %add3A_393 = arith.addi %mul3A_391, %add3A_392 : i32
      %get3A_394 = arith.index_cast %add3A_393 : i32 to index
      %get3A_395 = tpu.vector_load %arg6[%get3A_394] {strides = array<i32>} : memref<8192xf32, #tpu.memory_space<vmem>>, vector<16xf32>,
      %mul3A_396 = arith.constant 126.030769 : f32
      %mul3A_397 = vector.broadcast %mul3A_396 : f32 to vector<16xf32>
      %mul3A_398 = arith.mulf %get3A_395, %mul3A_397 : vector<16xf32>
      %convert_element_type3A_399 = arith.fptosi %mul3A_398 : vector<16xf32> to vector<16xi32>
      %min3A_400 = arith.constant 2047 : i32
      %min3A_401 = vector.broadcast %min3A_400 : i32 to vector<16xi32>
      %min3A_402 = arith.minsi %convert_element_type3A_399, %min3A_401 : vector<16xi32>
      %add3A_403 = arith.addi %min3A_402, %mul3A_10 : vector<16xi32>
      tpu.vector_store_idx %arg7[%add3A_403], %broadcast_in_dim3A_12 {add = true} : memref<32768xi32, #tpu.memory_space<vmem>>[vector<16xi32>], vector<16xi32>,
      tpu.vector_store_idx %arg8[%add3A_403], %get3A_395 {add = true} : memref<32768xf32, #tpu.memory_space<vmem>>[vector<16xi32>], vector<16xf32>,
      %mul3A_404 = arith.constant 128 : i32
      %mul3A_405 = arith.muli %scan3A_322, %mul3A_404 : i32
      %add3A_406 = arith.constant 96 : i32
      %add3A_407 = arith.addi %mul3A_405, %add3A_406 : i32
      %get3A_408 = arith.index_cast %add3A_407 : i32 to index
      %get3A_409 = tpu.vector_load %arg6[%get3A_408] {strides = array<i32>} : memref<8192xf32, #tpu.memory_space<vmem>>, vector<16xf32>,
      %mul3A_410 = arith.constant 126.030769 : f32
      %mul3A_411 = vector.broadcast %mul3A_410 : f32 to vector<16xf32>
      %mul3A_412 = arith.mulf %get3A_409, %mul3A_411 : vector<16xf32>
      %convert_element_type3A_413 = arith.fptosi %mul3A_412 : vector<16xf32> to vector<16xi32>
      %min3A_414 = arith.constant 2047 : i32
      %min3A_415 = vector.broadcast %min3A_414 : i32 to vector<16xi32>
      %min3A_416 = arith.minsi %convert_element_type3A_413, %min3A_415 : vector<16xi32>
      %add3A_417 = arith.addi %min3A_416, %mul3A_10 : vector<16xi32>
      tpu.vector_store_idx %arg7[%add3A_417], %broadcast_in_dim3A_12 {add = true} : memref<32768xi32, #tpu.memory_space<vmem>>[vector<16xi32>], vector<16xi32>,
      tpu.vector_store_idx %arg8[%add3A_417], %get3A_409 {add = true} : memref<32768xf32, #tpu.memory_space<vmem>>[vector<16xi32>], vector<16xf32>,
      %mul3A_418 = arith.constant 128 : i32
      %mul3A_419 = arith.muli %scan3A_322, %mul3A_418 : i32
      %add3A_420 = arith.constant 112 : i32
      %add3A_421 = arith.addi %mul3A_419, %add3A_420 : i32
      %get3A_422 = arith.index_cast %add3A_421 : i32 to index
      %get3A_423 = tpu.vector_load %arg6[%get3A_422] {strides = array<i32>} : memref<8192xf32, #tpu.memory_space<vmem>>, vector<16xf32>,
      %mul3A_424 = arith.constant 126.030769 : f32
      %mul3A_425 = vector.broadcast %mul3A_424 : f32 to vector<16xf32>
      %mul3A_426 = arith.mulf %get3A_423, %mul3A_425 : vector<16xf32>
      %convert_element_type3A_427 = arith.fptosi %mul3A_426 : vector<16xf32> to vector<16xi32>
      %min3A_428 = arith.constant 2047 : i32
      %min3A_429 = vector.broadcast %min3A_428 : i32 to vector<16xi32>
      %min3A_430 = arith.minsi %convert_element_type3A_427, %min3A_429 : vector<16xi32>
      %add3A_431 = arith.addi %min3A_430, %mul3A_10 : vector<16xi32>
      tpu.vector_store_idx %arg7[%add3A_431], %broadcast_in_dim3A_12 {add = true} : memref<32768xi32, #tpu.memory_space<vmem>>[vector<16xi32>], vector<16xi32>,
      tpu.vector_store_idx %arg8[%add3A_431], %get3A_423 {add = true} : memref<32768xf32, #tpu.memory_space<vmem>>[vector<16xi32>], vector<16xf32>,
      %scan3A_432 = arith.constant 0 : i32
      scf.yield %scan3A_432 : i32
    }
    %scan3A_314 = arith.constant 64 : i32
    %scan3A_315 = arith.constant 0 : i32
    %scan3A_316 = arith.constant 0 : i32
    %scan3A_317 = arith.constant 128 : i32
    %scan3A_318 = arith.addi %scan3A_316, %scan3A_317 : i32
    %scan3A_319 = arith.constant 1 : i32
    %scan3A_320 = scf.for %scan3A_322 = %scan3A_316 to %scan3A_318 step %scan3A_319 iter_args(%scan3A_323 = %scan3A_315) -> (i32)  : i32 {
      %mul3A_324 = arith.constant 16 : i32
      %mul3A_325 = arith.muli %scan3A_322, %mul3A_324 : i32
      %get3A = arith.index_cast %mul3A_325 : i32 to index
      %get3A_326 = tpu.vector_load %arg7[%get3A] {strides = array<i32>} : memref<32768xi32, #tpu.memory_space<vmem>>, vector<16xi32>,
      %get3A_327 = arith.index_cast %mul3A_325 : i32 to index
      %get3A_328 = tpu.vector_load %arg8[%get3A_327] {strides = array<i32>} : memref<32768xf32, #tpu.memory_space<vmem>>, vector<16xf32>,
      %add3A = arith.constant 2048 : i32
      %add3A_329 = arith.addi %add3A, %mul3A_325 : i32
      %get3A_330 = arith.index_cast %add3A_329 : i32 to index
      %get3A_331 = tpu.vector_load %arg7[%get3A_330] {strides = array<i32>} : memref<32768xi32, #tpu.memory_space<vmem>>, vector<16xi32>,
      %add3A_332 = arith.addi %get3A_326, %get3A_331 : vector<16xi32>
      %add3A_333 = arith.constant 2048 : i32
      %add3A_334 = arith.addi %add3A_333, %mul3A_325 : i32
      %get3A_335 = arith.index_cast %add3A_334 : i32 to index
      %get3A_336 = tpu.vector_load %arg8[%get3A_335] {strides = array<i32>} : memref<32768xf32, #tpu.memory_space<vmem>>, vector<16xf32>,
      %add3A_337 = arith.addf %get3A_328, %get3A_336 : vector<16xf32>
      %add3A_338 = arith.constant 4096 : i32
      %add3A_339 = arith.addi %add3A_338, %mul3A_325 : i32
      %get3A_340 = arith.index_cast %add3A_339 : i32 to index
      %get3A_341 = tpu.vector_load %arg7[%get3A_340] {strides = array<i32>} : memref<32768xi32, #tpu.memory_space<vmem>>, vector<16xi32>,
      %add3A_342 = arith.addi %add3A_332, %get3A_341 : vector<16xi32>
      %add3A_343 = arith.constant 4096 : i32
      %add3A_344 = arith.addi %add3A_343, %mul3A_325 : i32
      %get3A_345 = arith.index_cast %add3A_344 : i32 to index
      %get3A_346 = tpu.vector_load %arg8[%get3A_345] {strides = array<i32>} : memref<32768xf32, #tpu.memory_space<vmem>>, vector<16xf32>,
      %add3A_347 = arith.addf %add3A_337, %get3A_346 : vector<16xf32>
      %add3A_348 = arith.constant 6144 : i32
      %add3A_349 = arith.addi %add3A_348, %mul3A_325 : i32
      %get3A_350 = arith.index_cast %add3A_349 : i32 to index
      %get3A_351 = tpu.vector_load %arg7[%get3A_350] {strides = array<i32>} : memref<32768xi32, #tpu.memory_space<vmem>>, vector<16xi32>,
      %add3A_352 = arith.addi %add3A_342, %get3A_351 : vector<16xi32>
      %add3A_353 = arith.constant 6144 : i32
      %add3A_354 = arith.addi %add3A_353, %mul3A_325 : i32
      %get3A_355 = arith.index_cast %add3A_354 : i32 to index
      %get3A_356 = tpu.vector_load %arg8[%get3A_355] {strides = array<i32>} : memref<32768xf32, #tpu.memory_space<vmem>>, vector<16xf32>,
      %add3A_357 = arith.addf %add3A_347, %get3A_356 : vector<16xf32>
      %add3A_358 = arith.constant 8192 : i32
      %add3A_359 = arith.addi %add3A_358, %mul3A_325 : i32
      %get3A_360 = arith.index_cast %add3A_359 : i32 to index
      %get3A_361 = tpu.vector_load %arg7[%get3A_360] {strides = array<i32>} : memref<32768xi32, #tpu.memory_space<vmem>>, vector<16xi32>,
      %add3A_362 = arith.addi %add3A_352, %get3A_361 : vector<16xi32>
      %add3A_363 = arith.constant 8192 : i32
      %add3A_364 = arith.addi %add3A_363, %mul3A_325 : i32
      %get3A_365 = arith.index_cast %add3A_364 : i32 to index
      %get3A_366 = tpu.vector_load %arg8[%get3A_365] {strides = array<i32>} : memref<32768xf32, #tpu.memory_space<vmem>>, vector<16xf32>,
      %add3A_367 = arith.addf %add3A_357, %get3A_366 : vector<16xf32>
      %add3A_368 = arith.constant 10240 : i32
      %add3A_369 = arith.addi %add3A_368, %mul3A_325 : i32
      %get3A_370 = arith.index_cast %add3A_369 : i32 to index
      %get3A_371 = tpu.vector_load %arg7[%get3A_370] {strides = array<i32>} : memref<32768xi32, #tpu.memory_space<vmem>>, vector<16xi32>,
      %add3A_372 = arith.addi %add3A_362, %get3A_371 : vector<16xi32>
      %add3A_373 = arith.constant 10240 : i32
      %add3A_374 = arith.addi %add3A_373, %mul3A_325 : i32
      %get3A_375 = arith.index_cast %add3A_374 : i32 to index
      %get3A_376 = tpu.vector_load %arg8[%get3A_375] {strides = array<i32>} : memref<32768xf32, #tpu.memory_space<vmem>>, vector<16xf32>,
      %add3A_377 = arith.addf %add3A_367, %get3A_376 : vector<16xf32>
      %add3A_378 = arith.constant 12288 : i32
      %add3A_379 = arith.addi %add3A_378, %mul3A_325 : i32
      %get3A_380 = arith.index_cast %add3A_379 : i32 to index
      %get3A_381 = tpu.vector_load %arg7[%get3A_380] {strides = array<i32>} : memref<32768xi32, #tpu.memory_space<vmem>>, vector<16xi32>,
      %add3A_382 = arith.addi %add3A_372, %get3A_381 : vector<16xi32>
      %add3A_383 = arith.constant 12288 : i32
      %add3A_384 = arith.addi %add3A_383, %mul3A_325 : i32
      %get3A_385 = arith.index_cast %add3A_384 : i32 to index
      %get3A_386 = tpu.vector_load %arg8[%get3A_385] {strides = array<i32>} : memref<32768xf32, #tpu.memory_space<vmem>>, vector<16xf32>,
      %add3A_387 = arith.addf %add3A_377, %get3A_386 : vector<16xf32>
      %add3A_388 = arith.constant 14336 : i32
      %add3A_389 = arith.addi %add3A_388, %mul3A_325 : i32
      %get3A_390 = arith.index_cast %add3A_389 : i32 to index
      %get3A_391 = tpu.vector_load %arg7[%get3A_390] {strides = array<i32>} : memref<32768xi32, #tpu.memory_space<vmem>>, vector<16xi32>,
      %add3A_392 = arith.addi %add3A_382, %get3A_391 : vector<16xi32>
      %add3A_393 = arith.constant 14336 : i32
      %add3A_394 = arith.addi %add3A_393, %mul3A_325 : i32
      %get3A_395 = arith.index_cast %add3A_394 : i32 to index
      %get3A_396 = tpu.vector_load %arg8[%get3A_395] {strides = array<i32>} : memref<32768xf32, #tpu.memory_space<vmem>>, vector<16xf32>,
      %add3A_397 = arith.addf %add3A_387, %get3A_396 : vector<16xf32>
      %add3A_398 = arith.constant 16384 : i32
      %add3A_399 = arith.addi %add3A_398, %mul3A_325 : i32
      %get3A_400 = arith.index_cast %add3A_399 : i32 to index
      %get3A_401 = tpu.vector_load %arg7[%get3A_400] {strides = array<i32>} : memref<32768xi32, #tpu.memory_space<vmem>>, vector<16xi32>,
      %add3A_402 = arith.addi %add3A_392, %get3A_401 : vector<16xi32>
      %add3A_403 = arith.constant 16384 : i32
      %add3A_404 = arith.addi %add3A_403, %mul3A_325 : i32
      %get3A_405 = arith.index_cast %add3A_404 : i32 to index
      %get3A_406 = tpu.vector_load %arg8[%get3A_405] {strides = array<i32>} : memref<32768xf32, #tpu.memory_space<vmem>>, vector<16xf32>,
      %add3A_407 = arith.addf %add3A_397, %get3A_406 : vector<16xf32>
      %add3A_408 = arith.constant 18432 : i32
      %add3A_409 = arith.addi %add3A_408, %mul3A_325 : i32
      %get3A_410 = arith.index_cast %add3A_409 : i32 to index
      %get3A_411 = tpu.vector_load %arg7[%get3A_410] {strides = array<i32>} : memref<32768xi32, #tpu.memory_space<vmem>>, vector<16xi32>,
      %add3A_412 = arith.addi %add3A_402, %get3A_411 : vector<16xi32>
      %add3A_413 = arith.constant 18432 : i32
      %add3A_414 = arith.addi %add3A_413, %mul3A_325 : i32
      %get3A_415 = arith.index_cast %add3A_414 : i32 to index
      %get3A_416 = tpu.vector_load %arg8[%get3A_415] {strides = array<i32>} : memref<32768xf32, #tpu.memory_space<vmem>>, vector<16xf32>,
      %add3A_417 = arith.addf %add3A_407, %get3A_416 : vector<16xf32>
      %add3A_418 = arith.constant 20480 : i32
      %add3A_419 = arith.addi %add3A_418, %mul3A_325 : i32
      %get3A_420 = arith.index_cast %add3A_419 : i32 to index
      %get3A_421 = tpu.vector_load %arg7[%get3A_420] {strides = array<i32>} : memref<32768xi32, #tpu.memory_space<vmem>>, vector<16xi32>,
      %add3A_422 = arith.addi %add3A_412, %get3A_421 : vector<16xi32>
      %add3A_423 = arith.constant 20480 : i32
      %add3A_424 = arith.addi %add3A_423, %mul3A_325 : i32
      %get3A_425 = arith.index_cast %add3A_424 : i32 to index
      %get3A_426 = tpu.vector_load %arg8[%get3A_425] {strides = array<i32>} : memref<32768xf32, #tpu.memory_space<vmem>>, vector<16xf32>,
      %add3A_427 = arith.addf %add3A_417, %get3A_426 : vector<16xf32>
      %add3A_428 = arith.constant 22528 : i32
      %add3A_429 = arith.addi %add3A_428, %mul3A_325 : i32
      %get3A_430 = arith.index_cast %add3A_429 : i32 to index
      %get3A_431 = tpu.vector_load %arg7[%get3A_430] {strides = array<i32>} : memref<32768xi32, #tpu.memory_space<vmem>>, vector<16xi32>,
      %add3A_432 = arith.addi %add3A_422, %get3A_431 : vector<16xi32>
      %add3A_433 = arith.constant 22528 : i32
      %add3A_434 = arith.addi %add3A_433, %mul3A_325 : i32
      %get3A_435 = arith.index_cast %add3A_434 : i32 to index
      %get3A_436 = tpu.vector_load %arg8[%get3A_435] {strides = array<i32>} : memref<32768xf32, #tpu.memory_space<vmem>>, vector<16xf32>,
      %add3A_437 = arith.addf %add3A_427, %get3A_436 : vector<16xf32>
      %add3A_438 = arith.constant 24576 : i32
      %add3A_439 = arith.addi %add3A_438, %mul3A_325 : i32
      %get3A_440 = arith.index_cast %add3A_439 : i32 to index
      %get3A_441 = tpu.vector_load %arg7[%get3A_440] {strides = array<i32>} : memref<32768xi32, #tpu.memory_space<vmem>>, vector<16xi32>,
      %add3A_442 = arith.addi %add3A_432, %get3A_441 : vector<16xi32>
      %add3A_443 = arith.constant 24576 : i32
      %add3A_444 = arith.addi %add3A_443, %mul3A_325 : i32
      %get3A_445 = arith.index_cast %add3A_444 : i32 to index
      %get3A_446 = tpu.vector_load %arg8[%get3A_445] {strides = array<i32>} : memref<32768xf32, #tpu.memory_space<vmem>>, vector<16xf32>,
      %add3A_447 = arith.addf %add3A_437, %get3A_446 : vector<16xf32>
      %add3A_448 = arith.constant 26624 : i32
      %add3A_449 = arith.addi %add3A_448, %mul3A_325 : i32
      %get3A_450 = arith.index_cast %add3A_449 : i32 to index
      %get3A_451 = tpu.vector_load %arg7[%get3A_450] {strides = array<i32>} : memref<32768xi32, #tpu.memory_space<vmem>>, vector<16xi32>,
      %add3A_452 = arith.addi %add3A_442, %get3A_451 : vector<16xi32>
      %add3A_453 = arith.constant 26624 : i32
      %add3A_454 = arith.addi %add3A_453, %mul3A_325 : i32
      %get3A_455 = arith.index_cast %add3A_454 : i32 to index
      %get3A_456 = tpu.vector_load %arg8[%get3A_455] {strides = array<i32>} : memref<32768xf32, #tpu.memory_space<vmem>>, vector<16xf32>,
      %add3A_457 = arith.addf %add3A_447, %get3A_456 : vector<16xf32>
      %add3A_458 = arith.constant 28672 : i32
      %add3A_459 = arith.addi %add3A_458, %mul3A_325 : i32
      %get3A_460 = arith.index_cast %add3A_459 : i32 to index
      %get3A_461 = tpu.vector_load %arg7[%get3A_460] {strides = array<i32>} : memref<32768xi32, #tpu.memory_space<vmem>>, vector<16xi32>,
      %add3A_462 = arith.addi %add3A_452, %get3A_461 : vector<16xi32>
      %add3A_463 = arith.constant 28672 : i32
      %add3A_464 = arith.addi %add3A_463, %mul3A_325 : i32
      %get3A_465 = arith.index_cast %add3A_464 : i32 to index
      %get3A_466 = tpu.vector_load %arg8[%get3A_465] {strides = array<i32>} : memref<32768xf32, #tpu.memory_space<vmem>>, vector<16xf32>,
      %add3A_467 = arith.addf %add3A_457, %get3A_466 : vector<16xf32>
      %add3A_468 = arith.constant 30720 : i32
      %add3A_469 = arith.addi %add3A_468, %mul3A_325 : i32
      %get3A_470 = arith.index_cast %add3A_469 : i32 to index
      %get3A_471 = tpu.vector_load %arg7[%get3A_470] {strides = array<i32>} : memref<32768xi32, #tpu.memory_space<vmem>>, vector<16xi32>,
      %add3A_472 = arith.addi %add3A_462, %get3A_471 : vector<16xi32>
      %add3A_473 = arith.constant 30720 : i32
      %add3A_474 = arith.addi %add3A_473, %mul3A_325 : i32
      %get3A_475 = arith.index_cast %add3A_474 : i32 to index
      %get3A_476 = tpu.vector_load %arg8[%get3A_475] {strides = array<i32>} : memref<32768xf32, #tpu.memory_space<vmem>>, vector<16xf32>,
      %add3A_477 = arith.addf %add3A_467, %get3A_476 : vector<16xf32>
      %swap3A = arith.index_cast %mul3A_325 : i32 to index
      %swap3A_478 = tpu.vector_load %arg9[%swap3A] {strides = array<i32>} : memref<2048xi32, #tpu.memory_space<vmem>>, vector<16xi32>,
      tpu.vector_store %arg9[%swap3A], %add3A_472 {strides = array<i32>} : memref<2048xi32, #tpu.memory_space<vmem>>, vector<16xi32>,
      %swap3A_479 = arith.index_cast %mul3A_325 : i32 to index
      %swap3A_480 = tpu.vector_load %arg10[%swap3A_479] {strides = array<i32>} : memref<2048xf32, #tpu.memory_space<vmem>>, vector<16xf32>,
      tpu.vector_store %arg10[%swap3A_479], %add3A_477 {strides = array<i32>} : memref<2048xf32, #tpu.memory_space<vmem>>, vector<16xf32>,
      %scan3A_481 = arith.constant 0 : i32
      scf.yield %scan3A_481 : i32
    }
    %scan3A_321 = arith.constant 128 : i32
    "tpu.region"() ({
      %run_scoped3A = tpu.sem_alloc : memref<!tpu.dma_semaphore, #tpu.memory_space<semaphore_mem>>
      %dma_start3A_322 = arith.constant 0 : i32
      %dma_start3A_323 = tpu.memref_slice %arg3[%arg1, %arg0, %dma_start3A_322] : memref<16x2x2048xi32, #tpu.memory_space<hbm>> -> memref<1x1x2048xi32, #tpu.memory_space<hbm>>
      %dma_start3A_324 = tpu.memref_squeeze %dma_start3A_323 : memref<1x1x2048xi32, #tpu.memory_space<hbm>> -> memref<2048xi32, #tpu.memory_space<hbm>>
      %dma_start3A_325 = arith.constant 0 : i32
      %dma_start3A_326 = tpu.memref_slice %arg3[%arg1, %arg0, %dma_start3A_325] : memref<16x2x2048xi32, #tpu.memory_space<hbm>> -> memref<1x1x2048xi32, #tpu.memory_space<hbm>>
      %dma_start3A_327 = tpu.memref_squeeze %dma_start3A_326 : memref<1x1x2048xi32, #tpu.memory_space<hbm>> -> memref<2048xi32, #tpu.memory_space<hbm>>
      tpu.enqueue_dma source(%arg9 : memref<2048xi32, #tpu.memory_space<vmem>>) target(%dma_start3A_327 : memref<2048xi32, #tpu.memory_space<hbm>>) target_semaphore(%run_scoped3A : memref<!tpu.dma_semaphore, #tpu.memory_space<semaphore_mem>>)
      %dma_wait3A_328 = arith.constant 0 : i32
      %dma_wait3A_329 = tpu.memref_slice %arg3[%arg1, %arg0, %dma_wait3A_328] : memref<16x2x2048xi32, #tpu.memory_space<hbm>> -> memref<1x1x2048xi32, #tpu.memory_space<hbm>>
      %dma_wait3A_330 = tpu.memref_squeeze %dma_wait3A_329 : memref<1x1x2048xi32, #tpu.memory_space<hbm>> -> memref<2048xi32, #tpu.memory_space<hbm>>
      %dma_wait3A_331 = arith.constant 0 : i32
      %dma_wait3A_332 = tpu.memref_slice %arg3[%arg1, %arg0, %dma_wait3A_331] : memref<16x2x2048xi32, #tpu.memory_space<hbm>> -> memref<1x1x2048xi32, #tpu.memory_space<hbm>>
      %dma_wait3A_333 = tpu.memref_squeeze %dma_wait3A_332 : memref<1x1x2048xi32, #tpu.memory_space<hbm>> -> memref<2048xi32, #tpu.memory_space<hbm>>
      tpu.wait_dma2 semaphore(%run_scoped3A : memref<!tpu.dma_semaphore, #tpu.memory_space<semaphore_mem>>) src(%arg9 : memref<2048xi32, #tpu.memory_space<vmem>>) dst(%dma_wait3A_333 : memref<2048xi32, #tpu.memory_space<hbm>>)
      tpu.yield
    }) : () -> ()
    "tpu.region"() ({
      %run_scoped3A = tpu.sem_alloc : memref<!tpu.dma_semaphore, #tpu.memory_space<semaphore_mem>>
      %dma_start3A_322 = arith.constant 0 : i32
      %dma_start3A_323 = tpu.memref_slice %arg4[%arg1, %arg0, %dma_start3A_322] : memref<16x2x2048xf32, #tpu.memory_space<hbm>> -> memref<1x1x2048xf32, #tpu.memory_space<hbm>>
      %dma_start3A_324 = tpu.memref_squeeze %dma_start3A_323 : memref<1x1x2048xf32, #tpu.memory_space<hbm>> -> memref<2048xf32, #tpu.memory_space<hbm>>
      %dma_start3A_325 = arith.constant 0 : i32
      %dma_start3A_326 = tpu.memref_slice %arg4[%arg1, %arg0, %dma_start3A_325] : memref<16x2x2048xf32, #tpu.memory_space<hbm>> -> memref<1x1x2048xf32, #tpu.memory_space<hbm>>
      %dma_start3A_327 = tpu.memref_squeeze %dma_start3A_326 : memref<1x1x2048xf32, #tpu.memory_space<hbm>> -> memref<2048xf32, #tpu.memory_space<hbm>>
      tpu.enqueue_dma source(%arg10 : memref<2048xf32, #tpu.memory_space<vmem>>) target(%dma_start3A_327 : memref<2048xf32, #tpu.memory_space<hbm>>) target_semaphore(%run_scoped3A : memref<!tpu.dma_semaphore, #tpu.memory_space<semaphore_mem>>)
      %dma_wait3A_328 = arith.constant 0 : i32
      %dma_wait3A_329 = tpu.memref_slice %arg4[%arg1, %arg0, %dma_wait3A_328] : memref<16x2x2048xf32, #tpu.memory_space<hbm>> -> memref<1x1x2048xf32, #tpu.memory_space<hbm>>
      %dma_wait3A_330 = tpu.memref_squeeze %dma_wait3A_329 : memref<1x1x2048xf32, #tpu.memory_space<hbm>> -> memref<2048xf32, #tpu.memory_space<hbm>>
      %dma_wait3A_331 = arith.constant 0 : i32
      %dma_wait3A_332 = tpu.memref_slice %arg4[%arg1, %arg0, %dma_wait3A_331] : memref<16x2x2048xf32, #tpu.memory_space<hbm>> -> memref<1x1x2048xf32, #tpu.memory_space<hbm>>
      %dma_wait3A_333 = tpu.memref_squeeze %dma_wait3A_332 : memref<1x1x2048xf32, #tpu.memory_space<hbm>> -> memref<2048xf32, #tpu.memory_space<hbm>>
      tpu.wait_dma2 semaphore(%run_scoped3A : memref<!tpu.dma_semaphore, #tpu.memory_space<semaphore_mem>>) src(%arg10 : memref<2048xf32, #tpu.memory_space<vmem>>) dst(%dma_wait3A_333 : memref<2048xf32, #tpu.memory_space<hbm>>)
      tpu.yield
    }) : () -> ()
    return
  }
}

module attributes {stable_mosaic.version = 14 : i64} {
  func.func @_elemwise_body(%arg0: i32, %arg1: memref<1x2x512x512xf32, #tpu.memory_space<vmem>>, %arg2: memref<1x512x512xf32, #tpu.memory_space<vmem>>, %arg3: memref<1x512x512xf32, #tpu.memory_space<vmem>>, %arg4: memref<1x1x128xf32, #tpu.memory_space<vmem>>) attributes {dimension_semantics = [#tpu.dimension_semantics<arbitrary>], iteration_bounds = array<i64: 16>, scalar_prefetch = 0 : i64, scratch_operands = 0 : i64, tpu.core_type = #tpu.core_type<tc>, window_params = [{transform_indices = @transform_0, window_bounds = array<i64: 1, 2, 512, 512>}, {transform_indices = @transform_1, window_bounds = array<i64: 1, 512, 512>}, {transform_indices = @transform_2, window_bounds = array<i64: 1, 512, 512>}, {transform_indices = @transform_3, window_bounds = array<i64: 1, 1, 128>}]} {
    %get3A = arith.constant 0 : index
    %get3A_0 = arith.constant 0 : index
    %get3A_1 = arith.constant 0 : index
    %get3A_2 = arith.constant 0 : index
    %get3A_3 = vector.load %arg1[%get3A, %get3A_0, %get3A_1, %get3A_2] : memref<1x2x512x512xf32, #tpu.memory_space<vmem>>, vector<1x1x512x512xf32>
    %get3A_4 = vector.shape_cast %get3A_3 : vector<1x1x512x512xf32> to vector<512x512xf32>
    %get3A_5 = arith.constant 0 : index
    %get3A_6 = arith.constant 1 : index
    %get3A_7 = arith.constant 0 : index
    %get3A_8 = arith.constant 0 : index
    %get3A_9 = vector.load %arg1[%get3A_5, %get3A_6, %get3A_7, %get3A_8] : memref<1x2x512x512xf32, #tpu.memory_space<vmem>>, vector<1x1x512x512xf32>
    %get3A_10 = vector.shape_cast %get3A_9 : vector<1x1x512x512xf32> to vector<512x512xf32>
    %get3A_11 = arith.constant 0 : index
    %get3A_12 = arith.constant 0 : index
    %get3A_13 = arith.constant 0 : index
    %get3A_14 = vector.load %arg2[%get3A_11, %get3A_12, %get3A_13] : memref<1x512x512xf32, #tpu.memory_space<vmem>>, vector<1x512x512xf32>
    %get3A_15 = vector.shape_cast %get3A_14 : vector<1x512x512xf32> to vector<512x512xf32>
    %sub3A = arith.subf %get3A_10, %get3A_4 : vector<512x512xf32>
    %neg3A = arith.constant 0.000000e+00 : f32
    %neg3A_16 = vector.broadcast %neg3A : f32 to vector<512x512xf32>
    %neg3A_17 = arith.subf %neg3A_16, %sub3A : vector<512x512xf32>
    %exp3A = math.exp %neg3A_17 : vector<512x512xf32>
    %add3A = arith.constant 1.000000e+00 : f32
    %add3A_18 = vector.broadcast %add3A : f32 to vector<512x512xf32>
    %add3A_19 = arith.addf %add3A_18, %exp3A : vector<512x512xf32>
    %div3A = arith.constant 1.000000e+00 : f32
    %div3A_20 = vector.broadcast %div3A : f32 to vector<512x512xf32>
    %div3A_21 = arith.divf %div3A_20, %add3A_19 : vector<512x512xf32>
    %sub3A_22 = arith.constant 1.000000e+00 : f32
    %sub3A_23 = arith.constant 1.000000e-07 : f32
    %sub3A_24 = arith.subf %sub3A_22, %sub3A_23 : f32
    %jit3A = arith.constant 1.000000e-07 : f32
    %max3A = vector.broadcast %jit3A : f32 to vector<512x512xf32>
    %max3A_25 = arith.maximumf %max3A, %div3A_21 : vector<512x512xf32>
    %min3A = vector.broadcast %sub3A_24 : f32 to vector<512x512xf32>
    %min3A_26 = arith.minimumf %min3A, %max3A_25 : vector<512x512xf32>
    %log3A = math.log %min3A_26 : vector<512x512xf32>
    %mul3A = arith.mulf %get3A_15, %log3A : vector<512x512xf32>
    %neg3A_27 = arith.constant 0.000000e+00 : f32
    %neg3A_28 = vector.broadcast %neg3A_27 : f32 to vector<512x512xf32>
    %neg3A_29 = arith.subf %neg3A_28, %mul3A : vector<512x512xf32>
    %sub3A_30 = arith.constant 1.000000e+00 : f32
    %sub3A_31 = vector.broadcast %sub3A_30 : f32 to vector<512x512xf32>
    %sub3A_32 = arith.subf %sub3A_31, %get3A_15 : vector<512x512xf32>
    %sub3A_33 = arith.constant 1.000000e+00 : f32
    %sub3A_34 = vector.broadcast %sub3A_33 : f32 to vector<512x512xf32>
    %sub3A_35 = arith.subf %sub3A_34, %min3A_26 : vector<512x512xf32>
    %log3A_36 = math.log %sub3A_35 : vector<512x512xf32>
    %mul3A_37 = arith.mulf %sub3A_32, %log3A_36 : vector<512x512xf32>
    %neg3A_38 = arith.constant 0.000000e+00 : f32
    %neg3A_39 = vector.broadcast %neg3A_38 : f32 to vector<512x512xf32>
    %neg3A_40 = arith.subf %neg3A_39, %mul3A_37 : vector<512x512xf32>
    %swap3A = arith.constant 0 : index
    %swap3A_41 = arith.constant 0 : index
    %swap3A_42 = arith.constant 0 : index
    %swap3A_43 = vector.load %arg3[%swap3A, %swap3A_41, %swap3A_42] : memref<1x512x512xf32, #tpu.memory_space<vmem>>, vector<1x512x512xf32>
    %swap3A_44 = vector.shape_cast %swap3A_43 : vector<1x512x512xf32> to vector<512x512xf32>
    %swap3A_45 = vector.shape_cast %neg3A_40 : vector<512x512xf32> to vector<1x512x512xf32>
    tpu.vector_store %arg3[%swap3A, %swap3A_41, %swap3A_42], %swap3A_45 {strides = array<i32>} : memref<1x512x512xf32, #tpu.memory_space<vmem>>, vector<1x512x512xf32>,
    %reduce_sum3A = vector.shape_cast %neg3A_29 : vector<512x512xf32> to vector<1x512x512xf32>
    %reduce_sum3A_46 = arith.constant dense<0.000000e+00> : vector<1xf32>
    %reduce_sum3A_47 = vector.multi_reduction <add>, %reduce_sum3A, %reduce_sum3A_46 [1, 2] : vector<1x512x512xf32> to vector<1xf32>
    %reduce_sum3A_48 = vector.shape_cast %reduce_sum3A_47 : vector<1xf32> to vector<1x1x1xf32>
    %reduce_sum3A_49 = vector.extract %reduce_sum3A_48[0, 0, 0] : f32 from vector<1x1x1xf32>
    %reduce_sum3A_50 = vector.shape_cast %neg3A_40 : vector<512x512xf32> to vector<1x512x512xf32>
    %reduce_sum3A_51 = arith.constant dense<0.000000e+00> : vector<1xf32>
    %reduce_sum3A_52 = vector.multi_reduction <add>, %reduce_sum3A_50, %reduce_sum3A_51 [1, 2] : vector<1x512x512xf32> to vector<1xf32>
    %reduce_sum3A_53 = vector.shape_cast %reduce_sum3A_52 : vector<1xf32> to vector<1x1x1xf32>
    %reduce_sum3A_54 = vector.extract %reduce_sum3A_53[0, 0, 0] : f32 from vector<1x1x1xf32>
    %sub3A_55 = arith.constant 1.000000e+00 : f32
    %sub3A_56 = vector.broadcast %sub3A_55 : f32 to vector<512x512xf32>
    %sub3A_57 = arith.subf %sub3A_56, %get3A_15 : vector<512x512xf32>
    %reduce_sum3A_58 = vector.shape_cast %sub3A_57 : vector<512x512xf32> to vector<1x512x512xf32>
    %reduce_sum3A_59 = arith.constant dense<0.000000e+00> : vector<1xf32>
    %reduce_sum3A_60 = vector.multi_reduction <add>, %reduce_sum3A_58, %reduce_sum3A_59 [1, 2] : vector<1x512x512xf32> to vector<1xf32>
    %reduce_sum3A_61 = vector.shape_cast %reduce_sum3A_60 : vector<1xf32> to vector<1x1x1xf32>
    %reduce_sum3A_62 = vector.extract %reduce_sum3A_61[0, 0, 0] : f32 from vector<1x1x1xf32>
    %iota3A = tpu.iota {dimensions = array<i32: 2>} : vector<1x1x128xi32>
    %eq3A = arith.constant 0 : i32
    %eq3A_63 = vector.broadcast %eq3A : i32 to vector<1x1x128xi32>
    %eq3A_64 = arith.cmpi eq, %iota3A, %eq3A_63 : vector<1x1x128xi32>
    %eq3A_65 = arith.constant 1 : i32
    %eq3A_66 = vector.broadcast %eq3A_65 : i32 to vector<1x1x128xi32>
    %eq3A_67 = arith.cmpi eq, %iota3A, %eq3A_66 : vector<1x1x128xi32>
    %eq3A_68 = arith.constant 2 : i32
    %eq3A_69 = vector.broadcast %eq3A_68 : i32 to vector<1x1x128xi32>
    %eq3A_70 = arith.cmpi eq, %iota3A, %eq3A_69 : vector<1x1x128xi32>
    %jit3A_71 = arith.constant 0.000000e+00 : f32
    %broadcast_in_dim3A = vector.broadcast %reduce_sum3A_62 : f32 to vector<1x1x128xf32>
    %broadcast_in_dim3A_72 = vector.broadcast %jit3A_71 : f32 to vector<1x1x128xf32>
    %select_n3A = arith.select %eq3A_70, %broadcast_in_dim3A, %broadcast_in_dim3A_72 : vector<1x1x128xi1>, vector<1x1x128xf32>
    %broadcast_in_dim3A_73 = vector.broadcast %reduce_sum3A_54 : f32 to vector<1x1x128xf32>
    %select_n3A_74 = arith.select %eq3A_67, %broadcast_in_dim3A_73, %select_n3A : vector<1x1x128xi1>, vector<1x1x128xf32>
    %broadcast_in_dim3A_75 = vector.broadcast %reduce_sum3A_49 : f32 to vector<1x1x128xf32>
    %select_n3A_76 = arith.select %eq3A_64, %broadcast_in_dim3A_75, %select_n3A_74 : vector<1x1x128xi1>, vector<1x1x128xf32>
    %swap3A_77 = arith.constant 0 : index
    %swap3A_78 = arith.constant 0 : index
    %swap3A_79 = arith.constant 0 : index
    %swap3A_80 = vector.load %arg4[%swap3A_77, %swap3A_78, %swap3A_79] : memref<1x1x128xf32, #tpu.memory_space<vmem>>, vector<1x1x128xf32>
    tpu.vector_store %arg4[%swap3A_77, %swap3A_78, %swap3A_79], %select_n3A_76 {strides = array<i32>} : memref<1x1x128xf32, #tpu.memory_space<vmem>>, vector<1x1x128xf32>,
    return
  }
  func.func @transform_0(%arg0: i32) -> (i32, i32, i32, i32) {
    %c0_i32 = arith.constant 0 : i32
    %c0_i32_0 = arith.constant 0 : i32
    %c0_i32_1 = arith.constant 0 : i32
    %c0_i32_2 = arith.constant 0 : i32
    return %arg0, %c0_i32, %c0_i32_0, %c0_i32_1 : i32, i32, i32, i32
  }
  func.func @transform_1(%arg0: i32) -> (i32, i32, i32) {
    %c0_i32 = arith.constant 0 : i32
    %c0_i32_0 = arith.constant 0 : i32
    %c0_i32_1 = arith.constant 0 : i32
    return %arg0, %c0_i32, %c0_i32_0 : i32, i32, i32
  }
  func.func @transform_2(%arg0: i32) -> (i32, i32, i32) {
    %c0_i32 = arith.constant 0 : i32
    %c0_i32_0 = arith.constant 0 : i32
    %c0_i32_1 = arith.constant 0 : i32
    return %arg0, %c0_i32, %c0_i32_0 : i32, i32, i32
  }
  func.func @transform_3(%arg0: i32) -> (i32, i32, i32) {
    %c0_i32 = arith.constant 0 : i32
    %c0_i32_0 = arith.constant 0 : i32
    %c0_i32_1 = arith.constant 0 : i32
    return %arg0, %c0_i32, %c0_i32_0 : i32, i32, i32
  }
}

module attributes {stable_mosaic.version = 14 : i64} {
  func.func @_combine_body(%arg0: memref<16x2x2048xi32, #tpu.memory_space<vmem>>, %arg1: memref<16x2x2048xf32, #tpu.memory_space<vmem>>, %arg2: memref<16x1x128xf32, #tpu.memory_space<vmem>>, %arg3: memref<16x1x128xf32, #tpu.memory_space<vmem>>, %arg4: memref<1x128xf32, #tpu.memory_space<vmem>>) attributes {dimension_semantics = [], scalar_prefetch = 0 : i64, scratch_operands = 0 : i64, tpu.core_type = #tpu.core_type<tc>} {
    %get3A = arith.constant 0 : index
    %get3A_0 = arith.constant 0 : index
    %get3A_1 = arith.constant 0 : index
    %get3A_2 = vector.load %arg0[%get3A, %get3A_0, %get3A_1] : memref<16x2x2048xi32, #tpu.memory_space<vmem>>, vector<16x2x2048xi32>
    %convert_element_type3A = arith.sitofp %get3A_2 : vector<16x2x2048xi32> to vector<16x2x2048xf32>
    %get3A_3 = arith.constant 0 : index
    %get3A_4 = arith.constant 0 : index
    %get3A_5 = arith.constant 0 : index
    %get3A_6 = vector.load %arg1[%get3A_3, %get3A_4, %get3A_5] : memref<16x2x2048xf32, #tpu.memory_space<vmem>>, vector<16x2x2048xf32>
    %slice3A = vector.extract_strided_slice %convert_element_type3A {offsets = [0, 0, 0], sizes = [16, 1, 2048], strides = [1, 1, 1]} : vector<16x2x2048xf32> to vector<16x1x2048xf32>
    %squeeze3A = vector.shape_cast %slice3A : vector<16x1x2048xf32> to vector<16x2048xf32>
    %slice3A_7 = vector.extract_strided_slice %convert_element_type3A {offsets = [0, 1, 0], sizes = [16, 1, 2048], strides = [1, 1, 1]} : vector<16x2x2048xf32> to vector<16x1x2048xf32>
    %squeeze3A_8 = vector.shape_cast %slice3A_7 : vector<16x1x2048xf32> to vector<16x2048xf32>
    %add3A = arith.addf %squeeze3A, %squeeze3A_8 : vector<16x2048xf32>
    %slice3A_9 = vector.extract_strided_slice %get3A_6 {offsets = [0, 0, 0], sizes = [16, 1, 2048], strides = [1, 1, 1]} : vector<16x2x2048xf32> to vector<16x1x2048xf32>
    %squeeze3A_10 = vector.shape_cast %slice3A_9 : vector<16x1x2048xf32> to vector<16x2048xf32>
    %slice3A_11 = vector.extract_strided_slice %get3A_6 {offsets = [0, 1, 0], sizes = [16, 1, 2048], strides = [1, 1, 1]} : vector<16x2x2048xf32> to vector<16x1x2048xf32>
    %squeeze3A_12 = vector.shape_cast %slice3A_11 : vector<16x1x2048xf32> to vector<16x2048xf32>
    %add3A_13 = arith.addf %squeeze3A_10, %squeeze3A_12 : vector<16x2048xf32>
    %get3A_14 = arith.constant 0 : index
    %get3A_15 = arith.constant 0 : index
    %get3A_16 = arith.constant 0 : index
    %get3A_17 = vector.load %arg3[%get3A_14, %get3A_15, %get3A_16] : memref<16x1x128xf32, #tpu.memory_space<vmem>>, vector<16x1x128xf32>
    %squeeze3A_18 = vector.shape_cast %get3A_17 : vector<16x1x128xf32> to vector<16x128xf32>
    %slice3A_19 = vector.extract_strided_slice %squeeze3A_18 {offsets = [0, 0], sizes = [16, 1], strides = [1, 1]} : vector<16x128xf32> to vector<16x1xf32>
    %slice3A_20 = vector.extract_strided_slice %squeeze3A_18 {offsets = [0, 1], sizes = [16, 1], strides = [1, 1]} : vector<16x128xf32> to vector<16x1xf32>
    %slice3A_21 = vector.extract_strided_slice %add3A {offsets = [0, 0], sizes = [16, 128], strides = [1, 1]} : vector<16x2048xf32> to vector<16x128xf32>
    %reduce_sum3A = arith.constant dense<0.000000e+00> : vector<16xf32>
    %reduce_sum3A_22 = vector.multi_reduction <add>, %slice3A_21, %reduce_sum3A [1] : vector<16x128xf32> to vector<16xf32>
    %broadcast_in_dim3A = vector.shape_cast %reduce_sum3A_22 : vector<16xf32> to vector<16x1xf32>
    %slice3A_23 = vector.extract_strided_slice %add3A {offsets = [0, 128], sizes = [16, 128], strides = [1, 1]} : vector<16x2048xf32> to vector<16x128xf32>
    %reduce_sum3A_24 = arith.constant dense<0.000000e+00> : vector<16xf32>
    %reduce_sum3A_25 = vector.multi_reduction <add>, %slice3A_23, %reduce_sum3A_24 [1] : vector<16x128xf32> to vector<16xf32>
    %broadcast_in_dim3A_26 = vector.shape_cast %reduce_sum3A_25 : vector<16xf32> to vector<16x1xf32>
    %slice3A_27 = vector.extract_strided_slice %add3A {offsets = [0, 256], sizes = [16, 128], strides = [1, 1]} : vector<16x2048xf32> to vector<16x128xf32>
    %reduce_sum3A_28 = arith.constant dense<0.000000e+00> : vector<16xf32>
    %reduce_sum3A_29 = vector.multi_reduction <add>, %slice3A_27, %reduce_sum3A_28 [1] : vector<16x128xf32> to vector<16xf32>
    %broadcast_in_dim3A_30 = vector.shape_cast %reduce_sum3A_29 : vector<16xf32> to vector<16x1xf32>
    %slice3A_31 = vector.extract_strided_slice %add3A {offsets = [0, 384], sizes = [16, 128], strides = [1, 1]} : vector<16x2048xf32> to vector<16x128xf32>
    %reduce_sum3A_32 = arith.constant dense<0.000000e+00> : vector<16xf32>
    %reduce_sum3A_33 = vector.multi_reduction <add>, %slice3A_31, %reduce_sum3A_32 [1] : vector<16x128xf32> to vector<16xf32>
    %broadcast_in_dim3A_34 = vector.shape_cast %reduce_sum3A_33 : vector<16xf32> to vector<16x1xf32>
    %slice3A_35 = vector.extract_strided_slice %add3A {offsets = [0, 512], sizes = [16, 128], strides = [1, 1]} : vector<16x2048xf32> to vector<16x128xf32>
    %reduce_sum3A_36 = arith.constant dense<0.000000e+00> : vector<16xf32>
    %reduce_sum3A_37 = vector.multi_reduction <add>, %slice3A_35, %reduce_sum3A_36 [1] : vector<16x128xf32> to vector<16xf32>
    %broadcast_in_dim3A_38 = vector.shape_cast %reduce_sum3A_37 : vector<16xf32> to vector<16x1xf32>
    %slice3A_39 = vector.extract_strided_slice %add3A {offsets = [0, 640], sizes = [16, 128], strides = [1, 1]} : vector<16x2048xf32> to vector<16x128xf32>
    %reduce_sum3A_40 = arith.constant dense<0.000000e+00> : vector<16xf32>
    %reduce_sum3A_41 = vector.multi_reduction <add>, %slice3A_39, %reduce_sum3A_40 [1] : vector<16x128xf32> to vector<16xf32>
    %broadcast_in_dim3A_42 = vector.shape_cast %reduce_sum3A_41 : vector<16xf32> to vector<16x1xf32>
    %slice3A_43 = vector.extract_strided_slice %add3A {offsets = [0, 768], sizes = [16, 128], strides = [1, 1]} : vector<16x2048xf32> to vector<16x128xf32>
    %reduce_sum3A_44 = arith.constant dense<0.000000e+00> : vector<16xf32>
    %reduce_sum3A_45 = vector.multi_reduction <add>, %slice3A_43, %reduce_sum3A_44 [1] : vector<16x128xf32> to vector<16xf32>
    %broadcast_in_dim3A_46 = vector.shape_cast %reduce_sum3A_45 : vector<16xf32> to vector<16x1xf32>
    %slice3A_47 = vector.extract_strided_slice %add3A {offsets = [0, 896], sizes = [16, 128], strides = [1, 1]} : vector<16x2048xf32> to vector<16x128xf32>
    %reduce_sum3A_48 = arith.constant dense<0.000000e+00> : vector<16xf32>
    %reduce_sum3A_49 = vector.multi_reduction <add>, %slice3A_47, %reduce_sum3A_48 [1] : vector<16x128xf32> to vector<16xf32>
    %broadcast_in_dim3A_50 = vector.shape_cast %reduce_sum3A_49 : vector<16xf32> to vector<16x1xf32>
    %slice3A_51 = vector.extract_strided_slice %add3A {offsets = [0, 1024], sizes = [16, 128], strides = [1, 1]} : vector<16x2048xf32> to vector<16x128xf32>
    %reduce_sum3A_52 = arith.constant dense<0.000000e+00> : vector<16xf32>
    %reduce_sum3A_53 = vector.multi_reduction <add>, %slice3A_51, %reduce_sum3A_52 [1] : vector<16x128xf32> to vector<16xf32>
    %broadcast_in_dim3A_54 = vector.shape_cast %reduce_sum3A_53 : vector<16xf32> to vector<16x1xf32>
    %slice3A_55 = vector.extract_strided_slice %add3A {offsets = [0, 1152], sizes = [16, 128], strides = [1, 1]} : vector<16x2048xf32> to vector<16x128xf32>
    %reduce_sum3A_56 = arith.constant dense<0.000000e+00> : vector<16xf32>
    %reduce_sum3A_57 = vector.multi_reduction <add>, %slice3A_55, %reduce_sum3A_56 [1] : vector<16x128xf32> to vector<16xf32>
    %broadcast_in_dim3A_58 = vector.shape_cast %reduce_sum3A_57 : vector<16xf32> to vector<16x1xf32>
    %slice3A_59 = vector.extract_strided_slice %add3A {offsets = [0, 1280], sizes = [16, 128], strides = [1, 1]} : vector<16x2048xf32> to vector<16x128xf32>
    %reduce_sum3A_60 = arith.constant dense<0.000000e+00> : vector<16xf32>
    %reduce_sum3A_61 = vector.multi_reduction <add>, %slice3A_59, %reduce_sum3A_60 [1] : vector<16x128xf32> to vector<16xf32>
    %broadcast_in_dim3A_62 = vector.shape_cast %reduce_sum3A_61 : vector<16xf32> to vector<16x1xf32>
    %slice3A_63 = vector.extract_strided_slice %add3A {offsets = [0, 1408], sizes = [16, 128], strides = [1, 1]} : vector<16x2048xf32> to vector<16x128xf32>
    %reduce_sum3A_64 = arith.constant dense<0.000000e+00> : vector<16xf32>
    %reduce_sum3A_65 = vector.multi_reduction <add>, %slice3A_63, %reduce_sum3A_64 [1] : vector<16x128xf32> to vector<16xf32>
    %broadcast_in_dim3A_66 = vector.shape_cast %reduce_sum3A_65 : vector<16xf32> to vector<16x1xf32>
    %slice3A_67 = vector.extract_strided_slice %add3A {offsets = [0, 1536], sizes = [16, 128], strides = [1, 1]} : vector<16x2048xf32> to vector<16x128xf32>
    %reduce_sum3A_68 = arith.constant dense<0.000000e+00> : vector<16xf32>
    %reduce_sum3A_69 = vector.multi_reduction <add>, %slice3A_67, %reduce_sum3A_68 [1] : vector<16x128xf32> to vector<16xf32>
    %broadcast_in_dim3A_70 = vector.shape_cast %reduce_sum3A_69 : vector<16xf32> to vector<16x1xf32>
    %slice3A_71 = vector.extract_strided_slice %add3A {offsets = [0, 1664], sizes = [16, 128], strides = [1, 1]} : vector<16x2048xf32> to vector<16x128xf32>
    %reduce_sum3A_72 = arith.constant dense<0.000000e+00> : vector<16xf32>
    %reduce_sum3A_73 = vector.multi_reduction <add>, %slice3A_71, %reduce_sum3A_72 [1] : vector<16x128xf32> to vector<16xf32>
    %broadcast_in_dim3A_74 = vector.shape_cast %reduce_sum3A_73 : vector<16xf32> to vector<16x1xf32>
    %slice3A_75 = vector.extract_strided_slice %add3A {offsets = [0, 1792], sizes = [16, 128], strides = [1, 1]} : vector<16x2048xf32> to vector<16x128xf32>
    %reduce_sum3A_76 = arith.constant dense<0.000000e+00> : vector<16xf32>
    %reduce_sum3A_77 = vector.multi_reduction <add>, %slice3A_75, %reduce_sum3A_76 [1] : vector<16x128xf32> to vector<16xf32>
    %broadcast_in_dim3A_78 = vector.shape_cast %reduce_sum3A_77 : vector<16xf32> to vector<16x1xf32>
    %slice3A_79 = vector.extract_strided_slice %add3A {offsets = [0, 1920], sizes = [16, 128], strides = [1, 1]} : vector<16x2048xf32> to vector<16x128xf32>
    %reduce_sum3A_80 = arith.constant dense<0.000000e+00> : vector<16xf32>
    %reduce_sum3A_81 = vector.multi_reduction <add>, %slice3A_79, %reduce_sum3A_80 [1] : vector<16x128xf32> to vector<16xf32>
    %broadcast_in_dim3A_82 = vector.shape_cast %reduce_sum3A_81 : vector<16xf32> to vector<16x1xf32>
    %concatenate3A = tpu.concatenate %broadcast_in_dim3A, %broadcast_in_dim3A_26, %broadcast_in_dim3A_30, %broadcast_in_dim3A_34, %broadcast_in_dim3A_38, %broadcast_in_dim3A_42, %broadcast_in_dim3A_46, %broadcast_in_dim3A_50, %broadcast_in_dim3A_54, %broadcast_in_dim3A_58, %broadcast_in_dim3A_62, %broadcast_in_dim3A_66, %broadcast_in_dim3A_70, %broadcast_in_dim3A_74, %broadcast_in_dim3A_78, %broadcast_in_dim3A_82 in 1 : vector<16x1xf32>, vector<16x1xf32>, vector<16x1xf32>, vector<16x1xf32>, vector<16x1xf32>, vector<16x1xf32>, vector<16x1xf32>, vector<16x1xf32>, vector<16x1xf32>, vector<16x1xf32>, vector<16x1xf32>, vector<16x1xf32>, vector<16x1xf32>, vector<16x1xf32>, vector<16x1xf32>, vector<16x1xf32> -> vector<16x16xf32>
    %slice3A_83 = vector.extract_strided_slice %concatenate3A {offsets = [0, 1], sizes = [16, 15], strides = [1, 1]} : vector<16x16xf32> to vector<16x15xf32>
    %broadcast_in_dim3A_84 = arith.constant 0.000000e+00 : f32
    %broadcast_in_dim3A_85 = vector.broadcast %broadcast_in_dim3A_84 : f32 to vector<16x1xf32>
    %concatenate3A_86 = tpu.concatenate %slice3A_83, %broadcast_in_dim3A_85 in 1 : vector<16x15xf32>, vector<16x1xf32> -> vector<16x16xf32>
    %add3A_87 = arith.addf %concatenate3A, %concatenate3A_86 : vector<16x16xf32>
    %slice3A_88 = vector.extract_strided_slice %add3A_87 {offsets = [0, 2], sizes = [16, 14], strides = [1, 1]} : vector<16x16xf32> to vector<16x14xf32>
    %broadcast_in_dim3A_89 = arith.constant 0.000000e+00 : f32
    %broadcast_in_dim3A_90 = vector.broadcast %broadcast_in_dim3A_89 : f32 to vector<16x2xf32>
    %concatenate3A_91 = tpu.concatenate %slice3A_88, %broadcast_in_dim3A_90 in 1 : vector<16x14xf32>, vector<16x2xf32> -> vector<16x16xf32>
    %add3A_92 = arith.addf %add3A_87, %concatenate3A_91 : vector<16x16xf32>
    %slice3A_93 = vector.extract_strided_slice %add3A_92 {offsets = [0, 4], sizes = [16, 12], strides = [1, 1]} : vector<16x16xf32> to vector<16x12xf32>
    %broadcast_in_dim3A_94 = arith.constant 0.000000e+00 : f32
    %broadcast_in_dim3A_95 = vector.broadcast %broadcast_in_dim3A_94 : f32 to vector<16x4xf32>
    %concatenate3A_96 = tpu.concatenate %slice3A_93, %broadcast_in_dim3A_95 in 1 : vector<16x12xf32>, vector<16x4xf32> -> vector<16x16xf32>
    %add3A_97 = arith.addf %add3A_92, %concatenate3A_96 : vector<16x16xf32>
    %slice3A_98 = vector.extract_strided_slice %add3A_97 {offsets = [0, 8], sizes = [16, 8], strides = [1, 1]} : vector<16x16xf32> to vector<16x8xf32>
    %broadcast_in_dim3A_99 = arith.constant 0.000000e+00 : f32
    %broadcast_in_dim3A_100 = vector.broadcast %broadcast_in_dim3A_99 : f32 to vector<16x8xf32>
    %concatenate3A_101 = tpu.concatenate %slice3A_98, %broadcast_in_dim3A_100 in 1 : vector<16x8xf32>, vector<16x8xf32> -> vector<16x16xf32>
    %add3A_102 = arith.addf %add3A_97, %concatenate3A_101 : vector<16x16xf32>
    %ge3A = vector.broadcast %slice3A_19 : vector<16x1xf32> to vector<16x16xf32>
    %ge3A_103 = arith.cmpf oge, %add3A_102, %ge3A : vector<16x16xf32>
    %convert_element_type3A_104 = arith.extui %ge3A_103 : vector<16x16xi1> to vector<16x16xi32>
    %convert_element_type3A_105 = arith.sitofp %convert_element_type3A_104 : vector<16x16xi32> to vector<16x16xf32>
    %reduce_sum3A_106 = arith.constant dense<0.000000e+00> : vector<16xf32>
    %reduce_sum3A_107 = vector.multi_reduction <add>, %convert_element_type3A_105, %reduce_sum3A_106 [1] : vector<16x16xf32> to vector<16xf32>
    %broadcast_in_dim3A_108 = vector.shape_cast %reduce_sum3A_107 : vector<16xf32> to vector<16x1xf32>
    %sub3A = arith.constant 1.000000e+00 : f32
    %sub3A_109 = vector.broadcast %sub3A : f32 to vector<16x1xf32>
    %sub3A_110 = arith.subf %broadcast_in_dim3A_108, %sub3A_109 : vector<16x1xf32>
    %iota3A = tpu.iota {dimensions = array<i32: 1>} : vector<16x16xi32>
    %convert_element_type3A_111 = arith.sitofp %iota3A : vector<16x16xi32> to vector<16x16xf32>
    %add3A_112 = arith.constant 1.000000e+00 : f32
    %add3A_113 = vector.broadcast %add3A_112 : f32 to vector<16x1xf32>
    %add3A_114 = arith.addf %sub3A_110, %add3A_113 : vector<16x1xf32>
    %eq3A = vector.broadcast %add3A_114 : vector<16x1xf32> to vector<16x16xf32>
    %eq3A_115 = arith.cmpf oeq, %convert_element_type3A_111, %eq3A : vector<16x16xf32>
    %jit3A = arith.constant 0.000000e+00 : f32
    %broadcast_in_dim3A_116 = vector.broadcast %jit3A : f32 to vector<16x16xf32>
    %select_n3A = arith.select %eq3A_115, %add3A_102, %broadcast_in_dim3A_116 : vector<16x16xi1>, vector<16x16xf32>
    %reduce_sum3A_117 = arith.constant dense<0.000000e+00> : vector<16xf32>
    %reduce_sum3A_118 = vector.multi_reduction <add>, %select_n3A, %reduce_sum3A_117 [1] : vector<16x16xf32> to vector<16xf32>
    %broadcast_in_dim3A_119 = vector.shape_cast %reduce_sum3A_118 : vector<16xf32> to vector<16x1xf32>
    %slice3A_120 = vector.extract_strided_slice %add3A_13 {offsets = [0, 0], sizes = [16, 128], strides = [1, 1]} : vector<16x2048xf32> to vector<16x128xf32>
    %reduce_sum3A_121 = arith.constant dense<0.000000e+00> : vector<16xf32>
    %reduce_sum3A_122 = vector.multi_reduction <add>, %slice3A_120, %reduce_sum3A_121 [1] : vector<16x128xf32> to vector<16xf32>
    %broadcast_in_dim3A_123 = vector.shape_cast %reduce_sum3A_122 : vector<16xf32> to vector<16x1xf32>
    %slice3A_124 = vector.extract_strided_slice %add3A_13 {offsets = [0, 128], sizes = [16, 128], strides = [1, 1]} : vector<16x2048xf32> to vector<16x128xf32>
    %reduce_sum3A_125 = arith.constant dense<0.000000e+00> : vector<16xf32>
    %reduce_sum3A_126 = vector.multi_reduction <add>, %slice3A_124, %reduce_sum3A_125 [1] : vector<16x128xf32> to vector<16xf32>
    %broadcast_in_dim3A_127 = vector.shape_cast %reduce_sum3A_126 : vector<16xf32> to vector<16x1xf32>
    %slice3A_128 = vector.extract_strided_slice %add3A_13 {offsets = [0, 256], sizes = [16, 128], strides = [1, 1]} : vector<16x2048xf32> to vector<16x128xf32>
    %reduce_sum3A_129 = arith.constant dense<0.000000e+00> : vector<16xf32>
    %reduce_sum3A_130 = vector.multi_reduction <add>, %slice3A_128, %reduce_sum3A_129 [1] : vector<16x128xf32> to vector<16xf32>
    %broadcast_in_dim3A_131 = vector.shape_cast %reduce_sum3A_130 : vector<16xf32> to vector<16x1xf32>
    %slice3A_132 = vector.extract_strided_slice %add3A_13 {offsets = [0, 384], sizes = [16, 128], strides = [1, 1]} : vector<16x2048xf32> to vector<16x128xf32>
    %reduce_sum3A_133 = arith.constant dense<0.000000e+00> : vector<16xf32>
    %reduce_sum3A_134 = vector.multi_reduction <add>, %slice3A_132, %reduce_sum3A_133 [1] : vector<16x128xf32> to vector<16xf32>
    %broadcast_in_dim3A_135 = vector.shape_cast %reduce_sum3A_134 : vector<16xf32> to vector<16x1xf32>
    %slice3A_136 = vector.extract_strided_slice %add3A_13 {offsets = [0, 512], sizes = [16, 128], strides = [1, 1]} : vector<16x2048xf32> to vector<16x128xf32>
    %reduce_sum3A_137 = arith.constant dense<0.000000e+00> : vector<16xf32>
    %reduce_sum3A_138 = vector.multi_reduction <add>, %slice3A_136, %reduce_sum3A_137 [1] : vector<16x128xf32> to vector<16xf32>
    %broadcast_in_dim3A_139 = vector.shape_cast %reduce_sum3A_138 : vector<16xf32> to vector<16x1xf32>
    %slice3A_140 = vector.extract_strided_slice %add3A_13 {offsets = [0, 640], sizes = [16, 128], strides = [1, 1]} : vector<16x2048xf32> to vector<16x128xf32>
    %reduce_sum3A_141 = arith.constant dense<0.000000e+00> : vector<16xf32>
    %reduce_sum3A_142 = vector.multi_reduction <add>, %slice3A_140, %reduce_sum3A_141 [1] : vector<16x128xf32> to vector<16xf32>
    %broadcast_in_dim3A_143 = vector.shape_cast %reduce_sum3A_142 : vector<16xf32> to vector<16x1xf32>
    %slice3A_144 = vector.extract_strided_slice %add3A_13 {offsets = [0, 768], sizes = [16, 128], strides = [1, 1]} : vector<16x2048xf32> to vector<16x128xf32>
    %reduce_sum3A_145 = arith.constant dense<0.000000e+00> : vector<16xf32>
    %reduce_sum3A_146 = vector.multi_reduction <add>, %slice3A_144, %reduce_sum3A_145 [1] : vector<16x128xf32> to vector<16xf32>
    %broadcast_in_dim3A_147 = vector.shape_cast %reduce_sum3A_146 : vector<16xf32> to vector<16x1xf32>
    %slice3A_148 = vector.extract_strided_slice %add3A_13 {offsets = [0, 896], sizes = [16, 128], strides = [1, 1]} : vector<16x2048xf32> to vector<16x128xf32>
    %reduce_sum3A_149 = arith.constant dense<0.000000e+00> : vector<16xf32>
    %reduce_sum3A_150 = vector.multi_reduction <add>, %slice3A_148, %reduce_sum3A_149 [1] : vector<16x128xf32> to vector<16xf32>
    %broadcast_in_dim3A_151 = vector.shape_cast %reduce_sum3A_150 : vector<16xf32> to vector<16x1xf32>
    %slice3A_152 = vector.extract_strided_slice %add3A_13 {offsets = [0, 1024], sizes = [16, 128], strides = [1, 1]} : vector<16x2048xf32> to vector<16x128xf32>
    %reduce_sum3A_153 = arith.constant dense<0.000000e+00> : vector<16xf32>
    %reduce_sum3A_154 = vector.multi_reduction <add>, %slice3A_152, %reduce_sum3A_153 [1] : vector<16x128xf32> to vector<16xf32>
    %broadcast_in_dim3A_155 = vector.shape_cast %reduce_sum3A_154 : vector<16xf32> to vector<16x1xf32>
    %slice3A_156 = vector.extract_strided_slice %add3A_13 {offsets = [0, 1152], sizes = [16, 128], strides = [1, 1]} : vector<16x2048xf32> to vector<16x128xf32>
    %reduce_sum3A_157 = arith.constant dense<0.000000e+00> : vector<16xf32>
    %reduce_sum3A_158 = vector.multi_reduction <add>, %slice3A_156, %reduce_sum3A_157 [1] : vector<16x128xf32> to vector<16xf32>
    %broadcast_in_dim3A_159 = vector.shape_cast %reduce_sum3A_158 : vector<16xf32> to vector<16x1xf32>
    %slice3A_160 = vector.extract_strided_slice %add3A_13 {offsets = [0, 1280], sizes = [16, 128], strides = [1, 1]} : vector<16x2048xf32> to vector<16x128xf32>
    %reduce_sum3A_161 = arith.constant dense<0.000000e+00> : vector<16xf32>
    %reduce_sum3A_162 = vector.multi_reduction <add>, %slice3A_160, %reduce_sum3A_161 [1] : vector<16x128xf32> to vector<16xf32>
    %broadcast_in_dim3A_163 = vector.shape_cast %reduce_sum3A_162 : vector<16xf32> to vector<16x1xf32>
    %slice3A_164 = vector.extract_strided_slice %add3A_13 {offsets = [0, 1408], sizes = [16, 128], strides = [1, 1]} : vector<16x2048xf32> to vector<16x128xf32>
    %reduce_sum3A_165 = arith.constant dense<0.000000e+00> : vector<16xf32>
    %reduce_sum3A_166 = vector.multi_reduction <add>, %slice3A_164, %reduce_sum3A_165 [1] : vector<16x128xf32> to vector<16xf32>
    %broadcast_in_dim3A_167 = vector.shape_cast %reduce_sum3A_166 : vector<16xf32> to vector<16x1xf32>
    %slice3A_168 = vector.extract_strided_slice %add3A_13 {offsets = [0, 1536], sizes = [16, 128], strides = [1, 1]} : vector<16x2048xf32> to vector<16x128xf32>
    %reduce_sum3A_169 = arith.constant dense<0.000000e+00> : vector<16xf32>
    %reduce_sum3A_170 = vector.multi_reduction <add>, %slice3A_168, %reduce_sum3A_169 [1] : vector<16x128xf32> to vector<16xf32>
    %broadcast_in_dim3A_171 = vector.shape_cast %reduce_sum3A_170 : vector<16xf32> to vector<16x1xf32>
    %slice3A_172 = vector.extract_strided_slice %add3A_13 {offsets = [0, 1664], sizes = [16, 128], strides = [1, 1]} : vector<16x2048xf32> to vector<16x128xf32>
    %reduce_sum3A_173 = arith.constant dense<0.000000e+00> : vector<16xf32>
    %reduce_sum3A_174 = vector.multi_reduction <add>, %slice3A_172, %reduce_sum3A_173 [1] : vector<16x128xf32> to vector<16xf32>
    %broadcast_in_dim3A_175 = vector.shape_cast %reduce_sum3A_174 : vector<16xf32> to vector<16x1xf32>
    %slice3A_176 = vector.extract_strided_slice %add3A_13 {offsets = [0, 1792], sizes = [16, 128], strides = [1, 1]} : vector<16x2048xf32> to vector<16x128xf32>
    %reduce_sum3A_177 = arith.constant dense<0.000000e+00> : vector<16xf32>
    %reduce_sum3A_178 = vector.multi_reduction <add>, %slice3A_176, %reduce_sum3A_177 [1] : vector<16x128xf32> to vector<16xf32>
    %broadcast_in_dim3A_179 = vector.shape_cast %reduce_sum3A_178 : vector<16xf32> to vector<16x1xf32>
    %slice3A_180 = vector.extract_strided_slice %add3A_13 {offsets = [0, 1920], sizes = [16, 128], strides = [1, 1]} : vector<16x2048xf32> to vector<16x128xf32>
    %reduce_sum3A_181 = arith.constant dense<0.000000e+00> : vector<16xf32>
    %reduce_sum3A_182 = vector.multi_reduction <add>, %slice3A_180, %reduce_sum3A_181 [1] : vector<16x128xf32> to vector<16xf32>
    %broadcast_in_dim3A_183 = vector.shape_cast %reduce_sum3A_182 : vector<16xf32> to vector<16x1xf32>
    %concatenate3A_184 = tpu.concatenate %broadcast_in_dim3A_123, %broadcast_in_dim3A_127, %broadcast_in_dim3A_131, %broadcast_in_dim3A_135, %broadcast_in_dim3A_139, %broadcast_in_dim3A_143, %broadcast_in_dim3A_147, %broadcast_in_dim3A_151, %broadcast_in_dim3A_155, %broadcast_in_dim3A_159, %broadcast_in_dim3A_163, %broadcast_in_dim3A_167, %broadcast_in_dim3A_171, %broadcast_in_dim3A_175, %broadcast_in_dim3A_179, %broadcast_in_dim3A_183 in 1 : vector<16x1xf32>, vector<16x1xf32>, vector<16x1xf32>, vector<16x1xf32>, vector<16x1xf32>, vector<16x1xf32>, vector<16x1xf32>, vector<16x1xf32>, vector<16x1xf32>, vector<16x1xf32>, vector<16x1xf32>, vector<16x1xf32>, vector<16x1xf32>, vector<16x1xf32>, vector<16x1xf32>, vector<16x1xf32> -> vector<16x16xf32>
    %slice3A_185 = vector.extract_strided_slice %concatenate3A_184 {offsets = [0, 1], sizes = [16, 15], strides = [1, 1]} : vector<16x16xf32> to vector<16x15xf32>
    %broadcast_in_dim3A_186 = arith.constant 0.000000e+00 : f32
    %broadcast_in_dim3A_187 = vector.broadcast %broadcast_in_dim3A_186 : f32 to vector<16x1xf32>
    %concatenate3A_188 = tpu.concatenate %slice3A_185, %broadcast_in_dim3A_187 in 1 : vector<16x15xf32>, vector<16x1xf32> -> vector<16x16xf32>
    %add3A_189 = arith.addf %concatenate3A_184, %concatenate3A_188 : vector<16x16xf32>
    %slice3A_190 = vector.extract_strided_slice %add3A_189 {offsets = [0, 2], sizes = [16, 14], strides = [1, 1]} : vector<16x16xf32> to vector<16x14xf32>
    %broadcast_in_dim3A_191 = arith.constant 0.000000e+00 : f32
    %broadcast_in_dim3A_192 = vector.broadcast %broadcast_in_dim3A_191 : f32 to vector<16x2xf32>
    %concatenate3A_193 = tpu.concatenate %slice3A_190, %broadcast_in_dim3A_192 in 1 : vector<16x14xf32>, vector<16x2xf32> -> vector<16x16xf32>
    %add3A_194 = arith.addf %add3A_189, %concatenate3A_193 : vector<16x16xf32>
    %slice3A_195 = vector.extract_strided_slice %add3A_194 {offsets = [0, 4], sizes = [16, 12], strides = [1, 1]} : vector<16x16xf32> to vector<16x12xf32>
    %broadcast_in_dim3A_196 = arith.constant 0.000000e+00 : f32
    %broadcast_in_dim3A_197 = vector.broadcast %broadcast_in_dim3A_196 : f32 to vector<16x4xf32>
    %concatenate3A_198 = tpu.concatenate %slice3A_195, %broadcast_in_dim3A_197 in 1 : vector<16x12xf32>, vector<16x4xf32> -> vector<16x16xf32>
    %add3A_199 = arith.addf %add3A_194, %concatenate3A_198 : vector<16x16xf32>
    %slice3A_200 = vector.extract_strided_slice %add3A_199 {offsets = [0, 8], sizes = [16, 8], strides = [1, 1]} : vector<16x16xf32> to vector<16x8xf32>
    %broadcast_in_dim3A_201 = arith.constant 0.000000e+00 : f32
    %broadcast_in_dim3A_202 = vector.broadcast %broadcast_in_dim3A_201 : f32 to vector<16x8xf32>
    %concatenate3A_203 = tpu.concatenate %slice3A_200, %broadcast_in_dim3A_202 in 1 : vector<16x8xf32>, vector<16x8xf32> -> vector<16x16xf32>
    %add3A_204 = arith.addf %add3A_199, %concatenate3A_203 : vector<16x16xf32>
    %add3A_205 = arith.constant 1.000000e+00 : f32
    %add3A_206 = vector.broadcast %add3A_205 : f32 to vector<16x1xf32>
    %add3A_207 = arith.addf %sub3A_110, %add3A_206 : vector<16x1xf32>
    %eq3A_208 = vector.broadcast %add3A_207 : vector<16x1xf32> to vector<16x16xf32>
    %eq3A_209 = arith.cmpf oeq, %convert_element_type3A_111, %eq3A_208 : vector<16x16xf32>
    %jit3A_210 = arith.constant 0.000000e+00 : f32
    %broadcast_in_dim3A_211 = vector.broadcast %jit3A_210 : f32 to vector<16x16xf32>
    %select_n3A_212 = arith.select %eq3A_209, %add3A_204, %broadcast_in_dim3A_211 : vector<16x16xi1>, vector<16x16xf32>
    %reduce_sum3A_213 = arith.constant dense<0.000000e+00> : vector<16xf32>
    %reduce_sum3A_214 = vector.multi_reduction <add>, %select_n3A_212, %reduce_sum3A_213 [1] : vector<16x16xf32> to vector<16xf32>
    %broadcast_in_dim3A_215 = vector.shape_cast %reduce_sum3A_214 : vector<16xf32> to vector<16x1xf32>
    %broadcast_in_dim3A_216 = arith.constant 0.000000e+00 : f32
    %broadcast_in_dim3A_217 = vector.broadcast %broadcast_in_dim3A_216 : f32 to vector<16x128xf32>
    %broadcast_in_dim3A_218 = arith.constant 0.000000e+00 : f32
    %broadcast_in_dim3A_219 = vector.broadcast %broadcast_in_dim3A_218 : f32 to vector<16x128xf32>
    %eq3A_220 = arith.constant 0.000000e+00 : f32
    %eq3A_221 = vector.broadcast %eq3A_220 : f32 to vector<16x1xf32>
    %eq3A_222 = arith.cmpf oeq, %sub3A_110, %eq3A_221 : vector<16x1xf32>
    %convert_element_type3A_223 = arith.extui %eq3A_222 : vector<16x1xi1> to vector<16x1xi32>
    %convert_element_type3A_224 = arith.sitofp %convert_element_type3A_223 : vector<16x1xi32> to vector<16x1xf32>
    %slice3A_225 = vector.extract_strided_slice %add3A {offsets = [0, 0], sizes = [16, 128], strides = [1, 1]} : vector<16x2048xf32> to vector<16x128xf32>
    %mul3A = vector.broadcast %convert_element_type3A_224 : vector<16x1xf32> to vector<16x128xf32>
    %mul3A_226 = arith.mulf %mul3A, %slice3A_225 : vector<16x128xf32>
    %add3A_227 = arith.addf %broadcast_in_dim3A_217, %mul3A_226 : vector<16x128xf32>
    %slice3A_228 = vector.extract_strided_slice %add3A_13 {offsets = [0, 0], sizes = [16, 128], strides = [1, 1]} : vector<16x2048xf32> to vector<16x128xf32>
    %mul3A_229 = vector.broadcast %convert_element_type3A_224 : vector<16x1xf32> to vector<16x128xf32>
    %mul3A_230 = arith.mulf %mul3A_229, %slice3A_228 : vector<16x128xf32>
    %add3A_231 = arith.addf %broadcast_in_dim3A_219, %mul3A_230 : vector<16x128xf32>
    %eq3A_232 = arith.constant 1.000000e+00 : f32
    %eq3A_233 = vector.broadcast %eq3A_232 : f32 to vector<16x1xf32>
    %eq3A_234 = arith.cmpf oeq, %sub3A_110, %eq3A_233 : vector<16x1xf32>
    %convert_element_type3A_235 = arith.extui %eq3A_234 : vector<16x1xi1> to vector<16x1xi32>
    %convert_element_type3A_236 = arith.sitofp %convert_element_type3A_235 : vector<16x1xi32> to vector<16x1xf32>
    %slice3A_237 = vector.extract_strided_slice %add3A {offsets = [0, 128], sizes = [16, 128], strides = [1, 1]} : vector<16x2048xf32> to vector<16x128xf32>
    %mul3A_238 = vector.broadcast %convert_element_type3A_236 : vector<16x1xf32> to vector<16x128xf32>
    %mul3A_239 = arith.mulf %mul3A_238, %slice3A_237 : vector<16x128xf32>
    %add3A_240 = arith.addf %add3A_227, %mul3A_239 : vector<16x128xf32>
    %slice3A_241 = vector.extract_strided_slice %add3A_13 {offsets = [0, 128], sizes = [16, 128], strides = [1, 1]} : vector<16x2048xf32> to vector<16x128xf32>
    %mul3A_242 = vector.broadcast %convert_element_type3A_236 : vector<16x1xf32> to vector<16x128xf32>
    %mul3A_243 = arith.mulf %mul3A_242, %slice3A_241 : vector<16x128xf32>
    %add3A_244 = arith.addf %add3A_231, %mul3A_243 : vector<16x128xf32>
    %eq3A_245 = arith.constant 2.000000e+00 : f32
    %eq3A_246 = vector.broadcast %eq3A_245 : f32 to vector<16x1xf32>
    %eq3A_247 = arith.cmpf oeq, %sub3A_110, %eq3A_246 : vector<16x1xf32>
    %convert_element_type3A_248 = arith.extui %eq3A_247 : vector<16x1xi1> to vector<16x1xi32>
    %convert_element_type3A_249 = arith.sitofp %convert_element_type3A_248 : vector<16x1xi32> to vector<16x1xf32>
    %slice3A_250 = vector.extract_strided_slice %add3A {offsets = [0, 256], sizes = [16, 128], strides = [1, 1]} : vector<16x2048xf32> to vector<16x128xf32>
    %mul3A_251 = vector.broadcast %convert_element_type3A_249 : vector<16x1xf32> to vector<16x128xf32>
    %mul3A_252 = arith.mulf %mul3A_251, %slice3A_250 : vector<16x128xf32>
    %add3A_253 = arith.addf %add3A_240, %mul3A_252 : vector<16x128xf32>
    %slice3A_254 = vector.extract_strided_slice %add3A_13 {offsets = [0, 256], sizes = [16, 128], strides = [1, 1]} : vector<16x2048xf32> to vector<16x128xf32>
    %mul3A_255 = vector.broadcast %convert_element_type3A_249 : vector<16x1xf32> to vector<16x128xf32>
    %mul3A_256 = arith.mulf %mul3A_255, %slice3A_254 : vector<16x128xf32>
    %add3A_257 = arith.addf %add3A_244, %mul3A_256 : vector<16x128xf32>
    %eq3A_258 = arith.constant 3.000000e+00 : f32
    %eq3A_259 = vector.broadcast %eq3A_258 : f32 to vector<16x1xf32>
    %eq3A_260 = arith.cmpf oeq, %sub3A_110, %eq3A_259 : vector<16x1xf32>
    %convert_element_type3A_261 = arith.extui %eq3A_260 : vector<16x1xi1> to vector<16x1xi32>
    %convert_element_type3A_262 = arith.sitofp %convert_element_type3A_261 : vector<16x1xi32> to vector<16x1xf32>
    %slice3A_263 = vector.extract_strided_slice %add3A {offsets = [0, 384], sizes = [16, 128], strides = [1, 1]} : vector<16x2048xf32> to vector<16x128xf32>
    %mul3A_264 = vector.broadcast %convert_element_type3A_262 : vector<16x1xf32> to vector<16x128xf32>
    %mul3A_265 = arith.mulf %mul3A_264, %slice3A_263 : vector<16x128xf32>
    %add3A_266 = arith.addf %add3A_253, %mul3A_265 : vector<16x128xf32>
    %slice3A_267 = vector.extract_strided_slice %add3A_13 {offsets = [0, 384], sizes = [16, 128], strides = [1, 1]} : vector<16x2048xf32> to vector<16x128xf32>
    %mul3A_268 = vector.broadcast %convert_element_type3A_262 : vector<16x1xf32> to vector<16x128xf32>
    %mul3A_269 = arith.mulf %mul3A_268, %slice3A_267 : vector<16x128xf32>
    %add3A_270 = arith.addf %add3A_257, %mul3A_269 : vector<16x128xf32>
    %eq3A_271 = arith.constant 4.000000e+00 : f32
    %eq3A_272 = vector.broadcast %eq3A_271 : f32 to vector<16x1xf32>
    %eq3A_273 = arith.cmpf oeq, %sub3A_110, %eq3A_272 : vector<16x1xf32>
    %convert_element_type3A_274 = arith.extui %eq3A_273 : vector<16x1xi1> to vector<16x1xi32>
    %convert_element_type3A_275 = arith.sitofp %convert_element_type3A_274 : vector<16x1xi32> to vector<16x1xf32>
    %slice3A_276 = vector.extract_strided_slice %add3A {offsets = [0, 512], sizes = [16, 128], strides = [1, 1]} : vector<16x2048xf32> to vector<16x128xf32>
    %mul3A_277 = vector.broadcast %convert_element_type3A_275 : vector<16x1xf32> to vector<16x128xf32>
    %mul3A_278 = arith.mulf %mul3A_277, %slice3A_276 : vector<16x128xf32>
    %add3A_279 = arith.addf %add3A_266, %mul3A_278 : vector<16x128xf32>
    %slice3A_280 = vector.extract_strided_slice %add3A_13 {offsets = [0, 512], sizes = [16, 128], strides = [1, 1]} : vector<16x2048xf32> to vector<16x128xf32>
    %mul3A_281 = vector.broadcast %convert_element_type3A_275 : vector<16x1xf32> to vector<16x128xf32>
    %mul3A_282 = arith.mulf %mul3A_281, %slice3A_280 : vector<16x128xf32>
    %add3A_283 = arith.addf %add3A_270, %mul3A_282 : vector<16x128xf32>
    %eq3A_284 = arith.constant 5.000000e+00 : f32
    %eq3A_285 = vector.broadcast %eq3A_284 : f32 to vector<16x1xf32>
    %eq3A_286 = arith.cmpf oeq, %sub3A_110, %eq3A_285 : vector<16x1xf32>
    %convert_element_type3A_287 = arith.extui %eq3A_286 : vector<16x1xi1> to vector<16x1xi32>
    %convert_element_type3A_288 = arith.sitofp %convert_element_type3A_287 : vector<16x1xi32> to vector<16x1xf32>
    %slice3A_289 = vector.extract_strided_slice %add3A {offsets = [0, 640], sizes = [16, 128], strides = [1, 1]} : vector<16x2048xf32> to vector<16x128xf32>
    %mul3A_290 = vector.broadcast %convert_element_type3A_288 : vector<16x1xf32> to vector<16x128xf32>
    %mul3A_291 = arith.mulf %mul3A_290, %slice3A_289 : vector<16x128xf32>
    %add3A_292 = arith.addf %add3A_279, %mul3A_291 : vector<16x128xf32>
    %slice3A_293 = vector.extract_strided_slice %add3A_13 {offsets = [0, 640], sizes = [16, 128], strides = [1, 1]} : vector<16x2048xf32> to vector<16x128xf32>
    %mul3A_294 = vector.broadcast %convert_element_type3A_288 : vector<16x1xf32> to vector<16x128xf32>
    %mul3A_295 = arith.mulf %mul3A_294, %slice3A_293 : vector<16x128xf32>
    %add3A_296 = arith.addf %add3A_283, %mul3A_295 : vector<16x128xf32>
    %eq3A_297 = arith.constant 6.000000e+00 : f32
    %eq3A_298 = vector.broadcast %eq3A_297 : f32 to vector<16x1xf32>
    %eq3A_299 = arith.cmpf oeq, %sub3A_110, %eq3A_298 : vector<16x1xf32>
    %convert_element_type3A_300 = arith.extui %eq3A_299 : vector<16x1xi1> to vector<16x1xi32>
    %convert_element_type3A_301 = arith.sitofp %convert_element_type3A_300 : vector<16x1xi32> to vector<16x1xf32>
    %slice3A_302 = vector.extract_strided_slice %add3A {offsets = [0, 768], sizes = [16, 128], strides = [1, 1]} : vector<16x2048xf32> to vector<16x128xf32>
    %mul3A_303 = vector.broadcast %convert_element_type3A_301 : vector<16x1xf32> to vector<16x128xf32>
    %mul3A_304 = arith.mulf %mul3A_303, %slice3A_302 : vector<16x128xf32>
    %add3A_305 = arith.addf %add3A_292, %mul3A_304 : vector<16x128xf32>
    %slice3A_306 = vector.extract_strided_slice %add3A_13 {offsets = [0, 768], sizes = [16, 128], strides = [1, 1]} : vector<16x2048xf32> to vector<16x128xf32>
    %mul3A_307 = vector.broadcast %convert_element_type3A_301 : vector<16x1xf32> to vector<16x128xf32>
    %mul3A_308 = arith.mulf %mul3A_307, %slice3A_306 : vector<16x128xf32>
    %add3A_309 = arith.addf %add3A_296, %mul3A_308 : vector<16x128xf32>
    %eq3A_310 = arith.constant 7.000000e+00 : f32
    %eq3A_311 = vector.broadcast %eq3A_310 : f32 to vector<16x1xf32>
    %eq3A_312 = arith.cmpf oeq, %sub3A_110, %eq3A_311 : vector<16x1xf32>
    %convert_element_type3A_313 = arith.extui %eq3A_312 : vector<16x1xi1> to vector<16x1xi32>
    %convert_element_type3A_314 = arith.sitofp %convert_element_type3A_313 : vector<16x1xi32> to vector<16x1xf32>
    %slice3A_315 = vector.extract_strided_slice %add3A {offsets = [0, 896], sizes = [16, 128], strides = [1, 1]} : vector<16x2048xf32> to vector<16x128xf32>
    %mul3A_316 = vector.broadcast %convert_element_type3A_314 : vector<16x1xf32> to vector<16x128xf32>
    %mul3A_317 = arith.mulf %mul3A_316, %slice3A_315 : vector<16x128xf32>
    %add3A_318 = arith.addf %add3A_305, %mul3A_317 : vector<16x128xf32>
    %slice3A_319 = vector.extract_strided_slice %add3A_13 {offsets = [0, 896], sizes = [16, 128], strides = [1, 1]} : vector<16x2048xf32> to vector<16x128xf32>
    %mul3A_320 = vector.broadcast %convert_element_type3A_314 : vector<16x1xf32> to vector<16x128xf32>
    %mul3A_321 = arith.mulf %mul3A_320, %slice3A_319 : vector<16x128xf32>
    %add3A_322 = arith.addf %add3A_309, %mul3A_321 : vector<16x128xf32>
    %eq3A_323 = arith.constant 8.000000e+00 : f32
    %eq3A_324 = vector.broadcast %eq3A_323 : f32 to vector<16x1xf32>
    %eq3A_325 = arith.cmpf oeq, %sub3A_110, %eq3A_324 : vector<16x1xf32>
    %convert_element_type3A_326 = arith.extui %eq3A_325 : vector<16x1xi1> to vector<16x1xi32>
    %convert_element_type3A_327 = arith.sitofp %convert_element_type3A_326 : vector<16x1xi32> to vector<16x1xf32>
    %slice3A_328 = vector.extract_strided_slice %add3A {offsets = [0, 1024], sizes = [16, 128], strides = [1, 1]} : vector<16x2048xf32> to vector<16x128xf32>
    %mul3A_329 = vector.broadcast %convert_element_type3A_327 : vector<16x1xf32> to vector<16x128xf32>
    %mul3A_330 = arith.mulf %mul3A_329, %slice3A_328 : vector<16x128xf32>
    %add3A_331 = arith.addf %add3A_318, %mul3A_330 : vector<16x128xf32>
    %slice3A_332 = vector.extract_strided_slice %add3A_13 {offsets = [0, 1024], sizes = [16, 128], strides = [1, 1]} : vector<16x2048xf32> to vector<16x128xf32>
    %mul3A_333 = vector.broadcast %convert_element_type3A_327 : vector<16x1xf32> to vector<16x128xf32>
    %mul3A_334 = arith.mulf %mul3A_333, %slice3A_332 : vector<16x128xf32>
    %add3A_335 = arith.addf %add3A_322, %mul3A_334 : vector<16x128xf32>
    %eq3A_336 = arith.constant 9.000000e+00 : f32
    %eq3A_337 = vector.broadcast %eq3A_336 : f32 to vector<16x1xf32>
    %eq3A_338 = arith.cmpf oeq, %sub3A_110, %eq3A_337 : vector<16x1xf32>
    %convert_element_type3A_339 = arith.extui %eq3A_338 : vector<16x1xi1> to vector<16x1xi32>
    %convert_element_type3A_340 = arith.sitofp %convert_element_type3A_339 : vector<16x1xi32> to vector<16x1xf32>
    %slice3A_341 = vector.extract_strided_slice %add3A {offsets = [0, 1152], sizes = [16, 128], strides = [1, 1]} : vector<16x2048xf32> to vector<16x128xf32>
    %mul3A_342 = vector.broadcast %convert_element_type3A_340 : vector<16x1xf32> to vector<16x128xf32>
    %mul3A_343 = arith.mulf %mul3A_342, %slice3A_341 : vector<16x128xf32>
    %add3A_344 = arith.addf %add3A_331, %mul3A_343 : vector<16x128xf32>
    %slice3A_345 = vector.extract_strided_slice %add3A_13 {offsets = [0, 1152], sizes = [16, 128], strides = [1, 1]} : vector<16x2048xf32> to vector<16x128xf32>
    %mul3A_346 = vector.broadcast %convert_element_type3A_340 : vector<16x1xf32> to vector<16x128xf32>
    %mul3A_347 = arith.mulf %mul3A_346, %slice3A_345 : vector<16x128xf32>
    %add3A_348 = arith.addf %add3A_335, %mul3A_347 : vector<16x128xf32>
    %eq3A_349 = arith.constant 1.000000e+01 : f32
    %eq3A_350 = vector.broadcast %eq3A_349 : f32 to vector<16x1xf32>
    %eq3A_351 = arith.cmpf oeq, %sub3A_110, %eq3A_350 : vector<16x1xf32>
    %convert_element_type3A_352 = arith.extui %eq3A_351 : vector<16x1xi1> to vector<16x1xi32>
    %convert_element_type3A_353 = arith.sitofp %convert_element_type3A_352 : vector<16x1xi32> to vector<16x1xf32>
    %slice3A_354 = vector.extract_strided_slice %add3A {offsets = [0, 1280], sizes = [16, 128], strides = [1, 1]} : vector<16x2048xf32> to vector<16x128xf32>
    %mul3A_355 = vector.broadcast %convert_element_type3A_353 : vector<16x1xf32> to vector<16x128xf32>
    %mul3A_356 = arith.mulf %mul3A_355, %slice3A_354 : vector<16x128xf32>
    %add3A_357 = arith.addf %add3A_344, %mul3A_356 : vector<16x128xf32>
    %slice3A_358 = vector.extract_strided_slice %add3A_13 {offsets = [0, 1280], sizes = [16, 128], strides = [1, 1]} : vector<16x2048xf32> to vector<16x128xf32>
    %mul3A_359 = vector.broadcast %convert_element_type3A_353 : vector<16x1xf32> to vector<16x128xf32>
    %mul3A_360 = arith.mulf %mul3A_359, %slice3A_358 : vector<16x128xf32>
    %add3A_361 = arith.addf %add3A_348, %mul3A_360 : vector<16x128xf32>
    %eq3A_362 = arith.constant 1.100000e+01 : f32
    %eq3A_363 = vector.broadcast %eq3A_362 : f32 to vector<16x1xf32>
    %eq3A_364 = arith.cmpf oeq, %sub3A_110, %eq3A_363 : vector<16x1xf32>
    %convert_element_type3A_365 = arith.extui %eq3A_364 : vector<16x1xi1> to vector<16x1xi32>
    %convert_element_type3A_366 = arith.sitofp %convert_element_type3A_365 : vector<16x1xi32> to vector<16x1xf32>
    %slice3A_367 = vector.extract_strided_slice %add3A {offsets = [0, 1408], sizes = [16, 128], strides = [1, 1]} : vector<16x2048xf32> to vector<16x128xf32>
    %mul3A_368 = vector.broadcast %convert_element_type3A_366 : vector<16x1xf32> to vector<16x128xf32>
    %mul3A_369 = arith.mulf %mul3A_368, %slice3A_367 : vector<16x128xf32>
    %add3A_370 = arith.addf %add3A_357, %mul3A_369 : vector<16x128xf32>
    %slice3A_371 = vector.extract_strided_slice %add3A_13 {offsets = [0, 1408], sizes = [16, 128], strides = [1, 1]} : vector<16x2048xf32> to vector<16x128xf32>
    %mul3A_372 = vector.broadcast %convert_element_type3A_366 : vector<16x1xf32> to vector<16x128xf32>
    %mul3A_373 = arith.mulf %mul3A_372, %slice3A_371 : vector<16x128xf32>
    %add3A_374 = arith.addf %add3A_361, %mul3A_373 : vector<16x128xf32>
    %eq3A_375 = arith.constant 1.200000e+01 : f32
    %eq3A_376 = vector.broadcast %eq3A_375 : f32 to vector<16x1xf32>
    %eq3A_377 = arith.cmpf oeq, %sub3A_110, %eq3A_376 : vector<16x1xf32>
    %convert_element_type3A_378 = arith.extui %eq3A_377 : vector<16x1xi1> to vector<16x1xi32>
    %convert_element_type3A_379 = arith.sitofp %convert_element_type3A_378 : vector<16x1xi32> to vector<16x1xf32>
    %slice3A_380 = vector.extract_strided_slice %add3A {offsets = [0, 1536], sizes = [16, 128], strides = [1, 1]} : vector<16x2048xf32> to vector<16x128xf32>
    %mul3A_381 = vector.broadcast %convert_element_type3A_379 : vector<16x1xf32> to vector<16x128xf32>
    %mul3A_382 = arith.mulf %mul3A_381, %slice3A_380 : vector<16x128xf32>
    %add3A_383 = arith.addf %add3A_370, %mul3A_382 : vector<16x128xf32>
    %slice3A_384 = vector.extract_strided_slice %add3A_13 {offsets = [0, 1536], sizes = [16, 128], strides = [1, 1]} : vector<16x2048xf32> to vector<16x128xf32>
    %mul3A_385 = vector.broadcast %convert_element_type3A_379 : vector<16x1xf32> to vector<16x128xf32>
    %mul3A_386 = arith.mulf %mul3A_385, %slice3A_384 : vector<16x128xf32>
    %add3A_387 = arith.addf %add3A_374, %mul3A_386 : vector<16x128xf32>
    %eq3A_388 = arith.constant 1.300000e+01 : f32
    %eq3A_389 = vector.broadcast %eq3A_388 : f32 to vector<16x1xf32>
    %eq3A_390 = arith.cmpf oeq, %sub3A_110, %eq3A_389 : vector<16x1xf32>
    %convert_element_type3A_391 = arith.extui %eq3A_390 : vector<16x1xi1> to vector<16x1xi32>
    %convert_element_type3A_392 = arith.sitofp %convert_element_type3A_391 : vector<16x1xi32> to vector<16x1xf32>
    %slice3A_393 = vector.extract_strided_slice %add3A {offsets = [0, 1664], sizes = [16, 128], strides = [1, 1]} : vector<16x2048xf32> to vector<16x128xf32>
    %mul3A_394 = vector.broadcast %convert_element_type3A_392 : vector<16x1xf32> to vector<16x128xf32>
    %mul3A_395 = arith.mulf %mul3A_394, %slice3A_393 : vector<16x128xf32>
    %add3A_396 = arith.addf %add3A_383, %mul3A_395 : vector<16x128xf32>
    %slice3A_397 = vector.extract_strided_slice %add3A_13 {offsets = [0, 1664], sizes = [16, 128], strides = [1, 1]} : vector<16x2048xf32> to vector<16x128xf32>
    %mul3A_398 = vector.broadcast %convert_element_type3A_392 : vector<16x1xf32> to vector<16x128xf32>
    %mul3A_399 = arith.mulf %mul3A_398, %slice3A_397 : vector<16x128xf32>
    %add3A_400 = arith.addf %add3A_387, %mul3A_399 : vector<16x128xf32>
    %eq3A_401 = arith.constant 1.400000e+01 : f32
    %eq3A_402 = vector.broadcast %eq3A_401 : f32 to vector<16x1xf32>
    %eq3A_403 = arith.cmpf oeq, %sub3A_110, %eq3A_402 : vector<16x1xf32>
    %convert_element_type3A_404 = arith.extui %eq3A_403 : vector<16x1xi1> to vector<16x1xi32>
    %convert_element_type3A_405 = arith.sitofp %convert_element_type3A_404 : vector<16x1xi32> to vector<16x1xf32>
    %slice3A_406 = vector.extract_strided_slice %add3A {offsets = [0, 1792], sizes = [16, 128], strides = [1, 1]} : vector<16x2048xf32> to vector<16x128xf32>
    %mul3A_407 = vector.broadcast %convert_element_type3A_405 : vector<16x1xf32> to vector<16x128xf32>
    %mul3A_408 = arith.mulf %mul3A_407, %slice3A_406 : vector<16x128xf32>
    %add3A_409 = arith.addf %add3A_396, %mul3A_408 : vector<16x128xf32>
    %slice3A_410 = vector.extract_strided_slice %add3A_13 {offsets = [0, 1792], sizes = [16, 128], strides = [1, 1]} : vector<16x2048xf32> to vector<16x128xf32>
    %mul3A_411 = vector.broadcast %convert_element_type3A_405 : vector<16x1xf32> to vector<16x128xf32>
    %mul3A_412 = arith.mulf %mul3A_411, %slice3A_410 : vector<16x128xf32>
    %add3A_413 = arith.addf %add3A_400, %mul3A_412 : vector<16x128xf32>
    %eq3A_414 = arith.constant 1.500000e+01 : f32
    %eq3A_415 = vector.broadcast %eq3A_414 : f32 to vector<16x1xf32>
    %eq3A_416 = arith.cmpf oeq, %sub3A_110, %eq3A_415 : vector<16x1xf32>
    %convert_element_type3A_417 = arith.extui %eq3A_416 : vector<16x1xi1> to vector<16x1xi32>
    %convert_element_type3A_418 = arith.sitofp %convert_element_type3A_417 : vector<16x1xi32> to vector<16x1xf32>
    %slice3A_419 = vector.extract_strided_slice %add3A {offsets = [0, 1920], sizes = [16, 128], strides = [1, 1]} : vector<16x2048xf32> to vector<16x128xf32>
    %mul3A_420 = vector.broadcast %convert_element_type3A_418 : vector<16x1xf32> to vector<16x128xf32>
    %mul3A_421 = arith.mulf %mul3A_420, %slice3A_419 : vector<16x128xf32>
    %add3A_422 = arith.addf %add3A_409, %mul3A_421 : vector<16x128xf32>
    %slice3A_423 = vector.extract_strided_slice %add3A_13 {offsets = [0, 1920], sizes = [16, 128], strides = [1, 1]} : vector<16x2048xf32> to vector<16x128xf32>
    %mul3A_424 = vector.broadcast %convert_element_type3A_418 : vector<16x1xf32> to vector<16x128xf32>
    %mul3A_425 = arith.mulf %mul3A_424, %slice3A_423 : vector<16x128xf32>
    %add3A_426 = arith.addf %add3A_413, %mul3A_425 : vector<16x128xf32>
    %slice3A_427 = vector.extract_strided_slice %add3A_422 {offsets = [0, 1], sizes = [16, 127], strides = [1, 1]} : vector<16x128xf32> to vector<16x127xf32>
    %broadcast_in_dim3A_428 = arith.constant 0.000000e+00 : f32
    %broadcast_in_dim3A_429 = vector.broadcast %broadcast_in_dim3A_428 : f32 to vector<16x1xf32>
    %concatenate3A_430 = tpu.concatenate %slice3A_427, %broadcast_in_dim3A_429 in 1 : vector<16x127xf32>, vector<16x1xf32> -> vector<16x128xf32>
    %add3A_431 = arith.addf %add3A_422, %concatenate3A_430 : vector<16x128xf32>
    %slice3A_432 = vector.extract_strided_slice %add3A_431 {offsets = [0, 2], sizes = [16, 126], strides = [1, 1]} : vector<16x128xf32> to vector<16x126xf32>
    %broadcast_in_dim3A_433 = arith.constant 0.000000e+00 : f32
    %broadcast_in_dim3A_434 = vector.broadcast %broadcast_in_dim3A_433 : f32 to vector<16x2xf32>
    %concatenate3A_435 = tpu.concatenate %slice3A_432, %broadcast_in_dim3A_434 in 1 : vector<16x126xf32>, vector<16x2xf32> -> vector<16x128xf32>
    %add3A_436 = arith.addf %add3A_431, %concatenate3A_435 : vector<16x128xf32>
    %slice3A_437 = vector.extract_strided_slice %add3A_436 {offsets = [0, 4], sizes = [16, 124], strides = [1, 1]} : vector<16x128xf32> to vector<16x124xf32>
    %broadcast_in_dim3A_438 = arith.constant 0.000000e+00 : f32
    %broadcast_in_dim3A_439 = vector.broadcast %broadcast_in_dim3A_438 : f32 to vector<16x4xf32>
    %concatenate3A_440 = tpu.concatenate %slice3A_437, %broadcast_in_dim3A_439 in 1 : vector<16x124xf32>, vector<16x4xf32> -> vector<16x128xf32>
    %add3A_441 = arith.addf %add3A_436, %concatenate3A_440 : vector<16x128xf32>
    %slice3A_442 = vector.extract_strided_slice %add3A_441 {offsets = [0, 8], sizes = [16, 120], strides = [1, 1]} : vector<16x128xf32> to vector<16x120xf32>
    %broadcast_in_dim3A_443 = arith.constant 0.000000e+00 : f32
    %broadcast_in_dim3A_444 = vector.broadcast %broadcast_in_dim3A_443 : f32 to vector<16x8xf32>
    %concatenate3A_445 = tpu.concatenate %slice3A_442, %broadcast_in_dim3A_444 in 1 : vector<16x120xf32>, vector<16x8xf32> -> vector<16x128xf32>
    %add3A_446 = arith.addf %add3A_441, %concatenate3A_445 : vector<16x128xf32>
    %slice3A_447 = vector.extract_strided_slice %add3A_446 {offsets = [0, 16], sizes = [16, 112], strides = [1, 1]} : vector<16x128xf32> to vector<16x112xf32>
    %broadcast_in_dim3A_448 = arith.constant 0.000000e+00 : f32
    %broadcast_in_dim3A_449 = vector.broadcast %broadcast_in_dim3A_448 : f32 to vector<16x16xf32>
    %concatenate3A_450 = tpu.concatenate %slice3A_447, %broadcast_in_dim3A_449 in 1 : vector<16x112xf32>, vector<16x16xf32> -> vector<16x128xf32>
    %add3A_451 = arith.addf %add3A_446, %concatenate3A_450 : vector<16x128xf32>
    %slice3A_452 = vector.extract_strided_slice %add3A_451 {offsets = [0, 32], sizes = [16, 96], strides = [1, 1]} : vector<16x128xf32> to vector<16x96xf32>
    %broadcast_in_dim3A_453 = arith.constant 0.000000e+00 : f32
    %broadcast_in_dim3A_454 = vector.broadcast %broadcast_in_dim3A_453 : f32 to vector<16x32xf32>
    %concatenate3A_455 = tpu.concatenate %slice3A_452, %broadcast_in_dim3A_454 in 1 : vector<16x96xf32>, vector<16x32xf32> -> vector<16x128xf32>
    %add3A_456 = arith.addf %add3A_451, %concatenate3A_455 : vector<16x128xf32>
    %slice3A_457 = vector.extract_strided_slice %add3A_456 {offsets = [0, 64], sizes = [16, 64], strides = [1, 1]} : vector<16x128xf32> to vector<16x64xf32>
    %broadcast_in_dim3A_458 = arith.constant 0.000000e+00 : f32
    %broadcast_in_dim3A_459 = vector.broadcast %broadcast_in_dim3A_458 : f32 to vector<16x64xf32>
    %concatenate3A_460 = tpu.concatenate %slice3A_457, %broadcast_in_dim3A_459 in 1 : vector<16x64xf32>, vector<16x64xf32> -> vector<16x128xf32>
    %add3A_461 = arith.addf %add3A_456, %concatenate3A_460 : vector<16x128xf32>
    %add3A_462 = vector.broadcast %broadcast_in_dim3A_119 : vector<16x1xf32> to vector<16x128xf32>
    %add3A_463 = arith.addf %add3A_461, %add3A_462 : vector<16x128xf32>
    %slice3A_464 = vector.extract_strided_slice %add3A_426 {offsets = [0, 1], sizes = [16, 127], strides = [1, 1]} : vector<16x128xf32> to vector<16x127xf32>
    %broadcast_in_dim3A_465 = arith.constant 0.000000e+00 : f32
    %broadcast_in_dim3A_466 = vector.broadcast %broadcast_in_dim3A_465 : f32 to vector<16x1xf32>
    %concatenate3A_467 = tpu.concatenate %slice3A_464, %broadcast_in_dim3A_466 in 1 : vector<16x127xf32>, vector<16x1xf32> -> vector<16x128xf32>
    %add3A_468 = arith.addf %add3A_426, %concatenate3A_467 : vector<16x128xf32>
    %slice3A_469 = vector.extract_strided_slice %add3A_468 {offsets = [0, 2], sizes = [16, 126], strides = [1, 1]} : vector<16x128xf32> to vector<16x126xf32>
    %broadcast_in_dim3A_470 = arith.constant 0.000000e+00 : f32
    %broadcast_in_dim3A_471 = vector.broadcast %broadcast_in_dim3A_470 : f32 to vector<16x2xf32>
    %concatenate3A_472 = tpu.concatenate %slice3A_469, %broadcast_in_dim3A_471 in 1 : vector<16x126xf32>, vector<16x2xf32> -> vector<16x128xf32>
    %add3A_473 = arith.addf %add3A_468, %concatenate3A_472 : vector<16x128xf32>
    %slice3A_474 = vector.extract_strided_slice %add3A_473 {offsets = [0, 4], sizes = [16, 124], strides = [1, 1]} : vector<16x128xf32> to vector<16x124xf32>
    %broadcast_in_dim3A_475 = arith.constant 0.000000e+00 : f32
    %broadcast_in_dim3A_476 = vector.broadcast %broadcast_in_dim3A_475 : f32 to vector<16x4xf32>
    %concatenate3A_477 = tpu.concatenate %slice3A_474, %broadcast_in_dim3A_476 in 1 : vector<16x124xf32>, vector<16x4xf32> -> vector<16x128xf32>
    %add3A_478 = arith.addf %add3A_473, %concatenate3A_477 : vector<16x128xf32>
    %slice3A_479 = vector.extract_strided_slice %add3A_478 {offsets = [0, 8], sizes = [16, 120], strides = [1, 1]} : vector<16x128xf32> to vector<16x120xf32>
    %broadcast_in_dim3A_480 = arith.constant 0.000000e+00 : f32
    %broadcast_in_dim3A_481 = vector.broadcast %broadcast_in_dim3A_480 : f32 to vector<16x8xf32>
    %concatenate3A_482 = tpu.concatenate %slice3A_479, %broadcast_in_dim3A_481 in 1 : vector<16x120xf32>, vector<16x8xf32> -> vector<16x128xf32>
    %add3A_483 = arith.addf %add3A_478, %concatenate3A_482 : vector<16x128xf32>
    %slice3A_484 = vector.extract_strided_slice %add3A_483 {offsets = [0, 16], sizes = [16, 112], strides = [1, 1]} : vector<16x128xf32> to vector<16x112xf32>
    %broadcast_in_dim3A_485 = arith.constant 0.000000e+00 : f32
    %broadcast_in_dim3A_486 = vector.broadcast %broadcast_in_dim3A_485 : f32 to vector<16x16xf32>
    %concatenate3A_487 = tpu.concatenate %slice3A_484, %broadcast_in_dim3A_486 in 1 : vector<16x112xf32>, vector<16x16xf32> -> vector<16x128xf32>
    %add3A_488 = arith.addf %add3A_483, %concatenate3A_487 : vector<16x128xf32>
    %slice3A_489 = vector.extract_strided_slice %add3A_488 {offsets = [0, 32], sizes = [16, 96], strides = [1, 1]} : vector<16x128xf32> to vector<16x96xf32>
    %broadcast_in_dim3A_490 = arith.constant 0.000000e+00 : f32
    %broadcast_in_dim3A_491 = vector.broadcast %broadcast_in_dim3A_490 : f32 to vector<16x32xf32>
    %concatenate3A_492 = tpu.concatenate %slice3A_489, %broadcast_in_dim3A_491 in 1 : vector<16x96xf32>, vector<16x32xf32> -> vector<16x128xf32>
    %add3A_493 = arith.addf %add3A_488, %concatenate3A_492 : vector<16x128xf32>
    %slice3A_494 = vector.extract_strided_slice %add3A_493 {offsets = [0, 64], sizes = [16, 64], strides = [1, 1]} : vector<16x128xf32> to vector<16x64xf32>
    %broadcast_in_dim3A_495 = arith.constant 0.000000e+00 : f32
    %broadcast_in_dim3A_496 = vector.broadcast %broadcast_in_dim3A_495 : f32 to vector<16x64xf32>
    %concatenate3A_497 = tpu.concatenate %slice3A_494, %broadcast_in_dim3A_496 in 1 : vector<16x64xf32>, vector<16x64xf32> -> vector<16x128xf32>
    %add3A_498 = arith.addf %add3A_493, %concatenate3A_497 : vector<16x128xf32>
    %add3A_499 = vector.broadcast %broadcast_in_dim3A_215 : vector<16x1xf32> to vector<16x128xf32>
    %add3A_500 = arith.addf %add3A_498, %add3A_499 : vector<16x128xf32>
    %ge3A_501 = vector.broadcast %slice3A_19 : vector<16x1xf32> to vector<16x128xf32>
    %ge3A_502 = arith.cmpf oge, %add3A_463, %ge3A_501 : vector<16x128xf32>
    %convert_element_type3A_503 = arith.extui %ge3A_502 : vector<16x128xi1> to vector<16x128xi32>
    %convert_element_type3A_504 = arith.sitofp %convert_element_type3A_503 : vector<16x128xi32> to vector<16x128xf32>
    %reduce_sum3A_505 = arith.constant dense<0.000000e+00> : vector<16xf32>
    %reduce_sum3A_506 = vector.multi_reduction <add>, %convert_element_type3A_504, %reduce_sum3A_505 [1] : vector<16x128xf32> to vector<16xf32>
    %broadcast_in_dim3A_507 = vector.shape_cast %reduce_sum3A_506 : vector<16xf32> to vector<16x1xf32>
    %sub3A_508 = arith.constant 1.000000e+00 : f32
    %sub3A_509 = vector.broadcast %sub3A_508 : f32 to vector<16x1xf32>
    %sub3A_510 = arith.subf %broadcast_in_dim3A_507, %sub3A_509 : vector<16x1xf32>
    %iota3A_511 = tpu.iota {dimensions = array<i32: 1>} : vector<16x128xi32>
    %convert_element_type3A_512 = arith.sitofp %iota3A_511 : vector<16x128xi32> to vector<16x128xf32>
    %add3A_513 = arith.constant 1.000000e+00 : f32
    %add3A_514 = vector.broadcast %add3A_513 : f32 to vector<16x1xf32>
    %add3A_515 = arith.addf %sub3A_510, %add3A_514 : vector<16x1xf32>
    %eq3A_516 = vector.broadcast %add3A_515 : vector<16x1xf32> to vector<16x128xf32>
    %eq3A_517 = arith.cmpf oeq, %convert_element_type3A_512, %eq3A_516 : vector<16x128xf32>
    %jit3A_518 = arith.constant 0.000000e+00 : f32
    %broadcast_in_dim3A_519 = vector.broadcast %jit3A_518 : f32 to vector<16x128xf32>
    %select_n3A_520 = arith.select %eq3A_517, %add3A_463, %broadcast_in_dim3A_519 : vector<16x128xi1>, vector<16x128xf32>
    %reduce_sum3A_521 = arith.constant dense<0.000000e+00> : vector<16xf32>
    %reduce_sum3A_522 = vector.multi_reduction <add>, %select_n3A_520, %reduce_sum3A_521 [1] : vector<16x128xf32> to vector<16xf32>
    %broadcast_in_dim3A_523 = vector.shape_cast %reduce_sum3A_522 : vector<16xf32> to vector<16x1xf32>
    %eq3A_524 = arith.constant 1.270000e+02 : f32
    %eq3A_525 = vector.broadcast %eq3A_524 : f32 to vector<16x1xf32>
    %eq3A_526 = arith.cmpf oeq, %sub3A_510, %eq3A_525 : vector<16x1xf32>
    %jit3A_527 = arith.constant 0.000000e+00 : f32
    %broadcast_in_dim3A_528 = vector.broadcast %jit3A_527 : f32 to vector<16x1xf32>
    %select_n3A_529 = arith.select %eq3A_526, %broadcast_in_dim3A_119, %broadcast_in_dim3A_528 : vector<16x1xi1>, vector<16x1xf32>
    %add3A_530 = arith.addf %broadcast_in_dim3A_523, %select_n3A_529 : vector<16x1xf32>
    %add3A_531 = arith.constant 1.000000e+00 : f32
    %add3A_532 = vector.broadcast %add3A_531 : f32 to vector<16x1xf32>
    %add3A_533 = arith.addf %sub3A_510, %add3A_532 : vector<16x1xf32>
    %eq3A_534 = vector.broadcast %add3A_533 : vector<16x1xf32> to vector<16x128xf32>
    %eq3A_535 = arith.cmpf oeq, %convert_element_type3A_512, %eq3A_534 : vector<16x128xf32>
    %jit3A_536 = arith.constant 0.000000e+00 : f32
    %broadcast_in_dim3A_537 = vector.broadcast %jit3A_536 : f32 to vector<16x128xf32>
    %select_n3A_538 = arith.select %eq3A_535, %add3A_500, %broadcast_in_dim3A_537 : vector<16x128xi1>, vector<16x128xf32>
    %reduce_sum3A_539 = arith.constant dense<0.000000e+00> : vector<16xf32>
    %reduce_sum3A_540 = vector.multi_reduction <add>, %select_n3A_538, %reduce_sum3A_539 [1] : vector<16x128xf32> to vector<16xf32>
    %broadcast_in_dim3A_541 = vector.shape_cast %reduce_sum3A_540 : vector<16xf32> to vector<16x1xf32>
    %eq3A_542 = arith.constant 1.270000e+02 : f32
    %eq3A_543 = vector.broadcast %eq3A_542 : f32 to vector<16x1xf32>
    %eq3A_544 = arith.cmpf oeq, %sub3A_510, %eq3A_543 : vector<16x1xf32>
    %jit3A_545 = arith.constant 0.000000e+00 : f32
    %broadcast_in_dim3A_546 = vector.broadcast %jit3A_545 : f32 to vector<16x1xf32>
    %select_n3A_547 = arith.select %eq3A_544, %broadcast_in_dim3A_215, %broadcast_in_dim3A_546 : vector<16x1xi1>, vector<16x1xf32>
    %add3A_548 = arith.addf %broadcast_in_dim3A_541, %select_n3A_547 : vector<16x1xf32>
    %mul3A_549 = arith.constant 1.280000e+02 : f32
    %mul3A_550 = vector.broadcast %mul3A_549 : f32 to vector<16x1xf32>
    %mul3A_551 = arith.mulf %sub3A_110, %mul3A_550 : vector<16x1xf32>
    %add3A_552 = arith.addf %mul3A_551, %sub3A_510 : vector<16x1xf32>
    %mul3A_553 = arith.constant 7.934570e-03 : f32
    %mul3A_554 = vector.broadcast %mul3A_553 : f32 to vector<16x1xf32>
    %mul3A_555 = arith.mulf %add3A_552, %mul3A_554 : vector<16x1xf32>
    %get3A_556 = arith.constant 0 : index
    %get3A_557 = arith.constant 0 : index
    %get3A_558 = arith.constant 0 : index
    %get3A_559 = vector.load %arg2[%get3A_556, %get3A_557, %get3A_558] : memref<16x1x128xf32, #tpu.memory_space<vmem>>, vector<16x1x128xf32>
    %squeeze3A_560 = vector.shape_cast %get3A_559 : vector<16x1x128xf32> to vector<16x128xf32>
    %slice3A_561 = vector.extract_strided_slice %squeeze3A_560 {offsets = [0, 0], sizes = [16, 1], strides = [1, 1]} : vector<16x128xf32> to vector<16x1xf32>
    %slice3A_562 = vector.extract_strided_slice %squeeze3A_560 {offsets = [0, 1], sizes = [16, 1], strides = [1, 1]} : vector<16x128xf32> to vector<16x1xf32>
    %slice3A_563 = vector.extract_strided_slice %squeeze3A_560 {offsets = [0, 2], sizes = [16, 1], strides = [1, 1]} : vector<16x128xf32> to vector<16x1xf32>
    %sub3A_564 = arith.subf %slice3A_19, %add3A_530 : vector<16x1xf32>
    %mul3A_565 = arith.mulf %sub3A_564, %mul3A_555 : vector<16x1xf32>
    %add3A_566 = arith.addf %add3A_548, %mul3A_565 : vector<16x1xf32>
    %min3A = arith.minimumf %slice3A_19, %slice3A_563 : vector<16x1xf32>
    %add3A_567 = arith.constant 1.000000e-16 : f32
    %add3A_568 = vector.broadcast %add3A_567 : f32 to vector<16x1xf32>
    %add3A_569 = arith.addf %min3A, %add3A_568 : vector<16x1xf32>
    %div3A = arith.divf %add3A_566, %add3A_569 : vector<16x1xf32>
    %sub3A_570 = arith.subf %slice3A_562, %add3A_566 : vector<16x1xf32>
    %add3A_571 = arith.constant 1.000000e-16 : f32
    %add3A_572 = vector.broadcast %add3A_571 : f32 to vector<16x1xf32>
    %add3A_573 = arith.addf %slice3A_20, %add3A_572 : vector<16x1xf32>
    %div3A_574 = arith.divf %sub3A_570, %add3A_573 : vector<16x1xf32>
    %add3A_575 = arith.constant 1.000000e-16 : f32
    %add3A_576 = vector.broadcast %add3A_575 : f32 to vector<16x1xf32>
    %add3A_577 = arith.addf %slice3A_19, %add3A_576 : vector<16x1xf32>
    %div3A_578 = arith.divf %slice3A_561, %add3A_577 : vector<16x1xf32>
    %reduce_sum3A_579 = vector.shape_cast %div3A : vector<16x1xf32> to vector<1x16x1xf32>
    %reduce_sum3A_580 = arith.constant dense<0.000000e+00> : vector<1xf32>
    %reduce_sum3A_581 = vector.multi_reduction <add>, %reduce_sum3A_579, %reduce_sum3A_580 [1, 2] : vector<1x16x1xf32> to vector<1xf32>
    %reduce_sum3A_582 = vector.shape_cast %reduce_sum3A_581 : vector<1xf32> to vector<1x1x1xf32>
    %reduce_sum3A_583 = vector.extract %reduce_sum3A_582[0, 0, 0] : f32 from vector<1x1x1xf32>
    %reduce_sum3A_584 = vector.shape_cast %div3A_578 : vector<16x1xf32> to vector<1x16x1xf32>
    %reduce_sum3A_585 = arith.constant dense<0.000000e+00> : vector<1xf32>
    %reduce_sum3A_586 = vector.multi_reduction <add>, %reduce_sum3A_584, %reduce_sum3A_585 [1, 2] : vector<1x16x1xf32> to vector<1xf32>
    %reduce_sum3A_587 = vector.shape_cast %reduce_sum3A_586 : vector<1xf32> to vector<1x1x1xf32>
    %reduce_sum3A_588 = vector.extract %reduce_sum3A_587[0, 0, 0] : f32 from vector<1x1x1xf32>
    %add3A_589 = arith.addf %reduce_sum3A_583, %reduce_sum3A_588 : f32
    %reduce_sum3A_590 = vector.shape_cast %div3A_574 : vector<16x1xf32> to vector<1x16x1xf32>
    %reduce_sum3A_591 = arith.constant dense<0.000000e+00> : vector<1xf32>
    %reduce_sum3A_592 = vector.multi_reduction <add>, %reduce_sum3A_590, %reduce_sum3A_591 [1, 2] : vector<1x16x1xf32> to vector<1xf32>
    %reduce_sum3A_593 = vector.shape_cast %reduce_sum3A_592 : vector<1xf32> to vector<1x1x1xf32>
    %reduce_sum3A_594 = vector.extract %reduce_sum3A_593[0, 0, 0] : f32 from vector<1x1x1xf32>
    %add3A_595 = arith.addf %add3A_589, %reduce_sum3A_594 : f32
    %div3A_596 = arith.constant 1.600000e+01 : f32
    %div3A_597 = arith.divf %add3A_595, %div3A_596 : f32
    %broadcast_in_dim3A_598 = vector.broadcast %div3A_597 : f32 to vector<1x128xf32>
    %swap3A = arith.constant 0 : index
    %swap3A_599 = arith.constant 0 : index
    %swap3A_600 = vector.load %arg4[%swap3A, %swap3A_599] : memref<1x128xf32, #tpu.memory_space<vmem>>, vector<1x128xf32>
    tpu.vector_store %arg4[%swap3A, %swap3A_599], %broadcast_in_dim3A_598 {strides = array<i32>} : memref<1x128xf32, #tpu.memory_space<vmem>>, vector<1x128xf32>,
    return
  }
}

</mosaic_0001>

<sc_bundles>
// kernel: kernel.5.cloned.1.call-start
scs
__scs_entry_jumppad:
0x0: {  	(pc) =	sbr.rel $0x88, $3  }
0x1: {  	(tag) =	ssettag $0x0;
	lr =	simm.s32 $0x1  }
0x2: {  	[smem:$0x3F9D] =	sst lr;
	_ =	strace $0xD0000000  }
0x3: {  	_ = 	snop  }
0x4: {  	_ = 	snop  }
0x5: {  	_ = 	snop  }
0x6: {  	_ = 	snop  }
0x7: {  	_ = 	snop  }
__scs_overlays_trampoline_lowered:
0x8: {  	[smem:$0x3FAC] =	sst s0  }
0x9: {  	[smem:$0x3FAD] =	sst s1  }
0xa: {  	[smem:$0x3FAE] =	sst s2  }
0xb: {  	[smem:$0x3FAF] =	sst s3  }
0xc: {  	[smem:$0x3FB0] =	sst s4  }
0xd: {  	[smem:$0x3FB1] =	sst s5  }
0xe: {  	[smem:$0x3FB2] =	sst s6  }
0xf: {  	[smem:$0x3FB3] =	sst s7  }
0x10: {  	[smem:$0x3FB4] =	sst s8  }
0x11: {  	[smem:$0x3FB5] =	sst s9;
	s0 =	simm.s32 @!p0 $0x0  }
0x12: {  	s1 =	sld [smem:$0x3F9B];
	s0 =	simm.s32 @p0 $0x1  }
0x13: {  	[smem:$0x3FB6] =	sst s0;
	s0 =	simm.s32 @!p1 $0x0  }
0x14: {  	s2 =	sld [smem:$0x3F9A];
	s0 =	simm.s32 @p1 $0x1  }
0x15: {  	[smem:$0x3FB7] =	sst s0;
	s0 =	simm.s32 @!p2 $0x0  }
0x16: {  	s3 =	sld [smem:$0x3FDB];
	s0 =	simm.s32 @p2 $0x1  }
0x17: {  	s4 =	simm.s32 $0x1BF5;
	[smem:$0x3FB9] =	sst s0  }
0x18: {  	s0 =	sld [smem:$0x3F9C];
	_ =	swait.ge [sflag:s4], $0x0  }
0x19: {  	s7 =	sld [smem:$0x3F9D]  }
0x1a: {  	s8 =	sadd.s32 $0xFFFFE003, lr  }
0x1b: {  	s9 =	sadd.s32 $0xFFFFFEF7, lr;
	s5 =	simm.s32 $0xFFFFFFFF;
	p2 =	slt.u32 s8, $0xFFFFF086  }
0x1c: {  	p1 =	slt.u32 s9, $0xF7A;
	s5 =	simm.s32 @!p2 $0x0  }
0x1d: {  	s5 =	simm.s32 @p1 $0x1;
	p0 =	seq.s32 s7, s2  }
0x1e: {  	s7 =	smul.u32 @!p0 $0xF7A, s2;
	p2 =	seq.s32 @!p0 s5, $0x0  }
0x1f: {  	s9 =	smul.u32 $0xF7A, s1;
	s8 =	simm.s32 @!p0 $0x1BF5;
	p2 =	por !p2, p0  }
0x20: {  	[sflag:s8] =	ssyncset.s32 @!p0 $0xFFFFF086;
	s6 =	sadd.s32 @!p0 s3, s7;
	s7 =	simm.s32 @!p0 $0x108  }
0x21: {  	s3 =	sadd.s32 s3, s9;
	s6 =	sadd.s32 @!p0 $0x88, s6;
	s7 =	simm.s32 @p2 $0x1082  }
0x22: {  	[simem:s7], [sflag:s8] =	dma.local @!p0 [hbm:s6], $0xF7A  }
0x23: {  	s9 =	sor.u32 $0xD0000000, s2;
	s6 =	simm.s32 $0x108;
	_ =	swait.ge @!p0 [sflag:s8], $0x0  }
0x24: {  	s3 =	sadd.s32 $0x88, s3;
	s6 =	simm.s32 @!p1 $0x1082;
	[sflag:s4] =	ssyncset.s32 $0xFFFFF086  }
0x25: {  	[simem:s6], [sflag:s4] =	dma.local [hbm:s3], $0xF7A  }
0x26: {  	[smem:$0x3F9D] =	sst s1;
	(tag) =	ssettag s2;
	_ =	strace s9  }
0x27: {  	s1 =	sld [smem:$0x3FAD]  }
0x28: {  	s2 =	sld [smem:$0x3FAE]  }
0x29: {  	s4 =	sld [smem:$0x3FB0]  }
0x2a: {  	p0 =	seq.s32 s5, $0x0;
	s5 =	sld [smem:$0x3FB1]  }
0x2b: {  	s6 =	sld [smem:$0x3FB2]  }
0x2c: {  	s7 =	sld [smem:$0x3FB3]  }
0x2d: {  	s3 =	simm.s32 $0x108;
	s8 =	sld [smem:$0x3FB4]  }
0x2e: {  	s3 =	simm.s32 @!p0 $0x1082;
	s9 =	sld [smem:$0x3FB5]  }
0x2f: {  	lr =	sadd.s32 s0, s3;
	s0 =	sld [smem:$0x3FAC]  }
0x30: {  	s3 =	sld [smem:$0x3FAF]  }
0x31: {  	[smem:$0x3FB8] =	sst s10  }
0x32: {  	s10 =	sld [smem:$0x3FB6];
	_ =	sdelay $0x3  }
0x33: {  	p0 =	seq.s32 s10, $0x1;
	s10 =	sld [smem:$0x3FB8];
	_ =	sdelay $0x3  }
0x34: {  	[smem:$0x3FB8] =	sst s10  }
0x35: {  	s10 =	sld [smem:$0x3FB7];
	_ =	sdelay $0x3  }
0x36: {  	p1 =	seq.s32 s10, $0x1;
	s10 =	sld [smem:$0x3FB8];
	_ =	sdelay $0x3  }
0x37: {  	[smem:$0x3FB8] =	sst s10  }
0x38: {  	s10 =	sld [smem:$0x3FB9]  }
0x39: {  	_ = 	snop;
	(pc) =	sbr.ind lr, $3  }
0x3a: {  	_ = 	snop  }
0x3b: {  	_ = 	snop  }
0x3c: {  	p2 =	seq.s32 s10, $0x1;
	s10 =	sld [smem:$0x3FB8]  }
0x3d: {  	_ =	shalt  }
0x3e: {  	_ =	shalt  }
0x3f: {  	_ =	shalt  }
0x40: {  	_ =	shalt  }
0x41: {  	_ =	shalt  }
0x42: {  	_ =	shalt  }
0x43: {  	_ =	shalt  }
0x44: {  	_ =	shalt  }
0x45: {  	_ =	shalt  }
0x46: {  	_ =	shalt  }
0x47: {  	_ =	shalt  }
0x48: {  	_ =	shalt  }
0x49: {  	_ =	shalt  }
0x4a: {  	_ =	shalt  }
0x4b: {  	_ =	shalt  }
0x4c: {  	_ =	shalt  }
0x4d: {  	_ =	shalt  }
0x4e: {  	_ =	shalt  }
0x4f: {  	_ =	shalt  }
0x50: {  	_ =	shalt  }
0x51: {  	_ =	shalt  }
0x52: {  	_ =	shalt  }
0x53: {  	_ =	shalt  }
0x54: {  	_ =	shalt  }
0x55: {  	_ =	shalt  }
0x56: {  	_ =	shalt  }
0x57: {  	_ =	shalt  }
0x58: {  	_ =	shalt  }
0x59: {  	_ =	shalt  }
0x5a: {  	_ =	shalt  }
0x5b: {  	_ =	shalt  }
0x5c: {  	_ =	shalt  }
0x5d: {  	_ =	shalt  }
0x5e: {  	_ =	shalt  }
0x5f: {  	_ =	shalt  }
0x60: {  	_ =	shalt  }
0x61: {  	_ =	shalt  }
0x62: {  	_ =	shalt  }
0x63: {  	_ =	shalt  }
0x64: {  	_ =	shalt  }
0x65: {  	_ =	shalt  }
0x66: {  	_ =	shalt  }
0x67: {  	_ =	shalt  }
0x68: {  	_ =	shalt  }
0x69: {  	_ =	shalt  }
0x6a: {  	_ =	shalt  }
0x6b: {  	_ =	shalt  }
0x6c: {  	_ =	shalt  }
0x6d: {  	_ =	shalt  }
0x6e: {  	_ =	shalt  }
0x6f: {  	_ =	shalt  }
0x70: {  	_ =	shalt  }
0x71: {  	_ =	shalt  }
0x72: {  	_ =	shalt  }
0x73: {  	_ =	shalt  }
0x74: {  	_ =	shalt  }
0x75: {  	_ =	shalt  }
0x76: {  	_ =	shalt  }
0x77: {  	_ =	shalt  }
0x78: {  	_ =	shalt  }
0x79: {  	_ =	shalt  }
0x7a: {  	_ =	shalt  }
0x7b: {  	_ =	shalt  }
0x7c: {  	_ =	shalt  }
0x7d: {  	_ =	shalt  }
0x7e: {  	_ =	shalt  }
0x7f: {  	_ =	shalt  }
0x80: {  	_ =	shalt  }
0x81: {  	_ =	shalt  }
0x82: {  	_ =	shalt  }
0x83: {  	_ =	shalt  }
0x84: {  	_ =	shalt  }
0x85: {  	_ =	shalt  }
0x86: {  	_ =	shalt  }
0x87: {  	_ =	shalt  }
.Lfunc_end0:
.L_simem_size_0:
called_computation_lowered:
.L_overlay_start_0:
0x88: {  	s2 =	sld [smem:$0x3FD9]  }
0x89: {  	s3 =	sld [smem:$0x3FFE];
	_ =	sdelay $0x1  }
0x8a: {  	s1 =	srdreg.scid  }
0x8b: {  	s0 =	sand.u32 $0x1, s1  }
0x8c: {  	s16 =	sshll.u32 s0, $0xA;
	s2 =	sadd.s32 s3, s2  }
0x8d: {  	s2 =	sadd.s32 s2, s16  }
0x8e: {  	[smem:$0x3FC4] =	sst s2  }
0x8f: {  	_ = 	snop  }
0x90: {  	(tm) =	ssettm $0x1  }
0x91: {  	s17 =	sld [smem:$0x3FFB];
	_ =	sdelay $0x3  }
0x92: {  	_ =	strace s17  }
0x93: {  	s2 =	sld [smem:$0x3FFC];
	_ =	sdelay $0x3  }
0x94: {  	_ =	strace s2  }
0x95: {  	s2 =	sld [smem:$0x3FFD];
	_ =	sdelay $0x3  }
0x96: {  	_ =	strace s2  }
0x97: {  	_ =	strace $0x8FFFFFFF  }
0x98: {  	s18 =	sld [smem:$0x3FDB];
	_ =	sdelay $0x1  }
0x99: {  	s19 =	simm.s32 $_scs_section_size  }
0x9a: {  	s4 =	simm.s32 $_size__tile_overlayer_lowered;
	s5 =	simm.s32 $_tile_overlayer_lowered  }
0x9b: {  	s22 =	simm.s32 $0x1BFF;
	s21 =	sshll.u32 s5, $0x1;
	s2 =	sadd.s32 s19, s18  }
0x9c: {  	s6 =	simm.s32 $0x0;
	s20 =	sshll.u32 s4, $0x1;
	s4 =	sadd.s32 s21, s2  }
0x9d: {  	[timem:s6], [sflag:s22] =	dma.local [hbm:s4], s20  }
0x9e: {  	_ =	swait.ge [sflag:s22], s20  }
0x9f: {  	s3 =	ssub.s32 $0x0, s20;
	[sflag:s22] =	ssyncset.done $0x0  }
0xa0: {  	[sflag:s22] =	ssyncadd.s32 s3;
	_ =	sdelay $0x1  }
0xa1: {  	s23 =	simm.s32 $0x1B8B  }
0xa2: {  	_ =	swait.ge [sflag:s23], $0x1  }
0xa3: {  	[sflag:s23] =	ssyncset.done $0x0  }
0xa4: {  	s25 =	simm.s32 $0x1B8E;
	s24 =	sld [smem:$0x3FFE];
	[sflag:s23] =	ssyncadd.s32 $0xFFFFFFFF  }
0xa5: {  	s26 =	simm.s32 $execute0_lowered;
	[smem:$0x3FD2] =	sst s25  }
0xa6: {  	s4 =	sshll.u32 s26, $0x1;
	_ =	strace $0x80000046;
	[dreg:$0x1] =	wrdreg $0xFFFFFFFF  }
0xa7: {  	s28 =	simm.s32 $_size_execute0_lowered;
	s2 =	sadd.s32 s2, s4;
	[dreg:$0x0] =	wrdreg $0x0  }
0xa8: {  	s4 =	sshll.u32 s28, $0x1;
	[dreg:$0x2] =	wrdreg s2  }
0xa9: {  	[dreg:$0x3] =	wrdreg s4  }
0xaa: {  	[dreg:$0x4] =	wrdreg $0xC0  }
0xab: {  	_ =	task [dreg:s6], $0x5FFFF  }
0xac: {  	[dreg:$0x1] =	wrdreg $0xFFFFFFFF  }
0xad: {  	[dreg:$0x0] =	wrdreg $0x60  }
0xae: {  	[dreg:$0x2] =	wrdreg s24  }
0xaf: {  	[dreg:$0x3] =	wrdreg $0x9  }
0xb0: {  	_ =	task.clear_ibuf [dreg:s6], $0x4FFFF;
	_ =	strace $0x90000046  }
0xb1: {  	s29 =	simm.s32 $0x9;
	_ =	strace $0x80000048  }
0xb2: {  	_ =	swait.ge [sflag:s29], $0x1  }
0xb3: {  	[sflag:s29] =	ssyncadd.s32 $0xFFFFFFFF  }
0xb4: {  	_ =	strace $0x90000048  }
0xb5: {  	_ =	sfence  }
0xb6: {  	s30 =	sld [smem:$0x0];
	_ =	sdelay $0x2  }
0xb7: {  	s31 =	sshll.u32 s1, $0xD;
	s1 =	sshrl.u32 s1, $0x2  }
0xb8: {  	s3 =	sand.u32 $0x4000, s31;
	s1 =	sadd.s32 s1, s30  }
0xb9: {  	s0 =	sor.u32 s3, s0;
	s1 =	sshll.u32 s1, $0x11  }
0xba: {  	s0 =	sor.u32 s1, s0  }
0xbb: {  	s0 =	sadd.s32 $0x8F2B, s0  }
0xbc: {  	[sflag:s0] =	ssyncadd.remote.s32 $0x1  }
0xbd: {  	_ =	sfence.sel $0xFFFF  }
0xbe: {  	[dreg:$0x0] =	wrdreg $0xFFFFFFFF;
	(pc) =	sbr.abs _section_cstart, $3  }
0xbf: {  	[dreg:$0x1] =	wrdreg $0xFFFFFFFF  }
0xc0: {  	_ =	task.clear_ibuf [dreg:s6], $0x2FFFF;
	_ =	strace $0x9FFFFFFF  }
0xc1: {  	(tm) =	ssettm $0x7FFFFFFF  }
tec
execute0_lowered:
.L_overlay_start_1:
0x0: {  	(tag) =	ssettag $0x1  }
0x1: {  	s0 =	rddreg [dreg:$0x0]  }
0x2: {  	s2 =	simm.s32 $0x0;
	s1 =	srdreg.scid;
	s5 =	stileid.u32  }
0x3: {  	s22 =	simm.s32 $0x80;
	s23 =	simm.s32 $0x100;
	s24 =	simm.s32 $0x2000  }
0x4: {  	s25 =	simm.s32 $0x1;
	s26 =	simm.s32 $0x4000;
	s28 =	simm.s32 $0xC000  }
0x5: {  	s29 =	simm.s32 $0x2;
	s31 =	simm.s32 $0x3;
	[smem:$0x7FF] =	sst s2  }
0x6: {  	s1 =	sand.u32 $0x1, s1;
	s3 =	sshll.u32 s5, $0x12;
	s5 =	sshll.u32 s5, $0xC  }
0x7: {  	s4 =	sshll.u32 s1, $0x7;
	_ =	strace $0x80000047;
	s1 =	ssub.s32 $0x2, s1  }
0x8: {  	s3 =	sor.u32 s4, s3;
	s4 =	sor.u32 s4, s5;
	s30 =	sshrl.u32 s1, $0x1  }
0x9: {  	s3 =	sshrl.u32 s3, $0x3;
	s4 =	sshrl.u32 s4, $0x3;
	s1 =	ssub.s32 s1, s30  }
0xa: {  	s18 =	sadd.s32 s3, s0;
	s0 =	sadd.s32 s4, s0;
	s21 =	smax.u32 s1, $0x1  }
0xb: {  	s3 =	sadd.s32 $0x1400, s18;
	s4 =	sadd.s32 $0x1C00, s18;
	s5 =	sadd.s32 $0x2400, s18  }
0xc: {  	s6 =	sadd.s32 $0x2C00, s18;
	s7 =	sadd.s32 $0x3400, s18;
	s8 =	sadd.s32 $0x3C00, s18  }
0xd: {  	s9 =	sadd.s32 $0x4400, s18;
	s10 =	sadd.s32 $0x4C00, s18;
	s11 =	sadd.s32 $0x5400, s18  }
0xe: {  	s12 =	sadd.s32 $0x5C00, s18;
	s13 =	sadd.s32 $0x6400, s18;
	s14 =	sadd.s32 $0x6C00, s18  }
0xf: {  	v0 =	vimm.s32 $0x0;
	v2 =	vlaneseq.u32;
	s15 =	sadd.s32 $0x7400, s18;
	s16 =	sadd.s32 $0x7C00, s18;
	s17 =	sadd.s32 $0x8400, s18  }
0x10: {  	v1 =	vimm.f32 $0.0e+00;
	v3 =	vimm.s32 $0x1;
	v2 =	vmul.u32 $0x800, v2;
	s18 =	sadd.s32 $0x8C00, s18;
	s19 =	sadd.s32 $0x81400, s0;
	s20 =	sadd.s32 $0x83400, s0  }
.LBB2_1:
0x11: {  	s0 =	simm.s32 $0x0;
	s1 =	simm.s32 $0x200  }
.LBB2_2:
0x12: {  	p0 =	sne.s32 s1, $0x1FE00;
	[tilespmem:s0+$0xC070] =	vst v1  }
0x13: {  	[tilespmem:s0+$0x4000] =	vst v0  }
0x14: {  	[tilespmem:s0+$0xC000] =	vst v1  }
0x15: {  	[tilespmem:s0+$0x4010] =	vst v0  }
0x16: {  	[tilespmem:s0+$0xC010] =	vst v1  }
0x17: {  	[tilespmem:s0+$0x4020] =	vst v0  }
0x18: {  	[tilespmem:s0+$0xC020] =	vst v1  }
0x19: {  	[tilespmem:s0+$0x4030] =	vst v0  }
0x1a: {  	[tilespmem:s0+$0xC030] =	vst v1  }
0x1b: {  	[tilespmem:s0+$0x4040] =	vst v0  }
0x1c: {  	[tilespmem:s0+$0xC040] =	vst v1  }
.Ltmp0:
0x1d: {  	[tilespmem:s0+$0x4050] =	vst v0;
	(pc) =	sbr.rel @p0 .LBB2_2-.Ltmp0, $4  }
0x1e: {  	[tilespmem:s0+$0xC050] =	vst v1  }
0x1f: {  	[tilespmem:s0+$0x4060] =	vst v0  }
0x20: {  	[tilespmem:s0+$0xC060] =	vst v1  }
0x21: {  	[tilespmem:s0+$0x4070] =	vst v0;
	s0 =	sshra.s32 s1, $0x2;
	s1 =	sadd.s32 $0x200, s1  }
0x22: {  	[tilespmem:s0+$0xC070] =	vst v1  }
0x23: {  	[tilespmem:s0+$0x4000] =	vst v0  }
0x24: {  	[tilespmem:s0+$0xC000] =	vst v1  }
0x25: {  	[tilespmem:s0+$0x4010] =	vst v0  }
0x26: {  	[tilespmem:s0+$0xC010] =	vst v1  }
0x27: {  	[tilespmem:s0+$0x4020] =	vst v0  }
0x28: {  	[tilespmem:s0+$0xC020] =	vst v1  }
0x29: {  	[tilespmem:s0+$0x4030] =	vst v0  }
0x2a: {  	[tilespmem:s0+$0xC030] =	vst v1  }
0x2b: {  	[tilespmem:s0+$0x4040] =	vst v0  }
0x2c: {  	[tilespmem:s0+$0xC040] =	vst v1  }
0x2d: {  	[tilespmem:s0+$0x4050] =	vst v0  }
0x2e: {  	[tilespmem:s0+$0xC050] =	vst v1  }
0x2f: {  	[tilespmem:s0+$0x4060] =	vst v0  }
0x30: {  	[tilespmem:s0+$0xC060] =	vst v1  }
0x31: {  	[tilespmem:s0+$0x4070] =	vst v0;
	s0 =	simm.s32 $0x0  }
0x32: {  	[tilespmem:s0], [sflag:$0x1] =	stream.strided.gather [hbm4b:s3+s22], $0x2000, s23, s22, $0x38;
	[tilespmem:$0x15000] =	vst v63  }
0x33: {  	_ = 	snop  }
0x34: {  	[tilespmem:s24], [sflag:$0x2] =	stream.strided.gather [hbm4b:s4+s22], $0x2000, s23, s22, $0x38;
	[tilespmem:$0x15000] =	vst v63  }
0x35: {  	_ =	swait.ge [sflag:s25], $0x2000  }
0x36: {  	[sflag:s25] =	ssyncset.done $0x0  }
0x37: {  	[sflag:s25] =	ssyncadd.s32 $0xFFFFE000  }
.LBB2_4:
0x38: {  	s1 =	sshra.s32 s0, $0x2  }
0x39: {  	v4 =	vld [tilespmem:s1+$0x0];
	_ =	sdelay $0x4  }
0x3a: {  	v5 =	vmul.f32 $1.260307690e+02, v4;
	_ =	sdelay $0x1  }
0x3b: {  	v5 =	vtrunc.f32 v5  }
0x3c: {  	v5 =	vcvt.f32.s32 v5;
	_ =	sdelay $0x1  }
0x3d: {  	vm0 =	vlt.s32 v5, $0x7FF  }
0x3e: {  	v5 =	vnsel vm0, $0x7FF, v5  }
0x3f: {  	v5 =	vadd.s32 v2, v5;
	_ =	sdelay $0x4  }
0x40: {  	[tilespmem:v5+s26+$0x0] =	vst.idx.add.s32.msk $0xffff, v3  }
0x41: {  	[tilespmem:v5+s28+$0x0] =	vst.idx.add.f32.msk $0xffff, v4  }
0x42: {  	v4 =	vld [tilespmem:s1+$0x10];
	_ =	sdelay $0x4  }
0x43: {  	v5 =	vmul.f32 $1.260307690e+02, v4;
	_ =	sdelay $0x1  }
0x44: {  	v5 =	vtrunc.f32 v5  }
0x45: {  	v5 =	vcvt.f32.s32 v5;
	_ =	sdelay $0x1  }
0x46: {  	vm9 =	vlt.s32 v5, $0x7FF  }
0x47: {  	v5 =	vnsel vm9, $0x7FF, v5  }
0x48: {  	v5 =	vadd.s32 v2, v5;
	_ =	sdelay $0x4  }
0x49: {  	[tilespmem:v5+s26+$0x0] =	vst.idx.add.s32.msk $0xffff, v3  }
0x4a: {  	[tilespmem:v5+s28+$0x0] =	vst.idx.add.f32.msk $0xffff, v4  }
0x4b: {  	v4 =	vld [tilespmem:s1+$0x20];
	_ =	sdelay $0x4  }
0x4c: {  	v5 =	vmul.f32 $1.260307690e+02, v4;
	_ =	sdelay $0x1  }
0x4d: {  	v5 =	vtrunc.f32 v5  }
0x4e: {  	v5 =	vcvt.f32.s32 v5;
	_ =	sdelay $0x1  }
0x4f: {  	vm10 =	vlt.s32 v5, $0x7FF  }
0x50: {  	v5 =	vnsel vm10, $0x7FF, v5  }
0x51: {  	v5 =	vadd.s32 v2, v5;
	_ =	sdelay $0x4  }
0x52: {  	[tilespmem:v5+s26+$0x0] =	vst.idx.add.s32.msk $0xffff, v3  }
0x53: {  	[tilespmem:v5+s28+$0x0] =	vst.idx.add.f32.msk $0xffff, v4  }
0x54: {  	v4 =	vld [tilespmem:s1+$0x30];
	_ =	sdelay $0x4  }
0x55: {  	v5 =	vmul.f32 $1.260307690e+02, v4;
	_ =	sdelay $0x1  }
0x56: {  	v5 =	vtrunc.f32 v5  }
0x57: {  	v5 =	vcvt.f32.s32 v5;
	_ =	sdelay $0x1  }
0x58: {  	vm11 =	vlt.s32 v5, $0x7FF  }
0x59: {  	v5 =	vnsel vm11, $0x7FF, v5  }
0x5a: {  	v5 =	vadd.s32 v2, v5;
	_ =	sdelay $0x4  }
0x5b: {  	[tilespmem:v5+s26+$0x0] =	vst.idx.add.s32.msk $0xffff, v3  }
0x5c: {  	[tilespmem:v5+s28+$0x0] =	vst.idx.add.f32.msk $0xffff, v4  }
0x5d: {  	v4 =	vld [tilespmem:s1+$0x40];
	_ =	sdelay $0x4  }
0x5e: {  	v5 =	vmul.f32 $1.260307690e+02, v4;
	_ =	sdelay $0x1  }
0x5f: {  	v5 =	vtrunc.f32 v5  }
0x60: {  	v5 =	vcvt.f32.s32 v5;
	_ =	sdelay $0x1  }
0x61: {  	vm12 =	vlt.s32 v5, $0x7FF  }
0x62: {  	v5 =	vnsel vm12, $0x7FF, v5  }
0x63: {  	v5 =	vadd.s32 v2, v5;
	_ =	sdelay $0x4  }
0x64: {  	[tilespmem:v5+s26+$0x0] =	vst.idx.add.s32.msk $0xffff, v3  }
0x65: {  	[tilespmem:v5+s28+$0x0] =	vst.idx.add.f32.msk $0xffff, v4  }
0x66: {  	v4 =	vld [tilespmem:s1+$0x50];
	_ =	sdelay $0x4  }
0x67: {  	v5 =	vmul.f32 $1.260307690e+02, v4;
	_ =	sdelay $0x1  }
0x68: {  	v5 =	vtrunc.f32 v5  }
0x69: {  	v5 =	vcvt.f32.s32 v5;
	_ =	sdelay $0x1  }
0x6a: {  	vm13 =	vlt.s32 v5, $0x7FF  }
0x6b: {  	v5 =	vnsel vm13, $0x7FF, v5  }
0x6c: {  	v5 =	vadd.s32 v2, v5;
	_ =	sdelay $0x4  }
0x6d: {  	[tilespmem:v5+s26+$0x0] =	vst.idx.add.s32.msk $0xffff, v3  }
0x6e: {  	[tilespmem:v5+s28+$0x0] =	vst.idx.add.f32.msk $0xffff, v4  }
0x6f: {  	v4 =	vld [tilespmem:s1+$0x60];
	_ =	sdelay $0x4  }
0x70: {  	v5 =	vmul.f32 $1.260307690e+02, v4;
	_ =	sdelay $0x1  }
0x71: {  	v5 =	vtrunc.f32 v5  }
0x72: {  	v5 =	vcvt.f32.s32 v5;
	_ =	sdelay $0x1  }
0x73: {  	vm14 =	vlt.s32 v5, $0x7FF  }
0x74: {  	v5 =	vnsel vm14, $0x7FF, v5  }
0x75: {  	v5 =	vadd.s32 v2, v5;
	_ =	sdelay $0x4  }
0x76: {  	[tilespmem:v5+s26+$0x0] =	vst.idx.add.s32.msk $0xffff, v3  }
0x77: {  	[tilespmem:v5+s28+$0x0] =	vst.idx.add.f32.msk $0xffff, v4  }
0x78: {  	v4 =	vld [tilespmem:s1+$0x70];
	_ =	sdelay $0x4  }
0x79: {  	v5 =	vmul.f32 $1.260307690e+02, v4;
	_ =	sdelay $0x1  }
0x7a: {  	v5 =	vtrunc.f32 v5  }
0x7b: {  	v5 =	vcvt.f32.s32 v5;
	_ =	sdelay $0x1  }
0x7c: {  	vm15 =	vlt.s32 v5, $0x7FF  }
0x7d: {  	v5 =	vnsel vm15, $0x7FF, v5  }
0x7e: {  	v5 =	vadd.s32 v2, v5  }
0x7f: {  	p0 =	sne.s32 s0, $0x7E00  }
.Ltmp1:
0x80: {  	_ = 	snop;
	(pc) =	sbr.rel @p0 .LBB2_4-.Ltmp1, $3  }
0x81: {  	_ =	sdelay $0x1  }
0x82: {  	[tilespmem:v5+s26+$0x0] =	vst.idx.add.s32.msk $0xffff, v3  }
0x83: {  	s0 =	sadd.s32 $0x200, s0;
	[tilespmem:v5+s28+$0x0] =	vst.idx.add.f32.msk $0xffff, v4  }
0x84: {  	s0 =	simm.s32 $0x0  }
0x85: {  	[tilespmem:s0], [sflag:$0x1] =	stream.strided.gather [hbm4b:s5+s22], $0x2000, s23, s22, $0x38;
	[tilespmem:$0x15000] =	vst v63  }
0x86: {  	_ =	swait.ge [sflag:s29], $0x2000  }
0x87: {  	[sflag:s29] =	ssyncset.done $0x0  }
0x88: {  	[sflag:s29] =	ssyncadd.s32 $0xFFFFE000  }
.LBB2_6:
0x89: {  	s1 =	sshra.s32 s0, $0x2  }
0x8a: {  	v4 =	vld [tilespmem:s1+$0x2000];
	_ =	sdelay $0x4  }
0x8b: {  	v5 =	vmul.f32 $1.260307690e+02, v4;
	_ =	sdelay $0x1  }
0x8c: {  	v5 =	vtrunc.f32 v5  }
0x8d: {  	v5 =	vcvt.f32.s32 v5;
	_ =	sdelay $0x1  }
0x8e: {  	vm0 =	vlt.s32 v5, $0x7FF  }
0x8f: {  	v5 =	vnsel vm0, $0x7FF, v5  }
0x90: {  	v5 =	vadd.s32 v2, v5;
	_ =	sdelay $0x4  }
0x91: {  	[tilespmem:v5+s26+$0x0] =	vst.idx.add.s32.msk $0xffff, v3  }
0x92: {  	[tilespmem:v5+s28+$0x0] =	vst.idx.add.f32.msk $0xffff, v4  }
0x93: {  	v4 =	vld [tilespmem:s1+$0x2010];
	_ =	sdelay $0x4  }
0x94: {  	v5 =	vmul.f32 $1.260307690e+02, v4;
	_ =	sdelay $0x1  }
0x95: {  	v5 =	vtrunc.f32 v5  }
0x96: {  	v5 =	vcvt.f32.s32 v5;
	_ =	sdelay $0x1  }
0x97: {  	vm9 =	vlt.s32 v5, $0x7FF  }
0x98: {  	v5 =	vnsel vm9, $0x7FF, v5  }
0x99: {  	v5 =	vadd.s32 v2, v5;
	_ =	sdelay $0x4  }
0x9a: {  	[tilespmem:v5+s26+$0x0] =	vst.idx.add.s32.msk $0xffff, v3  }
0x9b: {  	[tilespmem:v5+s28+$0x0] =	vst.idx.add.f32.msk $0xffff, v4  }
0x9c: {  	v4 =	vld [tilespmem:s1+$0x2020];
	_ =	sdelay $0x4  }
0x9d: {  	v5 =	vmul.f32 $1.260307690e+02, v4;
	_ =	sdelay $0x1  }
0x9e: {  	v5 =	vtrunc.f32 v5  }
0x9f: {  	v5 =	vcvt.f32.s32 v5;
	_ =	sdelay $0x1  }
0xa0: {  	vm10 =	vlt.s32 v5, $0x7FF  }
0xa1: {  	v5 =	vnsel vm10, $0x7FF, v5  }
0xa2: {  	v5 =	vadd.s32 v2, v5;
	_ =	sdelay $0x4  }
0xa3: {  	[tilespmem:v5+s26+$0x0] =	vst.idx.add.s32.msk $0xffff, v3  }
0xa4: {  	[tilespmem:v5+s28+$0x0] =	vst.idx.add.f32.msk $0xffff, v4  }
0xa5: {  	v4 =	vld [tilespmem:s1+$0x2030];
	_ =	sdelay $0x4  }
0xa6: {  	v5 =	vmul.f32 $1.260307690e+02, v4;
	_ =	sdelay $0x1  }
0xa7: {  	v5 =	vtrunc.f32 v5  }
0xa8: {  	v5 =	vcvt.f32.s32 v5;
	_ =	sdelay $0x1  }
0xa9: {  	vm11 =	vlt.s32 v5, $0x7FF  }
0xaa: {  	v5 =	vnsel vm11, $0x7FF, v5  }
0xab: {  	v5 =	vadd.s32 v2, v5;
	_ =	sdelay $0x4  }
0xac: {  	[tilespmem:v5+s26+$0x0] =	vst.idx.add.s32.msk $0xffff, v3  }
0xad: {  	[tilespmem:v5+s28+$0x0] =	vst.idx.add.f32.msk $0xffff, v4  }
0xae: {  	v4 =	vld [tilespmem:s1+$0x2040];
	_ =	sdelay $0x4  }
0xaf: {  	v5 =	vmul.f32 $1.260307690e+02, v4;
	_ =	sdelay $0x1  }
0xb0: {  	v5 =	vtrunc.f32 v5  }
0xb1: {  	v5 =	vcvt.f32.s32 v5;
	_ =	sdelay $0x1  }
0xb2: {  	vm12 =	vlt.s32 v5, $0x7FF  }
0xb3: {  	v5 =	vnsel vm12, $0x7FF, v5  }
0xb4: {  	v5 =	vadd.s32 v2, v5;
	_ =	sdelay $0x4  }
0xb5: {  	[tilespmem:v5+s26+$0x0] =	vst.idx.add.s32.msk $0xffff, v3  }
0xb6: {  	[tilespmem:v5+s28+$0x0] =	vst.idx.add.f32.msk $0xffff, v4  }
0xb7: {  	v4 =	vld [tilespmem:s1+$0x2050];
	_ =	sdelay $0x4  }
0xb8: {  	v5 =	vmul.f32 $1.260307690e+02, v4;
	_ =	sdelay $0x1  }
0xb9: {  	v5 =	vtrunc.f32 v5  }
0xba: {  	v5 =	vcvt.f32.s32 v5;
	_ =	sdelay $0x1  }
0xbb: {  	vm13 =	vlt.s32 v5, $0x7FF  }
0xbc: {  	v5 =	vnsel vm13, $0x7FF, v5  }
0xbd: {  	v5 =	vadd.s32 v2, v5;
	_ =	sdelay $0x4  }
0xbe: {  	[tilespmem:v5+s26+$0x0] =	vst.idx.add.s32.msk $0xffff, v3  }
0xbf: {  	[tilespmem:v5+s28+$0x0] =	vst.idx.add.f32.msk $0xffff, v4  }
0xc0: {  	v4 =	vld [tilespmem:s1+$0x2060];
	_ =	sdelay $0x4  }
0xc1: {  	v5 =	vmul.f32 $1.260307690e+02, v4;
	_ =	sdelay $0x1  }
0xc2: {  	v5 =	vtrunc.f32 v5  }
0xc3: {  	v5 =	vcvt.f32.s32 v5;
	_ =	sdelay $0x1  }
0xc4: {  	vm14 =	vlt.s32 v5, $0x7FF  }
0xc5: {  	v5 =	vnsel vm14, $0x7FF, v5  }
0xc6: {  	v5 =	vadd.s32 v2, v5;
	_ =	sdelay $0x4  }
0xc7: {  	[tilespmem:v5+s26+$0x0] =	vst.idx.add.s32.msk $0xffff, v3  }
0xc8: {  	[tilespmem:v5+s28+$0x0] =	vst.idx.add.f32.msk $0xffff, v4  }
0xc9: {  	v4 =	vld [tilespmem:s1+$0x2070];
	_ =	sdelay $0x4  }
0xca: {  	v5 =	vmul.f32 $1.260307690e+02, v4;
	_ =	sdelay $0x1  }
0xcb: {  	v5 =	vtrunc.f32 v5  }
0xcc: {  	v5 =	vcvt.f32.s32 v5;
	_ =	sdelay $0x1  }
0xcd: {  	vm15 =	vlt.s32 v5, $0x7FF  }
0xce: {  	v5 =	vnsel vm15, $0x7FF, v5  }
0xcf: {  	v5 =	vadd.s32 v2, v5  }
0xd0: {  	p0 =	sne.s32 s0, $0x7E00  }
.Ltmp2:
0xd1: {  	_ = 	snop;
	(pc) =	sbr.rel @p0 .LBB2_6-.Ltmp2, $3  }
0xd2: {  	_ =	sdelay $0x1  }
0xd3: {  	[tilespmem:v5+s26+$0x0] =	vst.idx.add.s32.msk $0xffff, v3  }
0xd4: {  	s0 =	sadd.s32 $0x200, s0;
	[tilespmem:v5+s28+$0x0] =	vst.idx.add.f32.msk $0xffff, v4  }
0xd5: {  	[tilespmem:s24], [sflag:$0x2] =	stream.strided.gather [hbm4b:s6+s22], $0x2000, s23, s22, $0x38;
	[tilespmem:$0x15000] =	vst v63  }
0xd6: {  	_ =	swait.ge [sflag:s25], $0x2000  }
0xd7: {  	[sflag:s25] =	ssyncset.done $0x0  }
0xd8: {  	s0 =	simm.s32 $0x0;
	[sflag:s25] =	ssyncadd.s32 $0xFFFFE000  }
.LBB2_8:
0xd9: {  	s1 =	sshra.s32 s0, $0x2  }
0xda: {  	v4 =	vld [tilespmem:s1+$0x0];
	_ =	sdelay $0x4  }
0xdb: {  	v5 =	vmul.f32 $1.260307690e+02, v4;
	_ =	sdelay $0x1  }
0xdc: {  	v5 =	vtrunc.f32 v5  }
0xdd: {  	v5 =	vcvt.f32.s32 v5;
	_ =	sdelay $0x1  }
0xde: {  	vm0 =	vlt.s32 v5, $0x7FF  }
0xdf: {  	v5 =	vnsel vm0, $0x7FF, v5  }
0xe0: {  	v5 =	vadd.s32 v2, v5;
	_ =	sdelay $0x4  }
0xe1: {  	[tilespmem:v5+s26+$0x0] =	vst.idx.add.s32.msk $0xffff, v3  }
0xe2: {  	[tilespmem:v5+s28+$0x0] =	vst.idx.add.f32.msk $0xffff, v4  }
0xe3: {  	v4 =	vld [tilespmem:s1+$0x10];
	_ =	sdelay $0x4  }
0xe4: {  	v5 =	vmul.f32 $1.260307690e+02, v4;
	_ =	sdelay $0x1  }
0xe5: {  	v5 =	vtrunc.f32 v5  }
0xe6: {  	v5 =	vcvt.f32.s32 v5;
	_ =	sdelay $0x1  }
0xe7: {  	vm9 =	vlt.s32 v5, $0x7FF  }
0xe8: {  	v5 =	vnsel vm9, $0x7FF, v5  }
0xe9: {  	v5 =	vadd.s32 v2, v5;
	_ =	sdelay $0x4  }
0xea: {  	[tilespmem:v5+s26+$0x0] =	vst.idx.add.s32.msk $0xffff, v3  }
0xeb: {  	[tilespmem:v5+s28+$0x0] =	vst.idx.add.f32.msk $0xffff, v4  }
0xec: {  	v4 =	vld [tilespmem:s1+$0x20];
	_ =	sdelay $0x4  }
0xed: {  	v5 =	vmul.f32 $1.260307690e+02, v4;
	_ =	sdelay $0x1  }
0xee: {  	v5 =	vtrunc.f32 v5  }
0xef: {  	v5 =	vcvt.f32.s32 v5;
	_ =	sdelay $0x1  }
0xf0: {  	vm10 =	vlt.s32 v5, $0x7FF  }
0xf1: {  	v5 =	vnsel vm10, $0x7FF, v5  }
0xf2: {  	v5 =	vadd.s32 v2, v5;
	_ =	sdelay $0x4  }
0xf3: {  	[tilespmem:v5+s26+$0x0] =	vst.idx.add.s32.msk $0xffff, v3  }
0xf4: {  	[tilespmem:v5+s28+$0x0] =	vst.idx.add.f32.msk $0xffff, v4  }
0xf5: {  	v4 =	vld [tilespmem:s1+$0x30];
	_ =	sdelay $0x4  }
0xf6: {  	v5 =	vmul.f32 $1.260307690e+02, v4;
	_ =	sdelay $0x1  }
0xf7: {  	v5 =	vtrunc.f32 v5  }
0xf8: {  	v5 =	vcvt.f32.s32 v5;
	_ =	sdelay $0x1  }
0xf9: {  	vm11 =	vlt.s32 v5, $0x7FF  }
0xfa: {  	v5 =	vnsel vm11, $0x7FF, v5  }
0xfb: {  	v5 =	vadd.s32 v2, v5;
	_ =	sdelay $0x4  }
0xfc: {  	[tilespmem:v5+s26+$0x0] =	vst.idx.add.s32.msk $0xffff, v3  }
0xfd: {  	[tilespmem:v5+s28+$0x0] =	vst.idx.add.f32.msk $0xffff, v4  }
0xfe: {  	v4 =	vld [tilespmem:s1+$0x40];
	_ =	sdelay $0x4  }
0xff: {  	v5 =	vmul.f32 $1.260307690e+02, v4;
	_ =	sdelay $0x1  }
0x100: {  	v5 =	vtrunc.f32 v5  }
0x101: {  	v5 =	vcvt.f32.s32 v5;
	_ =	sdelay $0x1  }
0x102: {  	vm12 =	vlt.s32 v5, $0x7FF  }
0x103: {  	v5 =	vnsel vm12, $0x7FF, v5  }
0x104: {  	v5 =	vadd.s32 v2, v5;
	_ =	sdelay $0x4  }
0x105: {  	[tilespmem:v5+s26+$0x0] =	vst.idx.add.s32.msk $0xffff, v3  }
0x106: {  	[tilespmem:v5+s28+$0x0] =	vst.idx.add.f32.msk $0xffff, v4  }
0x107: {  	v4 =	vld [tilespmem:s1+$0x50];
	_ =	sdelay $0x4  }
0x108: {  	v5 =	vmul.f32 $1.260307690e+02, v4;
	_ =	sdelay $0x1  }
0x109: {  	v5 =	vtrunc.f32 v5  }
0x10a: {  	v5 =	vcvt.f32.s32 v5;
	_ =	sdelay $0x1  }
0x10b: {  	vm13 =	vlt.s32 v5, $0x7FF  }
0x10c: {  	v5 =	vnsel vm13, $0x7FF, v5  }
0x10d: {  	v5 =	vadd.s32 v2, v5;
	_ =	sdelay $0x4  }
0x10e: {  	[tilespmem:v5+s26+$0x0] =	vst.idx.add.s32.msk $0xffff, v3  }
0x10f: {  	[tilespmem:v5+s28+$0x0] =	vst.idx.add.f32.msk $0xffff, v4  }
0x110: {  	v4 =	vld [tilespmem:s1+$0x60];
	_ =	sdelay $0x4  }
0x111: {  	v5 =	vmul.f32 $1.260307690e+02, v4;
	_ =	sdelay $0x1  }
0x112: {  	v5 =	vtrunc.f32 v5  }
0x113: {  	v5 =	vcvt.f32.s32 v5;
	_ =	sdelay $0x1  }
0x114: {  	vm14 =	vlt.s32 v5, $0x7FF  }
0x115: {  	v5 =	vnsel vm14, $0x7FF, v5  }
0x116: {  	v5 =	vadd.s32 v2, v5;
	_ =	sdelay $0x4  }
0x117: {  	[tilespmem:v5+s26+$0x0] =	vst.idx.add.s32.msk $0xffff, v3  }
0x118: {  	[tilespmem:v5+s28+$0x0] =	vst.idx.add.f32.msk $0xffff, v4  }
0x119: {  	v4 =	vld [tilespmem:s1+$0x70];
	_ =	sdelay $0x4  }
0x11a: {  	v5 =	vmul.f32 $1.260307690e+02, v4;
	_ =	sdelay $0x1  }
0x11b: {  	v5 =	vtrunc.f32 v5  }
0x11c: {  	v5 =	vcvt.f32.s32 v5;
	_ =	sdelay $0x1  }
0x11d: {  	vm15 =	vlt.s32 v5, $0x7FF  }
0x11e: {  	v5 =	vnsel vm15, $0x7FF, v5  }
0x11f: {  	v5 =	vadd.s32 v2, v5  }
0x120: {  	p0 =	sne.s32 s0, $0x7E00  }
.Ltmp3:
0x121: {  	_ = 	snop;
	(pc) =	sbr.rel @p0 .LBB2_8-.Ltmp3, $3  }
0x122: {  	_ =	sdelay $0x1  }
0x123: {  	[tilespmem:v5+s26+$0x0] =	vst.idx.add.s32.msk $0xffff, v3  }
0x124: {  	s0 =	sadd.s32 $0x200, s0;
	[tilespmem:v5+s28+$0x0] =	vst.idx.add.f32.msk $0xffff, v4  }
0x125: {  	s0 =	simm.s32 $0x0  }
0x126: {  	[tilespmem:s0], [sflag:$0x1] =	stream.strided.gather [hbm4b:s7+s22], $0x2000, s23, s22, $0x38;
	[tilespmem:$0x15000] =	vst v63  }
0x127: {  	_ =	swait.ge [sflag:s29], $0x2000  }
0x128: {  	[sflag:s29] =	ssyncset.done $0x0  }
0x129: {  	[sflag:s29] =	ssyncadd.s32 $0xFFFFE000  }
.LBB2_10:
0x12a: {  	s1 =	sshra.s32 s0, $0x2  }
0x12b: {  	v4 =	vld [tilespmem:s1+$0x2000];
	_ =	sdelay $0x4  }
0x12c: {  	v5 =	vmul.f32 $1.260307690e+02, v4;
	_ =	sdelay $0x1  }
0x12d: {  	v5 =	vtrunc.f32 v5  }
0x12e: {  	v5 =	vcvt.f32.s32 v5;
	_ =	sdelay $0x1  }
0x12f: {  	vm0 =	vlt.s32 v5, $0x7FF  }
0x130: {  	v5 =	vnsel vm0, $0x7FF, v5  }
0x131: {  	v5 =	vadd.s32 v2, v5;
	_ =	sdelay $0x4  }
0x132: {  	[tilespmem:v5+s26+$0x0] =	vst.idx.add.s32.msk $0xffff, v3  }
0x133: {  	[tilespmem:v5+s28+$0x0] =	vst.idx.add.f32.msk $0xffff, v4  }
0x134: {  	v4 =	vld [tilespmem:s1+$0x2010];
	_ =	sdelay $0x4  }
0x135: {  	v5 =	vmul.f32 $1.260307690e+02, v4;
	_ =	sdelay $0x1  }
0x136: {  	v5 =	vtrunc.f32 v5  }
0x137: {  	v5 =	vcvt.f32.s32 v5;
	_ =	sdelay $0x1  }
0x138: {  	vm9 =	vlt.s32 v5, $0x7FF  }
0x139: {  	v5 =	vnsel vm9, $0x7FF, v5  }
0x13a: {  	v5 =	vadd.s32 v2, v5;
	_ =	sdelay $0x4  }
0x13b: {  	[tilespmem:v5+s26+$0x0] =	vst.idx.add.s32.msk $0xffff, v3  }
0x13c: {  	[tilespmem:v5+s28+$0x0] =	vst.idx.add.f32.msk $0xffff, v4  }
0x13d: {  	v4 =	vld [tilespmem:s1+$0x2020];
	_ =	sdelay $0x4  }
0x13e: {  	v5 =	vmul.f32 $1.260307690e+02, v4;
	_ =	sdelay $0x1  }
0x13f: {  	v5 =	vtrunc.f32 v5  }
0x140: {  	v5 =	vcvt.f32.s32 v5;
	_ =	sdelay $0x1  }
0x141: {  	vm10 =	vlt.s32 v5, $0x7FF  }
0x142: {  	v5 =	vnsel vm10, $0x7FF, v5  }
0x143: {  	v5 =	vadd.s32 v2, v5;
	_ =	sdelay $0x4  }
0x144: {  	[tilespmem:v5+s26+$0x0] =	vst.idx.add.s32.msk $0xffff, v3  }
0x145: {  	[tilespmem:v5+s28+$0x0] =	vst.idx.add.f32.msk $0xffff, v4  }
0x146: {  	v4 =	vld [tilespmem:s1+$0x2030];
	_ =	sdelay $0x4  }
0x147: {  	v5 =	vmul.f32 $1.260307690e+02, v4;
	_ =	sdelay $0x1  }
0x148: {  	v5 =	vtrunc.f32 v5  }
0x149: {  	v5 =	vcvt.f32.s32 v5;
	_ =	sdelay $0x1  }
0x14a: {  	vm11 =	vlt.s32 v5, $0x7FF  }
0x14b: {  	v5 =	vnsel vm11, $0x7FF, v5  }
0x14c: {  	v5 =	vadd.s32 v2, v5;
	_ =	sdelay $0x4  }
0x14d: {  	[tilespmem:v5+s26+$0x0] =	vst.idx.add.s32.msk $0xffff, v3  }
0x14e: {  	[tilespmem:v5+s28+$0x0] =	vst.idx.add.f32.msk $0xffff, v4  }
0x14f: {  	v4 =	vld [tilespmem:s1+$0x2040];
	_ =	sdelay $0x4  }
0x150: {  	v5 =	vmul.f32 $1.260307690e+02, v4;
	_ =	sdelay $0x1  }
0x151: {  	v5 =	vtrunc.f32 v5  }
0x152: {  	v5 =	vcvt.f32.s32 v5;
	_ =	sdelay $0x1  }
0x153: {  	vm12 =	vlt.s32 v5, $0x7FF  }
0x154: {  	v5 =	vnsel vm12, $0x7FF, v5  }
0x155: {  	v5 =	vadd.s32 v2, v5;
	_ =	sdelay $0x4  }
0x156: {  	[tilespmem:v5+s26+$0x0] =	vst.idx.add.s32.msk $0xffff, v3  }
0x157: {  	[tilespmem:v5+s28+$0x0] =	vst.idx.add.f32.msk $0xffff, v4  }
0x158: {  	v4 =	vld [tilespmem:s1+$0x2050];
	_ =	sdelay $0x4  }
0x159: {  	v5 =	vmul.f32 $1.260307690e+02, v4;
	_ =	sdelay $0x1  }
0x15a: {  	v5 =	vtrunc.f32 v5  }
0x15b: {  	v5 =	vcvt.f32.s32 v5;
	_ =	sdelay $0x1  }
0x15c: {  	vm13 =	vlt.s32 v5, $0x7FF  }
0x15d: {  	v5 =	vnsel vm13, $0x7FF, v5  }
0x15e: {  	v5 =	vadd.s32 v2, v5;
	_ =	sdelay $0x4  }
0x15f: {  	[tilespmem:v5+s26+$0x0] =	vst.idx.add.s32.msk $0xffff, v3  }
0x160: {  	[tilespmem:v5+s28+$0x0] =	vst.idx.add.f32.msk $0xffff, v4  }
0x161: {  	v4 =	vld [tilespmem:s1+$0x2060];
	_ =	sdelay $0x4  }
0x162: {  	v5 =	vmul.f32 $1.260307690e+02, v4;
	_ =	sdelay $0x1  }
0x163: {  	v5 =	vtrunc.f32 v5  }
0x164: {  	v5 =	vcvt.f32.s32 v5;
	_ =	sdelay $0x1  }
0x165: {  	vm14 =	vlt.s32 v5, $0x7FF  }
0x166: {  	v5 =	vnsel vm14, $0x7FF, v5  }
0x167: {  	v5 =	vadd.s32 v2, v5;
	_ =	sdelay $0x4  }
0x168: {  	[tilespmem:v5+s26+$0x0] =	vst.idx.add.s32.msk $0xffff, v3  }
0x169: {  	[tilespmem:v5+s28+$0x0] =	vst.idx.add.f32.msk $0xffff, v4  }
0x16a: {  	v4 =	vld [tilespmem:s1+$0x2070];
	_ =	sdelay $0x4  }
0x16b: {  	v5 =	vmul.f32 $1.260307690e+02, v4;
	_ =	sdelay $0x1  }
0x16c: {  	v5 =	vtrunc.f32 v5  }
0x16d: {  	v5 =	vcvt.f32.s32 v5;
	_ =	sdelay $0x1  }
0x16e: {  	vm15 =	vlt.s32 v5, $0x7FF  }
0x16f: {  	v5 =	vnsel vm15, $0x7FF, v5  }
0x170: {  	v5 =	vadd.s32 v2, v5  }
0x171: {  	p0 =	sne.s32 s0, $0x7E00  }
.Ltmp4:
0x172: {  	_ = 	snop;
	(pc) =	sbr.rel @p0 .LBB2_10-.Ltmp4, $3  }
0x173: {  	_ =	sdelay $0x1  }
0x174: {  	[tilespmem:v5+s26+$0x0] =	vst.idx.add.s32.msk $0xffff, v3  }
0x175: {  	s0 =	sadd.s32 $0x200, s0;
	[tilespmem:v5+s28+$0x0] =	vst.idx.add.f32.msk $0xffff, v4  }
0x176: {  	[tilespmem:s24], [sflag:$0x2] =	stream.strided.gather [hbm4b:s8+s22], $0x2000, s23, s22, $0x38;
	[tilespmem:$0x15000] =	vst v63  }
0x177: {  	_ =	swait.ge [sflag:s25], $0x2000  }
0x178: {  	[sflag:s25] =	ssyncset.done $0x0  }
0x179: {  	s0 =	simm.s32 $0x0;
	[sflag:s25] =	ssyncadd.s32 $0xFFFFE000  }
.LBB2_12:
0x17a: {  	s1 =	sshra.s32 s0, $0x2  }
0x17b: {  	v4 =	vld [tilespmem:s1+$0x0];
	_ =	sdelay $0x4  }
0x17c: {  	v5 =	vmul.f32 $1.260307690e+02, v4;
	_ =	sdelay $0x1  }
0x17d: {  	v5 =	vtrunc.f32 v5  }
0x17e: {  	v5 =	vcvt.f32.s32 v5;
	_ =	sdelay $0x1  }
0x17f: {  	vm0 =	vlt.s32 v5, $0x7FF  }
0x180: {  	v5 =	vnsel vm0, $0x7FF, v5  }
0x181: {  	v5 =	vadd.s32 v2, v5;
	_ =	sdelay $0x4  }
0x182: {  	[tilespmem:v5+s26+$0x0] =	vst.idx.add.s32.msk $0xffff, v3  }
0x183: {  	[tilespmem:v5+s28+$0x0] =	vst.idx.add.f32.msk $0xffff, v4  }
0x184: {  	v4 =	vld [tilespmem:s1+$0x10];
	_ =	sdelay $0x4  }
0x185: {  	v5 =	vmul.f32 $1.260307690e+02, v4;
	_ =	sdelay $0x1  }
0x186: {  	v5 =	vtrunc.f32 v5  }
0x187: {  	v5 =	vcvt.f32.s32 v5;
	_ =	sdelay $0x1  }
0x188: {  	vm9 =	vlt.s32 v5, $0x7FF  }
0x189: {  	v5 =	vnsel vm9, $0x7FF, v5  }
0x18a: {  	v5 =	vadd.s32 v2, v5;
	_ =	sdelay $0x4  }
0x18b: {  	[tilespmem:v5+s26+$0x0] =	vst.idx.add.s32.msk $0xffff, v3  }
0x18c: {  	[tilespmem:v5+s28+$0x0] =	vst.idx.add.f32.msk $0xffff, v4  }
0x18d: {  	v4 =	vld [tilespmem:s1+$0x20];
	_ =	sdelay $0x4  }
0x18e: {  	v5 =	vmul.f32 $1.260307690e+02, v4;
	_ =	sdelay $0x1  }
0x18f: {  	v5 =	vtrunc.f32 v5  }
0x190: {  	v5 =	vcvt.f32.s32 v5;
	_ =	sdelay $0x1  }
0x191: {  	vm10 =	vlt.s32 v5, $0x7FF  }
0x192: {  	v5 =	vnsel vm10, $0x7FF, v5  }
0x193: {  	v5 =	vadd.s32 v2, v5;
	_ =	sdelay $0x4  }
0x194: {  	[tilespmem:v5+s26+$0x0] =	vst.idx.add.s32.msk $0xffff, v3  }
0x195: {  	[tilespmem:v5+s28+$0x0] =	vst.idx.add.f32.msk $0xffff, v4  }
0x196: {  	v4 =	vld [tilespmem:s1+$0x30];
	_ =	sdelay $0x4  }
0x197: {  	v5 =	vmul.f32 $1.260307690e+02, v4;
	_ =	sdelay $0x1  }
0x198: {  	v5 =	vtrunc.f32 v5  }
0x199: {  	v5 =	vcvt.f32.s32 v5;
	_ =	sdelay $0x1  }
0x19a: {  	vm11 =	vlt.s32 v5, $0x7FF  }
0x19b: {  	v5 =	vnsel vm11, $0x7FF, v5  }
0x19c: {  	v5 =	vadd.s32 v2, v5;
	_ =	sdelay $0x4  }
0x19d: {  	[tilespmem:v5+s26+$0x0] =	vst.idx.add.s32.msk $0xffff, v3  }
0x19e: {  	[tilespmem:v5+s28+$0x0] =	vst.idx.add.f32.msk $0xffff, v4  }
0x19f: {  	v4 =	vld [tilespmem:s1+$0x40];
	_ =	sdelay $0x4  }
0x1a0: {  	v5 =	vmul.f32 $1.260307690e+02, v4;
	_ =	sdelay $0x1  }
0x1a1: {  	v5 =	vtrunc.f32 v5  }
0x1a2: {  	v5 =	vcvt.f32.s32 v5;
	_ =	sdelay $0x1  }
0x1a3: {  	vm12 =	vlt.s32 v5, $0x7FF  }
0x1a4: {  	v5 =	vnsel vm12, $0x7FF, v5  }
0x1a5: {  	v5 =	vadd.s32 v2, v5;
	_ =	sdelay $0x4  }
0x1a6: {  	[tilespmem:v5+s26+$0x0] =	vst.idx.add.s32.msk $0xffff, v3  }
0x1a7: {  	[tilespmem:v5+s28+$0x0] =	vst.idx.add.f32.msk $0xffff, v4  }
0x1a8: {  	v4 =	vld [tilespmem:s1+$0x50];
	_ =	sdelay $0x4  }
0x1a9: {  	v5 =	vmul.f32 $1.260307690e+02, v4;
	_ =	sdelay $0x1  }
0x1aa: {  	v5 =	vtrunc.f32 v5  }
0x1ab: {  	v5 =	vcvt.f32.s32 v5;
	_ =	sdelay $0x1  }
0x1ac: {  	vm13 =	vlt.s32 v5, $0x7FF  }
0x1ad: {  	v5 =	vnsel vm13, $0x7FF, v5  }
0x1ae: {  	v5 =	vadd.s32 v2, v5;
	_ =	sdelay $0x4  }
0x1af: {  	[tilespmem:v5+s26+$0x0] =	vst.idx.add.s32.msk $0xffff, v3  }
0x1b0: {  	[tilespmem:v5+s28+$0x0] =	vst.idx.add.f32.msk $0xffff, v4  }
0x1b1: {  	v4 =	vld [tilespmem:s1+$0x60];
	_ =	sdelay $0x4  }
0x1b2: {  	v5 =	vmul.f32 $1.260307690e+02, v4;
	_ =	sdelay $0x1  }
0x1b3: {  	v5 =	vtrunc.f32 v5  }
0x1b4: {  	v5 =	vcvt.f32.s32 v5;
	_ =	sdelay $0x1  }
0x1b5: {  	vm14 =	vlt.s32 v5, $0x7FF  }
0x1b6: {  	v5 =	vnsel vm14, $0x7FF, v5  }
0x1b7: {  	v5 =	vadd.s32 v2, v5;
	_ =	sdelay $0x4  }
0x1b8: {  	[tilespmem:v5+s26+$0x0] =	vst.idx.add.s32.msk $0xffff, v3  }
0x1b9: {  	[tilespmem:v5+s28+$0x0] =	vst.idx.add.f32.msk $0xffff, v4  }
0x1ba: {  	v4 =	vld [tilespmem:s1+$0x70];
	_ =	sdelay $0x4  }
0x1bb: {  	v5 =	vmul.f32 $1.260307690e+02, v4;
	_ =	sdelay $0x1  }
0x1bc: {  	v5 =	vtrunc.f32 v5  }
0x1bd: {  	v5 =	vcvt.f32.s32 v5;
	_ =	sdelay $0x1  }
0x1be: {  	vm15 =	vlt.s32 v5, $0x7FF  }
0x1bf: {  	v5 =	vnsel vm15, $0x7FF, v5  }
0x1c0: {  	v5 =	vadd.s32 v2, v5  }
0x1c1: {  	p0 =	sne.s32 s0, $0x7E00  }
.Ltmp5:
0x1c2: {  	_ = 	snop;
	(pc) =	sbr.rel @p0 .LBB2_12-.Ltmp5, $3  }
0x1c3: {  	_ =	sdelay $0x1  }
0x1c4: {  	[tilespmem:v5+s26+$0x0] =	vst.idx.add.s32.msk $0xffff, v3  }
0x1c5: {  	s0 =	sadd.s32 $0x200, s0;
	[tilespmem:v5+s28+$0x0] =	vst.idx.add.f32.msk $0xffff, v4  }
0x1c6: {  	s0 =	simm.s32 $0x0  }
0x1c7: {  	[tilespmem:s0], [sflag:$0x1] =	stream.strided.gather [hbm4b:s9+s22], $0x2000, s23, s22, $0x38;
	[tilespmem:$0x15000] =	vst v63  }
0x1c8: {  	_ =	swait.ge [sflag:s29], $0x2000  }
0x1c9: {  	[sflag:s29] =	ssyncset.done $0x0  }
0x1ca: {  	[sflag:s29] =	ssyncadd.s32 $0xFFFFE000  }
.LBB2_14:
0x1cb: {  	s1 =	sshra.s32 s0, $0x2  }
0x1cc: {  	v4 =	vld [tilespmem:s1+$0x2000];
	_ =	sdelay $0x4  }
0x1cd: {  	v5 =	vmul.f32 $1.260307690e+02, v4;
	_ =	sdelay $0x1  }
0x1ce: {  	v5 =	vtrunc.f32 v5  }
0x1cf: {  	v5 =	vcvt.f32.s32 v5;
	_ =	sdelay $0x1  }
0x1d0: {  	vm0 =	vlt.s32 v5, $0x7FF  }
0x1d1: {  	v5 =	vnsel vm0, $0x7FF, v5  }
0x1d2: {  	v5 =	vadd.s32 v2, v5;
	_ =	sdelay $0x4  }
0x1d3: {  	[tilespmem:v5+s26+$0x0] =	vst.idx.add.s32.msk $0xffff, v3  }
0x1d4: {  	[tilespmem:v5+s28+$0x0] =	vst.idx.add.f32.msk $0xffff, v4  }
0x1d5: {  	v4 =	vld [tilespmem:s1+$0x2010];
	_ =	sdelay $0x4  }
0x1d6: {  	v5 =	vmul.f32 $1.260307690e+02, v4;
	_ =	sdelay $0x1  }
0x1d7: {  	v5 =	vtrunc.f32 v5  }
0x1d8: {  	v5 =	vcvt.f32.s32 v5;
	_ =	sdelay $0x1  }
0x1d9: {  	vm9 =	vlt.s32 v5, $0x7FF  }
0x1da: {  	v5 =	vnsel vm9, $0x7FF, v5  }
0x1db: {  	v5 =	vadd.s32 v2, v5;
	_ =	sdelay $0x4  }
0x1dc: {  	[tilespmem:v5+s26+$0x0] =	vst.idx.add.s32.msk $0xffff, v3  }
0x1dd: {  	[tilespmem:v5+s28+$0x0] =	vst.idx.add.f32.msk $0xffff, v4  }
0x1de: {  	v4 =	vld [tilespmem:s1+$0x2020];
	_ =	sdelay $0x4  }
0x1df: {  	v5 =	vmul.f32 $1.260307690e+02, v4;
	_ =	sdelay $0x1  }
0x1e0: {  	v5 =	vtrunc.f32 v5  }
0x1e1: {  	v5 =	vcvt.f32.s32 v5;
	_ =	sdelay $0x1  }
0x1e2: {  	vm10 =	vlt.s32 v5, $0x7FF  }
0x1e3: {  	v5 =	vnsel vm10, $0x7FF, v5  }
0x1e4: {  	v5 =	vadd.s32 v2, v5;
	_ =	sdelay $0x4  }
0x1e5: {  	[tilespmem:v5+s26+$0x0] =	vst.idx.add.s32.msk $0xffff, v3  }
0x1e6: {  	[tilespmem:v5+s28+$0x0] =	vst.idx.add.f32.msk $0xffff, v4  }
0x1e7: {  	v4 =	vld [tilespmem:s1+$0x2030];
	_ =	sdelay $0x4  }
0x1e8: {  	v5 =	vmul.f32 $1.260307690e+02, v4;
	_ =	sdelay $0x1  }
0x1e9: {  	v5 =	vtrunc.f32 v5  }
0x1ea: {  	v5 =	vcvt.f32.s32 v5;
	_ =	sdelay $0x1  }
0x1eb: {  	vm11 =	vlt.s32 v5, $0x7FF  }
0x1ec: {  	v5 =	vnsel vm11, $0x7FF, v5  }
0x1ed: {  	v5 =	vadd.s32 v2, v5;
	_ =	sdelay $0x4  }
0x1ee: {  	[tilespmem:v5+s26+$0x0] =	vst.idx.add.s32.msk $0xffff, v3  }
0x1ef: {  	[tilespmem:v5+s28+$0x0] =	vst.idx.add.f32.msk $0xffff, v4  }
0x1f0: {  	v4 =	vld [tilespmem:s1+$0x2040];
	_ =	sdelay $0x4  }
0x1f1: {  	v5 =	vmul.f32 $1.260307690e+02, v4;
	_ =	sdelay $0x1  }
0x1f2: {  	v5 =	vtrunc.f32 v5  }
0x1f3: {  	v5 =	vcvt.f32.s32 v5;
	_ =	sdelay $0x1  }
0x1f4: {  	vm12 =	vlt.s32 v5, $0x7FF  }
0x1f5: {  	v5 =	vnsel vm12, $0x7FF, v5  }
0x1f6: {  	v5 =	vadd.s32 v2, v5;
	_ =	sdelay $0x4  }
0x1f7: {  	[tilespmem:v5+s26+$0x0] =	vst.idx.add.s32.msk $0xffff, v3  }
0x1f8: {  	[tilespmem:v5+s28+$0x0] =	vst.idx.add.f32.msk $0xffff, v4  }
0x1f9: {  	v4 =	vld [tilespmem:s1+$0x2050];
	_ =	sdelay $0x4  }
0x1fa: {  	v5 =	vmul.f32 $1.260307690e+02, v4;
	_ =	sdelay $0x1  }
0x1fb: {  	v5 =	vtrunc.f32 v5  }
0x1fc: {  	v5 =	vcvt.f32.s32 v5;
	_ =	sdelay $0x1  }
0x1fd: {  	vm13 =	vlt.s32 v5, $0x7FF  }
0x1fe: {  	v5 =	vnsel vm13, $0x7FF, v5  }
0x1ff: {  	v5 =	vadd.s32 v2, v5;
	_ =	sdelay $0x4  }
0x200: {  	[tilespmem:v5+s26+$0x0] =	vst.idx.add.s32.msk $0xffff, v3  }
0x201: {  	[tilespmem:v5+s28+$0x0] =	vst.idx.add.f32.msk $0xffff, v4  }
0x202: {  	v4 =	vld [tilespmem:s1+$0x2060];
	_ =	sdelay $0x4  }
0x203: {  	v5 =	vmul.f32 $1.260307690e+02, v4;
	_ =	sdelay $0x1  }
0x204: {  	v5 =	vtrunc.f32 v5  }
0x205: {  	v5 =	vcvt.f32.s32 v5;
	_ =	sdelay $0x1  }
0x206: {  	vm14 =	vlt.s32 v5, $0x7FF  }
0x207: {  	v5 =	vnsel vm14, $0x7FF, v5  }
0x208: {  	v5 =	vadd.s32 v2, v5;
	_ =	sdelay $0x4  }
0x209: {  	[tilespmem:v5+s26+$0x0] =	vst.idx.add.s32.msk $0xffff, v3  }
0x20a: {  	[tilespmem:v5+s28+$0x0] =	vst.idx.add.f32.msk $0xffff, v4  }
0x20b: {  	v4 =	vld [tilespmem:s1+$0x2070];
	_ =	sdelay $0x4  }
0x20c: {  	v5 =	vmul.f32 $1.260307690e+02, v4;
	_ =	sdelay $0x1  }
0x20d: {  	v5 =	vtrunc.f32 v5  }
0x20e: {  	v5 =	vcvt.f32.s32 v5;
	_ =	sdelay $0x1  }
0x20f: {  	vm15 =	vlt.s32 v5, $0x7FF  }
0x210: {  	v5 =	vnsel vm15, $0x7FF, v5  }
0x211: {  	v5 =	vadd.s32 v2, v5  }
0x212: {  	p0 =	sne.s32 s0, $0x7E00  }
.Ltmp6:
0x213: {  	_ = 	snop;
	(pc) =	sbr.rel @p0 .LBB2_14-.Ltmp6, $3  }
0x214: {  	_ =	sdelay $0x1  }
0x215: {  	[tilespmem:v5+s26+$0x0] =	vst.idx.add.s32.msk $0xffff, v3  }
0x216: {  	s0 =	sadd.s32 $0x200, s0;
	[tilespmem:v5+s28+$0x0] =	vst.idx.add.f32.msk $0xffff, v4  }
0x217: {  	[tilespmem:s24], [sflag:$0x2] =	stream.strided.gather [hbm4b:s10+s22], $0x2000, s23, s22, $0x38;
	[tilespmem:$0x15000] =	vst v63  }
0x218: {  	_ =	swait.ge [sflag:s25], $0x2000  }
0x219: {  	[sflag:s25] =	ssyncset.done $0x0  }
0x21a: {  	s0 =	simm.s32 $0x0;
	[sflag:s25] =	ssyncadd.s32 $0xFFFFE000  }
.LBB2_16:
0x21b: {  	s1 =	sshra.s32 s0, $0x2  }
0x21c: {  	v4 =	vld [tilespmem:s1+$0x0];
	_ =	sdelay $0x4  }
0x21d: {  	v5 =	vmul.f32 $1.260307690e+02, v4;
	_ =	sdelay $0x1  }
0x21e: {  	v5 =	vtrunc.f32 v5  }
0x21f: {  	v5 =	vcvt.f32.s32 v5;
	_ =	sdelay $0x1  }
0x220: {  	vm0 =	vlt.s32 v5, $0x7FF  }
0x221: {  	v5 =	vnsel vm0, $0x7FF, v5  }
0x222: {  	v5 =	vadd.s32 v2, v5;
	_ =	sdelay $0x4  }
0x223: {  	[tilespmem:v5+s26+$0x0] =	vst.idx.add.s32.msk $0xffff, v3  }
0x224: {  	[tilespmem:v5+s28+$0x0] =	vst.idx.add.f32.msk $0xffff, v4  }
0x225: {  	v4 =	vld [tilespmem:s1+$0x10];
	_ =	sdelay $0x4  }
0x226: {  	v5 =	vmul.f32 $1.260307690e+02, v4;
	_ =	sdelay $0x1  }
0x227: {  	v5 =	vtrunc.f32 v5  }
0x228: {  	v5 =	vcvt.f32.s32 v5;
	_ =	sdelay $0x1  }
0x229: {  	vm9 =	vlt.s32 v5, $0x7FF  }
0x22a: {  	v5 =	vnsel vm9, $0x7FF, v5  }
0x22b: {  	v5 =	vadd.s32 v2, v5;
	_ =	sdelay $0x4  }
0x22c: {  	[tilespmem:v5+s26+$0x0] =	vst.idx.add.s32.msk $0xffff, v3  }
0x22d: {  	[tilespmem:v5+s28+$0x0] =	vst.idx.add.f32.msk $0xffff, v4  }
0x22e: {  	v4 =	vld [tilespmem:s1+$0x20];
	_ =	sdelay $0x4  }
0x22f: {  	v5 =	vmul.f32 $1.260307690e+02, v4;
	_ =	sdelay $0x1  }
0x230: {  	v5 =	vtrunc.f32 v5  }
0x231: {  	v5 =	vcvt.f32.s32 v5;
	_ =	sdelay $0x1  }
0x232: {  	vm10 =	vlt.s32 v5, $0x7FF  }
0x233: {  	v5 =	vnsel vm10, $0x7FF, v5  }
0x234: {  	v5 =	vadd.s32 v2, v5;
	_ =	sdelay $0x4  }
0x235: {  	[tilespmem:v5+s26+$0x0] =	vst.idx.add.s32.msk $0xffff, v3  }
0x236: {  	[tilespmem:v5+s28+$0x0] =	vst.idx.add.f32.msk $0xffff, v4  }
0x237: {  	v4 =	vld [tilespmem:s1+$0x30];
	_ =	sdelay $0x4  }
0x238: {  	v5 =	vmul.f32 $1.260307690e+02, v4;
	_ =	sdelay $0x1  }
0x239: {  	v5 =	vtrunc.f32 v5  }
0x23a: {  	v5 =	vcvt.f32.s32 v5;
	_ =	sdelay $0x1  }
0x23b: {  	vm11 =	vlt.s32 v5, $0x7FF  }
0x23c: {  	v5 =	vnsel vm11, $0x7FF, v5  }
0x23d: {  	v5 =	vadd.s32 v2, v5;
	_ =	sdelay $0x4  }
0x23e: {  	[tilespmem:v5+s26+$0x0] =	vst.idx.add.s32.msk $0xffff, v3  }
0x23f: {  	[tilespmem:v5+s28+$0x0] =	vst.idx.add.f32.msk $0xffff, v4  }
0x240: {  	v4 =	vld [tilespmem:s1+$0x40];
	_ =	sdelay $0x4  }
0x241: {  	v5 =	vmul.f32 $1.260307690e+02, v4;
	_ =	sdelay $0x1  }
0x242: {  	v5 =	vtrunc.f32 v5  }
0x243: {  	v5 =	vcvt.f32.s32 v5;
	_ =	sdelay $0x1  }
0x244: {  	vm12 =	vlt.s32 v5, $0x7FF  }
0x245: {  	v5 =	vnsel vm12, $0x7FF, v5  }
0x246: {  	v5 =	vadd.s32 v2, v5;
	_ =	sdelay $0x4  }
0x247: {  	[tilespmem:v5+s26+$0x0] =	vst.idx.add.s32.msk $0xffff, v3  }
0x248: {  	[tilespmem:v5+s28+$0x0] =	vst.idx.add.f32.msk $0xffff, v4  }
0x249: {  	v4 =	vld [tilespmem:s1+$0x50];
	_ =	sdelay $0x4  }
0x24a: {  	v5 =	vmul.f32 $1.260307690e+02, v4;
	_ =	sdelay $0x1  }
0x24b: {  	v5 =	vtrunc.f32 v5  }
0x24c: {  	v5 =	vcvt.f32.s32 v5;
	_ =	sdelay $0x1  }
0x24d: {  	vm13 =	vlt.s32 v5, $0x7FF  }
0x24e: {  	v5 =	vnsel vm13, $0x7FF, v5  }
0x24f: {  	v5 =	vadd.s32 v2, v5;
	_ =	sdelay $0x4  }
0x250: {  	[tilespmem:v5+s26+$0x0] =	vst.idx.add.s32.msk $0xffff, v3  }
0x251: {  	[tilespmem:v5+s28+$0x0] =	vst.idx.add.f32.msk $0xffff, v4  }
0x252: {  	v4 =	vld [tilespmem:s1+$0x60];
	_ =	sdelay $0x4  }
0x253: {  	v5 =	vmul.f32 $1.260307690e+02, v4;
	_ =	sdelay $0x1  }
0x254: {  	v5 =	vtrunc.f32 v5  }
0x255: {  	v5 =	vcvt.f32.s32 v5;
	_ =	sdelay $0x1  }
0x256: {  	vm14 =	vlt.s32 v5, $0x7FF  }
0x257: {  	v5 =	vnsel vm14, $0x7FF, v5  }
0x258: {  	v5 =	vadd.s32 v2, v5;
	_ =	sdelay $0x4  }
0x259: {  	[tilespmem:v5+s26+$0x0] =	vst.idx.add.s32.msk $0xffff, v3  }
0x25a: {  	[tilespmem:v5+s28+$0x0] =	vst.idx.add.f32.msk $0xffff, v4  }
0x25b: {  	v4 =	vld [tilespmem:s1+$0x70];
	_ =	sdelay $0x4  }
0x25c: {  	v5 =	vmul.f32 $1.260307690e+02, v4;
	_ =	sdelay $0x1  }
0x25d: {  	v5 =	vtrunc.f32 v5  }
0x25e: {  	v5 =	vcvt.f32.s32 v5;
	_ =	sdelay $0x1  }
0x25f: {  	vm15 =	vlt.s32 v5, $0x7FF  }
0x260: {  	v5 =	vnsel vm15, $0x7FF, v5  }
0x261: {  	v5 =	vadd.s32 v2, v5  }
0x262: {  	p0 =	sne.s32 s0, $0x7E00  }
.Ltmp7:
0x263: {  	_ = 	snop;
	(pc) =	sbr.rel @p0 .LBB2_16-.Ltmp7, $3  }
0x264: {  	_ =	sdelay $0x1  }
0x265: {  	[tilespmem:v5+s26+$0x0] =	vst.idx.add.s32.msk $0xffff, v3  }
0x266: {  	s0 =	sadd.s32 $0x200, s0;
	[tilespmem:v5+s28+$0x0] =	vst.idx.add.f32.msk $0xffff, v4  }
0x267: {  	s0 =	simm.s32 $0x0  }
0x268: {  	[tilespmem:s0], [sflag:$0x1] =	stream.strided.gather [hbm4b:s11+s22], $0x2000, s23, s22, $0x38;
	[tilespmem:$0x15000] =	vst v63  }
0x269: {  	_ =	swait.ge [sflag:s29], $0x2000  }
0x26a: {  	[sflag:s29] =	ssyncset.done $0x0  }
0x26b: {  	[sflag:s29] =	ssyncadd.s32 $0xFFFFE000  }
.LBB2_18:
0x26c: {  	s1 =	sshra.s32 s0, $0x2  }
0x26d: {  	v4 =	vld [tilespmem:s1+$0x2000];
	_ =	sdelay $0x4  }
0x26e: {  	v5 =	vmul.f32 $1.260307690e+02, v4;
	_ =	sdelay $0x1  }
0x26f: {  	v5 =	vtrunc.f32 v5  }
0x270: {  	v5 =	vcvt.f32.s32 v5;
	_ =	sdelay $0x1  }
0x271: {  	vm0 =	vlt.s32 v5, $0x7FF  }
0x272: {  	v5 =	vnsel vm0, $0x7FF, v5  }
0x273: {  	v5 =	vadd.s32 v2, v5;
	_ =	sdelay $0x4  }
0x274: {  	[tilespmem:v5+s26+$0x0] =	vst.idx.add.s32.msk $0xffff, v3  }
0x275: {  	[tilespmem:v5+s28+$0x0] =	vst.idx.add.f32.msk $0xffff, v4  }
0x276: {  	v4 =	vld [tilespmem:s1+$0x2010];
	_ =	sdelay $0x4  }
0x277: {  	v5 =	vmul.f32 $1.260307690e+02, v4;
	_ =	sdelay $0x1  }
0x278: {  	v5 =	vtrunc.f32 v5  }
0x279: {  	v5 =	vcvt.f32.s32 v5;
	_ =	sdelay $0x1  }
0x27a: {  	vm9 =	vlt.s32 v5, $0x7FF  }
0x27b: {  	v5 =	vnsel vm9, $0x7FF, v5  }
0x27c: {  	v5 =	vadd.s32 v2, v5;
	_ =	sdelay $0x4  }
0x27d: {  	[tilespmem:v5+s26+$0x0] =	vst.idx.add.s32.msk $0xffff, v3  }
0x27e: {  	[tilespmem:v5+s28+$0x0] =	vst.idx.add.f32.msk $0xffff, v4  }
0x27f: {  	v4 =	vld [tilespmem:s1+$0x2020];
	_ =	sdelay $0x4  }
0x280: {  	v5 =	vmul.f32 $1.260307690e+02, v4;
	_ =	sdelay $0x1  }
0x281: {  	v5 =	vtrunc.f32 v5  }
0x282: {  	v5 =	vcvt.f32.s32 v5;
	_ =	sdelay $0x1  }
0x283: {  	vm10 =	vlt.s32 v5, $0x7FF  }
0x284: {  	v5 =	vnsel vm10, $0x7FF, v5  }
0x285: {  	v5 =	vadd.s32 v2, v5;
	_ =	sdelay $0x4  }
0x286: {  	[tilespmem:v5+s26+$0x0] =	vst.idx.add.s32.msk $0xffff, v3  }
0x287: {  	[tilespmem:v5+s28+$0x0] =	vst.idx.add.f32.msk $0xffff, v4  }
0x288: {  	v4 =	vld [tilespmem:s1+$0x2030];
	_ =	sdelay $0x4  }
0x289: {  	v5 =	vmul.f32 $1.260307690e+02, v4;
	_ =	sdelay $0x1  }
0x28a: {  	v5 =	vtrunc.f32 v5  }
0x28b: {  	v5 =	vcvt.f32.s32 v5;
	_ =	sdelay $0x1  }
0x28c: {  	vm11 =	vlt.s32 v5, $0x7FF  }
0x28d: {  	v5 =	vnsel vm11, $0x7FF, v5  }
0x28e: {  	v5 =	vadd.s32 v2, v5;
	_ =	sdelay $0x4  }
0x28f: {  	[tilespmem:v5+s26+$0x0] =	vst.idx.add.s32.msk $0xffff, v3  }
0x290: {  	[tilespmem:v5+s28+$0x0] =	vst.idx.add.f32.msk $0xffff, v4  }
0x291: {  	v4 =	vld [tilespmem:s1+$0x2040];
	_ =	sdelay $0x4  }
0x292: {  	v5 =	vmul.f32 $1.260307690e+02, v4;
	_ =	sdelay $0x1  }
0x293: {  	v5 =	vtrunc.f32 v5  }
0x294: {  	v5 =	vcvt.f32.s32 v5;
	_ =	sdelay $0x1  }
0x295: {  	vm12 =	vlt.s32 v5, $0x7FF  }
0x296: {  	v5 =	vnsel vm12, $0x7FF, v5  }
0x297: {  	v5 =	vadd.s32 v2, v5;
	_ =	sdelay $0x4  }
0x298: {  	[tilespmem:v5+s26+$0x0] =	vst.idx.add.s32.msk $0xffff, v3  }
0x299: {  	[tilespmem:v5+s28+$0x0] =	vst.idx.add.f32.msk $0xffff, v4  }
0x29a: {  	v4 =	vld [tilespmem:s1+$0x2050];
	_ =	sdelay $0x4  }
0x29b: {  	v5 =	vmul.f32 $1.260307690e+02, v4;
	_ =	sdelay $0x1  }
0x29c: {  	v5 =	vtrunc.f32 v5  }
0x29d: {  	v5 =	vcvt.f32.s32 v5;
	_ =	sdelay $0x1  }
0x29e: {  	vm13 =	vlt.s32 v5, $0x7FF  }
0x29f: {  	v5 =	vnsel vm13, $0x7FF, v5  }
0x2a0: {  	v5 =	vadd.s32 v2, v5;
	_ =	sdelay $0x4  }
0x2a1: {  	[tilespmem:v5+s26+$0x0] =	vst.idx.add.s32.msk $0xffff, v3  }
0x2a2: {  	[tilespmem:v5+s28+$0x0] =	vst.idx.add.f32.msk $0xffff, v4  }
0x2a3: {  	v4 =	vld [tilespmem:s1+$0x2060];
	_ =	sdelay $0x4  }
0x2a4: {  	v5 =	vmul.f32 $1.260307690e+02, v4;
	_ =	sdelay $0x1  }
0x2a5: {  	v5 =	vtrunc.f32 v5  }
0x2a6: {  	v5 =	vcvt.f32.s32 v5;
	_ =	sdelay $0x1  }
0x2a7: {  	vm14 =	vlt.s32 v5, $0x7FF  }
0x2a8: {  	v5 =	vnsel vm14, $0x7FF, v5  }
0x2a9: {  	v5 =	vadd.s32 v2, v5;
	_ =	sdelay $0x4  }
0x2aa: {  	[tilespmem:v5+s26+$0x0] =	vst.idx.add.s32.msk $0xffff, v3  }
0x2ab: {  	[tilespmem:v5+s28+$0x0] =	vst.idx.add.f32.msk $0xffff, v4  }
0x2ac: {  	v4 =	vld [tilespmem:s1+$0x2070];
	_ =	sdelay $0x4  }
0x2ad: {  	v5 =	vmul.f32 $1.260307690e+02, v4;
	_ =	sdelay $0x1  }
0x2ae: {  	v5 =	vtrunc.f32 v5  }
0x2af: {  	v5 =	vcvt.f32.s32 v5;
	_ =	sdelay $0x1  }
0x2b0: {  	vm15 =	vlt.s32 v5, $0x7FF  }
0x2b1: {  	v5 =	vnsel vm15, $0x7FF, v5  }
0x2b2: {  	v5 =	vadd.s32 v2, v5  }
0x2b3: {  	p0 =	sne.s32 s0, $0x7E00  }
.Ltmp8:
0x2b4: {  	_ = 	snop;
	(pc) =	sbr.rel @p0 .LBB2_18-.Ltmp8, $3  }
0x2b5: {  	_ =	sdelay $0x1  }
0x2b6: {  	[tilespmem:v5+s26+$0x0] =	vst.idx.add.s32.msk $0xffff, v3  }
0x2b7: {  	s0 =	sadd.s32 $0x200, s0;
	[tilespmem:v5+s28+$0x0] =	vst.idx.add.f32.msk $0xffff, v4  }
0x2b8: {  	[tilespmem:s24], [sflag:$0x2] =	stream.strided.gather [hbm4b:s12+s22], $0x2000, s23, s22, $0x38;
	[tilespmem:$0x15000] =	vst v63  }
0x2b9: {  	_ =	swait.ge [sflag:s25], $0x2000  }
0x2ba: {  	[sflag:s25] =	ssyncset.done $0x0  }
0x2bb: {  	s0 =	simm.s32 $0x0;
	[sflag:s25] =	ssyncadd.s32 $0xFFFFE000  }
.LBB2_20:
0x2bc: {  	s1 =	sshra.s32 s0, $0x2  }
0x2bd: {  	v4 =	vld [tilespmem:s1+$0x0];
	_ =	sdelay $0x4  }
0x2be: {  	v5 =	vmul.f32 $1.260307690e+02, v4;
	_ =	sdelay $0x1  }
0x2bf: {  	v5 =	vtrunc.f32 v5  }
0x2c0: {  	v5 =	vcvt.f32.s32 v5;
	_ =	sdelay $0x1  }
0x2c1: {  	vm0 =	vlt.s32 v5, $0x7FF  }
0x2c2: {  	v5 =	vnsel vm0, $0x7FF, v5  }
0x2c3: {  	v5 =	vadd.s32 v2, v5;
	_ =	sdelay $0x4  }
0x2c4: {  	[tilespmem:v5+s26+$0x0] =	vst.idx.add.s32.msk $0xffff, v3  }
0x2c5: {  	[tilespmem:v5+s28+$0x0] =	vst.idx.add.f32.msk $0xffff, v4  }
0x2c6: {  	v4 =	vld [tilespmem:s1+$0x10];
	_ =	sdelay $0x4  }
0x2c7: {  	v5 =	vmul.f32 $1.260307690e+02, v4;
	_ =	sdelay $0x1  }
0x2c8: {  	v5 =	vtrunc.f32 v5  }
0x2c9: {  	v5 =	vcvt.f32.s32 v5;
	_ =	sdelay $0x1  }
0x2ca: {  	vm9 =	vlt.s32 v5, $0x7FF  }
0x2cb: {  	v5 =	vnsel vm9, $0x7FF, v5  }
0x2cc: {  	v5 =	vadd.s32 v2, v5;
	_ =	sdelay $0x4  }
0x2cd: {  	[tilespmem:v5+s26+$0x0] =	vst.idx.add.s32.msk $0xffff, v3  }
0x2ce: {  	[tilespmem:v5+s28+$0x0] =	vst.idx.add.f32.msk $0xffff, v4  }
0x2cf: {  	v4 =	vld [tilespmem:s1+$0x20];
	_ =	sdelay $0x4  }
0x2d0: {  	v5 =	vmul.f32 $1.260307690e+02, v4;
	_ =	sdelay $0x1  }
0x2d1: {  	v5 =	vtrunc.f32 v5  }
0x2d2: {  	v5 =	vcvt.f32.s32 v5;
	_ =	sdelay $0x1  }
0x2d3: {  	vm10 =	vlt.s32 v5, $0x7FF  }
0x2d4: {  	v5 =	vnsel vm10, $0x7FF, v5  }
0x2d5: {  	v5 =	vadd.s32 v2, v5;
	_ =	sdelay $0x4  }
0x2d6: {  	[tilespmem:v5+s26+$0x0] =	vst.idx.add.s32.msk $0xffff, v3  }
0x2d7: {  	[tilespmem:v5+s28+$0x0] =	vst.idx.add.f32.msk $0xffff, v4  }
0x2d8: {  	v4 =	vld [tilespmem:s1+$0x30];
	_ =	sdelay $0x4  }
0x2d9: {  	v5 =	vmul.f32 $1.260307690e+02, v4;
	_ =	sdelay $0x1  }
0x2da: {  	v5 =	vtrunc.f32 v5  }
0x2db: {  	v5 =	vcvt.f32.s32 v5;
	_ =	sdelay $0x1  }
0x2dc: {  	vm11 =	vlt.s32 v5, $0x7FF  }
0x2dd: {  	v5 =	vnsel vm11, $0x7FF, v5  }
0x2de: {  	v5 =	vadd.s32 v2, v5;
	_ =	sdelay $0x4  }
0x2df: {  	[tilespmem:v5+s26+$0x0] =	vst.idx.add.s32.msk $0xffff, v3  }
0x2e0: {  	[tilespmem:v5+s28+$0x0] =	vst.idx.add.f32.msk $0xffff, v4  }
0x2e1: {  	v4 =	vld [tilespmem:s1+$0x40];
	_ =	sdelay $0x4  }
0x2e2: {  	v5 =	vmul.f32 $1.260307690e+02, v4;
	_ =	sdelay $0x1  }
0x2e3: {  	v5 =	vtrunc.f32 v5  }
0x2e4: {  	v5 =	vcvt.f32.s32 v5;
	_ =	sdelay $0x1  }
0x2e5: {  	vm12 =	vlt.s32 v5, $0x7FF  }
0x2e6: {  	v5 =	vnsel vm12, $0x7FF, v5  }
0x2e7: {  	v5 =	vadd.s32 v2, v5;
	_ =	sdelay $0x4  }
0x2e8: {  	[tilespmem:v5+s26+$0x0] =	vst.idx.add.s32.msk $0xffff, v3  }
0x2e9: {  	[tilespmem:v5+s28+$0x0] =	vst.idx.add.f32.msk $0xffff, v4  }
0x2ea: {  	v4 =	vld [tilespmem:s1+$0x50];
	_ =	sdelay $0x4  }
0x2eb: {  	v5 =	vmul.f32 $1.260307690e+02, v4;
	_ =	sdelay $0x1  }
0x2ec: {  	v5 =	vtrunc.f32 v5  }
0x2ed: {  	v5 =	vcvt.f32.s32 v5;
	_ =	sdelay $0x1  }
0x2ee: {  	vm13 =	vlt.s32 v5, $0x7FF  }
0x2ef: {  	v5 =	vnsel vm13, $0x7FF, v5  }
0x2f0: {  	v5 =	vadd.s32 v2, v5;
	_ =	sdelay $0x4  }
0x2f1: {  	[tilespmem:v5+s26+$0x0] =	vst.idx.add.s32.msk $0xffff, v3  }
0x2f2: {  	[tilespmem:v5+s28+$0x0] =	vst.idx.add.f32.msk $0xffff, v4  }
0x2f3: {  	v4 =	vld [tilespmem:s1+$0x60];
	_ =	sdelay $0x4  }
0x2f4: {  	v5 =	vmul.f32 $1.260307690e+02, v4;
	_ =	sdelay $0x1  }
0x2f5: {  	v5 =	vtrunc.f32 v5  }
0x2f6: {  	v5 =	vcvt.f32.s32 v5;
	_ =	sdelay $0x1  }
0x2f7: {  	vm14 =	vlt.s32 v5, $0x7FF  }
0x2f8: {  	v5 =	vnsel vm14, $0x7FF, v5  }
0x2f9: {  	v5 =	vadd.s32 v2, v5;
	_ =	sdelay $0x4  }
0x2fa: {  	[tilespmem:v5+s26+$0x0] =	vst.idx.add.s32.msk $0xffff, v3  }
0x2fb: {  	[tilespmem:v5+s28+$0x0] =	vst.idx.add.f32.msk $0xffff, v4  }
0x2fc: {  	v4 =	vld [tilespmem:s1+$0x70];
	_ =	sdelay $0x4  }
0x2fd: {  	v5 =	vmul.f32 $1.260307690e+02, v4;
	_ =	sdelay $0x1  }
0x2fe: {  	v5 =	vtrunc.f32 v5  }
0x2ff: {  	v5 =	vcvt.f32.s32 v5;
	_ =	sdelay $0x1  }
0x300: {  	vm15 =	vlt.s32 v5, $0x7FF  }
0x301: {  	v5 =	vnsel vm15, $0x7FF, v5  }
0x302: {  	v5 =	vadd.s32 v2, v5  }
0x303: {  	p0 =	sne.s32 s0, $0x7E00  }
.Ltmp9:
0x304: {  	_ = 	snop;
	(pc) =	sbr.rel @p0 .LBB2_20-.Ltmp9, $3  }
0x305: {  	_ =	sdelay $0x1  }
0x306: {  	[tilespmem:v5+s26+$0x0] =	vst.idx.add.s32.msk $0xffff, v3  }
0x307: {  	s0 =	sadd.s32 $0x200, s0;
	[tilespmem:v5+s28+$0x0] =	vst.idx.add.f32.msk $0xffff, v4  }
0x308: {  	s0 =	simm.s32 $0x0  }
0x309: {  	[tilespmem:s0], [sflag:$0x1] =	stream.strided.gather [hbm4b:s13+s22], $0x2000, s23, s22, $0x38;
	[tilespmem:$0x15000] =	vst v63  }
0x30a: {  	_ =	swait.ge [sflag:s29], $0x2000  }
0x30b: {  	[sflag:s29] =	ssyncset.done $0x0  }
0x30c: {  	[sflag:s29] =	ssyncadd.s32 $0xFFFFE000  }
.LBB2_22:
0x30d: {  	s1 =	sshra.s32 s0, $0x2  }
0x30e: {  	v4 =	vld [tilespmem:s1+$0x2000];
	_ =	sdelay $0x4  }
0x30f: {  	v5 =	vmul.f32 $1.260307690e+02, v4;
	_ =	sdelay $0x1  }
0x310: {  	v5 =	vtrunc.f32 v5  }
0x311: {  	v5 =	vcvt.f32.s32 v5;
	_ =	sdelay $0x1  }
0x312: {  	vm0 =	vlt.s32 v5, $0x7FF  }
0x313: {  	v5 =	vnsel vm0, $0x7FF, v5  }
0x314: {  	v5 =	vadd.s32 v2, v5;
	_ =	sdelay $0x4  }
0x315: {  	[tilespmem:v5+s26+$0x0] =	vst.idx.add.s32.msk $0xffff, v3  }
0x316: {  	[tilespmem:v5+s28+$0x0] =	vst.idx.add.f32.msk $0xffff, v4  }
0x317: {  	v4 =	vld [tilespmem:s1+$0x2010];
	_ =	sdelay $0x4  }
0x318: {  	v5 =	vmul.f32 $1.260307690e+02, v4;
	_ =	sdelay $0x1  }
0x319: {  	v5 =	vtrunc.f32 v5  }
0x31a: {  	v5 =	vcvt.f32.s32 v5;
	_ =	sdelay $0x1  }
0x31b: {  	vm9 =	vlt.s32 v5, $0x7FF  }
0x31c: {  	v5 =	vnsel vm9, $0x7FF, v5  }
0x31d: {  	v5 =	vadd.s32 v2, v5;
	_ =	sdelay $0x4  }
0x31e: {  	[tilespmem:v5+s26+$0x0] =	vst.idx.add.s32.msk $0xffff, v3  }
0x31f: {  	[tilespmem:v5+s28+$0x0] =	vst.idx.add.f32.msk $0xffff, v4  }
0x320: {  	v4 =	vld [tilespmem:s1+$0x2020];
	_ =	sdelay $0x4  }
0x321: {  	v5 =	vmul.f32 $1.260307690e+02, v4;
	_ =	sdelay $0x1  }
0x322: {  	v5 =	vtrunc.f32 v5  }
0x323: {  	v5 =	vcvt.f32.s32 v5;
	_ =	sdelay $0x1  }
0x324: {  	vm10 =	vlt.s32 v5, $0x7FF  }
0x325: {  	v5 =	vnsel vm10, $0x7FF, v5  }
0x326: {  	v5 =	vadd.s32 v2, v5;
	_ =	sdelay $0x4  }
0x327: {  	[tilespmem:v5+s26+$0x0] =	vst.idx.add.s32.msk $0xffff, v3  }
0x328: {  	[tilespmem:v5+s28+$0x0] =	vst.idx.add.f32.msk $0xffff, v4  }
0x329: {  	v4 =	vld [tilespmem:s1+$0x2030];
	_ =	sdelay $0x4  }
0x32a: {  	v5 =	vmul.f32 $1.260307690e+02, v4;
	_ =	sdelay $0x1  }
0x32b: {  	v5 =	vtrunc.f32 v5  }
0x32c: {  	v5 =	vcvt.f32.s32 v5;
	_ =	sdelay $0x1  }
0x32d: {  	vm11 =	vlt.s32 v5, $0x7FF  }
0x32e: {  	v5 =	vnsel vm11, $0x7FF, v5  }
0x32f: {  	v5 =	vadd.s32 v2, v5;
	_ =	sdelay $0x4  }
0x330: {  	[tilespmem:v5+s26+$0x0] =	vst.idx.add.s32.msk $0xffff, v3  }
0x331: {  	[tilespmem:v5+s28+$0x0] =	vst.idx.add.f32.msk $0xffff, v4  }
0x332: {  	v4 =	vld [tilespmem:s1+$0x2040];
	_ =	sdelay $0x4  }
0x333: {  	v5 =	vmul.f32 $1.260307690e+02, v4;
	_ =	sdelay $0x1  }
0x334: {  	v5 =	vtrunc.f32 v5  }
0x335: {  	v5 =	vcvt.f32.s32 v5;
	_ =	sdelay $0x1  }
0x336: {  	vm12 =	vlt.s32 v5, $0x7FF  }
0x337: {  	v5 =	vnsel vm12, $0x7FF, v5  }
0x338: {  	v5 =	vadd.s32 v2, v5;
	_ =	sdelay $0x4  }
0x339: {  	[tilespmem:v5+s26+$0x0] =	vst.idx.add.s32.msk $0xffff, v3  }
0x33a: {  	[tilespmem:v5+s28+$0x0] =	vst.idx.add.f32.msk $0xffff, v4  }
0x33b: {  	v4 =	vld [tilespmem:s1+$0x2050];
	_ =	sdelay $0x4  }
0x33c: {  	v5 =	vmul.f32 $1.260307690e+02, v4;
	_ =	sdelay $0x1  }
0x33d: {  	v5 =	vtrunc.f32 v5  }
0x33e: {  	v5 =	vcvt.f32.s32 v5;
	_ =	sdelay $0x1  }
0x33f: {  	vm13 =	vlt.s32 v5, $0x7FF  }
0x340: {  	v5 =	vnsel vm13, $0x7FF, v5  }
0x341: {  	v5 =	vadd.s32 v2, v5;
	_ =	sdelay $0x4  }
0x342: {  	[tilespmem:v5+s26+$0x0] =	vst.idx.add.s32.msk $0xffff, v3  }
0x343: {  	[tilespmem:v5+s28+$0x0] =	vst.idx.add.f32.msk $0xffff, v4  }
0x344: {  	v4 =	vld [tilespmem:s1+$0x2060];
	_ =	sdelay $0x4  }
0x345: {  	v5 =	vmul.f32 $1.260307690e+02, v4;
	_ =	sdelay $0x1  }
0x346: {  	v5 =	vtrunc.f32 v5  }
0x347: {  	v5 =	vcvt.f32.s32 v5;
	_ =	sdelay $0x1  }
0x348: {  	vm14 =	vlt.s32 v5, $0x7FF  }
0x349: {  	v5 =	vnsel vm14, $0x7FF, v5  }
0x34a: {  	v5 =	vadd.s32 v2, v5;
	_ =	sdelay $0x4  }
0x34b: {  	[tilespmem:v5+s26+$0x0] =	vst.idx.add.s32.msk $0xffff, v3  }
0x34c: {  	[tilespmem:v5+s28+$0x0] =	vst.idx.add.f32.msk $0xffff, v4  }
0x34d: {  	v4 =	vld [tilespmem:s1+$0x2070];
	_ =	sdelay $0x4  }
0x34e: {  	v5 =	vmul.f32 $1.260307690e+02, v4;
	_ =	sdelay $0x1  }
0x34f: {  	v5 =	vtrunc.f32 v5  }
0x350: {  	v5 =	vcvt.f32.s32 v5;
	_ =	sdelay $0x1  }
0x351: {  	vm15 =	vlt.s32 v5, $0x7FF  }
0x352: {  	v5 =	vnsel vm15, $0x7FF, v5  }
0x353: {  	v5 =	vadd.s32 v2, v5  }
0x354: {  	p0 =	sne.s32 s0, $0x7E00  }
.Ltmp10:
0x355: {  	_ = 	snop;
	(pc) =	sbr.rel @p0 .LBB2_22-.Ltmp10, $3  }
0x356: {  	_ =	sdelay $0x1  }
0x357: {  	[tilespmem:v5+s26+$0x0] =	vst.idx.add.s32.msk $0xffff, v3  }
0x358: {  	s0 =	sadd.s32 $0x200, s0;
	[tilespmem:v5+s28+$0x0] =	vst.idx.add.f32.msk $0xffff, v4  }
0x359: {  	[tilespmem:s24], [sflag:$0x2] =	stream.strided.gather [hbm4b:s14+s22], $0x2000, s23, s22, $0x38;
	[tilespmem:$0x15000] =	vst v63  }
0x35a: {  	_ =	swait.ge [sflag:s25], $0x2000  }
0x35b: {  	[sflag:s25] =	ssyncset.done $0x0  }
0x35c: {  	s0 =	simm.s32 $0x0;
	[sflag:s25] =	ssyncadd.s32 $0xFFFFE000  }
.LBB2_24:
0x35d: {  	s1 =	sshra.s32 s0, $0x2  }
0x35e: {  	v4 =	vld [tilespmem:s1+$0x0];
	_ =	sdelay $0x4  }
0x35f: {  	v5 =	vmul.f32 $1.260307690e+02, v4;
	_ =	sdelay $0x1  }
0x360: {  	v5 =	vtrunc.f32 v5  }
0x361: {  	v5 =	vcvt.f32.s32 v5;
	_ =	sdelay $0x1  }
0x362: {  	vm0 =	vlt.s32 v5, $0x7FF  }
0x363: {  	v5 =	vnsel vm0, $0x7FF, v5  }
0x364: {  	v5 =	vadd.s32 v2, v5;
	_ =	sdelay $0x4  }
0x365: {  	[tilespmem:v5+s26+$0x0] =	vst.idx.add.s32.msk $0xffff, v3  }
0x366: {  	[tilespmem:v5+s28+$0x0] =	vst.idx.add.f32.msk $0xffff, v4  }
0x367: {  	v4 =	vld [tilespmem:s1+$0x10];
	_ =	sdelay $0x4  }
0x368: {  	v5 =	vmul.f32 $1.260307690e+02, v4;
	_ =	sdelay $0x1  }
0x369: {  	v5 =	vtrunc.f32 v5  }
0x36a: {  	v5 =	vcvt.f32.s32 v5;
	_ =	sdelay $0x1  }
0x36b: {  	vm9 =	vlt.s32 v5, $0x7FF  }
0x36c: {  	v5 =	vnsel vm9, $0x7FF, v5  }
0x36d: {  	v5 =	vadd.s32 v2, v5;
	_ =	sdelay $0x4  }
0x36e: {  	[tilespmem:v5+s26+$0x0] =	vst.idx.add.s32.msk $0xffff, v3  }
0x36f: {  	[tilespmem:v5+s28+$0x0] =	vst.idx.add.f32.msk $0xffff, v4  }
0x370: {  	v4 =	vld [tilespmem:s1+$0x20];
	_ =	sdelay $0x4  }
0x371: {  	v5 =	vmul.f32 $1.260307690e+02, v4;
	_ =	sdelay $0x1  }
0x372: {  	v5 =	vtrunc.f32 v5  }
0x373: {  	v5 =	vcvt.f32.s32 v5;
	_ =	sdelay $0x1  }
0x374: {  	vm10 =	vlt.s32 v5, $0x7FF  }
0x375: {  	v5 =	vnsel vm10, $0x7FF, v5  }
0x376: {  	v5 =	vadd.s32 v2, v5;
	_ =	sdelay $0x4  }
0x377: {  	[tilespmem:v5+s26+$0x0] =	vst.idx.add.s32.msk $0xffff, v3  }
0x378: {  	[tilespmem:v5+s28+$0x0] =	vst.idx.add.f32.msk $0xffff, v4  }
0x379: {  	v4 =	vld [tilespmem:s1+$0x30];
	_ =	sdelay $0x4  }
0x37a: {  	v5 =	vmul.f32 $1.260307690e+02, v4;
	_ =	sdelay $0x1  }
0x37b: {  	v5 =	vtrunc.f32 v5  }
0x37c: {  	v5 =	vcvt.f32.s32 v5;
	_ =	sdelay $0x1  }
0x37d: {  	vm11 =	vlt.s32 v5, $0x7FF  }
0x37e: {  	v5 =	vnsel vm11, $0x7FF, v5  }
0x37f: {  	v5 =	vadd.s32 v2, v5;
	_ =	sdelay $0x4  }
0x380: {  	[tilespmem:v5+s26+$0x0] =	vst.idx.add.s32.msk $0xffff, v3  }
0x381: {  	[tilespmem:v5+s28+$0x0] =	vst.idx.add.f32.msk $0xffff, v4  }
0x382: {  	v4 =	vld [tilespmem:s1+$0x40];
	_ =	sdelay $0x4  }
0x383: {  	v5 =	vmul.f32 $1.260307690e+02, v4;
	_ =	sdelay $0x1  }
0x384: {  	v5 =	vtrunc.f32 v5  }
0x385: {  	v5 =	vcvt.f32.s32 v5;
	_ =	sdelay $0x1  }
0x386: {  	vm12 =	vlt.s32 v5, $0x7FF  }
0x387: {  	v5 =	vnsel vm12, $0x7FF, v5  }
0x388: {  	v5 =	vadd.s32 v2, v5;
	_ =	sdelay $0x4  }
0x389: {  	[tilespmem:v5+s26+$0x0] =	vst.idx.add.s32.msk $0xffff, v3  }
0x38a: {  	[tilespmem:v5+s28+$0x0] =	vst.idx.add.f32.msk $0xffff, v4  }
0x38b: {  	v4 =	vld [tilespmem:s1+$0x50];
	_ =	sdelay $0x4  }
0x38c: {  	v5 =	vmul.f32 $1.260307690e+02, v4;
	_ =	sdelay $0x1  }
0x38d: {  	v5 =	vtrunc.f32 v5  }
0x38e: {  	v5 =	vcvt.f32.s32 v5;
	_ =	sdelay $0x1  }
0x38f: {  	vm13 =	vlt.s32 v5, $0x7FF  }
0x390: {  	v5 =	vnsel vm13, $0x7FF, v5  }
0x391: {  	v5 =	vadd.s32 v2, v5;
	_ =	sdelay $0x4  }
0x392: {  	[tilespmem:v5+s26+$0x0] =	vst.idx.add.s32.msk $0xffff, v3  }
0x393: {  	[tilespmem:v5+s28+$0x0] =	vst.idx.add.f32.msk $0xffff, v4  }
0x394: {  	v4 =	vld [tilespmem:s1+$0x60];
	_ =	sdelay $0x4  }
0x395: {  	v5 =	vmul.f32 $1.260307690e+02, v4;
	_ =	sdelay $0x1  }
0x396: {  	v5 =	vtrunc.f32 v5  }
0x397: {  	v5 =	vcvt.f32.s32 v5;
	_ =	sdelay $0x1  }
0x398: {  	vm14 =	vlt.s32 v5, $0x7FF  }
0x399: {  	v5 =	vnsel vm14, $0x7FF, v5  }
0x39a: {  	v5 =	vadd.s32 v2, v5;
	_ =	sdelay $0x4  }
0x39b: {  	[tilespmem:v5+s26+$0x0] =	vst.idx.add.s32.msk $0xffff, v3  }
0x39c: {  	[tilespmem:v5+s28+$0x0] =	vst.idx.add.f32.msk $0xffff, v4  }
0x39d: {  	v4 =	vld [tilespmem:s1+$0x70];
	_ =	sdelay $0x4  }
0x39e: {  	v5 =	vmul.f32 $1.260307690e+02, v4;
	_ =	sdelay $0x1  }
0x39f: {  	v5 =	vtrunc.f32 v5  }
0x3a0: {  	v5 =	vcvt.f32.s32 v5;
	_ =	sdelay $0x1  }
0x3a1: {  	vm15 =	vlt.s32 v5, $0x7FF  }
0x3a2: {  	v5 =	vnsel vm15, $0x7FF, v5  }
0x3a3: {  	v5 =	vadd.s32 v2, v5  }
0x3a4: {  	p0 =	sne.s32 s0, $0x7E00  }
.Ltmp11:
0x3a5: {  	_ = 	snop;
	(pc) =	sbr.rel @p0 .LBB2_24-.Ltmp11, $3  }
0x3a6: {  	_ =	sdelay $0x1  }
0x3a7: {  	[tilespmem:v5+s26+$0x0] =	vst.idx.add.s32.msk $0xffff, v3  }
0x3a8: {  	s0 =	sadd.s32 $0x200, s0;
	[tilespmem:v5+s28+$0x0] =	vst.idx.add.f32.msk $0xffff, v4  }
0x3a9: {  	s0 =	simm.s32 $0x0  }
0x3aa: {  	[tilespmem:s0], [sflag:$0x1] =	stream.strided.gather [hbm4b:s15+s22], $0x2000, s23, s22, $0x38;
	[tilespmem:$0x15000] =	vst v63  }
0x3ab: {  	_ =	swait.ge [sflag:s29], $0x2000  }
0x3ac: {  	[sflag:s29] =	ssyncset.done $0x0  }
0x3ad: {  	[sflag:s29] =	ssyncadd.s32 $0xFFFFE000  }
.LBB2_26:
0x3ae: {  	s1 =	sshra.s32 s0, $0x2  }
0x3af: {  	v4 =	vld [tilespmem:s1+$0x2000];
	_ =	sdelay $0x4  }
0x3b0: {  	v5 =	vmul.f32 $1.260307690e+02, v4;
	_ =	sdelay $0x1  }
0x3b1: {  	v5 =	vtrunc.f32 v5  }
0x3b2: {  	v5 =	vcvt.f32.s32 v5;
	_ =	sdelay $0x1  }
0x3b3: {  	vm0 =	vlt.s32 v5, $0x7FF  }
0x3b4: {  	v5 =	vnsel vm0, $0x7FF, v5  }
0x3b5: {  	v5 =	vadd.s32 v2, v5;
	_ =	sdelay $0x4  }
0x3b6: {  	[tilespmem:v5+s26+$0x0] =	vst.idx.add.s32.msk $0xffff, v3  }
0x3b7: {  	[tilespmem:v5+s28+$0x0] =	vst.idx.add.f32.msk $0xffff, v4  }
0x3b8: {  	v4 =	vld [tilespmem:s1+$0x2010];
	_ =	sdelay $0x4  }
0x3b9: {  	v5 =	vmul.f32 $1.260307690e+02, v4;
	_ =	sdelay $0x1  }
0x3ba: {  	v5 =	vtrunc.f32 v5  }
0x3bb: {  	v5 =	vcvt.f32.s32 v5;
	_ =	sdelay $0x1  }
0x3bc: {  	vm9 =	vlt.s32 v5, $0x7FF  }
0x3bd: {  	v5 =	vnsel vm9, $0x7FF, v5  }
0x3be: {  	v5 =	vadd.s32 v2, v5;
	_ =	sdelay $0x4  }
0x3bf: {  	[tilespmem:v5+s26+$0x0] =	vst.idx.add.s32.msk $0xffff, v3  }
0x3c0: {  	[tilespmem:v5+s28+$0x0] =	vst.idx.add.f32.msk $0xffff, v4  }
0x3c1: {  	v4 =	vld [tilespmem:s1+$0x2020];
	_ =	sdelay $0x4  }
0x3c2: {  	v5 =	vmul.f32 $1.260307690e+02, v4;
	_ =	sdelay $0x1  }
0x3c3: {  	v5 =	vtrunc.f32 v5  }
0x3c4: {  	v5 =	vcvt.f32.s32 v5;
	_ =	sdelay $0x1  }
0x3c5: {  	vm10 =	vlt.s32 v5, $0x7FF  }
0x3c6: {  	v5 =	vnsel vm10, $0x7FF, v5  }
0x3c7: {  	v5 =	vadd.s32 v2, v5;
	_ =	sdelay $0x4  }
0x3c8: {  	[tilespmem:v5+s26+$0x0] =	vst.idx.add.s32.msk $0xffff, v3  }
0x3c9: {  	[tilespmem:v5+s28+$0x0] =	vst.idx.add.f32.msk $0xffff, v4  }
0x3ca: {  	v4 =	vld [tilespmem:s1+$0x2030];
	_ =	sdelay $0x4  }
0x3cb: {  	v5 =	vmul.f32 $1.260307690e+02, v4;
	_ =	sdelay $0x1  }
0x3cc: {  	v5 =	vtrunc.f32 v5  }
0x3cd: {  	v5 =	vcvt.f32.s32 v5;
	_ =	sdelay $0x1  }
0x3ce: {  	vm11 =	vlt.s32 v5, $0x7FF  }
0x3cf: {  	v5 =	vnsel vm11, $0x7FF, v5  }
0x3d0: {  	v5 =	vadd.s32 v2, v5;
	_ =	sdelay $0x4  }
0x3d1: {  	[tilespmem:v5+s26+$0x0] =	vst.idx.add.s32.msk $0xffff, v3  }
0x3d2: {  	[tilespmem:v5+s28+$0x0] =	vst.idx.add.f32.msk $0xffff, v4  }
0x3d3: {  	v4 =	vld [tilespmem:s1+$0x2040];
	_ =	sdelay $0x4  }
0x3d4: {  	v5 =	vmul.f32 $1.260307690e+02, v4;
	_ =	sdelay $0x1  }
0x3d5: {  	v5 =	vtrunc.f32 v5  }
0x3d6: {  	v5 =	vcvt.f32.s32 v5;
	_ =	sdelay $0x1  }
0x3d7: {  	vm12 =	vlt.s32 v5, $0x7FF  }
0x3d8: {  	v5 =	vnsel vm12, $0x7FF, v5  }
0x3d9: {  	v5 =	vadd.s32 v2, v5;
	_ =	sdelay $0x4  }
0x3da: {  	[tilespmem:v5+s26+$0x0] =	vst.idx.add.s32.msk $0xffff, v3  }
0x3db: {  	[tilespmem:v5+s28+$0x0] =	vst.idx.add.f32.msk $0xffff, v4  }
0x3dc: {  	v4 =	vld [tilespmem:s1+$0x2050];
	_ =	sdelay $0x4  }
0x3dd: {  	v5 =	vmul.f32 $1.260307690e+02, v4;
	_ =	sdelay $0x1  }
0x3de: {  	v5 =	vtrunc.f32 v5  }
0x3df: {  	v5 =	vcvt.f32.s32 v5;
	_ =	sdelay $0x1  }
0x3e0: {  	vm13 =	vlt.s32 v5, $0x7FF  }
0x3e1: {  	v5 =	vnsel vm13, $0x7FF, v5  }
0x3e2: {  	v5 =	vadd.s32 v2, v5;
	_ =	sdelay $0x4  }
0x3e3: {  	[tilespmem:v5+s26+$0x0] =	vst.idx.add.s32.msk $0xffff, v3  }
0x3e4: {  	[tilespmem:v5+s28+$0x0] =	vst.idx.add.f32.msk $0xffff, v4  }
0x3e5: {  	v4 =	vld [tilespmem:s1+$0x2060];
	_ =	sdelay $0x4  }
0x3e6: {  	v5 =	vmul.f32 $1.260307690e+02, v4;
	_ =	sdelay $0x1  }
0x3e7: {  	v5 =	vtrunc.f32 v5  }
0x3e8: {  	v5 =	vcvt.f32.s32 v5;
	_ =	sdelay $0x1  }
0x3e9: {  	vm14 =	vlt.s32 v5, $0x7FF  }
0x3ea: {  	v5 =	vnsel vm14, $0x7FF, v5  }
0x3eb: {  	v5 =	vadd.s32 v2, v5;
	_ =	sdelay $0x4  }
0x3ec: {  	[tilespmem:v5+s26+$0x0] =	vst.idx.add.s32.msk $0xffff, v3  }
0x3ed: {  	[tilespmem:v5+s28+$0x0] =	vst.idx.add.f32.msk $0xffff, v4  }
0x3ee: {  	v4 =	vld [tilespmem:s1+$0x2070];
	_ =	sdelay $0x4  }
0x3ef: {  	v5 =	vmul.f32 $1.260307690e+02, v4;
	_ =	sdelay $0x1  }
0x3f0: {  	v5 =	vtrunc.f32 v5  }
0x3f1: {  	v5 =	vcvt.f32.s32 v5;
	_ =	sdelay $0x1  }
0x3f2: {  	vm15 =	vlt.s32 v5, $0x7FF  }
0x3f3: {  	v5 =	vnsel vm15, $0x7FF, v5  }
0x3f4: {  	v5 =	vadd.s32 v2, v5  }
0x3f5: {  	p0 =	sne.s32 s0, $0x7E00  }
.Ltmp12:
0x3f6: {  	_ = 	snop;
	(pc) =	sbr.rel @p0 .LBB2_26-.Ltmp12, $3  }
0x3f7: {  	_ =	sdelay $0x1  }
0x3f8: {  	[tilespmem:v5+s26+$0x0] =	vst.idx.add.s32.msk $0xffff, v3  }
0x3f9: {  	s0 =	sadd.s32 $0x200, s0;
	[tilespmem:v5+s28+$0x0] =	vst.idx.add.f32.msk $0xffff, v4  }
0x3fa: {  	[tilespmem:s24], [sflag:$0x2] =	stream.strided.gather [hbm4b:s16+s22], $0x2000, s23, s22, $0x38;
	[tilespmem:$0x15000] =	vst v63  }
0x3fb: {  	_ =	swait.ge [sflag:s25], $0x2000  }
0x3fc: {  	[sflag:s25] =	ssyncset.done $0x0  }
0x3fd: {  	s0 =	simm.s32 $0x0;
	[sflag:s25] =	ssyncadd.s32 $0xFFFFE000  }
.LBB2_28:
0x3fe: {  	s1 =	sshra.s32 s0, $0x2  }
0x3ff: {  	v4 =	vld [tilespmem:s1+$0x0];
	_ =	sdelay $0x4  }
0x400: {  	v5 =	vmul.f32 $1.260307690e+02, v4;
	_ =	sdelay $0x1  }
0x401: {  	v5 =	vtrunc.f32 v5  }
0x402: {  	v5 =	vcvt.f32.s32 v5;
	_ =	sdelay $0x1  }
0x403: {  	vm0 =	vlt.s32 v5, $0x7FF  }
0x404: {  	v5 =	vnsel vm0, $0x7FF, v5  }
0x405: {  	v5 =	vadd.s32 v2, v5;
	_ =	sdelay $0x4  }
0x406: {  	[tilespmem:v5+s26+$0x0] =	vst.idx.add.s32.msk $0xffff, v3  }
0x407: {  	[tilespmem:v5+s28+$0x0] =	vst.idx.add.f32.msk $0xffff, v4  }
0x408: {  	v4 =	vld [tilespmem:s1+$0x10];
	_ =	sdelay $0x4  }
0x409: {  	v5 =	vmul.f32 $1.260307690e+02, v4;
	_ =	sdelay $0x1  }
0x40a: {  	v5 =	vtrunc.f32 v5  }
0x40b: {  	v5 =	vcvt.f32.s32 v5;
	_ =	sdelay $0x1  }
0x40c: {  	vm9 =	vlt.s32 v5, $0x7FF  }
0x40d: {  	v5 =	vnsel vm9, $0x7FF, v5  }
0x40e: {  	v5 =	vadd.s32 v2, v5;
	_ =	sdelay $0x4  }
0x40f: {  	[tilespmem:v5+s26+$0x0] =	vst.idx.add.s32.msk $0xffff, v3  }
0x410: {  	[tilespmem:v5+s28+$0x0] =	vst.idx.add.f32.msk $0xffff, v4  }
0x411: {  	v4 =	vld [tilespmem:s1+$0x20];
	_ =	sdelay $0x4  }
0x412: {  	v5 =	vmul.f32 $1.260307690e+02, v4;
	_ =	sdelay $0x1  }
0x413: {  	v5 =	vtrunc.f32 v5  }
0x414: {  	v5 =	vcvt.f32.s32 v5;
	_ =	sdelay $0x1  }
0x415: {  	vm10 =	vlt.s32 v5, $0x7FF  }
0x416: {  	v5 =	vnsel vm10, $0x7FF, v5  }
0x417: {  	v5 =	vadd.s32 v2, v5;
	_ =	sdelay $0x4  }
0x418: {  	[tilespmem:v5+s26+$0x0] =	vst.idx.add.s32.msk $0xffff, v3  }
0x419: {  	[tilespmem:v5+s28+$0x0] =	vst.idx.add.f32.msk $0xffff, v4  }
0x41a: {  	v4 =	vld [tilespmem:s1+$0x30];
	_ =	sdelay $0x4  }
0x41b: {  	v5 =	vmul.f32 $1.260307690e+02, v4;
	_ =	sdelay $0x1  }
0x41c: {  	v5 =	vtrunc.f32 v5  }
0x41d: {  	v5 =	vcvt.f32.s32 v5;
	_ =	sdelay $0x1  }
0x41e: {  	vm11 =	vlt.s32 v5, $0x7FF  }
0x41f: {  	v5 =	vnsel vm11, $0x7FF, v5  }
0x420: {  	v5 =	vadd.s32 v2, v5;
	_ =	sdelay $0x4  }
0x421: {  	[tilespmem:v5+s26+$0x0] =	vst.idx.add.s32.msk $0xffff, v3  }
0x422: {  	[tilespmem:v5+s28+$0x0] =	vst.idx.add.f32.msk $0xffff, v4  }
0x423: {  	v4 =	vld [tilespmem:s1+$0x40];
	_ =	sdelay $0x4  }
0x424: {  	v5 =	vmul.f32 $1.260307690e+02, v4;
	_ =	sdelay $0x1  }
0x425: {  	v5 =	vtrunc.f32 v5  }
0x426: {  	v5 =	vcvt.f32.s32 v5;
	_ =	sdelay $0x1  }
0x427: {  	vm12 =	vlt.s32 v5, $0x7FF  }
0x428: {  	v5 =	vnsel vm12, $0x7FF, v5  }
0x429: {  	v5 =	vadd.s32 v2, v5;
	_ =	sdelay $0x4  }
0x42a: {  	[tilespmem:v5+s26+$0x0] =	vst.idx.add.s32.msk $0xffff, v3  }
0x42b: {  	[tilespmem:v5+s28+$0x0] =	vst.idx.add.f32.msk $0xffff, v4  }
0x42c: {  	v4 =	vld [tilespmem:s1+$0x50];
	_ =	sdelay $0x4  }
0x42d: {  	v5 =	vmul.f32 $1.260307690e+02, v4;
	_ =	sdelay $0x1  }
0x42e: {  	v5 =	vtrunc.f32 v5  }
0x42f: {  	v5 =	vcvt.f32.s32 v5;
	_ =	sdelay $0x1  }
0x430: {  	vm13 =	vlt.s32 v5, $0x7FF  }
0x431: {  	v5 =	vnsel vm13, $0x7FF, v5  }
0x432: {  	v5 =	vadd.s32 v2, v5;
	_ =	sdelay $0x4  }
0x433: {  	[tilespmem:v5+s26+$0x0] =	vst.idx.add.s32.msk $0xffff, v3  }
0x434: {  	[tilespmem:v5+s28+$0x0] =	vst.idx.add.f32.msk $0xffff, v4  }
0x435: {  	v4 =	vld [tilespmem:s1+$0x60];
	_ =	sdelay $0x4  }
0x436: {  	v5 =	vmul.f32 $1.260307690e+02, v4;
	_ =	sdelay $0x1  }
0x437: {  	v5 =	vtrunc.f32 v5  }
0x438: {  	v5 =	vcvt.f32.s32 v5;
	_ =	sdelay $0x1  }
0x439: {  	vm14 =	vlt.s32 v5, $0x7FF  }
0x43a: {  	v5 =	vnsel vm14, $0x7FF, v5  }
0x43b: {  	v5 =	vadd.s32 v2, v5;
	_ =	sdelay $0x4  }
0x43c: {  	[tilespmem:v5+s26+$0x0] =	vst.idx.add.s32.msk $0xffff, v3  }
0x43d: {  	[tilespmem:v5+s28+$0x0] =	vst.idx.add.f32.msk $0xffff, v4  }
0x43e: {  	v4 =	vld [tilespmem:s1+$0x70];
	_ =	sdelay $0x4  }
0x43f: {  	v5 =	vmul.f32 $1.260307690e+02, v4;
	_ =	sdelay $0x1  }
0x440: {  	v5 =	vtrunc.f32 v5  }
0x441: {  	v5 =	vcvt.f32.s32 v5;
	_ =	sdelay $0x1  }
0x442: {  	vm15 =	vlt.s32 v5, $0x7FF  }
0x443: {  	v5 =	vnsel vm15, $0x7FF, v5  }
0x444: {  	v5 =	vadd.s32 v2, v5  }
0x445: {  	p0 =	sne.s32 s0, $0x7E00  }
.Ltmp13:
0x446: {  	_ = 	snop;
	(pc) =	sbr.rel @p0 .LBB2_28-.Ltmp13, $3  }
0x447: {  	_ =	sdelay $0x1  }
0x448: {  	[tilespmem:v5+s26+$0x0] =	vst.idx.add.s32.msk $0xffff, v3  }
0x449: {  	s0 =	sadd.s32 $0x200, s0;
	[tilespmem:v5+s28+$0x0] =	vst.idx.add.f32.msk $0xffff, v4  }
0x44a: {  	s0 =	simm.s32 $0x0  }
0x44b: {  	[tilespmem:s0], [sflag:$0x1] =	stream.strided.gather [hbm4b:s17+s22], $0x2000, s23, s22, $0x38;
	[tilespmem:$0x15000] =	vst v63  }
0x44c: {  	_ =	swait.ge [sflag:s29], $0x2000  }
0x44d: {  	[sflag:s29] =	ssyncset.done $0x0  }
0x44e: {  	[sflag:s29] =	ssyncadd.s32 $0xFFFFE000  }
.LBB2_30:
0x44f: {  	s1 =	sshra.s32 s0, $0x2  }
0x450: {  	v4 =	vld [tilespmem:s1+$0x2000];
	_ =	sdelay $0x4  }
0x451: {  	v5 =	vmul.f32 $1.260307690e+02, v4;
	_ =	sdelay $0x1  }
0x452: {  	v5 =	vtrunc.f32 v5  }
0x453: {  	v5 =	vcvt.f32.s32 v5;
	_ =	sdelay $0x1  }
0x454: {  	vm0 =	vlt.s32 v5, $0x7FF  }
0x455: {  	v5 =	vnsel vm0, $0x7FF, v5  }
0x456: {  	v5 =	vadd.s32 v2, v5;
	_ =	sdelay $0x4  }
0x457: {  	[tilespmem:v5+s26+$0x0] =	vst.idx.add.s32.msk $0xffff, v3  }
0x458: {  	[tilespmem:v5+s28+$0x0] =	vst.idx.add.f32.msk $0xffff, v4  }
0x459: {  	v4 =	vld [tilespmem:s1+$0x2010];
	_ =	sdelay $0x4  }
0x45a: {  	v5 =	vmul.f32 $1.260307690e+02, v4;
	_ =	sdelay $0x1  }
0x45b: {  	v5 =	vtrunc.f32 v5  }
0x45c: {  	v5 =	vcvt.f32.s32 v5;
	_ =	sdelay $0x1  }
0x45d: {  	vm9 =	vlt.s32 v5, $0x7FF  }
0x45e: {  	v5 =	vnsel vm9, $0x7FF, v5  }
0x45f: {  	v5 =	vadd.s32 v2, v5;
	_ =	sdelay $0x4  }
0x460: {  	[tilespmem:v5+s26+$0x0] =	vst.idx.add.s32.msk $0xffff, v3  }
0x461: {  	[tilespmem:v5+s28+$0x0] =	vst.idx.add.f32.msk $0xffff, v4  }
0x462: {  	v4 =	vld [tilespmem:s1+$0x2020];
	_ =	sdelay $0x4  }
0x463: {  	v5 =	vmul.f32 $1.260307690e+02, v4;
	_ =	sdelay $0x1  }
0x464: {  	v5 =	vtrunc.f32 v5  }
0x465: {  	v5 =	vcvt.f32.s32 v5;
	_ =	sdelay $0x1  }
0x466: {  	vm10 =	vlt.s32 v5, $0x7FF  }
0x467: {  	v5 =	vnsel vm10, $0x7FF, v5  }
0x468: {  	v5 =	vadd.s32 v2, v5;
	_ =	sdelay $0x4  }
0x469: {  	[tilespmem:v5+s26+$0x0] =	vst.idx.add.s32.msk $0xffff, v3  }
0x46a: {  	[tilespmem:v5+s28+$0x0] =	vst.idx.add.f32.msk $0xffff, v4  }
0x46b: {  	v4 =	vld [tilespmem:s1+$0x2030];
	_ =	sdelay $0x4  }
0x46c: {  	v5 =	vmul.f32 $1.260307690e+02, v4;
	_ =	sdelay $0x1  }
0x46d: {  	v5 =	vtrunc.f32 v5  }
0x46e: {  	v5 =	vcvt.f32.s32 v5;
	_ =	sdelay $0x1  }
0x46f: {  	vm11 =	vlt.s32 v5, $0x7FF  }
0x470: {  	v5 =	vnsel vm11, $0x7FF, v5  }
0x471: {  	v5 =	vadd.s32 v2, v5;
	_ =	sdelay $0x4  }
0x472: {  	[tilespmem:v5+s26+$0x0] =	vst.idx.add.s32.msk $0xffff, v3  }
0x473: {  	[tilespmem:v5+s28+$0x0] =	vst.idx.add.f32.msk $0xffff, v4  }
0x474: {  	v4 =	vld [tilespmem:s1+$0x2040];
	_ =	sdelay $0x4  }
0x475: {  	v5 =	vmul.f32 $1.260307690e+02, v4;
	_ =	sdelay $0x1  }
0x476: {  	v5 =	vtrunc.f32 v5  }
0x477: {  	v5 =	vcvt.f32.s32 v5;
	_ =	sdelay $0x1  }
0x478: {  	vm12 =	vlt.s32 v5, $0x7FF  }
0x479: {  	v5 =	vnsel vm12, $0x7FF, v5  }
0x47a: {  	v5 =	vadd.s32 v2, v5;
	_ =	sdelay $0x4  }
0x47b: {  	[tilespmem:v5+s26+$0x0] =	vst.idx.add.s32.msk $0xffff, v3  }
0x47c: {  	[tilespmem:v5+s28+$0x0] =	vst.idx.add.f32.msk $0xffff, v4  }
0x47d: {  	v4 =	vld [tilespmem:s1+$0x2050];
	_ =	sdelay $0x4  }
0x47e: {  	v5 =	vmul.f32 $1.260307690e+02, v4;
	_ =	sdelay $0x1  }
0x47f: {  	v5 =	vtrunc.f32 v5  }
0x480: {  	v5 =	vcvt.f32.s32 v5;
	_ =	sdelay $0x1  }
0x481: {  	vm13 =	vlt.s32 v5, $0x7FF  }
0x482: {  	v5 =	vnsel vm13, $0x7FF, v5  }
0x483: {  	v5 =	vadd.s32 v2, v5;
	_ =	sdelay $0x4  }
0x484: {  	[tilespmem:v5+s26+$0x0] =	vst.idx.add.s32.msk $0xffff, v3  }
0x485: {  	[tilespmem:v5+s28+$0x0] =	vst.idx.add.f32.msk $0xffff, v4  }
0x486: {  	v4 =	vld [tilespmem:s1+$0x2060];
	_ =	sdelay $0x4  }
0x487: {  	v5 =	vmul.f32 $1.260307690e+02, v4;
	_ =	sdelay $0x1  }
0x488: {  	v5 =	vtrunc.f32 v5  }
0x489: {  	v5 =	vcvt.f32.s32 v5;
	_ =	sdelay $0x1  }
0x48a: {  	vm14 =	vlt.s32 v5, $0x7FF  }
0x48b: {  	v5 =	vnsel vm14, $0x7FF, v5  }
0x48c: {  	v5 =	vadd.s32 v2, v5;
	_ =	sdelay $0x4  }
0x48d: {  	[tilespmem:v5+s26+$0x0] =	vst.idx.add.s32.msk $0xffff, v3  }
0x48e: {  	[tilespmem:v5+s28+$0x0] =	vst.idx.add.f32.msk $0xffff, v4  }
0x48f: {  	v4 =	vld [tilespmem:s1+$0x2070];
	_ =	sdelay $0x4  }
0x490: {  	v5 =	vmul.f32 $1.260307690e+02, v4;
	_ =	sdelay $0x1  }
0x491: {  	v5 =	vtrunc.f32 v5  }
0x492: {  	v5 =	vcvt.f32.s32 v5;
	_ =	sdelay $0x1  }
0x493: {  	vm15 =	vlt.s32 v5, $0x7FF  }
0x494: {  	v5 =	vnsel vm15, $0x7FF, v5  }
0x495: {  	v5 =	vadd.s32 v2, v5  }
0x496: {  	p0 =	sne.s32 s0, $0x7E00  }
.Ltmp14:
0x497: {  	_ = 	snop;
	(pc) =	sbr.rel @p0 .LBB2_30-.Ltmp14, $3  }
0x498: {  	_ =	sdelay $0x1  }
0x499: {  	[tilespmem:v5+s26+$0x0] =	vst.idx.add.s32.msk $0xffff, v3  }
0x49a: {  	s0 =	sadd.s32 $0x200, s0;
	[tilespmem:v5+s28+$0x0] =	vst.idx.add.f32.msk $0xffff, v4  }
0x49b: {  	[tilespmem:s24], [sflag:$0x2] =	stream.strided.gather [hbm4b:s18+s22], $0x2000, s23, s22, $0x38;
	[tilespmem:$0x15000] =	vst v63  }
0x49c: {  	_ =	swait.ge [sflag:s25], $0x2000  }
0x49d: {  	[sflag:s25] =	ssyncset.done $0x0  }
0x49e: {  	s0 =	simm.s32 $0x0;
	[sflag:s25] =	ssyncadd.s32 $0xFFFFE000  }
.LBB2_32:
0x49f: {  	s1 =	sshra.s32 s0, $0x2  }
0x4a0: {  	v4 =	vld [tilespmem:s1+$0x0];
	_ =	sdelay $0x4  }
0x4a1: {  	v5 =	vmul.f32 $1.260307690e+02, v4;
	_ =	sdelay $0x1  }
0x4a2: {  	v5 =	vtrunc.f32 v5  }
0x4a3: {  	v5 =	vcvt.f32.s32 v5;
	_ =	sdelay $0x1  }
0x4a4: {  	vm0 =	vlt.s32 v5, $0x7FF  }
0x4a5: {  	v5 =	vnsel vm0, $0x7FF, v5  }
0x4a6: {  	v5 =	vadd.s32 v2, v5;
	_ =	sdelay $0x4  }
0x4a7: {  	[tilespmem:v5+s26+$0x0] =	vst.idx.add.s32.msk $0xffff, v3  }
0x4a8: {  	[tilespmem:v5+s28+$0x0] =	vst.idx.add.f32.msk $0xffff, v4  }
0x4a9: {  	v4 =	vld [tilespmem:s1+$0x10];
	_ =	sdelay $0x4  }
0x4aa: {  	v5 =	vmul.f32 $1.260307690e+02, v4;
	_ =	sdelay $0x1  }
0x4ab: {  	v5 =	vtrunc.f32 v5  }
0x4ac: {  	v5 =	vcvt.f32.s32 v5;
	_ =	sdelay $0x1  }
0x4ad: {  	vm9 =	vlt.s32 v5, $0x7FF  }
0x4ae: {  	v5 =	vnsel vm9, $0x7FF, v5  }
0x4af: {  	v5 =	vadd.s32 v2, v5;
	_ =	sdelay $0x4  }
0x4b0: {  	[tilespmem:v5+s26+$0x0] =	vst.idx.add.s32.msk $0xffff, v3  }
0x4b1: {  	[tilespmem:v5+s28+$0x0] =	vst.idx.add.f32.msk $0xffff, v4  }
0x4b2: {  	v4 =	vld [tilespmem:s1+$0x20];
	_ =	sdelay $0x4  }
0x4b3: {  	v5 =	vmul.f32 $1.260307690e+02, v4;
	_ =	sdelay $0x1  }
0x4b4: {  	v5 =	vtrunc.f32 v5  }
0x4b5: {  	v5 =	vcvt.f32.s32 v5;
	_ =	sdelay $0x1  }
0x4b6: {  	vm10 =	vlt.s32 v5, $0x7FF  }
0x4b7: {  	v5 =	vnsel vm10, $0x7FF, v5  }
0x4b8: {  	v5 =	vadd.s32 v2, v5;
	_ =	sdelay $0x4  }
0x4b9: {  	[tilespmem:v5+s26+$0x0] =	vst.idx.add.s32.msk $0xffff, v3  }
0x4ba: {  	[tilespmem:v5+s28+$0x0] =	vst.idx.add.f32.msk $0xffff, v4  }
0x4bb: {  	v4 =	vld [tilespmem:s1+$0x30];
	_ =	sdelay $0x4  }
0x4bc: {  	v5 =	vmul.f32 $1.260307690e+02, v4;
	_ =	sdelay $0x1  }
0x4bd: {  	v5 =	vtrunc.f32 v5  }
0x4be: {  	v5 =	vcvt.f32.s32 v5;
	_ =	sdelay $0x1  }
0x4bf: {  	vm11 =	vlt.s32 v5, $0x7FF  }
0x4c0: {  	v5 =	vnsel vm11, $0x7FF, v5  }
0x4c1: {  	v5 =	vadd.s32 v2, v5;
	_ =	sdelay $0x4  }
0x4c2: {  	[tilespmem:v5+s26+$0x0] =	vst.idx.add.s32.msk $0xffff, v3  }
0x4c3: {  	[tilespmem:v5+s28+$0x0] =	vst.idx.add.f32.msk $0xffff, v4  }
0x4c4: {  	v4 =	vld [tilespmem:s1+$0x40];
	_ =	sdelay $0x4  }
0x4c5: {  	v5 =	vmul.f32 $1.260307690e+02, v4;
	_ =	sdelay $0x1  }
0x4c6: {  	v5 =	vtrunc.f32 v5  }
0x4c7: {  	v5 =	vcvt.f32.s32 v5;
	_ =	sdelay $0x1  }
0x4c8: {  	vm12 =	vlt.s32 v5, $0x7FF  }
0x4c9: {  	v5 =	vnsel vm12, $0x7FF, v5  }
0x4ca: {  	v5 =	vadd.s32 v2, v5;
	_ =	sdelay $0x4  }
0x4cb: {  	[tilespmem:v5+s26+$0x0] =	vst.idx.add.s32.msk $0xffff, v3  }
0x4cc: {  	[tilespmem:v5+s28+$0x0] =	vst.idx.add.f32.msk $0xffff, v4  }
0x4cd: {  	v4 =	vld [tilespmem:s1+$0x50];
	_ =	sdelay $0x4  }
0x4ce: {  	v5 =	vmul.f32 $1.260307690e+02, v4;
	_ =	sdelay $0x1  }
0x4cf: {  	v5 =	vtrunc.f32 v5  }
0x4d0: {  	v5 =	vcvt.f32.s32 v5;
	_ =	sdelay $0x1  }
0x4d1: {  	vm13 =	vlt.s32 v5, $0x7FF  }
0x4d2: {  	v5 =	vnsel vm13, $0x7FF, v5  }
0x4d3: {  	v5 =	vadd.s32 v2, v5;
	_ =	sdelay $0x4  }
0x4d4: {  	[tilespmem:v5+s26+$0x0] =	vst.idx.add.s32.msk $0xffff, v3  }
0x4d5: {  	[tilespmem:v5+s28+$0x0] =	vst.idx.add.f32.msk $0xffff, v4  }
0x4d6: {  	v4 =	vld [tilespmem:s1+$0x60];
	_ =	sdelay $0x4  }
0x4d7: {  	v5 =	vmul.f32 $1.260307690e+02, v4;
	_ =	sdelay $0x1  }
0x4d8: {  	v5 =	vtrunc.f32 v5  }
0x4d9: {  	v5 =	vcvt.f32.s32 v5;
	_ =	sdelay $0x1  }
0x4da: {  	vm14 =	vlt.s32 v5, $0x7FF  }
0x4db: {  	v5 =	vnsel vm14, $0x7FF, v5  }
0x4dc: {  	v5 =	vadd.s32 v2, v5;
	_ =	sdelay $0x4  }
0x4dd: {  	[tilespmem:v5+s26+$0x0] =	vst.idx.add.s32.msk $0xffff, v3  }
0x4de: {  	[tilespmem:v5+s28+$0x0] =	vst.idx.add.f32.msk $0xffff, v4  }
0x4df: {  	v4 =	vld [tilespmem:s1+$0x70];
	_ =	sdelay $0x4  }
0x4e0: {  	v5 =	vmul.f32 $1.260307690e+02, v4;
	_ =	sdelay $0x1  }
0x4e1: {  	v5 =	vtrunc.f32 v5  }
0x4e2: {  	v5 =	vcvt.f32.s32 v5;
	_ =	sdelay $0x1  }
0x4e3: {  	vm15 =	vlt.s32 v5, $0x7FF  }
0x4e4: {  	v5 =	vnsel vm15, $0x7FF, v5  }
0x4e5: {  	v5 =	vadd.s32 v2, v5  }
0x4e6: {  	p0 =	sne.s32 s0, $0x7E00  }
.Ltmp15:
0x4e7: {  	_ = 	snop;
	(pc) =	sbr.rel @p0 .LBB2_32-.Ltmp15, $3  }
0x4e8: {  	_ =	sdelay $0x1  }
0x4e9: {  	[tilespmem:v5+s26+$0x0] =	vst.idx.add.s32.msk $0xffff, v3  }
0x4ea: {  	s0 =	sadd.s32 $0x200, s0;
	[tilespmem:v5+s28+$0x0] =	vst.idx.add.f32.msk $0xffff, v4  }
0x4eb: {  	_ =	swait.ge [sflag:s29], $0x2000  }
0x4ec: {  	[sflag:s29] =	ssyncset.done $0x0  }
0x4ed: {  	s0 =	simm.s32 $0x0;
	[sflag:s29] =	ssyncadd.s32 $0xFFFFE000  }
.LBB2_34:
0x4ee: {  	s1 =	sshra.s32 s0, $0x2  }
0x4ef: {  	v4 =	vld [tilespmem:s1+$0x2000];
	_ =	sdelay $0x4  }
0x4f0: {  	v5 =	vmul.f32 $1.260307690e+02, v4;
	_ =	sdelay $0x1  }
0x4f1: {  	v5 =	vtrunc.f32 v5  }
0x4f2: {  	v5 =	vcvt.f32.s32 v5;
	_ =	sdelay $0x1  }
0x4f3: {  	vm0 =	vlt.s32 v5, $0x7FF  }
0x4f4: {  	v5 =	vnsel vm0, $0x7FF, v5  }
0x4f5: {  	v5 =	vadd.s32 v2, v5;
	_ =	sdelay $0x4  }
0x4f6: {  	[tilespmem:v5+s26+$0x0] =	vst.idx.add.s32.msk $0xffff, v3  }
0x4f7: {  	[tilespmem:v5+s28+$0x0] =	vst.idx.add.f32.msk $0xffff, v4  }
0x4f8: {  	v4 =	vld [tilespmem:s1+$0x2010];
	_ =	sdelay $0x4  }
0x4f9: {  	v5 =	vmul.f32 $1.260307690e+02, v4;
	_ =	sdelay $0x1  }
0x4fa: {  	v5 =	vtrunc.f32 v5  }
0x4fb: {  	v5 =	vcvt.f32.s32 v5;
	_ =	sdelay $0x1  }
0x4fc: {  	vm9 =	vlt.s32 v5, $0x7FF  }
0x4fd: {  	v5 =	vnsel vm9, $0x7FF, v5  }
0x4fe: {  	v5 =	vadd.s32 v2, v5;
	_ =	sdelay $0x4  }
0x4ff: {  	[tilespmem:v5+s26+$0x0] =	vst.idx.add.s32.msk $0xffff, v3  }
0x500: {  	[tilespmem:v5+s28+$0x0] =	vst.idx.add.f32.msk $0xffff, v4  }
0x501: {  	v4 =	vld [tilespmem:s1+$0x2020];
	_ =	sdelay $0x4  }
0x502: {  	v5 =	vmul.f32 $1.260307690e+02, v4;
	_ =	sdelay $0x1  }
0x503: {  	v5 =	vtrunc.f32 v5  }
0x504: {  	v5 =	vcvt.f32.s32 v5;
	_ =	sdelay $0x1  }
0x505: {  	vm10 =	vlt.s32 v5, $0x7FF  }
0x506: {  	v5 =	vnsel vm10, $0x7FF, v5  }
0x507: {  	v5 =	vadd.s32 v2, v5;
	_ =	sdelay $0x4  }
0x508: {  	[tilespmem:v5+s26+$0x0] =	vst.idx.add.s32.msk $0xffff, v3  }
0x509: {  	[tilespmem:v5+s28+$0x0] =	vst.idx.add.f32.msk $0xffff, v4  }
0x50a: {  	v4 =	vld [tilespmem:s1+$0x2030];
	_ =	sdelay $0x4  }
0x50b: {  	v5 =	vmul.f32 $1.260307690e+02, v4;
	_ =	sdelay $0x1  }
0x50c: {  	v5 =	vtrunc.f32 v5  }
0x50d: {  	v5 =	vcvt.f32.s32 v5;
	_ =	sdelay $0x1  }
0x50e: {  	vm11 =	vlt.s32 v5, $0x7FF  }
0x50f: {  	v5 =	vnsel vm11, $0x7FF, v5  }
0x510: {  	v5 =	vadd.s32 v2, v5;
	_ =	sdelay $0x4  }
0x511: {  	[tilespmem:v5+s26+$0x0] =	vst.idx.add.s32.msk $0xffff, v3  }
0x512: {  	[tilespmem:v5+s28+$0x0] =	vst.idx.add.f32.msk $0xffff, v4  }
0x513: {  	v4 =	vld [tilespmem:s1+$0x2040];
	_ =	sdelay $0x4  }
0x514: {  	v5 =	vmul.f32 $1.260307690e+02, v4;
	_ =	sdelay $0x1  }
0x515: {  	v5 =	vtrunc.f32 v5  }
0x516: {  	v5 =	vcvt.f32.s32 v5;
	_ =	sdelay $0x1  }
0x517: {  	vm12 =	vlt.s32 v5, $0x7FF  }
0x518: {  	v5 =	vnsel vm12, $0x7FF, v5  }
0x519: {  	v5 =	vadd.s32 v2, v5;
	_ =	sdelay $0x4  }
0x51a: {  	[tilespmem:v5+s26+$0x0] =	vst.idx.add.s32.msk $0xffff, v3  }
0x51b: {  	[tilespmem:v5+s28+$0x0] =	vst.idx.add.f32.msk $0xffff, v4  }
0x51c: {  	v4 =	vld [tilespmem:s1+$0x2050];
	_ =	sdelay $0x4  }
0x51d: {  	v5 =	vmul.f32 $1.260307690e+02, v4;
	_ =	sdelay $0x1  }
0x51e: {  	v5 =	vtrunc.f32 v5  }
0x51f: {  	v5 =	vcvt.f32.s32 v5;
	_ =	sdelay $0x1  }
0x520: {  	vm13 =	vlt.s32 v5, $0x7FF  }
0x521: {  	v5 =	vnsel vm13, $0x7FF, v5  }
0x522: {  	v5 =	vadd.s32 v2, v5;
	_ =	sdelay $0x4  }
0x523: {  	[tilespmem:v5+s26+$0x0] =	vst.idx.add.s32.msk $0xffff, v3  }
0x524: {  	[tilespmem:v5+s28+$0x0] =	vst.idx.add.f32.msk $0xffff, v4  }
0x525: {  	v4 =	vld [tilespmem:s1+$0x2060];
	_ =	sdelay $0x4  }
0x526: {  	v5 =	vmul.f32 $1.260307690e+02, v4;
	_ =	sdelay $0x1  }
0x527: {  	v5 =	vtrunc.f32 v5  }
0x528: {  	v5 =	vcvt.f32.s32 v5;
	_ =	sdelay $0x1  }
0x529: {  	vm14 =	vlt.s32 v5, $0x7FF  }
0x52a: {  	v5 =	vnsel vm14, $0x7FF, v5  }
0x52b: {  	v5 =	vadd.s32 v2, v5;
	_ =	sdelay $0x4  }
0x52c: {  	[tilespmem:v5+s26+$0x0] =	vst.idx.add.s32.msk $0xffff, v3  }
0x52d: {  	[tilespmem:v5+s28+$0x0] =	vst.idx.add.f32.msk $0xffff, v4  }
0x52e: {  	v4 =	vld [tilespmem:s1+$0x2070];
	_ =	sdelay $0x4  }
0x52f: {  	v5 =	vmul.f32 $1.260307690e+02, v4;
	_ =	sdelay $0x1  }
0x530: {  	v5 =	vtrunc.f32 v5  }
0x531: {  	v5 =	vcvt.f32.s32 v5;
	_ =	sdelay $0x1  }
0x532: {  	vm15 =	vlt.s32 v5, $0x7FF  }
0x533: {  	v5 =	vnsel vm15, $0x7FF, v5  }
0x534: {  	v5 =	vadd.s32 v2, v5  }
0x535: {  	p0 =	sne.s32 s0, $0x7E00  }
.Ltmp16:
0x536: {  	_ = 	snop;
	(pc) =	sbr.rel @p0 .LBB2_34-.Ltmp16, $3  }
0x537: {  	_ =	sdelay $0x1  }
0x538: {  	[tilespmem:v5+s26+$0x0] =	vst.idx.add.s32.msk $0xffff, v3  }
0x539: {  	s0 =	sadd.s32 $0x200, s0;
	[tilespmem:v5+s28+$0x0] =	vst.idx.add.f32.msk $0xffff, v4  }
0x53a: {  	s1 =	simm.s32 $0x0  }
0x53b: {  	v4 =	vld [tilespmem:s1+$0xC000]  }
0x53c: {  	v5 =	vld [tilespmem:s1+$0xC800]  }
0x53d: {  	v6 =	vld [tilespmem:s1+$0x4000]  }
0x53e: {  	v7 =	vld [tilespmem:s1+$0xD000]  }
0x53f: {  	v8 =	vld [tilespmem:s1+$0x4800]  }
0x540: {  	v9 =	vld [tilespmem:s1+$0xD800]  }
0x541: {  	v10 =	vld [tilespmem:s1+$0xE000];
	v4 =	vadd.f32 v5, v4  }
0x542: {  	v11 =	vld [tilespmem:s1+$0xE800]  }
0x543: {  	v12 =	vld [tilespmem:s1+$0xF000];
	v4 =	vadd.f32 v7, v4  }
0x544: {  	v13 =	vld [tilespmem:s1+$0xF800]  }
0x545: {  	v14 =	vld [tilespmem:s1+$0x10000];
	v4 =	vadd.f32 v9, v4  }
0x546: {  	v60 =	vld [tilespmem:s1+$0x7800]  }
0x547: {  	v15 =	vld [tilespmem:s1+$0x10800];
	v4 =	vadd.f32 v10, v4  }
0x548: {  	v61 =	vld [tilespmem:s1+$0x8000]  }
0x549: {  	v16 =	vld [tilespmem:s1+$0x11000];
	v4 =	vadd.f32 v11, v4  }
0x54a: {  	v62 =	vld [tilespmem:s1+$0x8800]  }
0x54b: {  	v5 =	vld [tilespmem:s1+$0x5000];
	v4 =	vadd.f32 v12, v4  }
0x54c: {  	v6 =	vadd.s32 v6, v8;
	v8 =	vld [tilespmem:s1+$0x11800]  }
0x54d: {  	v7 =	vld [tilespmem:s1+$0x5800];
	v4 =	vadd.f32 v13, v4  }
0x54e: {  	v9 =	vld [tilespmem:s1+$0x6000]  }
0x54f: {  	v10 =	vld [tilespmem:s1+$0x6800];
	v4 =	vadd.f32 v14, v4  }
0x550: {  	v11 =	vld [tilespmem:s1+$0x7000]  }
0x551: {  	v63 =	vld [tilespmem:s1+$0x13000];
	v5 =	vadd.s32 v5, v6;
	v4 =	vadd.f32 v15, v4  }
0x552: {  	v5 =	vadd.s32 v7, v5;
	v7 =	vld [tilespmem:s1+$0x12000]  }
0x553: {  	v6 =	vld [tilespmem:s1+$0x9000];
	v5 =	vadd.s32 v9, v5;
	v4 =	vadd.f32 v16, v4  }
0x554: {  	v5 =	vadd.s32 v10, v5;
	v10 =	vld [tilespmem:s1+$0x12800]  }
0x555: {  	v9 =	vld [tilespmem:s1+$0x9800];
	v5 =	vadd.s32 v11, v5;
	v4 =	vadd.f32 v8, v4  }
0x556: {  	v11 =	vld [tilespmem:s1+$0xA000];
	v5 =	vadd.s32 v60, v5  }
0x557: {  	v8 =	vadd.s32 v61, v5;
	v5 =	vld [tilespmem:s1+$0xA800];
	v4 =	vadd.f32 v7, v4  }
0x558: {  	v8 =	vadd.s32 v62, v8;
	v7 =	vld [tilespmem:s1+$0x13800]  }
0x559: {  	v8 =	vadd.s32 v6, v8;
	v6 =	vld [tilespmem:s1+$0xB000];
	v10 =	vadd.f32 v10, v4  }
0x55a: {  	s0 =	simm.s32 $0x10;
	v4 =	vadd.s32 v9, v8;
	v8 =	vld [tilespmem:s1+$0xB800]  }
0x55b: {  	s30 =	simm.s32 $0x80;
	v9 =	vadd.s32 v11, v4;
	v4 =	vld [tilespmem:s0+$0xC000];
	v10 =	vadd.f32 v63, v10  }
.LBB2_36:
0x55c: {  	p0 =	sne.s32 s30, $0x1FC0;
	v11 =	vld [tilespmem:s0+$0xC800];
	v5 =	vadd.s32 v5, v9  }
0x55d: {  	v9 =	vld [tilespmem:s0+$0x4000];
	v7 =	vadd.f32 v7, v10  }
0x55e: {  	v10 =	vld [tilespmem:s0+$0xD000];
	v5 =	vadd.s32 v6, v5  }
0x55f: {  	v6 =	vld [tilespmem:s0+$0x4800];
	v5 =	vadd.s32 v8, v5;
	[tilespmem:s1+$0x14800] =	vst v7  }
0x560: {  	v7 =	vld [tilespmem:s0+$0xD800];
	[tilespmem:s1+$0x14000] =	vst v5;
	s1 =	smov.u32 s0  }
0x561: {  	v4 =	vadd.f32 v11, v4;
	v5 =	vld [tilespmem:s1+$0x5000]  }
0x562: {  	v8 =	vld [tilespmem:s1+$0xE000]  }
0x563: {  	v4 =	vadd.f32 v10, v4;
	v10 =	vld [tilespmem:s1+$0x5800]  }
0x564: {  	v6 =	vadd.s32 v9, v6;
	v9 =	vld [tilespmem:s1+$0xE800]  }
0x565: {  	v4 =	vadd.f32 v7, v4;
	v7 =	vld [tilespmem:s1+$0x6000]  }
0x566: {  	v5 =	vadd.s32 v5, v6;
	v6 =	vld [tilespmem:s1+$0xF000]  }
0x567: {  	v4 =	vadd.f32 v8, v4;
	v8 =	vld [tilespmem:s1+$0x6800]  }
0x568: {  	v5 =	vadd.s32 v10, v5;
	v10 =	vld [tilespmem:s1+$0xF800]  }
0x569: {  	v4 =	vadd.f32 v9, v4;
	v9 =	vld [tilespmem:s1+$0x7000]  }
0x56a: {  	v5 =	vadd.s32 v7, v5;
	v7 =	vld [tilespmem:s1+$0x10000]  }
0x56b: {  	v4 =	vadd.f32 v6, v4;
	v6 =	vld [tilespmem:s1+$0x7800]  }
0x56c: {  	v5 =	vadd.s32 v8, v5;
	v8 =	vld [tilespmem:s1+$0x10800]  }
0x56d: {  	v4 =	vadd.f32 v10, v4;
	v10 =	vld [tilespmem:s1+$0x8000]  }
0x56e: {  	v5 =	vadd.s32 v9, v5;
	v9 =	vld [tilespmem:s1+$0x11000]  }
0x56f: {  	v4 =	vadd.f32 v7, v4;
	v7 =	vld [tilespmem:s1+$0x8800]  }
0x570: {  	v5 =	vadd.s32 v6, v5;
	v6 =	vld [tilespmem:s1+$0x11800]  }
0x571: {  	v4 =	vadd.f32 v8, v4;
	v8 =	vld [tilespmem:s1+$0x9000]  }
0x572: {  	v5 =	vadd.s32 v10, v5;
	v10 =	vld [tilespmem:s1+$0x12000]  }
0x573: {  	v4 =	vadd.f32 v9, v4;
	v9 =	vld [tilespmem:s1+$0x9800]  }
0x574: {  	v5 =	vadd.s32 v7, v5;
	v11 =	vld [tilespmem:s1+$0x12800]  }
0x575: {  	v4 =	vadd.f32 v6, v4;
	v12 =	vld [tilespmem:s1+$0xA000]  }
0x576: {  	v6 =	vadd.s32 v8, v5;
	v13 =	vld [tilespmem:s1+$0x13000]  }
.Ltmp17:
0x577: {  	v4 =	vadd.f32 v10, v4;
	v5 =	vld [tilespmem:s1+$0xA800];
	(pc) =	sbr.rel @p0 .LBB2_36-.Ltmp17, $4  }
0x578: {  	v8 =	vadd.s32 v9, v6;
	v7 =	vld [tilespmem:s1+$0x13800]  }
0x579: {  	v10 =	vadd.f32 v11, v4;
	v6 =	vld [tilespmem:s1+$0xB000]  }
0x57a: {  	s0 =	sshra.s32 s30, $0x2;
	v9 =	vadd.s32 v12, v8;
	v8 =	vld [tilespmem:s1+$0xB800]  }
0x57b: {  	s30 =	sadd.s32 $0x40, s30;
	v4 =	vld [tilespmem:s0+$0xC000];
	v10 =	vadd.f32 v13, v10  }
0x57c: {  	v11 =	vld [tilespmem:s0+$0xC800]  }
0x57d: {  	v12 =	vld [tilespmem:s0+$0x4000];
	v5 =	vadd.s32 v5, v9;
	v7 =	vadd.f32 v7, v10  }
0x57e: {  	v42 =	vld [tilespmem:s0+$0xD000];
	v5 =	vadd.s32 v6, v5  }
0x57f: {  	v43 =	vld [tilespmem:s0+$0x4800];
	[tilespmem:s1+$0x14800] =	vst v7;
	v5 =	vadd.s32 v8, v5  }
0x580: {  	v44 =	vld [tilespmem:s0+$0xD800];
	[tilespmem:s1+$0x14000] =	vst v5  }
0x581: {  	v5 =	vld [tilespmem:s0+$0x5000]  }
0x582: {  	v7 =	vld [tilespmem:s0+$0xE000]  }
0x583: {  	v4 =	vadd.f32 v11, v4;
	v45 =	vld [tilespmem:s0+$0x5800]  }
0x584: {  	v46 =	vld [tilespmem:s0+$0xE800]  }
0x585: {  	v47 =	vld [tilespmem:s0+$0x6000];
	v4 =	vadd.f32 v42, v4  }
0x586: {  	v48 =	vld [tilespmem:s0+$0xF000]  }
0x587: {  	v49 =	vld [tilespmem:s0+$0x6800];
	v4 =	vadd.f32 v44, v4  }
0x588: {  	v13 =	vld [tilespmem:s0+$0xF800]  }
0x589: {  	v50 =	vld [tilespmem:s0+$0x7000];
	v4 =	vadd.f32 v7, v4  }
0x58a: {  	v14 =	vld [tilespmem:s0+$0x10000]  }
0x58b: {  	v51 =	vld [tilespmem:s0+$0x7800];
	v4 =	vadd.f32 v46, v4  }
0x58c: {  	v15 =	vld [tilespmem:s0+$0x10800]  }
0x58d: {  	v52 =	vld [tilespmem:s0+$0x8000];
	v4 =	vadd.f32 v48, v4  }
0x58e: {  	v16 =	vld [tilespmem:s0+$0x11000]  }
0x58f: {  	v53 =	vld [tilespmem:s0+$0x8800];
	v4 =	vadd.f32 v13, v4  }
0x590: {  	v17 =	vld [tilespmem:s0+$0x11800]  }
0x591: {  	v9 =	vadd.s32 v12, v43;
	v54 =	vld [tilespmem:s0+$0x9000];
	v4 =	vadd.f32 v14, v4  }
0x592: {  	v55 =	vld [tilespmem:s0+$0x12000];
	v5 =	vadd.s32 v5, v9  }
0x593: {  	v56 =	vld [tilespmem:s0+$0x9800];
	v5 =	vadd.s32 v45, v5;
	v4 =	vadd.f32 v15, v4  }
0x594: {  	v57 =	vld [tilespmem:s0+$0x12800];
	v5 =	vadd.s32 v47, v5  }
0x595: {  	v58 =	vld [tilespmem:s0+$0xA000];
	v5 =	vadd.s32 v49, v5;
	v4 =	vadd.f32 v16, v4  }
0x596: {  	v59 =	vld [tilespmem:s0+$0x13000];
	v5 =	vadd.s32 v50, v5  }
0x597: {  	v60 =	vld [tilespmem:s0+$0xA800];
	v5 =	vadd.s32 v51, v5;
	v4 =	vadd.f32 v17, v4  }
0x598: {  	v61 =	vld [tilespmem:s0+$0x13800];
	v5 =	vadd.s32 v52, v5  }
0x599: {  	v62 =	vld [tilespmem:s0+$0xB000];
	v5 =	vadd.s32 v53, v5;
	v4 =	vadd.f32 v55, v4  }
0x59a: {  	v63 =	vld [tilespmem:s0+$0xB800];
	v5 =	vadd.s32 v54, v5  }
0x59b: {  	v5 =	vadd.s32 v56, v5;
	v4 =	vadd.f32 v57, v4  }
0x59c: {  	v5 =	vadd.s32 v58, v5  }
0x59d: {  	v5 =	vadd.s32 v60, v5;
	v4 =	vadd.f32 v59, v4  }
0x59e: {  	v5 =	vadd.s32 v62, v5  }
0x59f: {  	v5 =	vadd.s32 v63, v5;
	v4 =	vadd.f32 v61, v4  }
0x5a0: {  	[tilespmem:s0+$0x14000] =	vst v5  }
0x5a1: {  	s1 =	simm.s32 $0x14000;
	[tilespmem:s0+$0x14800] =	vst v4  }
0x5a2: {  	[hbm4b:s19+s22] =	stream.strided.scatter [tilespmem:s1], [sflag:$0x3], $0x800, s23, s22, $0x38;
	[tilespmem:$0x15000] =	vst v63  }
0x5a3: {  	s2 =	sadd.s32 $0x1, s2;
	_ =	swait.ge [sflag:s31], $0x800  }
0x5a4: {  	p0 =	sne.s32 s2, s21;
	[sflag:s31] =	ssyncset.done $0x0  }
.Ltmp18:
0x5a5: {  	s30 =	simm.s32 $0x14800;
	[sflag:s31] =	ssyncadd.s32 $0xFFFFF800;
	(pc) =	sbr.rel @p0 .LBB2_1-.Ltmp18, $4  }
0x5a6: {  	[hbm4b:s20+s22] =	stream.strided.scatter [tilespmem:s30], [sflag:$0x3], $0x800, s23, s22, $0x38;
	[tilespmem:$0x15000] =	vst v63  }
0x5a7: {  	_ =	swait.ge [sflag:s31], $0x800  }
0x5a8: {  	[sflag:s31] =	ssyncset.done $0x0  }
0x5a9: {  	[sflag:s31] =	ssyncadd.s32 $0xFFFFF800  }
0x5aa: {  	_ =	sfence.sel $0x180000  }
0x5ab: {  	[bflag:$0x0] =	sbarrier.arrive $0xFFFF  }
0x5ac: {  	_ =	strace $0x90000047  }
0x5ad: {  	s0 =	stileid.u32;
	[bflag:$0x2] =	sbarrier.arrive $0xFFFF  }
0x5ae: {  	p0 =	sne.s32 s0, $0x0;
	s0 =	rddreg [dreg:$0x1]  }
0x5af: {  	s0 =	sadd.s32 @!p0 $0x100000, s0  }
0x5b0: {  	[sflag:s0] =	ssyncadd.tile.s32 @!p0 $0x1;
	_ =	shalt  }
.Lfunc_end2:
_tile_overlayer_lowered:
.L_overlay_start_2:
0x5b1: {  	(tag) =	ssettag $0x2  }
0x5b2: {  	s0 =	rddreg [dreg:$0x0];
	s2 =	stileid.u32  }
0x5b3: {  	s1 =	rddreg [dreg:$0x1];
	p0 =	sne.s32 s2, $0x0  }
0x5b4: {  	s3 =	rddreg [dreg:$0x2];
	[bflag:$0x3] =	sbarrier.arrive $0xFFFF;
	s2 =	simm.s32 @!p0 $0x1C03  }
0x5b5: {  	[timem:s3], [sflag:s2] =	dma.local @!p0 [hbm:s0], s1  }
0x5b6: {  	s0 =	simm.s32 @!p0 $0x3  }
0x5b7: {  	_ =	swait.ge @!p0 [sflag:s0], s1  }
0x5b8: {  	s1 =	ssub.s32 @!p0 $0x0, s1;
	[sflag:s0] =	ssyncset.done @!p0 $0x0  }
0x5b9: {  	[sflag:s0] =	ssyncadd.s32 @!p0 s1  }
0x5ba: {  	[bflag:$0x3] =	sbarrier.arrive $0xFFFF  }
0x5bb: {  	_ =	shalt  }

</sc_bundles>
